<compile_context>
chip_gen: v7x
topology: tpu7x:2x2x1
jax: 0.10.2.dev20260603
libtpu: 0.0.44.dev20260713+nightly
codegen_flags: <defaults>
</compile_context>

<pallas_src>
import functools

import jax
import jax.numpy as jnp
from jax import lax
from jax.experimental import pallas as pl
from jax.experimental.pallas import tpu as pltpu
from jax.experimental.pallas import tpu_sc as plsc

N = 10000
P = 256
D = 128
E = 320000

NC = 2
NS = 16
NW = NC * NS

CHUNK = 128
EPW = 10240
E_PAD = NW * EPW
CHUNKS_PER_W = EPW // CHUNK

N_ACC = 10112
ROWS_PER_TILE = N_ACC // NS
N_DEG = 10240
DEG_PER_TILE = N_DEG // NS

TOTAL_CHUNKS = E_PAD // CHUNK
CPT = TOTAL_CHUNKS // NS
HALF = N_ACC // 2
C_DUMMY = HALF * P
C_LEN = C_DUMMY + 2048
C_PER_TILE = C_LEN // NS
ZLEN = 8192

_MESH = plsc.VectorSubcoreMesh(core_axis_name="c", subcore_axis_name="s")


def _sc_deg_body(ei_hbm, out_hbm, ib0, ib1, ones_v, zero_v, acc_sh, is0, is1):
    c = lax.axis_index("c")
    s = lax.axis_index("s")
    g0 = (s * NC + c) * CHUNKS_PER_W
    ibufs = (ib0, ib1)
    isems = (is0, is1)
    pltpu.async_copy(ei_hbm.at[g0], ib0, is0)
    pltpu.async_copy(ei_hbm.at[g0 + 1], ib1, is1)
    one16 = jnp.full((16,), 1.0, jnp.float32)
    zero16 = jnp.zeros((16,), jnp.float32)
    for i in range(CHUNK // 16):
        ones_v[pl.ds(i * 16, 16)] = one16
    for i in range(DEG_PER_TILE // 16):
        zero_v[pl.ds(i * 16, 16)] = zero16
    pltpu.sync_copy(zero_v, acc_sh.at[pl.ds(s * DEG_PER_TILE, DEG_PER_TILE)])
    plsc.subcore_barrier()

    def body(k, carry):
        for b in range(2):
            cc = 2 * k + b
            pltpu.make_async_copy(ei_hbm.at[g0 + cc], ibufs[b], isems[b]).wait()
            pltpu.sync_copy(ones_v, acc_sh.at[ibufs[b].at[1]], add=True)

            @pl.when(cc < CHUNKS_PER_W - 2)
            def _():
                pltpu.async_copy(ei_hbm.at[g0 + cc + 2], ibufs[b], isems[b])
        return carry

    lax.fori_loop(0, CHUNKS_PER_W // 2, body, 0)
    plsc.subcore_barrier()
    pltpu.sync_copy(acc_sh.at[pl.ds(s * DEG_PER_TILE, DEG_PER_TILE)],
                    out_hbm.at[c, pl.ds(s * DEG_PER_TILE, DEG_PER_TILE)])


_deg_kernel = pl.kernel(
    _sc_deg_body,
    out_type=jax.ShapeDtypeStruct((NC, N_DEG), jnp.float32),
    mesh=_MESH,
    scratch_types=[
        pltpu.VMEM((2, CHUNK), jnp.int32),
        pltpu.VMEM((2, CHUNK), jnp.int32),
        pltpu.VMEM((CHUNK,), jnp.float32),
        pltpu.VMEM((DEG_PER_TILE,), jnp.float32),
        pltpu.VMEM_SHARED((N_DEG,), jnp.float32),
        pltpu.SemaphoreType.DMA,
        pltpu.SemaphoreType.DMA,
    ],
)


def _sc_cmat_body(ei_hbm, pk_hbm, out_hbm, ib0, ib1, ib2, ib3,
                  pg0, pg1, pg2, pg3, xb0, xb1, vb0, vb1, zbuf, cacc_sh,
                  is0, is1, is2, is3, gs0, gs1, gs2, gs3, ss0, ss1):
    c = lax.axis_index("c")
    s = lax.axis_index("s")
    g0 = s * CPT
    ibufs = (ib0, ib1, ib2, ib3)
    pgb = (pg0, pg1, pg2, pg3)
    xbufs = (xb0, xb1)
    vbufs = (vb0, vb1)
    isems = (is0, is1, is2, is3)
    gsems = (gs0, gs1, gs2, gs3)
    ssems = (ss0, ss1)
    for j in range(4):
        pltpu.async_copy(ei_hbm.at[g0 + j], ibufs[j], isems[j])
    zero16 = jnp.zeros((16,), jnp.float32)

    def zb(i, carry):
        zbuf[pl.ds(i * 16, 16)] = zero16
        return carry

    lax.fori_loop(0, ZLEN // 16, zb, 0)
    t0 = s * C_PER_TILE
    for k in range(C_PER_TILE // ZLEN):
        pltpu.sync_copy(zbuf, cacc_sh.at[pl.ds(t0 + k * ZLEN, ZLEN)])
    zrem = C_PER_TILE % ZLEN
    pltpu.sync_copy(zbuf.at[pl.ds(0, zrem)],
                    cacc_sh.at[pl.ds(t0 + (C_PER_TILE // ZLEN) * ZLEN, zrem)])
    plsc.subcore_barrier()

    base_c = c * HALF
    lane = lax.iota(jnp.int32, 16)

    pltpu.make_async_copy(ei_hbm.at[g0], ib0, is0).wait()
    pltpu.async_copy(pk_hbm.at[ib0.at[0]], pg0, gs0)
    pltpu.make_async_copy(ei_hbm.at[g0 + 1], ib1, is1).wait()
    pltpu.async_copy(pk_hbm.at[ib1.at[0]], pg1, gs1)

    def body(k, carry):
        for u in range(4):
            cc = 4 * k + u
            b = u
            b2 = (u + 2) % 4
            bs = u % 2
            pltpu.make_async_copy(pk_hbm.at[ibufs[b].at[0]], pgb[b],
                                  gsems[b]).wait()

            @pl.when(cc < CPT - 2)
            def _():
                pltpu.make_async_copy(ei_hbm.at[g0 + cc + 2], ibufs[b2],
                                      isems[b2]).wait()
                pltpu.async_copy(pk_hbm.at[ibufs[b2].at[0]], pgb[b2], gsems[b2])

            @pl.when(cc >= 2)
            def _():
                pltpu.make_async_copy(vbufs[bs], cacc_sh.at[xbufs[bs]],
                                      ssems[bs]).wait()

            for g in range(CHUNK // 16):
                dv = ibufs[b][1, pl.ds(g * 16, 16)]
                v = pgb[b][pl.ds(g * 16, 16)]
                p = lax.shift_right_logical(v, 23)
                w = (v & 0x7FFFFF).astype(jnp.float32) * (1.0 / 4194304.0)
                rel = dv - base_c
                inr = (rel >= 0) & (rel < HALF)
                val = jnp.where(inr, w, 0.0)
                idx = jnp.where(inr, rel * P + p, C_DUMMY + g * 16 + lane)
                xbufs[bs][pl.ds(g * 16, 16)] = idx
                vbufs[bs][pl.ds(g * 16, 16)] = val
            pltpu.async_copy(vbufs[bs], cacc_sh.at[xbufs[bs]], ssems[bs],
                             add=True)

            @pl.when(cc < CPT - 4)
            def _():
                pltpu.async_copy(ei_hbm.at[g0 + cc + 4], ibufs[b], isems[b])
        return carry

    lax.fori_loop(0, CPT // 4, body, 0)
    pltpu.make_async_copy(vbufs[0], cacc_sh.at[xbufs[0]], ssems[0]).wait()
    pltpu.make_async_copy(vbufs[1], cacc_sh.at[xbufs[1]], ssems[1]).wait()
    plsc.subcore_barrier()
    w0 = s * (C_DUMMY // NS)
    pltpu.sync_copy(cacc_sh.at[pl.ds(w0, C_DUMMY // NS)],
                    out_hbm.at[pl.ds(c * C_DUMMY + w0, C_DUMMY // NS)])


_cmat_kernel = pl.kernel(
    _sc_cmat_body,
    out_type=jax.ShapeDtypeStruct((NC * C_DUMMY,), jnp.float32),
    mesh=_MESH,
    scratch_types=(
        [pltpu.VMEM((2, CHUNK), jnp.int32) for _ in range(4)]
        + [pltpu.VMEM((CHUNK,), jnp.int32) for _ in range(4)]
        + [pltpu.VMEM((CHUNK,), jnp.int32) for _ in range(2)]
        + [pltpu.VMEM((CHUNK,), jnp.float32) for _ in range(2)]
        + [pltpu.VMEM((ZLEN,), jnp.float32)]
        + [pltpu.VMEM_SHARED((C_LEN,), jnp.float32)]
        + [pltpu.SemaphoreType.DMA for _ in range(10)]
    ),
)


def _sc_agg_body(ei_hbm, y_hbm, out_hbm, ib0, ib1, r0, r1, d0, d1, acc_sh,
                 is0, is1, gs0, gs1, ss0, ss1):
    c = lax.axis_index("c")
    s = lax.axis_index("s")
    g0 = (s * NC + c) * CHUNKS_PER_W
    ibufs = (ib0, ib1)
    rbufs = (r0, r1)
    dbufs = (d0, d1)
    isems = (is0, is1)
    gsems = (gs0, gs1)
    ssems = (ss0, ss1)
    pltpu.async_copy(ei_hbm.at[g0], ib0, is0)
    pltpu.async_copy(ei_hbm.at[g0 + 1], ib1, is1)
    zero16 = jnp.zeros((16,), jnp.float32)

    def zbody(i, carry):
        r = i // (D // 16)
        l = i % (D // 16)
        r0[r, pl.ds(l * 16, 16)] = zero16
        return carry

    lax.fori_loop(0, CHUNK * (D // 16), zbody, 0)
    row0 = s * ROWS_PER_TILE
    for k in range(ROWS_PER_TILE // CHUNK):
        pltpu.sync_copy(r0, acc_sh.at[pl.ds(row0 + k * CHUNK, CHUNK)])
    rem = ROWS_PER_TILE % CHUNK
    pltpu.sync_copy(r0.at[pl.ds(0, rem)],
                    acc_sh.at[pl.ds(row0 + (ROWS_PER_TILE // CHUNK) * CHUNK, rem)])
    plsc.subcore_barrier()

    pltpu.make_async_copy(ei_hbm.at[g0], ib0, is0).wait()
    pltpu.async_copy(y_hbm.at[ib0.at[0]], r0, gs0)

    def body(k, carry):
        for b in range(2):
            cc = 2 * k + b
            bn = 1 - b
            pltpu.make_async_copy(y_hbm.at[ibufs[b].at[0]], rbufs[b],
                                  gsems[b]).wait()
            for g in range(CHUNK // 16):
                dbufs[b][pl.ds(g * 16, 16)] = ibufs[b][1, pl.ds(g * 16, 16)]
            pltpu.async_copy(rbufs[b], acc_sh.at[dbufs[b]], ssems[b], add=True)

            @pl.when(cc < CHUNKS_PER_W - 1)
            def _():
                pltpu.make_async_copy(ei_hbm.at[g0 + cc + 1], ibufs[bn],
                                      isems[bn]).wait()

            @pl.when((cc >= 1) & (cc < CHUNKS_PER_W - 1))
            def _():
                pltpu.make_async_copy(rbufs[bn], acc_sh.at[dbufs[bn]],
                                      ssems[bn]).wait()

            @pl.when(cc < CHUNKS_PER_W - 1)
            def _():
                pltpu.async_copy(y_hbm.at[ibufs[bn].at[0]], rbufs[bn], gsems[bn])

            @pl.when(cc < CHUNKS_PER_W - 2)
            def _():
                pltpu.async_copy(ei_hbm.at[g0 + cc + 2], ibufs[b], isems[b])
        return carry

    lax.fori_loop(0, CHUNKS_PER_W // 2, body, 0)
    pltpu.make_async_copy(rbufs[0], acc_sh.at[dbufs[0]], ssems[0]).wait()
    pltpu.make_async_copy(rbufs[1], acc_sh.at[dbufs[1]], ssems[1]).wait()
    plsc.subcore_barrier()
    pltpu.sync_copy(acc_sh.at[pl.ds(row0, ROWS_PER_TILE)],
                    out_hbm.at[c, pl.ds(row0, ROWS_PER_TILE)])


_agg_kernel = pl.kernel(
    _sc_agg_body,
    out_type=jax.ShapeDtypeStruct((NC, N_ACC, D), jnp.float32),
    mesh=_MESH,
    scratch_types=(
        [pltpu.VMEM((2, CHUNK), jnp.int32) for _ in range(2)]
        + [pltpu.VMEM((CHUNK, D), jnp.float32) for _ in range(2)]
        + [pltpu.VMEM((CHUNK,), jnp.int32) for _ in range(2)]
        + [pltpu.VMEM_SHARED((N_ACC, D), jnp.float32)]
        + [pltpu.SemaphoreType.DMA for _ in range(6)]
    ),
)


BL = 2000
GRID = N // BL


def _tc1_body(degp_ref, nid_ref, emb_ref, w1_ref, dis_ref, pk_ref, x_ref,
              y1_ref):
    deg = degp_ref[0] + degp_ref[1] + 1.0
    dis = lax.rsqrt(deg)
    dis_ref[...] = dis
    nid = nid_ref[...]
    dis_fx = jnp.round(dis * 4194304.0).astype(jnp.int32)
    pk_ref[...] = (nid << 23) | dis_fx
    iota = lax.broadcasted_iota(jnp.int32, (BL, P), 1)
    onehot = jnp.where(nid == iota, 1.0, 0.0).astype(jnp.float32)
    x = jnp.dot(onehot, emb_ref[...], preferred_element_type=jnp.float32,
                precision=lax.Precision.HIGHEST)
    x_ref[...] = x
    h1 = jnp.dot(x, w1_ref[...], preferred_element_type=jnp.float32,
                 precision=lax.Precision.HIGHEST)
    y1_ref[...] = dis * h1


def _layer_norm(t, g, b):
    mu = jnp.mean(t, axis=1, keepdims=True)
    var = jnp.mean((t - mu) ** 2, axis=1, keepdims=True)
    return (t - mu) * lax.rsqrt(var + 1e-5) * g + b


def _tc2_body(cm_ref, emb_ref, w1_ref, y1_ref, x_ref, dis_ref, b1_ref, g1_ref,
              be1_ref, w2_ref, x1_ref, y2_ref):
    h1t = jnp.dot(emb_ref[...], w1_ref[...], preferred_element_type=jnp.float32,
                  precision=lax.Precision.HIGHEST)
    agg = jnp.dot(cm_ref[...], h1t, preferred_element_type=jnp.float32,
                  precision=lax.Precision.HIGHEST) + y1_ref[...]
    dis = dis_ref[...]
    out1 = dis * agg + b1_ref[...]
    x1 = _layer_norm(x_ref[...] + out1, g1_ref[...], be1_ref[...])
    x1_ref[...] = x1
    h2 = jnp.dot(x1, w2_ref[...], preferred_element_type=jnp.float32,
                 precision=lax.Precision.HIGHEST)
    y2_ref[...] = dis * h2


def _tc3_body(p_ref, y2_ref, x1_ref, dis_ref, b2_ref, g2_ref, be2_ref, out_ref):
    agg = p_ref[0] + p_ref[1] + y2_ref[...]
    out2 = dis_ref[...] * agg + b2_ref[...]
    out_ref[...] = _layer_norm(x1_ref[...] + out2, g2_ref[...], be2_ref[...])


def kernel(node_ids, edge_index, emb, W1, b1, g1, be1, W2, b2, g2, be2):
    src = edge_index[0]
    dst = edge_index[1]
    pad = E_PAD - E
    ar = jnp.arange(pad, dtype=jnp.int32)
    src_p = jnp.concatenate([src.astype(jnp.int32), ar % N])
    dst_p = jnp.concatenate([dst.astype(jnp.int32), N + ar % (N_ACC - N)])
    ei_ch = jnp.stack([src_p.reshape(-1, CHUNK), dst_p.reshape(-1, CHUNK)],
                      axis=1)

    deg_partial = _deg_kernel(ei_ch)

    degp = deg_partial.reshape(NC, N_DEG, 1)
    nid_col = node_ids.astype(jnp.int32).reshape(N, 1)

    row_spec = pl.BlockSpec((BL, D), lambda i: (i, 0))
    col_spec = pl.BlockSpec((BL, 1), lambda i: (i, 0))
    vec_spec = pl.BlockSpec((1, D), lambda i: (0, 0))
    w_spec = pl.BlockSpec((D, D), lambda i: (0, 0))
    p_spec = pl.BlockSpec((NC, BL, D), lambda i: (0, i, 0))

    dis, pk, x, y1 = pl.pallas_call(
        _tc1_body,
        grid=(GRID,),
        in_specs=[
            pl.BlockSpec((NC, BL, 1), lambda i: (0, i, 0)),
            col_spec,
            pl.BlockSpec((P, D), lambda i: (0, 0)),
            w_spec,
        ],
        out_specs=(col_spec, col_spec, row_spec, row_spec),
        out_shape=(
            jax.ShapeDtypeStruct((N, 1), jnp.float32),
            jax.ShapeDtypeStruct((N, 1), jnp.int32),
            jax.ShapeDtypeStruct((N, D), jnp.float32),
            jax.ShapeDtypeStruct((N, D), jnp.float32),
        ),
    )(degp, nid_col, emb, W1)

    cm = _cmat_kernel(ei_ch, pk.reshape(N))
    cmat = cm.reshape(NC * HALF, P)

    x1, y2 = pl.pallas_call(
        _tc2_body,
        grid=(GRID,),
        in_specs=[pl.BlockSpec((BL, P), lambda i: (i, 0)),
                  pl.BlockSpec((P, D), lambda i: (0, 0)), w_spec,
                  row_spec, row_spec, col_spec,
                  vec_spec, vec_spec, vec_spec, w_spec],
        out_specs=(row_spec, row_spec),
        out_shape=(
            jax.ShapeDtypeStruct((N, D), jnp.float32),
            jax.ShapeDtypeStruct((N, D), jnp.float32),
        ),
    )(cmat, emb, W1, y1, x, dis, b1.reshape(1, D), g1.reshape(1, D),
      be1.reshape(1, D), W2)

    p2 = _agg_kernel(ei_ch, y2)

    out = pl.pallas_call(
        _tc3_body,
        grid=(GRID,),
        in_specs=[p_spec, row_spec, row_spec, col_spec,
                  vec_spec, vec_spec, vec_spec],
        out_specs=row_spec,
        out_shape=jax.ShapeDtypeStruct((N, D), jnp.float32),
    )(p2, y2, x1, dis, b2.reshape(1, D), g2.reshape(1, D),
      be2.reshape(1, D))

    return out

# --- scband reference (transcript-rebuilt; emitter-appended) ---
"""Pipeline reference for scband-look-up-gcn-29437705847415 (READ-ONLY COPY).

The authoritative reference and input builder live on the scoring server;
editing this copy changes nothing except your own understanding.
"""

import jax, jax.numpy as jnp
import numpy as np

N_NODES = 10000
NUM_PHONEMES = 256
D = 128
PAD_ID = 0
E = 320000


def layer_norm(x, g, b, eps=1e-5):
    mu = jnp.mean(x, axis=-1, keepdims=True)
    var = jnp.mean((x - mu) ** 2, axis=-1, keepdims=True)
    return (x - mu) / jnp.sqrt(var + eps) * g + b


def gcn_conv(x, edge_index, W, b, num_nodes):
    # PyG GCNConv with add_self_loops=True, normalize=True (eval mode)
    src = edge_index[0]
    dst = edge_index[1]
    loop = jnp.arange(num_nodes, dtype=src.dtype)
    src = jnp.concatenate([src, loop])
    dst = jnp.concatenate([dst, loop])
    deg = jnp.zeros((num_nodes,), dtype=x.dtype).at[dst].add(1.0)
    deg_inv_sqrt = jnp.where(deg > 0, deg ** -0.5, 0.0)
    norm = deg_inv_sqrt[src] * deg_inv_sqrt[dst]
    h = x @ W
    msg = h[src] * norm[:, None]
    out = jnp.zeros((num_nodes, h.shape[1]), dtype=x.dtype).at[dst].add(msg)
    return out + b


def setup_inputs(seed: int = 0) -> dict:
    key = jax.random.key(seed)
    ks = jax.random.split(key, 12)
    node_ids = jax.random.randint(ks[0], (N_NODES,), 0, NUM_PHONEMES, dtype=jnp.int64 if jax.config.jax_enable_x64 else jnp.int32)
    edge_index = jax.random.randint(ks[1], (2, E), 0, N_NODES, dtype=jnp.int64 if jax.config.jax_enable_x64 else jnp.int32)
    # xavier_uniform with gain=0.5 for embedding [NUM_PHONEMES, D]
    bound_e = 0.5 * np.sqrt(6.0 / (NUM_PHONEMES + D))
    emb = jax.random.uniform(ks[2], (NUM_PHONEMES, D), jnp.float32, -bound_e, bound_e)
    emb = emb.at[PAD_ID].set(0.0)
    # GCNConv linear weights (glorot), stored as [in, out] for x @ W
    bound_w = np.sqrt(6.0 / (D + D))
    W1 = jax.random.uniform(ks[3], (D, D), jnp.float32, -bound_w, bound_w)
    b1 = jnp.zeros((D,), jnp.float32)
    W2 = jax.random.uniform(ks[4], (D, D), jnp.float32, -bound_w, bound_w)
    b2 = jnp.zeros((D,), jnp.float32)
    g1 = jnp.ones((D,), jnp.float32)
    be1 = jnp.zeros((D,), jnp.float32)
    g2 = jnp.ones((D,), jnp.float32)
    be2 = jnp.zeros((D,), jnp.float32)
    return {"node_ids": node_ids, "edge_index": edge_index, "emb": emb,
            "W1": W1, "b1": b1, "g1": g1, "be1": be1,
            "W2": W2, "b2": b2, "g2": g2, "be2": be2}


def reference(node_ids, edge_index, emb, W1, b1, g1, be1, W2, b2, g2, be2):
    x = jnp.take(emb, node_ids, axis=0)
    h1 = gcn_conv(x, edge_index, W1, b1, N_NODES)
    x = layer_norm(x + h1, g1, be1)  # dropout is identity in eval
    h2 = gcn_conv(x, edge_index, W2, b2, N_NODES)
    x = layer_norm(x + h2, g2, be2)
    return x

if __name__ == "__main__":
    import jax
    _d = setup_inputs()
    print(jax.jit(kernel)(*tuple(_d.values())))

</pallas_src>

<mosaic_0001>
#map = affine_map<(d0, d1) -> (0, 0, 0)>
#map1 = affine_map<(d0, d1) -> (0, 0)>
module attributes {stable_mosaic.version = 14 : i64} {
  func.func @_sc_agg_body(%arg0: i32, %arg1: i32, %arg2: memref<2560x2x128xi32, #tpu.memory_space<hbm>>, %arg3: memref<10000x128xf32, #tpu.memory_space<hbm>>, %arg4: memref<2x10112x128xf32, #tpu.memory_space<hbm>>, %arg5: memref<2x128xi32, #tpu.memory_space<vmem>>, %arg6: memref<2x128xi32, #tpu.memory_space<vmem>>, %arg7: memref<128x128xf32, #tpu.memory_space<vmem>>, %arg8: memref<128x128xf32, #tpu.memory_space<vmem>>, %arg9: memref<128xi32, #tpu.memory_space<vmem>>, %arg10: memref<128xi32, #tpu.memory_space<vmem>>, %arg11: memref<10112x128xf32, #tpu.memory_space<vmem_shared>>, %arg12: memref<!tpu.dma_semaphore, #tpu.memory_space<semaphore_mem>>, %arg13: memref<!tpu.dma_semaphore, #tpu.memory_space<semaphore_mem>>, %arg14: memref<!tpu.dma_semaphore, #tpu.memory_space<semaphore_mem>>, %arg15: memref<!tpu.dma_semaphore, #tpu.memory_space<semaphore_mem>>, %arg16: memref<!tpu.dma_semaphore, #tpu.memory_space<semaphore_mem>>, %arg17: memref<!tpu.dma_semaphore, #tpu.memory_space<semaphore_mem>>) attributes {dimension_semantics = [#tpu.dimension_semantics<core_parallel>, #tpu.dimension_semantics<subcore_parallel>], iteration_bounds = array<i64: 2, 16>, scalar_prefetch = 0 : i64, scratch_operands = 13 : i64, tpu.core_type = #tpu.core_type<sc_vector_subcore>, window_params = [{transform_indices = #map}, {transform_indices = #map1}, {transform_indices = #map}]} {
    %mul3A = arith.constant 2 : i32
    %mul3A_0 = arith.muli %arg1, %mul3A : i32
    %add3A = arith.addi %mul3A_0, %arg0 : i32
    %mul3A_1 = arith.constant 80 : i32
    %mul3A_2 = arith.muli %add3A, %mul3A_1 : i32
    %dma_start3A = arith.constant 0 : i32
    %dma_start3A_3 = arith.constant 0 : i32
    %dma_start3A_4 = tpu.memref_slice %arg2[%mul3A_2, %dma_start3A, %dma_start3A_3] : memref<2560x2x128xi32, #tpu.memory_space<hbm>> -> memref<1x2x128xi32, #tpu.memory_space<hbm>>
    %dma_start3A_5 = tpu.memref_squeeze %dma_start3A_4 : memref<1x2x128xi32, #tpu.memory_space<hbm>> -> memref<2x128xi32, #tpu.memory_space<hbm>>
    %dma_start3A_6 = arith.constant 0 : i32
    %dma_start3A_7 = arith.constant 0 : i32
    %dma_start3A_8 = tpu.memref_slice %arg2[%mul3A_2, %dma_start3A_6, %dma_start3A_7] : memref<2560x2x128xi32, #tpu.memory_space<hbm>> -> memref<1x2x128xi32, #tpu.memory_space<hbm>>
    %dma_start3A_9 = tpu.memref_squeeze %dma_start3A_8 : memref<1x2x128xi32, #tpu.memory_space<hbm>> -> memref<2x128xi32, #tpu.memory_space<hbm>>
    tpu.enqueue_dma source(%dma_start3A_9 : memref<2x128xi32, #tpu.memory_space<hbm>>) target(%arg5 : memref<2x128xi32, #tpu.memory_space<vmem>>) target_semaphore(%arg12 : memref<!tpu.dma_semaphore, #tpu.memory_space<semaphore_mem>>)
    %add3A_10 = arith.constant 1 : i32
    %add3A_11 = arith.addi %mul3A_2, %add3A_10 : i32
    %dma_start3A_12 = arith.constant 0 : i32
    %dma_start3A_13 = arith.constant 0 : i32
    %dma_start3A_14 = tpu.memref_slice %arg2[%add3A_11, %dma_start3A_12, %dma_start3A_13] : memref<2560x2x128xi32, #tpu.memory_space<hbm>> -> memref<1x2x128xi32, #tpu.memory_space<hbm>>
    %dma_start3A_15 = tpu.memref_squeeze %dma_start3A_14 : memref<1x2x128xi32, #tpu.memory_space<hbm>> -> memref<2x128xi32, #tpu.memory_space<hbm>>
    %dma_start3A_16 = arith.constant 0 : i32
    %dma_start3A_17 = arith.constant 0 : i32
    %dma_start3A_18 = tpu.memref_slice %arg2[%add3A_11, %dma_start3A_16, %dma_start3A_17] : memref<2560x2x128xi32, #tpu.memory_space<hbm>> -> memref<1x2x128xi32, #tpu.memory_space<hbm>>
    %dma_start3A_19 = tpu.memref_squeeze %dma_start3A_18 : memref<1x2x128xi32, #tpu.memory_space<hbm>> -> memref<2x128xi32, #tpu.memory_space<hbm>>
    tpu.enqueue_dma source(%dma_start3A_19 : memref<2x128xi32, #tpu.memory_space<hbm>>) target(%arg6 : memref<2x128xi32, #tpu.memory_space<vmem>>) target_semaphore(%arg13 : memref<!tpu.dma_semaphore, #tpu.memory_space<semaphore_mem>>)
    %broadcast_in_dim3A = arith.constant 0.000000e+00 : f32
    %broadcast_in_dim3A_20 = vector.broadcast %broadcast_in_dim3A : f32 to vector<16xf32>
    %scan3A = arith.constant 0 : i32
    %scan3A_21 = arith.constant 0 : i32
    %scan3A_22 = arith.constant 1024 : i32
    %scan3A_23 = arith.addi %scan3A_21, %scan3A_22 : i32
    %scan3A_24 = arith.constant 1 : i32
    scf.for %scan3A_65 = %scan3A_21 to %scan3A_23 step %scan3A_24  : i32 {
      %jit3A = arith.constant 8 : i32
      %div3A = arith.divsi %scan3A_65, %jit3A : i32
      %sign3A = arith.constant 0 : i32
      %sign3A_66 = arith.cmpi sgt, %scan3A_65, %sign3A : i32
      %sign3A_67 = arith.extui %sign3A_66 : i1 to i32
      %sign3A_68 = arith.constant 0 : i32
      %sign3A_69 = arith.cmpi slt, %scan3A_65, %sign3A_68 : i32
      %sign3A_70 = arith.extui %sign3A_69 : i1 to i32
      %sign3A_71 = arith.subi %sign3A_67, %sign3A_70 : i32
      %sign3A_72 = arith.constant 0 : i32
      %sign3A_73 = arith.cmpi sgt, %jit3A, %sign3A_72 : i32
      %sign3A_74 = arith.extui %sign3A_73 : i1 to i32
      %sign3A_75 = arith.constant 0 : i32
      %sign3A_76 = arith.cmpi slt, %jit3A, %sign3A_75 : i32
      %sign3A_77 = arith.extui %sign3A_76 : i1 to i32
      %sign3A_78 = arith.subi %sign3A_74, %sign3A_77 : i32
      %ne3A = arith.cmpi ne, %sign3A_71, %sign3A_78 : i32
      %rem3A = arith.remsi %scan3A_65, %jit3A : i32
      %ne3A_79 = arith.constant 0 : i32
      %ne3A_80 = arith.cmpi ne, %rem3A, %ne3A_79 : i32
      %and3A = arith.andi %ne3A, %ne3A_80 : i1
      %sub3A = arith.constant 1 : i32
      %sub3A_81 = arith.subi %div3A, %sub3A : i32
      %select_n3A = arith.select %and3A, %sub3A_81, %div3A : i32
      %jit3A_82 = arith.constant 8 : i32
      %eq3A = arith.constant 0 : i32
      %eq3A_83 = arith.cmpi eq, %jit3A_82, %eq3A : i32
      %jit3A_84 = arith.constant 1 : i32
      %select_n3A_85 = arith.select %eq3A_83, %jit3A_84, %jit3A_82 : i32
      %rem3A_86 = arith.remsi %scan3A_65, %select_n3A_85 : i32
      %ne3A_87 = arith.constant 0 : i32
      %ne3A_88 = arith.cmpi ne, %rem3A_86, %ne3A_87 : i32
      %lt3A = arith.constant 0 : i32
      %lt3A_89 = arith.cmpi slt, %rem3A_86, %lt3A : i32
      %lt3A_90 = arith.constant 0 : i32
      %lt3A_91 = arith.cmpi slt, %select_n3A_85, %lt3A_90 : i32
      %ne3A_92 = arith.xori %lt3A_89, %lt3A_91 : i1
      %and3A_93 = arith.andi %ne3A_92, %ne3A_88 : i1
      %add3A_94 = arith.addi %rem3A_86, %select_n3A_85 : i32
      %select_n3A_95 = arith.select %and3A_93, %add3A_94, %rem3A_86 : i32
      %mul3A_96 = arith.constant 16 : i32
      %mul3A_97 = arith.muli %select_n3A_95, %mul3A_96 : i32
      %swap3A = arith.index_cast %select_n3A : i32 to index
      %swap3A_98 = arith.index_cast %mul3A_97 : i32 to index
      %swap3A_99 = tpu.vector_load %arg7[%swap3A, %swap3A_98] {strides = array<i32>} : memref<128x128xf32, #tpu.memory_space<vmem>>, vector<1x16xf32>,
      %swap3A_100 = vector.shape_cast %swap3A_99 : vector<1x16xf32> to vector<16xf32>
      %swap3A_101 = vector.shape_cast %broadcast_in_dim3A_20 : vector<16xf32> to vector<1x16xf32>
      tpu.vector_store %arg7[%swap3A, %swap3A_98], %swap3A_101 {strides = array<i32>} : memref<128x128xf32, #tpu.memory_space<vmem>>, vector<1x16xf32>,
    }
    %scan3A_25 = arith.constant 1024 : i32
    %mul3A_26 = arith.constant 632 : i32
    %mul3A_27 = arith.muli %arg1, %mul3A_26 : i32
    %add3A_28 = arith.constant 0 : i32
    %add3A_29 = arith.addi %mul3A_27, %add3A_28 : i32
    "tpu.region"() ({
      %run_scoped3A = tpu.sem_alloc : memref<!tpu.dma_semaphore, #tpu.memory_space<semaphore_mem>>
      %dma_start3A_65 = arith.constant 0 : i32
      %dma_start3A_66 = tpu.memref_slice %arg11[%add3A_29, %dma_start3A_65] : memref<10112x128xf32, #tpu.memory_space<vmem_shared>> -> memref<128x128xf32, #tpu.memory_space<vmem_shared>>
      %dma_start3A_67 = arith.constant 0 : i32
      %dma_start3A_68 = tpu.memref_slice %arg11[%add3A_29, %dma_start3A_67] : memref<10112x128xf32, #tpu.memory_space<vmem_shared>> -> memref<128x128xf32, #tpu.memory_space<vmem_shared>>
      tpu.enqueue_dma source(%arg7 : memref<128x128xf32, #tpu.memory_space<vmem>>) target(%dma_start3A_68 : memref<128x128xf32, #tpu.memory_space<vmem_shared>>) target_semaphore(%run_scoped3A : memref<!tpu.dma_semaphore, #tpu.memory_space<semaphore_mem>>)
      %dma_wait3A_69 = arith.constant 0 : i32
      %dma_wait3A_70 = tpu.memref_slice %arg11[%add3A_29, %dma_wait3A_69] : memref<10112x128xf32, #tpu.memory_space<vmem_shared>> -> memref<128x128xf32, #tpu.memory_space<vmem_shared>>
      %dma_wait3A_71 = arith.constant 0 : i32
      %dma_wait3A_72 = tpu.memref_slice %arg11[%add3A_29, %dma_wait3A_71] : memref<10112x128xf32, #tpu.memory_space<vmem_shared>> -> memref<128x128xf32, #tpu.memory_space<vmem_shared>>
      tpu.wait_dma2 semaphore(%run_scoped3A : memref<!tpu.dma_semaphore, #tpu.memory_space<semaphore_mem>>) src(%arg7 : memref<128x128xf32, #tpu.memory_space<vmem>>) dst(%dma_wait3A_72 : memref<128x128xf32, #tpu.memory_space<vmem_shared>>)
      tpu.yield
    }) : () -> ()
    %add3A_30 = arith.constant 128 : i32
    %add3A_31 = arith.addi %mul3A_27, %add3A_30 : i32
    "tpu.region"() ({
      %run_scoped3A = tpu.sem_alloc : memref<!tpu.dma_semaphore, #tpu.memory_space<semaphore_mem>>
      %dma_start3A_65 = arith.constant 0 : i32
      %dma_start3A_66 = tpu.memref_slice %arg11[%add3A_31, %dma_start3A_65] : memref<10112x128xf32, #tpu.memory_space<vmem_shared>> -> memref<128x128xf32, #tpu.memory_space<vmem_shared>>
      %dma_start3A_67 = arith.constant 0 : i32
      %dma_start3A_68 = tpu.memref_slice %arg11[%add3A_31, %dma_start3A_67] : memref<10112x128xf32, #tpu.memory_space<vmem_shared>> -> memref<128x128xf32, #tpu.memory_space<vmem_shared>>
      tpu.enqueue_dma source(%arg7 : memref<128x128xf32, #tpu.memory_space<vmem>>) target(%dma_start3A_68 : memref<128x128xf32, #tpu.memory_space<vmem_shared>>) target_semaphore(%run_scoped3A : memref<!tpu.dma_semaphore, #tpu.memory_space<semaphore_mem>>)
      %dma_wait3A_69 = arith.constant 0 : i32
      %dma_wait3A_70 = tpu.memref_slice %arg11[%add3A_31, %dma_wait3A_69] : memref<10112x128xf32, #tpu.memory_space<vmem_shared>> -> memref<128x128xf32, #tpu.memory_space<vmem_shared>>
      %dma_wait3A_71 = arith.constant 0 : i32
      %dma_wait3A_72 = tpu.memref_slice %arg11[%add3A_31, %dma_wait3A_71] : memref<10112x128xf32, #tpu.memory_space<vmem_shared>> -> memref<128x128xf32, #tpu.memory_space<vmem_shared>>
      tpu.wait_dma2 semaphore(%run_scoped3A : memref<!tpu.dma_semaphore, #tpu.memory_space<semaphore_mem>>) src(%arg7 : memref<128x128xf32, #tpu.memory_space<vmem>>) dst(%dma_wait3A_72 : memref<128x128xf32, #tpu.memory_space<vmem_shared>>)
      tpu.yield
    }) : () -> ()
    %add3A_32 = arith.constant 256 : i32
    %add3A_33 = arith.addi %mul3A_27, %add3A_32 : i32
    "tpu.region"() ({
      %run_scoped3A = tpu.sem_alloc : memref<!tpu.dma_semaphore, #tpu.memory_space<semaphore_mem>>
      %dma_start3A_65 = arith.constant 0 : i32
      %dma_start3A_66 = tpu.memref_slice %arg11[%add3A_33, %dma_start3A_65] : memref<10112x128xf32, #tpu.memory_space<vmem_shared>> -> memref<128x128xf32, #tpu.memory_space<vmem_shared>>
      %dma_start3A_67 = arith.constant 0 : i32
      %dma_start3A_68 = tpu.memref_slice %arg11[%add3A_33, %dma_start3A_67] : memref<10112x128xf32, #tpu.memory_space<vmem_shared>> -> memref<128x128xf32, #tpu.memory_space<vmem_shared>>
      tpu.enqueue_dma source(%arg7 : memref<128x128xf32, #tpu.memory_space<vmem>>) target(%dma_start3A_68 : memref<128x128xf32, #tpu.memory_space<vmem_shared>>) target_semaphore(%run_scoped3A : memref<!tpu.dma_semaphore, #tpu.memory_space<semaphore_mem>>)
      %dma_wait3A_69 = arith.constant 0 : i32
      %dma_wait3A_70 = tpu.memref_slice %arg11[%add3A_33, %dma_wait3A_69] : memref<10112x128xf32, #tpu.memory_space<vmem_shared>> -> memref<128x128xf32, #tpu.memory_space<vmem_shared>>
      %dma_wait3A_71 = arith.constant 0 : i32
      %dma_wait3A_72 = tpu.memref_slice %arg11[%add3A_33, %dma_wait3A_71] : memref<10112x128xf32, #tpu.memory_space<vmem_shared>> -> memref<128x128xf32, #tpu.memory_space<vmem_shared>>
      tpu.wait_dma2 semaphore(%run_scoped3A : memref<!tpu.dma_semaphore, #tpu.memory_space<semaphore_mem>>) src(%arg7 : memref<128x128xf32, #tpu.memory_space<vmem>>) dst(%dma_wait3A_72 : memref<128x128xf32, #tpu.memory_space<vmem_shared>>)
      tpu.yield
    }) : () -> ()
    %add3A_34 = arith.constant 384 : i32
    %add3A_35 = arith.addi %mul3A_27, %add3A_34 : i32
    "tpu.region"() ({
      %run_scoped3A = tpu.sem_alloc : memref<!tpu.dma_semaphore, #tpu.memory_space<semaphore_mem>>
      %dma_start3A_65 = arith.constant 0 : i32
      %dma_start3A_66 = tpu.memref_slice %arg11[%add3A_35, %dma_start3A_65] : memref<10112x128xf32, #tpu.memory_space<vmem_shared>> -> memref<128x128xf32, #tpu.memory_space<vmem_shared>>
      %dma_start3A_67 = arith.constant 0 : i32
      %dma_start3A_68 = tpu.memref_slice %arg11[%add3A_35, %dma_start3A_67] : memref<10112x128xf32, #tpu.memory_space<vmem_shared>> -> memref<128x128xf32, #tpu.memory_space<vmem_shared>>
      tpu.enqueue_dma source(%arg7 : memref<128x128xf32, #tpu.memory_space<vmem>>) target(%dma_start3A_68 : memref<128x128xf32, #tpu.memory_space<vmem_shared>>) target_semaphore(%run_scoped3A : memref<!tpu.dma_semaphore, #tpu.memory_space<semaphore_mem>>)
      %dma_wait3A_69 = arith.constant 0 : i32
      %dma_wait3A_70 = tpu.memref_slice %arg11[%add3A_35, %dma_wait3A_69] : memref<10112x128xf32, #tpu.memory_space<vmem_shared>> -> memref<128x128xf32, #tpu.memory_space<vmem_shared>>
      %dma_wait3A_71 = arith.constant 0 : i32
      %dma_wait3A_72 = tpu.memref_slice %arg11[%add3A_35, %dma_wait3A_71] : memref<10112x128xf32, #tpu.memory_space<vmem_shared>> -> memref<128x128xf32, #tpu.memory_space<vmem_shared>>
      tpu.wait_dma2 semaphore(%run_scoped3A : memref<!tpu.dma_semaphore, #tpu.memory_space<semaphore_mem>>) src(%arg7 : memref<128x128xf32, #tpu.memory_space<vmem>>) dst(%dma_wait3A_72 : memref<128x128xf32, #tpu.memory_space<vmem_shared>>)
      tpu.yield
    }) : () -> ()
    %add3A_36 = arith.constant 512 : i32
    %add3A_37 = arith.addi %mul3A_27, %add3A_36 : i32
    "tpu.region"() ({
      %run_scoped3A = tpu.sem_alloc : memref<!tpu.dma_semaphore, #tpu.memory_space<semaphore_mem>>
      %dma_start3A_65 = arith.constant 0 : i32
      %dma_start3A_66 = arith.constant 0 : i32
      %dma_start3A_67 = tpu.memref_slice %arg7[%dma_start3A_65, %dma_start3A_66] : memref<128x128xf32, #tpu.memory_space<vmem>> -> memref<120x128xf32, #tpu.memory_space<vmem>>
      %dma_start3A_68 = arith.constant 0 : i32
      %dma_start3A_69 = tpu.memref_slice %arg11[%add3A_37, %dma_start3A_68] : memref<10112x128xf32, #tpu.memory_space<vmem_shared>> -> memref<120x128xf32, #tpu.memory_space<vmem_shared>>
      %dma_start3A_70 = arith.constant 0 : i32
      %dma_start3A_71 = tpu.memref_slice %arg11[%add3A_37, %dma_start3A_70] : memref<10112x128xf32, #tpu.memory_space<vmem_shared>> -> memref<120x128xf32, #tpu.memory_space<vmem_shared>>
      %dma_start3A_72 = arith.constant 0 : i32
      %dma_start3A_73 = arith.constant 0 : i32
      %dma_start3A_74 = tpu.memref_slice %arg7[%dma_start3A_72, %dma_start3A_73] : memref<128x128xf32, #tpu.memory_space<vmem>> -> memref<120x128xf32, #tpu.memory_space<vmem>>
      tpu.enqueue_dma source(%dma_start3A_74 : memref<120x128xf32, #tpu.memory_space<vmem>>) target(%dma_start3A_71 : memref<120x128xf32, #tpu.memory_space<vmem_shared>>) target_semaphore(%run_scoped3A : memref<!tpu.dma_semaphore, #tpu.memory_space<semaphore_mem>>)
      %dma_wait3A_75 = arith.constant 0 : i32
      %dma_wait3A_76 = arith.constant 0 : i32
      %dma_wait3A_77 = tpu.memref_slice %arg7[%dma_wait3A_75, %dma_wait3A_76] : memref<128x128xf32, #tpu.memory_space<vmem>> -> memref<120x128xf32, #tpu.memory_space<vmem>>
      %dma_wait3A_78 = arith.constant 0 : i32
      %dma_wait3A_79 = tpu.memref_slice %arg11[%add3A_37, %dma_wait3A_78] : memref<10112x128xf32, #tpu.memory_space<vmem_shared>> -> memref<120x128xf32, #tpu.memory_space<vmem_shared>>
      %dma_wait3A_80 = arith.constant 0 : i32
      %dma_wait3A_81 = tpu.memref_slice %arg11[%add3A_37, %dma_wait3A_80] : memref<10112x128xf32, #tpu.memory_space<vmem_shared>> -> memref<120x128xf32, #tpu.memory_space<vmem_shared>>
      %dma_wait3A_82 = arith.constant 0 : i32
      %dma_wait3A_83 = arith.constant 0 : i32
      %dma_wait3A_84 = tpu.memref_slice %arg7[%dma_wait3A_82, %dma_wait3A_83] : memref<128x128xf32, #tpu.memory_space<vmem>> -> memref<120x128xf32, #tpu.memory_space<vmem>>
      tpu.wait_dma2 semaphore(%run_scoped3A : memref<!tpu.dma_semaphore, #tpu.memory_space<semaphore_mem>>) src(%dma_wait3A_84 : memref<120x128xf32, #tpu.memory_space<vmem>>) dst(%dma_wait3A_81 : memref<120x128xf32, #tpu.memory_space<vmem_shared>>)
      tpu.yield
    }) : () -> ()
    %barrier3A = arith.constant 0 : index
    tpu.barrier barrier_id(%barrier3A)
    %dma_wait3A = arith.constant 0 : i32
    %dma_wait3A_38 = arith.constant 0 : i32
    %dma_wait3A_39 = tpu.memref_slice %arg2[%mul3A_2, %dma_wait3A, %dma_wait3A_38] : memref<2560x2x128xi32, #tpu.memory_space<hbm>> -> memref<1x2x128xi32, #tpu.memory_space<hbm>>
    %dma_wait3A_40 = tpu.memref_squeeze %dma_wait3A_39 : memref<1x2x128xi32, #tpu.memory_space<hbm>> -> memref<2x128xi32, #tpu.memory_space<hbm>>
    %dma_wait3A_41 = arith.constant 0 : i32
    %dma_wait3A_42 = arith.constant 0 : i32
    %dma_wait3A_43 = tpu.memref_slice %arg2[%mul3A_2, %dma_wait3A_41, %dma_wait3A_42] : memref<2560x2x128xi32, #tpu.memory_space<hbm>> -> memref<1x2x128xi32, #tpu.memory_space<hbm>>
    %dma_wait3A_44 = tpu.memref_squeeze %dma_wait3A_43 : memref<1x2x128xi32, #tpu.memory_space<hbm>> -> memref<2x128xi32, #tpu.memory_space<hbm>>
    tpu.wait_dma2 semaphore(%arg12 : memref<!tpu.dma_semaphore, #tpu.memory_space<semaphore_mem>>) src(%dma_wait3A_44 : memref<2x128xi32, #tpu.memory_space<hbm>>) dst(%arg5 : memref<2x128xi32, #tpu.memory_space<vmem>>)
    %dma_start3A_45 = arith.constant 0 : i32
    %dma_start3A_46 = arith.constant 0 : i32
    %dma_start3A_47 = tpu.memref_slice %arg5[%dma_start3A_45, %dma_start3A_46] : memref<2x128xi32, #tpu.memory_space<vmem>> -> memref<1x128xi32, #tpu.memory_space<vmem>>
    %dma_start3A_48 = tpu.memref_squeeze %dma_start3A_47 : memref<1x128xi32, #tpu.memory_space<vmem>> -> memref<128xi32, #tpu.memory_space<vmem>>
    %dma_start3A_49 = arith.constant 0 : i32
    %dma_start3A_50 = arith.constant 0 : i32
    %dma_start3A_51 = tpu.memref_slice %arg3[%dma_start3A_49, %dma_start3A_50] : memref<10000x128xf32, #tpu.memory_space<hbm>> -> memref<10000x128xf32, #tpu.memory_space<hbm>>
    tpu.enqueue_indirect_dma source(%dma_start3A_51 : memref<10000x128xf32, #tpu.memory_space<hbm>>) target(%arg7 : memref<128x128xf32, #tpu.memory_space<vmem>>) offsets(%dma_start3A_48 : memref<128xi32, #tpu.memory_space<vmem>>) semaphore(%arg14 : memref<!tpu.dma_semaphore, #tpu.memory_space<semaphore_mem>>)
    %scan3A_52 = arith.constant 0 : i32
    %scan3A_53 = arith.constant 0 : i32
    %scan3A_54 = arith.constant 40 : i32
    %scan3A_55 = arith.addi %scan3A_53, %scan3A_54 : i32
    %scan3A_56 = arith.constant 1 : i32
    scf.for %scan3A_65 = %scan3A_53 to %scan3A_55 step %scan3A_56  : i32 {
      %mul3A_66 = arith.constant 2 : i32
      %mul3A_67 = arith.muli %mul3A_66, %scan3A_65 : i32
      %add3A_68 = arith.constant 0 : i32
      %add3A_69 = arith.addi %mul3A_67, %add3A_68 : i32
      %dma_wait3A_70 = arith.constant 0 : i32
      %dma_wait3A_71 = arith.constant 0 : i32
      %dma_wait3A_72 = tpu.memref_slice %arg5[%dma_wait3A_70, %dma_wait3A_71] : memref<2x128xi32, #tpu.memory_space<vmem>> -> memref<1x128xi32, #tpu.memory_space<vmem>>
      %dma_wait3A_73 = tpu.memref_squeeze %dma_wait3A_72 : memref<1x128xi32, #tpu.memory_space<vmem>> -> memref<128xi32, #tpu.memory_space<vmem>>
      %dma_wait3A_74 = arith.constant 0 : i32
      %dma_wait3A_75 = arith.constant 0 : i32
      %dma_wait3A_76 = tpu.memref_slice %arg3[%dma_wait3A_74, %dma_wait3A_75] : memref<10000x128xf32, #tpu.memory_space<hbm>> -> memref<10000x128xf32, #tpu.memory_space<hbm>>
      tpu.wait_indirect_dma semaphore(%arg14 : memref<!tpu.dma_semaphore, #tpu.memory_space<semaphore_mem>>) src(%dma_wait3A_76 : memref<10000x128xf32, #tpu.memory_space<hbm>>) dst(%arg7 : memref<128x128xf32, #tpu.memory_space<vmem>>)
      %get3A = arith.constant 1 : i32
      %get3A_77 = arith.index_cast %get3A : i32 to index
      %get3A_78 = arith.constant 0 : index
      %get3A_79 = tpu.vector_load %arg5[%get3A_77, %get3A_78] {strides = array<i32>} : memref<2x128xi32, #tpu.memory_space<vmem>>, vector<1x16xi32>,
      %get3A_80 = vector.shape_cast %get3A_79 : vector<1x16xi32> to vector<16xi32>
      %swap3A = arith.constant 0 : index
      %swap3A_81 = tpu.vector_load %arg9[%swap3A] {strides = array<i32>} : memref<128xi32, #tpu.memory_space<vmem>>, vector<16xi32>,
      %swap3A_82 = vector.shape_cast %swap3A_81 : vector<16xi32> to vector<16xi32>
      %swap3A_83 = vector.shape_cast %get3A_80 : vector<16xi32> to vector<16xi32>
      tpu.vector_store %arg9[%swap3A], %swap3A_83 {strides = array<i32>} : memref<128xi32, #tpu.memory_space<vmem>>, vector<16xi32>,
      %get3A_84 = arith.constant 1 : i32
      %get3A_85 = arith.index_cast %get3A_84 : i32 to index
      %get3A_86 = arith.constant 16 : index
      %get3A_87 = tpu.vector_load %arg5[%get3A_85, %get3A_86] {strides = array<i32>} : memref<2x128xi32, #tpu.memory_space<vmem>>, vector<1x16xi32>,
      %get3A_88 = vector.shape_cast %get3A_87 : vector<1x16xi32> to vector<16xi32>
      %swap3A_89 = arith.constant 16 : index
      %swap3A_90 = tpu.vector_load %arg9[%swap3A_89] {strides = array<i32>} : memref<128xi32, #tpu.memory_space<vmem>>, vector<16xi32>,
      %swap3A_91 = vector.shape_cast %swap3A_90 : vector<16xi32> to vector<16xi32>
      %swap3A_92 = vector.shape_cast %get3A_88 : vector<16xi32> to vector<16xi32>
      tpu.vector_store %arg9[%swap3A_89], %swap3A_92 {strides = array<i32>} : memref<128xi32, #tpu.memory_space<vmem>>, vector<16xi32>,
      %get3A_93 = arith.constant 1 : i32
      %get3A_94 = arith.index_cast %get3A_93 : i32 to index
      %get3A_95 = arith.constant 32 : index
      %get3A_96 = tpu.vector_load %arg5[%get3A_94, %get3A_95] {strides = array<i32>} : memref<2x128xi32, #tpu.memory_space<vmem>>, vector<1x16xi32>,
      %get3A_97 = vector.shape_cast %get3A_96 : vector<1x16xi32> to vector<16xi32>
      %swap3A_98 = arith.constant 32 : index
      %swap3A_99 = tpu.vector_load %arg9[%swap3A_98] {strides = array<i32>} : memref<128xi32, #tpu.memory_space<vmem>>, vector<16xi32>,
      %swap3A_100 = vector.shape_cast %swap3A_99 : vector<16xi32> to vector<16xi32>
      %swap3A_101 = vector.shape_cast %get3A_97 : vector<16xi32> to vector<16xi32>
      tpu.vector_store %arg9[%swap3A_98], %swap3A_101 {strides = array<i32>} : memref<128xi32, #tpu.memory_space<vmem>>, vector<16xi32>,
      %get3A_102 = arith.constant 1 : i32
      %get3A_103 = arith.index_cast %get3A_102 : i32 to index
      %get3A_104 = arith.constant 48 : index
      %get3A_105 = tpu.vector_load %arg5[%get3A_103, %get3A_104] {strides = array<i32>} : memref<2x128xi32, #tpu.memory_space<vmem>>, vector<1x16xi32>,
      %get3A_106 = vector.shape_cast %get3A_105 : vector<1x16xi32> to vector<16xi32>
      %swap3A_107 = arith.constant 48 : index
      %swap3A_108 = tpu.vector_load %arg9[%swap3A_107] {strides = array<i32>} : memref<128xi32, #tpu.memory_space<vmem>>, vector<16xi32>,
      %swap3A_109 = vector.shape_cast %swap3A_108 : vector<16xi32> to vector<16xi32>
      %swap3A_110 = vector.shape_cast %get3A_106 : vector<16xi32> to vector<16xi32>
      tpu.vector_store %arg9[%swap3A_107], %swap3A_110 {strides = array<i32>} : memref<128xi32, #tpu.memory_space<vmem>>, vector<16xi32>,
      %get3A_111 = arith.constant 1 : i32
      %get3A_112 = arith.index_cast %get3A_111 : i32 to index
      %get3A_113 = arith.constant 64 : index
      %get3A_114 = tpu.vector_load %arg5[%get3A_112, %get3A_113] {strides = array<i32>} : memref<2x128xi32, #tpu.memory_space<vmem>>, vector<1x16xi32>,
      %get3A_115 = vector.shape_cast %get3A_114 : vector<1x16xi32> to vector<16xi32>
      %swap3A_116 = arith.constant 64 : index
      %swap3A_117 = tpu.vector_load %arg9[%swap3A_116] {strides = array<i32>} : memref<128xi32, #tpu.memory_space<vmem>>, vector<16xi32>,
      %swap3A_118 = vector.shape_cast %swap3A_117 : vector<16xi32> to vector<16xi32>
      %swap3A_119 = vector.shape_cast %get3A_115 : vector<16xi32> to vector<16xi32>
      tpu.vector_store %arg9[%swap3A_116], %swap3A_119 {strides = array<i32>} : memref<128xi32, #tpu.memory_space<vmem>>, vector<16xi32>,
      %get3A_120 = arith.constant 1 : i32
      %get3A_121 = arith.index_cast %get3A_120 : i32 to index
      %get3A_122 = arith.constant 80 : index
      %get3A_123 = tpu.vector_load %arg5[%get3A_121, %get3A_122] {strides = array<i32>} : memref<2x128xi32, #tpu.memory_space<vmem>>, vector<1x16xi32>,
      %get3A_124 = vector.shape_cast %get3A_123 : vector<1x16xi32> to vector<16xi32>
      %swap3A_125 = arith.constant 80 : index
      %swap3A_126 = tpu.vector_load %arg9[%swap3A_125] {strides = array<i32>} : memref<128xi32, #tpu.memory_space<vmem>>, vector<16xi32>,
      %swap3A_127 = vector.shape_cast %swap3A_126 : vector<16xi32> to vector<16xi32>
      %swap3A_128 = vector.shape_cast %get3A_124 : vector<16xi32> to vector<16xi32>
      tpu.vector_store %arg9[%swap3A_125], %swap3A_128 {strides = array<i32>} : memref<128xi32, #tpu.memory_space<vmem>>, vector<16xi32>,
      %get3A_129 = arith.constant 1 : i32
      %get3A_130 = arith.index_cast %get3A_129 : i32 to index
      %get3A_131 = arith.constant 96 : index
      %get3A_132 = tpu.vector_load %arg5[%get3A_130, %get3A_131] {strides = array<i32>} : memref<2x128xi32, #tpu.memory_space<vmem>>, vector<1x16xi32>,
      %get3A_133 = vector.shape_cast %get3A_132 : vector<1x16xi32> to vector<16xi32>
      %swap3A_134 = arith.constant 96 : index
      %swap3A_135 = tpu.vector_load %arg9[%swap3A_134] {strides = array<i32>} : memref<128xi32, #tpu.memory_space<vmem>>, vector<16xi32>,
      %swap3A_136 = vector.shape_cast %swap3A_135 : vector<16xi32> to vector<16xi32>
      %swap3A_137 = vector.shape_cast %get3A_133 : vector<16xi32> to vector<16xi32>
      tpu.vector_store %arg9[%swap3A_134], %swap3A_137 {strides = array<i32>} : memref<128xi32, #tpu.memory_space<vmem>>, vector<16xi32>,
      %get3A_138 = arith.constant 1 : i32
      %get3A_139 = arith.index_cast %get3A_138 : i32 to index
      %get3A_140 = arith.constant 112 : index
      %get3A_141 = tpu.vector_load %arg5[%get3A_139, %get3A_140] {strides = array<i32>} : memref<2x128xi32, #tpu.memory_space<vmem>>, vector<1x16xi32>,
      %get3A_142 = vector.shape_cast %get3A_141 : vector<1x16xi32> to vector<16xi32>
      %swap3A_143 = arith.constant 112 : index
      %swap3A_144 = tpu.vector_load %arg9[%swap3A_143] {strides = array<i32>} : memref<128xi32, #tpu.memory_space<vmem>>, vector<16xi32>,
      %swap3A_145 = vector.shape_cast %swap3A_144 : vector<16xi32> to vector<16xi32>
      %swap3A_146 = vector.shape_cast %get3A_142 : vector<16xi32> to vector<16xi32>
      tpu.vector_store %arg9[%swap3A_143], %swap3A_146 {strides = array<i32>} : memref<128xi32, #tpu.memory_space<vmem>>, vector<16xi32>,
      %dma_start3A_147 = arith.constant 0 : i32
      %dma_start3A_148 = arith.constant 0 : i32
      %dma_start3A_149 = tpu.memref_slice %arg11[%dma_start3A_147, %dma_start3A_148] : memref<10112x128xf32, #tpu.memory_space<vmem_shared>> -> memref<10112x128xf32, #tpu.memory_space<vmem_shared>>
      tpu.enqueue_indirect_dma source(%arg7 : memref<128x128xf32, #tpu.memory_space<vmem>>) target(%dma_start3A_149 : memref<10112x128xf32, #tpu.memory_space<vmem_shared>>) offsets(%arg9 : memref<128xi32, #tpu.memory_space<vmem>>) semaphore(%arg16 : memref<!tpu.dma_semaphore, #tpu.memory_space<semaphore_mem>>) {add = true}
      %lt3A = arith.constant 79 : i32
      %lt3A_150 = arith.cmpi slt, %add3A_69, %lt3A : i32
      %convert_element_type3A = arith.extui %lt3A_150 : i1 to i32
      %cond3A = arith.constant 0 : i32
      %cond3A_151 = arith.cmpi ne, %convert_element_type3A, %cond3A : i32
      scf.if %cond3A_151 {
        %add3A_277 = arith.addi %mul3A_2, %add3A_69 : i32
        %add3A_278 = arith.constant 1 : i32
        %add3A_279 = arith.addi %add3A_277, %add3A_278 : i32
        %dma_wait3A_280 = arith.constant 0 : i32
        %dma_wait3A_281 = arith.constant 0 : i32
        %dma_wait3A_282 = tpu.memref_slice %arg2[%add3A_279, %dma_wait3A_280, %dma_wait3A_281] : memref<2560x2x128xi32, #tpu.memory_space<hbm>> -> memref<1x2x128xi32, #tpu.memory_space<hbm>>
        %dma_wait3A_283 = tpu.memref_squeeze %dma_wait3A_282 : memref<1x2x128xi32, #tpu.memory_space<hbm>> -> memref<2x128xi32, #tpu.memory_space<hbm>>
        %dma_wait3A_284 = arith.constant 0 : i32
        %dma_wait3A_285 = arith.constant 0 : i32
        %dma_wait3A_286 = tpu.memref_slice %arg2[%add3A_279, %dma_wait3A_284, %dma_wait3A_285] : memref<2560x2x128xi32, #tpu.memory_space<hbm>> -> memref<1x2x128xi32, #tpu.memory_space<hbm>>
        %dma_wait3A_287 = tpu.memref_squeeze %dma_wait3A_286 : memref<1x2x128xi32, #tpu.memory_space<hbm>> -> memref<2x128xi32, #tpu.memory_space<hbm>>
        tpu.wait_dma2 semaphore(%arg13 : memref<!tpu.dma_semaphore, #tpu.memory_space<semaphore_mem>>) src(%dma_wait3A_287 : memref<2x128xi32, #tpu.memory_space<hbm>>) dst(%arg6 : memref<2x128xi32, #tpu.memory_space<vmem>>)
      } else {
      }
      %ge3A = arith.constant 1 : i32
      %ge3A_152 = arith.cmpi sge, %add3A_69, %ge3A : i32
      %lt3A_153 = arith.constant 79 : i32
      %lt3A_154 = arith.cmpi slt, %add3A_69, %lt3A_153 : i32
      %and3A = arith.andi %ge3A_152, %lt3A_154 : i1
      %convert_element_type3A_155 = arith.extui %and3A : i1 to i32
      %cond3A_156 = arith.constant 0 : i32
      %cond3A_157 = arith.cmpi ne, %convert_element_type3A_155, %cond3A_156 : i32
      scf.if %cond3A_157 {
        %dma_wait3A_277 = arith.constant 0 : i32
        %dma_wait3A_278 = arith.constant 0 : i32
        %dma_wait3A_279 = tpu.memref_slice %arg11[%dma_wait3A_277, %dma_wait3A_278] : memref<10112x128xf32, #tpu.memory_space<vmem_shared>> -> memref<10112x128xf32, #tpu.memory_space<vmem_shared>>
        tpu.wait_indirect_dma semaphore(%arg17 : memref<!tpu.dma_semaphore, #tpu.memory_space<semaphore_mem>>) src(%arg8 : memref<128x128xf32, #tpu.memory_space<vmem>>) dst(%dma_wait3A_279 : memref<10112x128xf32, #tpu.memory_space<vmem_shared>>)
      } else {
      }
      %lt3A_158 = arith.constant 79 : i32
      %lt3A_159 = arith.cmpi slt, %add3A_69, %lt3A_158 : i32
      %convert_element_type3A_160 = arith.extui %lt3A_159 : i1 to i32
      %cond3A_161 = arith.constant 0 : i32
      %cond3A_162 = arith.cmpi ne, %convert_element_type3A_160, %cond3A_161 : i32
      scf.if %cond3A_162 {
        %dma_start3A_277 = arith.constant 0 : i32
        %dma_start3A_278 = arith.constant 0 : i32
        %dma_start3A_279 = tpu.memref_slice %arg6[%dma_start3A_277, %dma_start3A_278] : memref<2x128xi32, #tpu.memory_space<vmem>> -> memref<1x128xi32, #tpu.memory_space<vmem>>
        %dma_start3A_280 = tpu.memref_squeeze %dma_start3A_279 : memref<1x128xi32, #tpu.memory_space<vmem>> -> memref<128xi32, #tpu.memory_space<vmem>>
        %dma_start3A_281 = arith.constant 0 : i32
        %dma_start3A_282 = arith.constant 0 : i32
        %dma_start3A_283 = tpu.memref_slice %arg3[%dma_start3A_281, %dma_start3A_282] : memref<10000x128xf32, #tpu.memory_space<hbm>> -> memref<10000x128xf32, #tpu.memory_space<hbm>>
        tpu.enqueue_indirect_dma source(%dma_start3A_283 : memref<10000x128xf32, #tpu.memory_space<hbm>>) target(%arg8 : memref<128x128xf32, #tpu.memory_space<vmem>>) offsets(%dma_start3A_280 : memref<128xi32, #tpu.memory_space<vmem>>) semaphore(%arg15 : memref<!tpu.dma_semaphore, #tpu.memory_space<semaphore_mem>>)
      } else {
      }
      %lt3A_163 = arith.constant 78 : i32
      %lt3A_164 = arith.cmpi slt, %add3A_69, %lt3A_163 : i32
      %convert_element_type3A_165 = arith.extui %lt3A_164 : i1 to i32
      %cond3A_166 = arith.constant 0 : i32
      %cond3A_167 = arith.cmpi ne, %convert_element_type3A_165, %cond3A_166 : i32
      scf.if %cond3A_167 {
        %add3A_277 = arith.addi %mul3A_2, %add3A_69 : i32
        %add3A_278 = arith.constant 2 : i32
        %add3A_279 = arith.addi %add3A_277, %add3A_278 : i32
        %dma_start3A_280 = arith.constant 0 : i32
        %dma_start3A_281 = arith.constant 0 : i32
        %dma_start3A_282 = tpu.memref_slice %arg2[%add3A_279, %dma_start3A_280, %dma_start3A_281] : memref<2560x2x128xi32, #tpu.memory_space<hbm>> -> memref<1x2x128xi32, #tpu.memory_space<hbm>>
        %dma_start3A_283 = tpu.memref_squeeze %dma_start3A_282 : memref<1x2x128xi32, #tpu.memory_space<hbm>> -> memref<2x128xi32, #tpu.memory_space<hbm>>
        %dma_start3A_284 = arith.constant 0 : i32
        %dma_start3A_285 = arith.constant 0 : i32
        %dma_start3A_286 = tpu.memref_slice %arg2[%add3A_279, %dma_start3A_284, %dma_start3A_285] : memref<2560x2x128xi32, #tpu.memory_space<hbm>> -> memref<1x2x128xi32, #tpu.memory_space<hbm>>
        %dma_start3A_287 = tpu.memref_squeeze %dma_start3A_286 : memref<1x2x128xi32, #tpu.memory_space<hbm>> -> memref<2x128xi32, #tpu.memory_space<hbm>>
        tpu.enqueue_dma source(%dma_start3A_287 : memref<2x128xi32, #tpu.memory_space<hbm>>) target(%arg5 : memref<2x128xi32, #tpu.memory_space<vmem>>) target_semaphore(%arg12 : memref<!tpu.dma_semaphore, #tpu.memory_space<semaphore_mem>>)
      } else {
      }
      %mul3A_168 = arith.constant 2 : i32
      %mul3A_169 = arith.muli %mul3A_168, %scan3A_65 : i32
      %add3A_170 = arith.constant 1 : i32
      %add3A_171 = arith.addi %mul3A_169, %add3A_170 : i32
      %dma_wait3A_172 = arith.constant 0 : i32
      %dma_wait3A_173 = arith.constant 0 : i32
      %dma_wait3A_174 = tpu.memref_slice %arg6[%dma_wait3A_172, %dma_wait3A_173] : memref<2x128xi32, #tpu.memory_space<vmem>> -> memref<1x128xi32, #tpu.memory_space<vmem>>
      %dma_wait3A_175 = tpu.memref_squeeze %dma_wait3A_174 : memref<1x128xi32, #tpu.memory_space<vmem>> -> memref<128xi32, #tpu.memory_space<vmem>>
      %dma_wait3A_176 = arith.constant 0 : i32
      %dma_wait3A_177 = arith.constant 0 : i32
      %dma_wait3A_178 = tpu.memref_slice %arg3[%dma_wait3A_176, %dma_wait3A_177] : memref<10000x128xf32, #tpu.memory_space<hbm>> -> memref<10000x128xf32, #tpu.memory_space<hbm>>
      tpu.wait_indirect_dma semaphore(%arg15 : memref<!tpu.dma_semaphore, #tpu.memory_space<semaphore_mem>>) src(%dma_wait3A_178 : memref<10000x128xf32, #tpu.memory_space<hbm>>) dst(%arg8 : memref<128x128xf32, #tpu.memory_space<vmem>>)
      %get3A_179 = arith.constant 1 : i32
      %get3A_180 = arith.index_cast %get3A_179 : i32 to index
      %get3A_181 = arith.constant 0 : index
      %get3A_182 = tpu.vector_load %arg6[%get3A_180, %get3A_181] {strides = array<i32>} : memref<2x128xi32, #tpu.memory_space<vmem>>, vector<1x16xi32>,
      %get3A_183 = vector.shape_cast %get3A_182 : vector<1x16xi32> to vector<16xi32>
      %swap3A_184 = arith.constant 0 : index
      %swap3A_185 = tpu.vector_load %arg10[%swap3A_184] {strides = array<i32>} : memref<128xi32, #tpu.memory_space<vmem>>, vector<16xi32>,
      %swap3A_186 = vector.shape_cast %swap3A_185 : vector<16xi32> to vector<16xi32>
      %swap3A_187 = vector.shape_cast %get3A_183 : vector<16xi32> to vector<16xi32>
      tpu.vector_store %arg10[%swap3A_184], %swap3A_187 {strides = array<i32>} : memref<128xi32, #tpu.memory_space<vmem>>, vector<16xi32>,
      %get3A_188 = arith.constant 1 : i32
      %get3A_189 = arith.index_cast %get3A_188 : i32 to index
      %get3A_190 = arith.constant 16 : index
      %get3A_191 = tpu.vector_load %arg6[%get3A_189, %get3A_190] {strides = array<i32>} : memref<2x128xi32, #tpu.memory_space<vmem>>, vector<1x16xi32>,
      %get3A_192 = vector.shape_cast %get3A_191 : vector<1x16xi32> to vector<16xi32>
      %swap3A_193 = arith.constant 16 : index
      %swap3A_194 = tpu.vector_load %arg10[%swap3A_193] {strides = array<i32>} : memref<128xi32, #tpu.memory_space<vmem>>, vector<16xi32>,
      %swap3A_195 = vector.shape_cast %swap3A_194 : vector<16xi32> to vector<16xi32>
      %swap3A_196 = vector.shape_cast %get3A_192 : vector<16xi32> to vector<16xi32>
      tpu.vector_store %arg10[%swap3A_193], %swap3A_196 {strides = array<i32>} : memref<128xi32, #tpu.memory_space<vmem>>, vector<16xi32>,
      %get3A_197 = arith.constant 1 : i32
      %get3A_198 = arith.index_cast %get3A_197 : i32 to index
      %get3A_199 = arith.constant 32 : index
      %get3A_200 = tpu.vector_load %arg6[%get3A_198, %get3A_199] {strides = array<i32>} : memref<2x128xi32, #tpu.memory_space<vmem>>, vector<1x16xi32>,
      %get3A_201 = vector.shape_cast %get3A_200 : vector<1x16xi32> to vector<16xi32>
      %swap3A_202 = arith.constant 32 : index
      %swap3A_203 = tpu.vector_load %arg10[%swap3A_202] {strides = array<i32>} : memref<128xi32, #tpu.memory_space<vmem>>, vector<16xi32>,
      %swap3A_204 = vector.shape_cast %swap3A_203 : vector<16xi32> to vector<16xi32>
      %swap3A_205 = vector.shape_cast %get3A_201 : vector<16xi32> to vector<16xi32>
      tpu.vector_store %arg10[%swap3A_202], %swap3A_205 {strides = array<i32>} : memref<128xi32, #tpu.memory_space<vmem>>, vector<16xi32>,
      %get3A_206 = arith.constant 1 : i32
      %get3A_207 = arith.index_cast %get3A_206 : i32 to index
      %get3A_208 = arith.constant 48 : index
      %get3A_209 = tpu.vector_load %arg6[%get3A_207, %get3A_208] {strides = array<i32>} : memref<2x128xi32, #tpu.memory_space<vmem>>, vector<1x16xi32>,
      %get3A_210 = vector.shape_cast %get3A_209 : vector<1x16xi32> to vector<16xi32>
      %swap3A_211 = arith.constant 48 : index
      %swap3A_212 = tpu.vector_load %arg10[%swap3A_211] {strides = array<i32>} : memref<128xi32, #tpu.memory_space<vmem>>, vector<16xi32>,
      %swap3A_213 = vector.shape_cast %swap3A_212 : vector<16xi32> to vector<16xi32>
      %swap3A_214 = vector.shape_cast %get3A_210 : vector<16xi32> to vector<16xi32>
      tpu.vector_store %arg10[%swap3A_211], %swap3A_214 {strides = array<i32>} : memref<128xi32, #tpu.memory_space<vmem>>, vector<16xi32>,
      %get3A_215 = arith.constant 1 : i32
      %get3A_216 = arith.index_cast %get3A_215 : i32 to index
      %get3A_217 = arith.constant 64 : index
      %get3A_218 = tpu.vector_load %arg6[%get3A_216, %get3A_217] {strides = array<i32>} : memref<2x128xi32, #tpu.memory_space<vmem>>, vector<1x16xi32>,
      %get3A_219 = vector.shape_cast %get3A_218 : vector<1x16xi32> to vector<16xi32>
      %swap3A_220 = arith.constant 64 : index
      %swap3A_221 = tpu.vector_load %arg10[%swap3A_220] {strides = array<i32>} : memref<128xi32, #tpu.memory_space<vmem>>, vector<16xi32>,
      %swap3A_222 = vector.shape_cast %swap3A_221 : vector<16xi32> to vector<16xi32>
      %swap3A_223 = vector.shape_cast %get3A_219 : vector<16xi32> to vector<16xi32>
      tpu.vector_store %arg10[%swap3A_220], %swap3A_223 {strides = array<i32>} : memref<128xi32, #tpu.memory_space<vmem>>, vector<16xi32>,
      %get3A_224 = arith.constant 1 : i32
      %get3A_225 = arith.index_cast %get3A_224 : i32 to index
      %get3A_226 = arith.constant 80 : index
      %get3A_227 = tpu.vector_load %arg6[%get3A_225, %get3A_226] {strides = array<i32>} : memref<2x128xi32, #tpu.memory_space<vmem>>, vector<1x16xi32>,
      %get3A_228 = vector.shape_cast %get3A_227 : vector<1x16xi32> to vector<16xi32>
      %swap3A_229 = arith.constant 80 : index
      %swap3A_230 = tpu.vector_load %arg10[%swap3A_229] {strides = array<i32>} : memref<128xi32, #tpu.memory_space<vmem>>, vector<16xi32>,
      %swap3A_231 = vector.shape_cast %swap3A_230 : vector<16xi32> to vector<16xi32>
      %swap3A_232 = vector.shape_cast %get3A_228 : vector<16xi32> to vector<16xi32>
      tpu.vector_store %arg10[%swap3A_229], %swap3A_232 {strides = array<i32>} : memref<128xi32, #tpu.memory_space<vmem>>, vector<16xi32>,
      %get3A_233 = arith.constant 1 : i32
      %get3A_234 = arith.index_cast %get3A_233 : i32 to index
      %get3A_235 = arith.constant 96 : index
      %get3A_236 = tpu.vector_load %arg6[%get3A_234, %get3A_235] {strides = array<i32>} : memref<2x128xi32, #tpu.memory_space<vmem>>, vector<1x16xi32>,
      %get3A_237 = vector.shape_cast %get3A_236 : vector<1x16xi32> to vector<16xi32>
      %swap3A_238 = arith.constant 96 : index
      %swap3A_239 = tpu.vector_load %arg10[%swap3A_238] {strides = array<i32>} : memref<128xi32, #tpu.memory_space<vmem>>, vector<16xi32>,
      %swap3A_240 = vector.shape_cast %swap3A_239 : vector<16xi32> to vector<16xi32>
      %swap3A_241 = vector.shape_cast %get3A_237 : vector<16xi32> to vector<16xi32>
      tpu.vector_store %arg10[%swap3A_238], %swap3A_241 {strides = array<i32>} : memref<128xi32, #tpu.memory_space<vmem>>, vector<16xi32>,
      %get3A_242 = arith.constant 1 : i32
      %get3A_243 = arith.index_cast %get3A_242 : i32 to index
      %get3A_244 = arith.constant 112 : index
      %get3A_245 = tpu.vector_load %arg6[%get3A_243, %get3A_244] {strides = array<i32>} : memref<2x128xi32, #tpu.memory_space<vmem>>, vector<1x16xi32>,
      %get3A_246 = vector.shape_cast %get3A_245 : vector<1x16xi32> to vector<16xi32>
      %swap3A_247 = arith.constant 112 : index
      %swap3A_248 = tpu.vector_load %arg10[%swap3A_247] {strides = array<i32>} : memref<128xi32, #tpu.memory_space<vmem>>, vector<16xi32>,
      %swap3A_249 = vector.shape_cast %swap3A_248 : vector<16xi32> to vector<16xi32>
      %swap3A_250 = vector.shape_cast %get3A_246 : vector<16xi32> to vector<16xi32>
      tpu.vector_store %arg10[%swap3A_247], %swap3A_250 {strides = array<i32>} : memref<128xi32, #tpu.memory_space<vmem>>, vector<16xi32>,
      %dma_start3A_251 = arith.constant 0 : i32
      %dma_start3A_252 = arith.constant 0 : i32
      %dma_start3A_253 = tpu.memref_slice %arg11[%dma_start3A_251, %dma_start3A_252] : memref<10112x128xf32, #tpu.memory_space<vmem_shared>> -> memref<10112x128xf32, #tpu.memory_space<vmem_shared>>
      tpu.enqueue_indirect_dma source(%arg8 : memref<128x128xf32, #tpu.memory_space<vmem>>) target(%dma_start3A_253 : memref<10112x128xf32, #tpu.memory_space<vmem_shared>>) offsets(%arg10 : memref<128xi32, #tpu.memory_space<vmem>>) semaphore(%arg17 : memref<!tpu.dma_semaphore, #tpu.memory_space<semaphore_mem>>) {add = true}
      %lt3A_254 = arith.constant 79 : i32
      %lt3A_255 = arith.cmpi slt, %add3A_171, %lt3A_254 : i32
      %convert_element_type3A_256 = arith.extui %lt3A_255 : i1 to i32
      %cond3A_257 = arith.constant 0 : i32
      %cond3A_258 = arith.cmpi ne, %convert_element_type3A_256, %cond3A_257 : i32
      scf.if %cond3A_258 {
        %add3A_277 = arith.addi %mul3A_2, %add3A_171 : i32
        %add3A_278 = arith.constant 1 : i32
        %add3A_279 = arith.addi %add3A_277, %add3A_278 : i32
        %dma_wait3A_280 = arith.constant 0 : i32
        %dma_wait3A_281 = arith.constant 0 : i32
        %dma_wait3A_282 = tpu.memref_slice %arg2[%add3A_279, %dma_wait3A_280, %dma_wait3A_281] : memref<2560x2x128xi32, #tpu.memory_space<hbm>> -> memref<1x2x128xi32, #tpu.memory_space<hbm>>
        %dma_wait3A_283 = tpu.memref_squeeze %dma_wait3A_282 : memref<1x2x128xi32, #tpu.memory_space<hbm>> -> memref<2x128xi32, #tpu.memory_space<hbm>>
        %dma_wait3A_284 = arith.constant 0 : i32
        %dma_wait3A_285 = arith.constant 0 : i32
        %dma_wait3A_286 = tpu.memref_slice %arg2[%add3A_279, %dma_wait3A_284, %dma_wait3A_285] : memref<2560x2x128xi32, #tpu.memory_space<hbm>> -> memref<1x2x128xi32, #tpu.memory_space<hbm>>
        %dma_wait3A_287 = tpu.memref_squeeze %dma_wait3A_286 : memref<1x2x128xi32, #tpu.memory_space<hbm>> -> memref<2x128xi32, #tpu.memory_space<hbm>>
        tpu.wait_dma2 semaphore(%arg12 : memref<!tpu.dma_semaphore, #tpu.memory_space<semaphore_mem>>) src(%dma_wait3A_287 : memref<2x128xi32, #tpu.memory_space<hbm>>) dst(%arg5 : memref<2x128xi32, #tpu.memory_space<vmem>>)
      } else {
      }
      %ge3A_259 = arith.constant 1 : i32
      %ge3A_260 = arith.cmpi sge, %add3A_171, %ge3A_259 : i32
      %lt3A_261 = arith.constant 79 : i32
      %lt3A_262 = arith.cmpi slt, %add3A_171, %lt3A_261 : i32
      %and3A_263 = arith.andi %ge3A_260, %lt3A_262 : i1
      %convert_element_type3A_264 = arith.extui %and3A_263 : i1 to i32
      %cond3A_265 = arith.constant 0 : i32
      %cond3A_266 = arith.cmpi ne, %convert_element_type3A_264, %cond3A_265 : i32
      scf.if %cond3A_266 {
        %dma_wait3A_277 = arith.constant 0 : i32
        %dma_wait3A_278 = arith.constant 0 : i32
        %dma_wait3A_279 = tpu.memref_slice %arg11[%dma_wait3A_277, %dma_wait3A_278] : memref<10112x128xf32, #tpu.memory_space<vmem_shared>> -> memref<10112x128xf32, #tpu.memory_space<vmem_shared>>
        tpu.wait_indirect_dma semaphore(%arg16 : memref<!tpu.dma_semaphore, #tpu.memory_space<semaphore_mem>>) src(%arg7 : memref<128x128xf32, #tpu.memory_space<vmem>>) dst(%dma_wait3A_279 : memref<10112x128xf32, #tpu.memory_space<vmem_shared>>)
      } else {
      }
      %lt3A_267 = arith.constant 79 : i32
      %lt3A_268 = arith.cmpi slt, %add3A_171, %lt3A_267 : i32
      %convert_element_type3A_269 = arith.extui %lt3A_268 : i1 to i32
      %cond3A_270 = arith.constant 0 : i32
      %cond3A_271 = arith.cmpi ne, %convert_element_type3A_269, %cond3A_270 : i32
      scf.if %cond3A_271 {
        %dma_start3A_277 = arith.constant 0 : i32
        %dma_start3A_278 = arith.constant 0 : i32
        %dma_start3A_279 = tpu.memref_slice %arg5[%dma_start3A_277, %dma_start3A_278] : memref<2x128xi32, #tpu.memory_space<vmem>> -> memref<1x128xi32, #tpu.memory_space<vmem>>
        %dma_start3A_280 = tpu.memref_squeeze %dma_start3A_279 : memref<1x128xi32, #tpu.memory_space<vmem>> -> memref<128xi32, #tpu.memory_space<vmem>>
        %dma_start3A_281 = arith.constant 0 : i32
        %dma_start3A_282 = arith.constant 0 : i32
        %dma_start3A_283 = tpu.memref_slice %arg3[%dma_start3A_281, %dma_start3A_282] : memref<10000x128xf32, #tpu.memory_space<hbm>> -> memref<10000x128xf32, #tpu.memory_space<hbm>>
        tpu.enqueue_indirect_dma source(%dma_start3A_283 : memref<10000x128xf32, #tpu.memory_space<hbm>>) target(%arg7 : memref<128x128xf32, #tpu.memory_space<vmem>>) offsets(%dma_start3A_280 : memref<128xi32, #tpu.memory_space<vmem>>) semaphore(%arg14 : memref<!tpu.dma_semaphore, #tpu.memory_space<semaphore_mem>>)
      } else {
      }
      %lt3A_272 = arith.constant 78 : i32
      %lt3A_273 = arith.cmpi slt, %add3A_171, %lt3A_272 : i32
      %convert_element_type3A_274 = arith.extui %lt3A_273 : i1 to i32
      %cond3A_275 = arith.constant 0 : i32
      %cond3A_276 = arith.cmpi ne, %convert_element_type3A_274, %cond3A_275 : i32
      scf.if %cond3A_276 {
        %add3A_277 = arith.addi %mul3A_2, %add3A_171 : i32
        %add3A_278 = arith.constant 2 : i32
        %add3A_279 = arith.addi %add3A_277, %add3A_278 : i32
        %dma_start3A_280 = arith.constant 0 : i32
        %dma_start3A_281 = arith.constant 0 : i32
        %dma_start3A_282 = tpu.memref_slice %arg2[%add3A_279, %dma_start3A_280, %dma_start3A_281] : memref<2560x2x128xi32, #tpu.memory_space<hbm>> -> memref<1x2x128xi32, #tpu.memory_space<hbm>>
        %dma_start3A_283 = tpu.memref_squeeze %dma_start3A_282 : memref<1x2x128xi32, #tpu.memory_space<hbm>> -> memref<2x128xi32, #tpu.memory_space<hbm>>
        %dma_start3A_284 = arith.constant 0 : i32
        %dma_start3A_285 = arith.constant 0 : i32
        %dma_start3A_286 = tpu.memref_slice %arg2[%add3A_279, %dma_start3A_284, %dma_start3A_285] : memref<2560x2x128xi32, #tpu.memory_space<hbm>> -> memref<1x2x128xi32, #tpu.memory_space<hbm>>
        %dma_start3A_287 = tpu.memref_squeeze %dma_start3A_286 : memref<1x2x128xi32, #tpu.memory_space<hbm>> -> memref<2x128xi32, #tpu.memory_space<hbm>>
        tpu.enqueue_dma source(%dma_start3A_287 : memref<2x128xi32, #tpu.memory_space<hbm>>) target(%arg6 : memref<2x128xi32, #tpu.memory_space<vmem>>) target_semaphore(%arg13 : memref<!tpu.dma_semaphore, #tpu.memory_space<semaphore_mem>>)
      } else {
      }
    }
    %scan3A_57 = arith.constant 40 : i32
    %dma_wait3A_58 = arith.constant 0 : i32
    %dma_wait3A_59 = arith.constant 0 : i32
    %dma_wait3A_60 = tpu.memref_slice %arg11[%dma_wait3A_58, %dma_wait3A_59] : memref<10112x128xf32, #tpu.memory_space<vmem_shared>> -> memref<10112x128xf32, #tpu.memory_space<vmem_shared>>
    tpu.wait_indirect_dma semaphore(%arg16 : memref<!tpu.dma_semaphore, #tpu.memory_space<semaphore_mem>>) src(%arg7 : memref<128x128xf32, #tpu.memory_space<vmem>>) dst(%dma_wait3A_60 : memref<10112x128xf32, #tpu.memory_space<vmem_shared>>)
    %dma_wait3A_61 = arith.constant 0 : i32
    %dma_wait3A_62 = arith.constant 0 : i32
    %dma_wait3A_63 = tpu.memref_slice %arg11[%dma_wait3A_61, %dma_wait3A_62] : memref<10112x128xf32, #tpu.memory_space<vmem_shared>> -> memref<10112x128xf32, #tpu.memory_space<vmem_shared>>
    tpu.wait_indirect_dma semaphore(%arg17 : memref<!tpu.dma_semaphore, #tpu.memory_space<semaphore_mem>>) src(%arg8 : memref<128x128xf32, #tpu.memory_space<vmem>>) dst(%dma_wait3A_63 : memref<10112x128xf32, #tpu.memory_space<vmem_shared>>)
    %barrier3A_64 = arith.constant 0 : index
    tpu.barrier barrier_id(%barrier3A_64)
    "tpu.region"() ({
      %run_scoped3A = tpu.sem_alloc : memref<!tpu.dma_semaphore, #tpu.memory_space<semaphore_mem>>
      %dma_start3A_65 = arith.constant 0 : i32
      %dma_start3A_66 = tpu.memref_slice %arg4[%arg0, %mul3A_27, %dma_start3A_65] : memref<2x10112x128xf32, #tpu.memory_space<hbm>> -> memref<1x632x128xf32, #tpu.memory_space<hbm>>
      %dma_start3A_67 = tpu.memref_squeeze %dma_start3A_66 : memref<1x632x128xf32, #tpu.memory_space<hbm>> -> memref<632x128xf32, #tpu.memory_space<hbm>>
      %dma_start3A_68 = arith.constant 0 : i32
      %dma_start3A_69 = tpu.memref_slice %arg11[%mul3A_27, %dma_start3A_68] : memref<10112x128xf32, #tpu.memory_space<vmem_shared>> -> memref<632x128xf32, #tpu.memory_space<vmem_shared>>
      tpu.enqueue_dma source(%dma_start3A_69 : memref<632x128xf32, #tpu.memory_space<vmem_shared>>) target(%dma_start3A_67 : memref<632x128xf32, #tpu.memory_space<hbm>>) target_semaphore(%run_scoped3A : memref<!tpu.dma_semaphore, #tpu.memory_space<semaphore_mem>>)
      %dma_wait3A_70 = arith.constant 0 : i32
      %dma_wait3A_71 = tpu.memref_slice %arg4[%arg0, %mul3A_27, %dma_wait3A_70] : memref<2x10112x128xf32, #tpu.memory_space<hbm>> -> memref<1x632x128xf32, #tpu.memory_space<hbm>>
      %dma_wait3A_72 = tpu.memref_squeeze %dma_wait3A_71 : memref<1x632x128xf32, #tpu.memory_space<hbm>> -> memref<632x128xf32, #tpu.memory_space<hbm>>
      %dma_wait3A_73 = arith.constant 0 : i32
      %dma_wait3A_74 = tpu.memref_slice %arg11[%mul3A_27, %dma_wait3A_73] : memref<10112x128xf32, #tpu.memory_space<vmem_shared>> -> memref<632x128xf32, #tpu.memory_space<vmem_shared>>
      tpu.wait_dma2 semaphore(%run_scoped3A : memref<!tpu.dma_semaphore, #tpu.memory_space<semaphore_mem>>) src(%dma_wait3A_74 : memref<632x128xf32, #tpu.memory_space<vmem_shared>>) dst(%dma_wait3A_72 : memref<632x128xf32, #tpu.memory_space<hbm>>)
      tpu.yield
    }) : () -> ()
    return
  }
}

#map = affine_map<(d0, d1) -> (0, 0, 0)>
#map1 = affine_map<(d0, d1) -> (0)>
module attributes {stable_mosaic.version = 14 : i64} {
  func.func @_sc_cmat_body(%arg0: i32, %arg1: i32, %arg2: memref<2560x2x128xi32, #tpu.memory_space<hbm>>, %arg3: memref<10000xi32, #tpu.memory_space<hbm>>, %arg4: memref<2588672xf32, #tpu.memory_space<hbm>>, %arg5: memref<2x128xi32, #tpu.memory_space<vmem>>, %arg6: memref<2x128xi32, #tpu.memory_space<vmem>>, %arg7: memref<2x128xi32, #tpu.memory_space<vmem>>, %arg8: memref<2x128xi32, #tpu.memory_space<vmem>>, %arg9: memref<128xi32, #tpu.memory_space<vmem>>, %arg10: memref<128xi32, #tpu.memory_space<vmem>>, %arg11: memref<128xi32, #tpu.memory_space<vmem>>, %arg12: memref<128xi32, #tpu.memory_space<vmem>>, %arg13: memref<128xi32, #tpu.memory_space<vmem>>, %arg14: memref<128xi32, #tpu.memory_space<vmem>>, %arg15: memref<128xf32, #tpu.memory_space<vmem>>, %arg16: memref<128xf32, #tpu.memory_space<vmem>>, %arg17: memref<8192xf32, #tpu.memory_space<vmem>>, %arg18: memref<1296384xf32, #tpu.memory_space<vmem_shared>>, %arg19: memref<!tpu.dma_semaphore, #tpu.memory_space<semaphore_mem>>, %arg20: memref<!tpu.dma_semaphore, #tpu.memory_space<semaphore_mem>>, %arg21: memref<!tpu.dma_semaphore, #tpu.memory_space<semaphore_mem>>, %arg22: memref<!tpu.dma_semaphore, #tpu.memory_space<semaphore_mem>>, %arg23: memref<!tpu.dma_semaphore, #tpu.memory_space<semaphore_mem>>, %arg24: memref<!tpu.dma_semaphore, #tpu.memory_space<semaphore_mem>>, %arg25: memref<!tpu.dma_semaphore, #tpu.memory_space<semaphore_mem>>, %arg26: memref<!tpu.dma_semaphore, #tpu.memory_space<semaphore_mem>>, %arg27: memref<!tpu.dma_semaphore, #tpu.memory_space<semaphore_mem>>, %arg28: memref<!tpu.dma_semaphore, #tpu.memory_space<semaphore_mem>>) attributes {dimension_semantics = [#tpu.dimension_semantics<core_parallel>, #tpu.dimension_semantics<subcore_parallel>], iteration_bounds = array<i64: 2, 16>, scalar_prefetch = 0 : i64, scratch_operands = 24 : i64, tpu.core_type = #tpu.core_type<sc_vector_subcore>, window_params = [{transform_indices = #map}, {transform_indices = #map1}, {transform_indices = #map1}]} {
    %mul3A = arith.constant 160 : i32
    %mul3A_0 = arith.muli %arg1, %mul3A : i32
    %add3A = arith.constant 0 : i32
    %add3A_1 = arith.addi %mul3A_0, %add3A : i32
    %dma_start3A = arith.constant 0 : i32
    %dma_start3A_2 = arith.constant 0 : i32
    %dma_start3A_3 = tpu.memref_slice %arg2[%add3A_1, %dma_start3A, %dma_start3A_2] : memref<2560x2x128xi32, #tpu.memory_space<hbm>> -> memref<1x2x128xi32, #tpu.memory_space<hbm>>
    %dma_start3A_4 = tpu.memref_squeeze %dma_start3A_3 : memref<1x2x128xi32, #tpu.memory_space<hbm>> -> memref<2x128xi32, #tpu.memory_space<hbm>>
    %dma_start3A_5 = arith.constant 0 : i32
    %dma_start3A_6 = arith.constant 0 : i32
    %dma_start3A_7 = tpu.memref_slice %arg2[%add3A_1, %dma_start3A_5, %dma_start3A_6] : memref<2560x2x128xi32, #tpu.memory_space<hbm>> -> memref<1x2x128xi32, #tpu.memory_space<hbm>>
    %dma_start3A_8 = tpu.memref_squeeze %dma_start3A_7 : memref<1x2x128xi32, #tpu.memory_space<hbm>> -> memref<2x128xi32, #tpu.memory_space<hbm>>
    tpu.enqueue_dma source(%dma_start3A_8 : memref<2x128xi32, #tpu.memory_space<hbm>>) target(%arg5 : memref<2x128xi32, #tpu.memory_space<vmem>>) target_semaphore(%arg19 : memref<!tpu.dma_semaphore, #tpu.memory_space<semaphore_mem>>)
    %add3A_9 = arith.constant 1 : i32
    %add3A_10 = arith.addi %mul3A_0, %add3A_9 : i32
    %dma_start3A_11 = arith.constant 0 : i32
    %dma_start3A_12 = arith.constant 0 : i32
    %dma_start3A_13 = tpu.memref_slice %arg2[%add3A_10, %dma_start3A_11, %dma_start3A_12] : memref<2560x2x128xi32, #tpu.memory_space<hbm>> -> memref<1x2x128xi32, #tpu.memory_space<hbm>>
    %dma_start3A_14 = tpu.memref_squeeze %dma_start3A_13 : memref<1x2x128xi32, #tpu.memory_space<hbm>> -> memref<2x128xi32, #tpu.memory_space<hbm>>
    %dma_start3A_15 = arith.constant 0 : i32
    %dma_start3A_16 = arith.constant 0 : i32
    %dma_start3A_17 = tpu.memref_slice %arg2[%add3A_10, %dma_start3A_15, %dma_start3A_16] : memref<2560x2x128xi32, #tpu.memory_space<hbm>> -> memref<1x2x128xi32, #tpu.memory_space<hbm>>
    %dma_start3A_18 = tpu.memref_squeeze %dma_start3A_17 : memref<1x2x128xi32, #tpu.memory_space<hbm>> -> memref<2x128xi32, #tpu.memory_space<hbm>>
    tpu.enqueue_dma source(%dma_start3A_18 : memref<2x128xi32, #tpu.memory_space<hbm>>) target(%arg6 : memref<2x128xi32, #tpu.memory_space<vmem>>) target_semaphore(%arg20 : memref<!tpu.dma_semaphore, #tpu.memory_space<semaphore_mem>>)
    %add3A_19 = arith.constant 2 : i32
    %add3A_20 = arith.addi %mul3A_0, %add3A_19 : i32
    %dma_start3A_21 = arith.constant 0 : i32
    %dma_start3A_22 = arith.constant 0 : i32
    %dma_start3A_23 = tpu.memref_slice %arg2[%add3A_20, %dma_start3A_21, %dma_start3A_22] : memref<2560x2x128xi32, #tpu.memory_space<hbm>> -> memref<1x2x128xi32, #tpu.memory_space<hbm>>
    %dma_start3A_24 = tpu.memref_squeeze %dma_start3A_23 : memref<1x2x128xi32, #tpu.memory_space<hbm>> -> memref<2x128xi32, #tpu.memory_space<hbm>>
    %dma_start3A_25 = arith.constant 0 : i32
    %dma_start3A_26 = arith.constant 0 : i32
    %dma_start3A_27 = tpu.memref_slice %arg2[%add3A_20, %dma_start3A_25, %dma_start3A_26] : memref<2560x2x128xi32, #tpu.memory_space<hbm>> -> memref<1x2x128xi32, #tpu.memory_space<hbm>>
    %dma_start3A_28 = tpu.memref_squeeze %dma_start3A_27 : memref<1x2x128xi32, #tpu.memory_space<hbm>> -> memref<2x128xi32, #tpu.memory_space<hbm>>
    tpu.enqueue_dma source(%dma_start3A_28 : memref<2x128xi32, #tpu.memory_space<hbm>>) target(%arg7 : memref<2x128xi32, #tpu.memory_space<vmem>>) target_semaphore(%arg21 : memref<!tpu.dma_semaphore, #tpu.memory_space<semaphore_mem>>)
    %add3A_29 = arith.constant 3 : i32
    %add3A_30 = arith.addi %mul3A_0, %add3A_29 : i32
    %dma_start3A_31 = arith.constant 0 : i32
    %dma_start3A_32 = arith.constant 0 : i32
    %dma_start3A_33 = tpu.memref_slice %arg2[%add3A_30, %dma_start3A_31, %dma_start3A_32] : memref<2560x2x128xi32, #tpu.memory_space<hbm>> -> memref<1x2x128xi32, #tpu.memory_space<hbm>>
    %dma_start3A_34 = tpu.memref_squeeze %dma_start3A_33 : memref<1x2x128xi32, #tpu.memory_space<hbm>> -> memref<2x128xi32, #tpu.memory_space<hbm>>
    %dma_start3A_35 = arith.constant 0 : i32
    %dma_start3A_36 = arith.constant 0 : i32
    %dma_start3A_37 = tpu.memref_slice %arg2[%add3A_30, %dma_start3A_35, %dma_start3A_36] : memref<2560x2x128xi32, #tpu.memory_space<hbm>> -> memref<1x2x128xi32, #tpu.memory_space<hbm>>
    %dma_start3A_38 = tpu.memref_squeeze %dma_start3A_37 : memref<1x2x128xi32, #tpu.memory_space<hbm>> -> memref<2x128xi32, #tpu.memory_space<hbm>>
    tpu.enqueue_dma source(%dma_start3A_38 : memref<2x128xi32, #tpu.memory_space<hbm>>) target(%arg8 : memref<2x128xi32, #tpu.memory_space<vmem>>) target_semaphore(%arg22 : memref<!tpu.dma_semaphore, #tpu.memory_space<semaphore_mem>>)
    %broadcast_in_dim3A = arith.constant 0.000000e+00 : f32
    %broadcast_in_dim3A_39 = vector.broadcast %broadcast_in_dim3A : f32 to vector<16xf32>
    %scan3A = arith.constant 0 : i32
    %scan3A_40 = arith.constant 0 : i32
    %scan3A_41 = arith.constant 512 : i32
    %scan3A_42 = arith.addi %scan3A_40, %scan3A_41 : i32
    %scan3A_43 = arith.constant 1 : i32
    scf.for %scan3A_114 = %scan3A_40 to %scan3A_42 step %scan3A_43  : i32 {
      %mul3A_115 = arith.constant 16 : i32
      %mul3A_116 = arith.muli %scan3A_114, %mul3A_115 : i32
      %swap3A = arith.index_cast %mul3A_116 : i32 to index
      %swap3A_117 = tpu.vector_load %arg17[%swap3A] {strides = array<i32>} : memref<8192xf32, #tpu.memory_space<vmem>>, vector<16xf32>,
      %swap3A_118 = vector.shape_cast %swap3A_117 : vector<16xf32> to vector<16xf32>
      %swap3A_119 = vector.shape_cast %broadcast_in_dim3A_39 : vector<16xf32> to vector<16xf32>
      tpu.vector_store %arg17[%swap3A], %swap3A_119 {strides = array<i32>} : memref<8192xf32, #tpu.memory_space<vmem>>, vector<16xf32>,
    }
    %scan3A_44 = arith.constant 512 : i32
    %mul3A_45 = arith.constant 81024 : i32
    %mul3A_46 = arith.muli %arg1, %mul3A_45 : i32
    %add3A_47 = arith.constant 0 : i32
    %add3A_48 = arith.addi %mul3A_46, %add3A_47 : i32
    "tpu.region"() ({
      %run_scoped3A = tpu.sem_alloc : memref<!tpu.dma_semaphore, #tpu.memory_space<semaphore_mem>>
      %dma_start3A_114 = tpu.memref_slice %arg18[%add3A_48] : memref<1296384xf32, #tpu.memory_space<vmem_shared>> -> memref<8192xf32, #tpu.memory_space<vmem_shared>>
      %dma_start3A_115 = tpu.memref_slice %arg18[%add3A_48] : memref<1296384xf32, #tpu.memory_space<vmem_shared>> -> memref<8192xf32, #tpu.memory_space<vmem_shared>>
      tpu.enqueue_dma source(%arg17 : memref<8192xf32, #tpu.memory_space<vmem>>) target(%dma_start3A_115 : memref<8192xf32, #tpu.memory_space<vmem_shared>>) target_semaphore(%run_scoped3A : memref<!tpu.dma_semaphore, #tpu.memory_space<semaphore_mem>>)
      %dma_wait3A_116 = tpu.memref_slice %arg18[%add3A_48] : memref<1296384xf32, #tpu.memory_space<vmem_shared>> -> memref<8192xf32, #tpu.memory_space<vmem_shared>>
      %dma_wait3A_117 = tpu.memref_slice %arg18[%add3A_48] : memref<1296384xf32, #tpu.memory_space<vmem_shared>> -> memref<8192xf32, #tpu.memory_space<vmem_shared>>
      tpu.wait_dma2 semaphore(%run_scoped3A : memref<!tpu.dma_semaphore, #tpu.memory_space<semaphore_mem>>) src(%arg17 : memref<8192xf32, #tpu.memory_space<vmem>>) dst(%dma_wait3A_117 : memref<8192xf32, #tpu.memory_space<vmem_shared>>)
      tpu.yield
    }) : () -> ()
    %add3A_49 = arith.constant 8192 : i32
    %add3A_50 = arith.addi %mul3A_46, %add3A_49 : i32
    "tpu.region"() ({
      %run_scoped3A = tpu.sem_alloc : memref<!tpu.dma_semaphore, #tpu.memory_space<semaphore_mem>>
      %dma_start3A_114 = tpu.memref_slice %arg18[%add3A_50] : memref<1296384xf32, #tpu.memory_space<vmem_shared>> -> memref<8192xf32, #tpu.memory_space<vmem_shared>>
      %dma_start3A_115 = tpu.memref_slice %arg18[%add3A_50] : memref<1296384xf32, #tpu.memory_space<vmem_shared>> -> memref<8192xf32, #tpu.memory_space<vmem_shared>>
      tpu.enqueue_dma source(%arg17 : memref<8192xf32, #tpu.memory_space<vmem>>) target(%dma_start3A_115 : memref<8192xf32, #tpu.memory_space<vmem_shared>>) target_semaphore(%run_scoped3A : memref<!tpu.dma_semaphore, #tpu.memory_space<semaphore_mem>>)
      %dma_wait3A_116 = tpu.memref_slice %arg18[%add3A_50] : memref<1296384xf32, #tpu.memory_space<vmem_shared>> -> memref<8192xf32, #tpu.memory_space<vmem_shared>>
      %dma_wait3A_117 = tpu.memref_slice %arg18[%add3A_50] : memref<1296384xf32, #tpu.memory_space<vmem_shared>> -> memref<8192xf32, #tpu.memory_space<vmem_shared>>
      tpu.wait_dma2 semaphore(%run_scoped3A : memref<!tpu.dma_semaphore, #tpu.memory_space<semaphore_mem>>) src(%arg17 : memref<8192xf32, #tpu.memory_space<vmem>>) dst(%dma_wait3A_117 : memref<8192xf32, #tpu.memory_space<vmem_shared>>)
      tpu.yield
    }) : () -> ()
    %add3A_51 = arith.constant 16384 : i32
    %add3A_52 = arith.addi %mul3A_46, %add3A_51 : i32
    "tpu.region"() ({
      %run_scoped3A = tpu.sem_alloc : memref<!tpu.dma_semaphore, #tpu.memory_space<semaphore_mem>>
      %dma_start3A_114 = tpu.memref_slice %arg18[%add3A_52] : memref<1296384xf32, #tpu.memory_space<vmem_shared>> -> memref<8192xf32, #tpu.memory_space<vmem_shared>>
      %dma_start3A_115 = tpu.memref_slice %arg18[%add3A_52] : memref<1296384xf32, #tpu.memory_space<vmem_shared>> -> memref<8192xf32, #tpu.memory_space<vmem_shared>>
      tpu.enqueue_dma source(%arg17 : memref<8192xf32, #tpu.memory_space<vmem>>) target(%dma_start3A_115 : memref<8192xf32, #tpu.memory_space<vmem_shared>>) target_semaphore(%run_scoped3A : memref<!tpu.dma_semaphore, #tpu.memory_space<semaphore_mem>>)
      %dma_wait3A_116 = tpu.memref_slice %arg18[%add3A_52] : memref<1296384xf32, #tpu.memory_space<vmem_shared>> -> memref<8192xf32, #tpu.memory_space<vmem_shared>>
      %dma_wait3A_117 = tpu.memref_slice %arg18[%add3A_52] : memref<1296384xf32, #tpu.memory_space<vmem_shared>> -> memref<8192xf32, #tpu.memory_space<vmem_shared>>
      tpu.wait_dma2 semaphore(%run_scoped3A : memref<!tpu.dma_semaphore, #tpu.memory_space<semaphore_mem>>) src(%arg17 : memref<8192xf32, #tpu.memory_space<vmem>>) dst(%dma_wait3A_117 : memref<8192xf32, #tpu.memory_space<vmem_shared>>)
      tpu.yield
    }) : () -> ()
    %add3A_53 = arith.constant 24576 : i32
    %add3A_54 = arith.addi %mul3A_46, %add3A_53 : i32
    "tpu.region"() ({
      %run_scoped3A = tpu.sem_alloc : memref<!tpu.dma_semaphore, #tpu.memory_space<semaphore_mem>>
      %dma_start3A_114 = tpu.memref_slice %arg18[%add3A_54] : memref<1296384xf32, #tpu.memory_space<vmem_shared>> -> memref<8192xf32, #tpu.memory_space<vmem_shared>>
      %dma_start3A_115 = tpu.memref_slice %arg18[%add3A_54] : memref<1296384xf32, #tpu.memory_space<vmem_shared>> -> memref<8192xf32, #tpu.memory_space<vmem_shared>>
      tpu.enqueue_dma source(%arg17 : memref<8192xf32, #tpu.memory_space<vmem>>) target(%dma_start3A_115 : memref<8192xf32, #tpu.memory_space<vmem_shared>>) target_semaphore(%run_scoped3A : memref<!tpu.dma_semaphore, #tpu.memory_space<semaphore_mem>>)
      %dma_wait3A_116 = tpu.memref_slice %arg18[%add3A_54] : memref<1296384xf32, #tpu.memory_space<vmem_shared>> -> memref<8192xf32, #tpu.memory_space<vmem_shared>>
      %dma_wait3A_117 = tpu.memref_slice %arg18[%add3A_54] : memref<1296384xf32, #tpu.memory_space<vmem_shared>> -> memref<8192xf32, #tpu.memory_space<vmem_shared>>
      tpu.wait_dma2 semaphore(%run_scoped3A : memref<!tpu.dma_semaphore, #tpu.memory_space<semaphore_mem>>) src(%arg17 : memref<8192xf32, #tpu.memory_space<vmem>>) dst(%dma_wait3A_117 : memref<8192xf32, #tpu.memory_space<vmem_shared>>)
      tpu.yield
    }) : () -> ()
    %add3A_55 = arith.constant 32768 : i32
    %add3A_56 = arith.addi %mul3A_46, %add3A_55 : i32
    "tpu.region"() ({
      %run_scoped3A = tpu.sem_alloc : memref<!tpu.dma_semaphore, #tpu.memory_space<semaphore_mem>>
      %dma_start3A_114 = tpu.memref_slice %arg18[%add3A_56] : memref<1296384xf32, #tpu.memory_space<vmem_shared>> -> memref<8192xf32, #tpu.memory_space<vmem_shared>>
      %dma_start3A_115 = tpu.memref_slice %arg18[%add3A_56] : memref<1296384xf32, #tpu.memory_space<vmem_shared>> -> memref<8192xf32, #tpu.memory_space<vmem_shared>>
      tpu.enqueue_dma source(%arg17 : memref<8192xf32, #tpu.memory_space<vmem>>) target(%dma_start3A_115 : memref<8192xf32, #tpu.memory_space<vmem_shared>>) target_semaphore(%run_scoped3A : memref<!tpu.dma_semaphore, #tpu.memory_space<semaphore_mem>>)
      %dma_wait3A_116 = tpu.memref_slice %arg18[%add3A_56] : memref<1296384xf32, #tpu.memory_space<vmem_shared>> -> memref<8192xf32, #tpu.memory_space<vmem_shared>>
      %dma_wait3A_117 = tpu.memref_slice %arg18[%add3A_56] : memref<1296384xf32, #tpu.memory_space<vmem_shared>> -> memref<8192xf32, #tpu.memory_space<vmem_shared>>
      tpu.wait_dma2 semaphore(%run_scoped3A : memref<!tpu.dma_semaphore, #tpu.memory_space<semaphore_mem>>) src(%arg17 : memref<8192xf32, #tpu.memory_space<vmem>>) dst(%dma_wait3A_117 : memref<8192xf32, #tpu.memory_space<vmem_shared>>)
      tpu.yield
    }) : () -> ()
    %add3A_57 = arith.constant 40960 : i32
    %add3A_58 = arith.addi %mul3A_46, %add3A_57 : i32
    "tpu.region"() ({
      %run_scoped3A = tpu.sem_alloc : memref<!tpu.dma_semaphore, #tpu.memory_space<semaphore_mem>>
      %dma_start3A_114 = tpu.memref_slice %arg18[%add3A_58] : memref<1296384xf32, #tpu.memory_space<vmem_shared>> -> memref<8192xf32, #tpu.memory_space<vmem_shared>>
      %dma_start3A_115 = tpu.memref_slice %arg18[%add3A_58] : memref<1296384xf32, #tpu.memory_space<vmem_shared>> -> memref<8192xf32, #tpu.memory_space<vmem_shared>>
      tpu.enqueue_dma source(%arg17 : memref<8192xf32, #tpu.memory_space<vmem>>) target(%dma_start3A_115 : memref<8192xf32, #tpu.memory_space<vmem_shared>>) target_semaphore(%run_scoped3A : memref<!tpu.dma_semaphore, #tpu.memory_space<semaphore_mem>>)
      %dma_wait3A_116 = tpu.memref_slice %arg18[%add3A_58] : memref<1296384xf32, #tpu.memory_space<vmem_shared>> -> memref<8192xf32, #tpu.memory_space<vmem_shared>>
      %dma_wait3A_117 = tpu.memref_slice %arg18[%add3A_58] : memref<1296384xf32, #tpu.memory_space<vmem_shared>> -> memref<8192xf32, #tpu.memory_space<vmem_shared>>
      tpu.wait_dma2 semaphore(%run_scoped3A : memref<!tpu.dma_semaphore, #tpu.memory_space<semaphore_mem>>) src(%arg17 : memref<8192xf32, #tpu.memory_space<vmem>>) dst(%dma_wait3A_117 : memref<8192xf32, #tpu.memory_space<vmem_shared>>)
      tpu.yield
    }) : () -> ()
    %add3A_59 = arith.constant 49152 : i32
    %add3A_60 = arith.addi %mul3A_46, %add3A_59 : i32
    "tpu.region"() ({
      %run_scoped3A = tpu.sem_alloc : memref<!tpu.dma_semaphore, #tpu.memory_space<semaphore_mem>>
      %dma_start3A_114 = tpu.memref_slice %arg18[%add3A_60] : memref<1296384xf32, #tpu.memory_space<vmem_shared>> -> memref<8192xf32, #tpu.memory_space<vmem_shared>>
      %dma_start3A_115 = tpu.memref_slice %arg18[%add3A_60] : memref<1296384xf32, #tpu.memory_space<vmem_shared>> -> memref<8192xf32, #tpu.memory_space<vmem_shared>>
      tpu.enqueue_dma source(%arg17 : memref<8192xf32, #tpu.memory_space<vmem>>) target(%dma_start3A_115 : memref<8192xf32, #tpu.memory_space<vmem_shared>>) target_semaphore(%run_scoped3A : memref<!tpu.dma_semaphore, #tpu.memory_space<semaphore_mem>>)
      %dma_wait3A_116 = tpu.memref_slice %arg18[%add3A_60] : memref<1296384xf32, #tpu.memory_space<vmem_shared>> -> memref<8192xf32, #tpu.memory_space<vmem_shared>>
      %dma_wait3A_117 = tpu.memref_slice %arg18[%add3A_60] : memref<1296384xf32, #tpu.memory_space<vmem_shared>> -> memref<8192xf32, #tpu.memory_space<vmem_shared>>
      tpu.wait_dma2 semaphore(%run_scoped3A : memref<!tpu.dma_semaphore, #tpu.memory_space<semaphore_mem>>) src(%arg17 : memref<8192xf32, #tpu.memory_space<vmem>>) dst(%dma_wait3A_117 : memref<8192xf32, #tpu.memory_space<vmem_shared>>)
      tpu.yield
    }) : () -> ()
    %add3A_61 = arith.constant 57344 : i32
    %add3A_62 = arith.addi %mul3A_46, %add3A_61 : i32
    "tpu.region"() ({
      %run_scoped3A = tpu.sem_alloc : memref<!tpu.dma_semaphore, #tpu.memory_space<semaphore_mem>>
      %dma_start3A_114 = tpu.memref_slice %arg18[%add3A_62] : memref<1296384xf32, #tpu.memory_space<vmem_shared>> -> memref<8192xf32, #tpu.memory_space<vmem_shared>>
      %dma_start3A_115 = tpu.memref_slice %arg18[%add3A_62] : memref<1296384xf32, #tpu.memory_space<vmem_shared>> -> memref<8192xf32, #tpu.memory_space<vmem_shared>>
      tpu.enqueue_dma source(%arg17 : memref<8192xf32, #tpu.memory_space<vmem>>) target(%dma_start3A_115 : memref<8192xf32, #tpu.memory_space<vmem_shared>>) target_semaphore(%run_scoped3A : memref<!tpu.dma_semaphore, #tpu.memory_space<semaphore_mem>>)
      %dma_wait3A_116 = tpu.memref_slice %arg18[%add3A_62] : memref<1296384xf32, #tpu.memory_space<vmem_shared>> -> memref<8192xf32, #tpu.memory_space<vmem_shared>>
      %dma_wait3A_117 = tpu.memref_slice %arg18[%add3A_62] : memref<1296384xf32, #tpu.memory_space<vmem_shared>> -> memref<8192xf32, #tpu.memory_space<vmem_shared>>
      tpu.wait_dma2 semaphore(%run_scoped3A : memref<!tpu.dma_semaphore, #tpu.memory_space<semaphore_mem>>) src(%arg17 : memref<8192xf32, #tpu.memory_space<vmem>>) dst(%dma_wait3A_117 : memref<8192xf32, #tpu.memory_space<vmem_shared>>)
      tpu.yield
    }) : () -> ()
    %add3A_63 = arith.constant 65536 : i32
    %add3A_64 = arith.addi %mul3A_46, %add3A_63 : i32
    "tpu.region"() ({
      %run_scoped3A = tpu.sem_alloc : memref<!tpu.dma_semaphore, #tpu.memory_space<semaphore_mem>>
      %dma_start3A_114 = tpu.memref_slice %arg18[%add3A_64] : memref<1296384xf32, #tpu.memory_space<vmem_shared>> -> memref<8192xf32, #tpu.memory_space<vmem_shared>>
      %dma_start3A_115 = tpu.memref_slice %arg18[%add3A_64] : memref<1296384xf32, #tpu.memory_space<vmem_shared>> -> memref<8192xf32, #tpu.memory_space<vmem_shared>>
      tpu.enqueue_dma source(%arg17 : memref<8192xf32, #tpu.memory_space<vmem>>) target(%dma_start3A_115 : memref<8192xf32, #tpu.memory_space<vmem_shared>>) target_semaphore(%run_scoped3A : memref<!tpu.dma_semaphore, #tpu.memory_space<semaphore_mem>>)
      %dma_wait3A_116 = tpu.memref_slice %arg18[%add3A_64] : memref<1296384xf32, #tpu.memory_space<vmem_shared>> -> memref<8192xf32, #tpu.memory_space<vmem_shared>>
      %dma_wait3A_117 = tpu.memref_slice %arg18[%add3A_64] : memref<1296384xf32, #tpu.memory_space<vmem_shared>> -> memref<8192xf32, #tpu.memory_space<vmem_shared>>
      tpu.wait_dma2 semaphore(%run_scoped3A : memref<!tpu.dma_semaphore, #tpu.memory_space<semaphore_mem>>) src(%arg17 : memref<8192xf32, #tpu.memory_space<vmem>>) dst(%dma_wait3A_117 : memref<8192xf32, #tpu.memory_space<vmem_shared>>)
      tpu.yield
    }) : () -> ()
    %add3A_65 = arith.constant 73728 : i32
    %add3A_66 = arith.addi %mul3A_46, %add3A_65 : i32
    "tpu.region"() ({
      %run_scoped3A = tpu.sem_alloc : memref<!tpu.dma_semaphore, #tpu.memory_space<semaphore_mem>>
      %dma_start3A_114 = arith.constant 0 : i32
      %dma_start3A_115 = tpu.memref_slice %arg17[%dma_start3A_114] : memref<8192xf32, #tpu.memory_space<vmem>> -> memref<7296xf32, #tpu.memory_space<vmem>>
      %dma_start3A_116 = tpu.memref_slice %arg18[%add3A_66] : memref<1296384xf32, #tpu.memory_space<vmem_shared>> -> memref<7296xf32, #tpu.memory_space<vmem_shared>>
      %dma_start3A_117 = tpu.memref_slice %arg18[%add3A_66] : memref<1296384xf32, #tpu.memory_space<vmem_shared>> -> memref<7296xf32, #tpu.memory_space<vmem_shared>>
      %dma_start3A_118 = arith.constant 0 : i32
      %dma_start3A_119 = tpu.memref_slice %arg17[%dma_start3A_118] : memref<8192xf32, #tpu.memory_space<vmem>> -> memref<7296xf32, #tpu.memory_space<vmem>>
      tpu.enqueue_dma source(%dma_start3A_119 : memref<7296xf32, #tpu.memory_space<vmem>>) target(%dma_start3A_117 : memref<7296xf32, #tpu.memory_space<vmem_shared>>) target_semaphore(%run_scoped3A : memref<!tpu.dma_semaphore, #tpu.memory_space<semaphore_mem>>)
      %dma_wait3A_120 = arith.constant 0 : i32
      %dma_wait3A_121 = tpu.memref_slice %arg17[%dma_wait3A_120] : memref<8192xf32, #tpu.memory_space<vmem>> -> memref<7296xf32, #tpu.memory_space<vmem>>
      %dma_wait3A_122 = tpu.memref_slice %arg18[%add3A_66] : memref<1296384xf32, #tpu.memory_space<vmem_shared>> -> memref<7296xf32, #tpu.memory_space<vmem_shared>>
      %dma_wait3A_123 = tpu.memref_slice %arg18[%add3A_66] : memref<1296384xf32, #tpu.memory_space<vmem_shared>> -> memref<7296xf32, #tpu.memory_space<vmem_shared>>
      %dma_wait3A_124 = arith.constant 0 : i32
      %dma_wait3A_125 = tpu.memref_slice %arg17[%dma_wait3A_124] : memref<8192xf32, #tpu.memory_space<vmem>> -> memref<7296xf32, #tpu.memory_space<vmem>>
      tpu.wait_dma2 semaphore(%run_scoped3A : memref<!tpu.dma_semaphore, #tpu.memory_space<semaphore_mem>>) src(%dma_wait3A_125 : memref<7296xf32, #tpu.memory_space<vmem>>) dst(%dma_wait3A_123 : memref<7296xf32, #tpu.memory_space<vmem_shared>>)
      tpu.yield
    }) : () -> ()
    %barrier3A = arith.constant 0 : index
    tpu.barrier barrier_id(%barrier3A)
    %mul3A_67 = arith.constant 5056 : i32
    %mul3A_68 = arith.muli %arg0, %mul3A_67 : i32
    %iota3A = tpu.iota {dimensions = array<i32: 0>} : vector<16xi32>
    %dma_wait3A = arith.constant 0 : i32
    %dma_wait3A_69 = arith.constant 0 : i32
    %dma_wait3A_70 = tpu.memref_slice %arg2[%mul3A_0, %dma_wait3A, %dma_wait3A_69] : memref<2560x2x128xi32, #tpu.memory_space<hbm>> -> memref<1x2x128xi32, #tpu.memory_space<hbm>>
    %dma_wait3A_71 = tpu.memref_squeeze %dma_wait3A_70 : memref<1x2x128xi32, #tpu.memory_space<hbm>> -> memref<2x128xi32, #tpu.memory_space<hbm>>
    %dma_wait3A_72 = arith.constant 0 : i32
    %dma_wait3A_73 = arith.constant 0 : i32
    %dma_wait3A_74 = tpu.memref_slice %arg2[%mul3A_0, %dma_wait3A_72, %dma_wait3A_73] : memref<2560x2x128xi32, #tpu.memory_space<hbm>> -> memref<1x2x128xi32, #tpu.memory_space<hbm>>
    %dma_wait3A_75 = tpu.memref_squeeze %dma_wait3A_74 : memref<1x2x128xi32, #tpu.memory_space<hbm>> -> memref<2x128xi32, #tpu.memory_space<hbm>>
    tpu.wait_dma2 semaphore(%arg19 : memref<!tpu.dma_semaphore, #tpu.memory_space<semaphore_mem>>) src(%dma_wait3A_75 : memref<2x128xi32, #tpu.memory_space<hbm>>) dst(%arg5 : memref<2x128xi32, #tpu.memory_space<vmem>>)
    %dma_start3A_76 = arith.constant 0 : i32
    %dma_start3A_77 = arith.constant 0 : i32
    %dma_start3A_78 = tpu.memref_slice %arg5[%dma_start3A_76, %dma_start3A_77] : memref<2x128xi32, #tpu.memory_space<vmem>> -> memref<1x128xi32, #tpu.memory_space<vmem>>
    %dma_start3A_79 = tpu.memref_squeeze %dma_start3A_78 : memref<1x128xi32, #tpu.memory_space<vmem>> -> memref<128xi32, #tpu.memory_space<vmem>>
    %dma_start3A_80 = arith.constant 0 : i32
    %dma_start3A_81 = tpu.memref_slice %arg3[%dma_start3A_80] : memref<10000xi32, #tpu.memory_space<hbm>> -> memref<10000xi32, #tpu.memory_space<hbm>>
    tpu.enqueue_indirect_dma source(%dma_start3A_81 : memref<10000xi32, #tpu.memory_space<hbm>>) target(%arg9 : memref<128xi32, #tpu.memory_space<vmem>>) offsets(%dma_start3A_79 : memref<128xi32, #tpu.memory_space<vmem>>) semaphore(%arg23 : memref<!tpu.dma_semaphore, #tpu.memory_space<semaphore_mem>>)
    %add3A_82 = arith.constant 1 : i32
    %add3A_83 = arith.addi %mul3A_0, %add3A_82 : i32
    %dma_wait3A_84 = arith.constant 0 : i32
    %dma_wait3A_85 = arith.constant 0 : i32
    %dma_wait3A_86 = tpu.memref_slice %arg2[%add3A_83, %dma_wait3A_84, %dma_wait3A_85] : memref<2560x2x128xi32, #tpu.memory_space<hbm>> -> memref<1x2x128xi32, #tpu.memory_space<hbm>>
    %dma_wait3A_87 = tpu.memref_squeeze %dma_wait3A_86 : memref<1x2x128xi32, #tpu.memory_space<hbm>> -> memref<2x128xi32, #tpu.memory_space<hbm>>
    %dma_wait3A_88 = arith.constant 0 : i32
    %dma_wait3A_89 = arith.constant 0 : i32
    %dma_wait3A_90 = tpu.memref_slice %arg2[%add3A_83, %dma_wait3A_88, %dma_wait3A_89] : memref<2560x2x128xi32, #tpu.memory_space<hbm>> -> memref<1x2x128xi32, #tpu.memory_space<hbm>>
    %dma_wait3A_91 = tpu.memref_squeeze %dma_wait3A_90 : memref<1x2x128xi32, #tpu.memory_space<hbm>> -> memref<2x128xi32, #tpu.memory_space<hbm>>
    tpu.wait_dma2 semaphore(%arg20 : memref<!tpu.dma_semaphore, #tpu.memory_space<semaphore_mem>>) src(%dma_wait3A_91 : memref<2x128xi32, #tpu.memory_space<hbm>>) dst(%arg6 : memref<2x128xi32, #tpu.memory_space<vmem>>)
    %dma_start3A_92 = arith.constant 0 : i32
    %dma_start3A_93 = arith.constant 0 : i32
    %dma_start3A_94 = tpu.memref_slice %arg6[%dma_start3A_92, %dma_start3A_93] : memref<2x128xi32, #tpu.memory_space<vmem>> -> memref<1x128xi32, #tpu.memory_space<vmem>>
    %dma_start3A_95 = tpu.memref_squeeze %dma_start3A_94 : memref<1x128xi32, #tpu.memory_space<vmem>> -> memref<128xi32, #tpu.memory_space<vmem>>
    %dma_start3A_96 = arith.constant 0 : i32
    %dma_start3A_97 = tpu.memref_slice %arg3[%dma_start3A_96] : memref<10000xi32, #tpu.memory_space<hbm>> -> memref<10000xi32, #tpu.memory_space<hbm>>
    tpu.enqueue_indirect_dma source(%dma_start3A_97 : memref<10000xi32, #tpu.memory_space<hbm>>) target(%arg10 : memref<128xi32, #tpu.memory_space<vmem>>) offsets(%dma_start3A_95 : memref<128xi32, #tpu.memory_space<vmem>>) semaphore(%arg24 : memref<!tpu.dma_semaphore, #tpu.memory_space<semaphore_mem>>)
    %scan3A_98 = arith.constant 0 : i32
    %scan3A_99 = arith.constant 0 : i32
    %scan3A_100 = arith.constant 40 : i32
    %scan3A_101 = arith.addi %scan3A_99, %scan3A_100 : i32
    %scan3A_102 = arith.constant 1 : i32
    scf.for %scan3A_114 = %scan3A_99 to %scan3A_101 step %scan3A_102  : i32 {
      %mul3A_115 = arith.constant 4 : i32
      %mul3A_116 = arith.muli %mul3A_115, %scan3A_114 : i32
      %add3A_117 = arith.constant 0 : i32
      %add3A_118 = arith.addi %mul3A_116, %add3A_117 : i32
      %dma_wait3A_119 = arith.constant 0 : i32
      %dma_wait3A_120 = arith.constant 0 : i32
      %dma_wait3A_121 = tpu.memref_slice %arg5[%dma_wait3A_119, %dma_wait3A_120] : memref<2x128xi32, #tpu.memory_space<vmem>> -> memref<1x128xi32, #tpu.memory_space<vmem>>
      %dma_wait3A_122 = tpu.memref_squeeze %dma_wait3A_121 : memref<1x128xi32, #tpu.memory_space<vmem>> -> memref<128xi32, #tpu.memory_space<vmem>>
      %dma_wait3A_123 = arith.constant 0 : i32
      %dma_wait3A_124 = tpu.memref_slice %arg3[%dma_wait3A_123] : memref<10000xi32, #tpu.memory_space<hbm>> -> memref<10000xi32, #tpu.memory_space<hbm>>
      tpu.wait_indirect_dma semaphore(%arg23 : memref<!tpu.dma_semaphore, #tpu.memory_space<semaphore_mem>>) src(%dma_wait3A_124 : memref<10000xi32, #tpu.memory_space<hbm>>) dst(%arg9 : memref<128xi32, #tpu.memory_space<vmem>>)
      %lt3A = arith.constant 158 : i32
      %lt3A_125 = arith.cmpi slt, %add3A_118, %lt3A : i32
      %convert_element_type3A = arith.extui %lt3A_125 : i1 to i32
      %cond3A = arith.constant 0 : i32
      %cond3A_126 = arith.cmpi ne, %convert_element_type3A, %cond3A : i32
      scf.if %cond3A_126 {
        %add3A_1684 = arith.addi %mul3A_0, %add3A_118 : i32
        %add3A_1685 = arith.constant 2 : i32
        %add3A_1686 = arith.addi %add3A_1684, %add3A_1685 : i32
        %dma_wait3A_1687 = arith.constant 0 : i32
        %dma_wait3A_1688 = arith.constant 0 : i32
        %dma_wait3A_1689 = tpu.memref_slice %arg2[%add3A_1686, %dma_wait3A_1687, %dma_wait3A_1688] : memref<2560x2x128xi32, #tpu.memory_space<hbm>> -> memref<1x2x128xi32, #tpu.memory_space<hbm>>
        %dma_wait3A_1690 = tpu.memref_squeeze %dma_wait3A_1689 : memref<1x2x128xi32, #tpu.memory_space<hbm>> -> memref<2x128xi32, #tpu.memory_space<hbm>>
        %dma_wait3A_1691 = arith.constant 0 : i32
        %dma_wait3A_1692 = arith.constant 0 : i32
        %dma_wait3A_1693 = tpu.memref_slice %arg2[%add3A_1686, %dma_wait3A_1691, %dma_wait3A_1692] : memref<2560x2x128xi32, #tpu.memory_space<hbm>> -> memref<1x2x128xi32, #tpu.memory_space<hbm>>
        %dma_wait3A_1694 = tpu.memref_squeeze %dma_wait3A_1693 : memref<1x2x128xi32, #tpu.memory_space<hbm>> -> memref<2x128xi32, #tpu.memory_space<hbm>>
        tpu.wait_dma2 semaphore(%arg21 : memref<!tpu.dma_semaphore, #tpu.memory_space<semaphore_mem>>) src(%dma_wait3A_1694 : memref<2x128xi32, #tpu.memory_space<hbm>>) dst(%arg7 : memref<2x128xi32, #tpu.memory_space<vmem>>)
        %dma_start3A_1695 = arith.constant 0 : i32
        %dma_start3A_1696 = arith.constant 0 : i32
        %dma_start3A_1697 = tpu.memref_slice %arg7[%dma_start3A_1695, %dma_start3A_1696] : memref<2x128xi32, #tpu.memory_space<vmem>> -> memref<1x128xi32, #tpu.memory_space<vmem>>
        %dma_start3A_1698 = tpu.memref_squeeze %dma_start3A_1697 : memref<1x128xi32, #tpu.memory_space<vmem>> -> memref<128xi32, #tpu.memory_space<vmem>>
        %dma_start3A_1699 = arith.constant 0 : i32
        %dma_start3A_1700 = tpu.memref_slice %arg3[%dma_start3A_1699] : memref<10000xi32, #tpu.memory_space<hbm>> -> memref<10000xi32, #tpu.memory_space<hbm>>
        tpu.enqueue_indirect_dma source(%dma_start3A_1700 : memref<10000xi32, #tpu.memory_space<hbm>>) target(%arg11 : memref<128xi32, #tpu.memory_space<vmem>>) offsets(%dma_start3A_1698 : memref<128xi32, #tpu.memory_space<vmem>>) semaphore(%arg25 : memref<!tpu.dma_semaphore, #tpu.memory_space<semaphore_mem>>)
      } else {
      }
      %ge3A = arith.constant 2 : i32
      %ge3A_127 = arith.cmpi sge, %add3A_118, %ge3A : i32
      %convert_element_type3A_128 = arith.extui %ge3A_127 : i1 to i32
      %cond3A_129 = arith.constant 0 : i32
      %cond3A_130 = arith.cmpi ne, %convert_element_type3A_128, %cond3A_129 : i32
      scf.if %cond3A_130 {
        %dma_wait3A_1684 = arith.constant 0 : i32
        %dma_wait3A_1685 = tpu.memref_slice %arg18[%dma_wait3A_1684] : memref<1296384xf32, #tpu.memory_space<vmem_shared>> -> memref<1296384xf32, #tpu.memory_space<vmem_shared>>
        tpu.wait_indirect_dma semaphore(%arg27 : memref<!tpu.dma_semaphore, #tpu.memory_space<semaphore_mem>>) src(%arg15 : memref<128xf32, #tpu.memory_space<vmem>>) dst(%dma_wait3A_1685 : memref<1296384xf32, #tpu.memory_space<vmem_shared>>)
      } else {
      }
      %get3A = arith.constant 1 : i32
      %get3A_131 = arith.index_cast %get3A : i32 to index
      %get3A_132 = arith.constant 0 : index
      %get3A_133 = tpu.vector_load %arg5[%get3A_131, %get3A_132] {strides = array<i32>} : memref<2x128xi32, #tpu.memory_space<vmem>>, vector<1x16xi32>,
      %get3A_134 = vector.shape_cast %get3A_133 : vector<1x16xi32> to vector<16xi32>
      %get3A_135 = arith.constant 0 : index
      %get3A_136 = tpu.vector_load %arg9[%get3A_135] {strides = array<i32>} : memref<128xi32, #tpu.memory_space<vmem>>, vector<16xi32>,
      %get3A_137 = vector.shape_cast %get3A_136 : vector<16xi32> to vector<16xi32>
      %shift_right_logical3A = arith.constant 23 : i32
      %shift_right_logical3A_138 = vector.broadcast %shift_right_logical3A : i32 to vector<16xi32>
      %shift_right_logical3A_139 = arith.shrui %get3A_137, %shift_right_logical3A_138 : vector<16xi32>
      %and3A = arith.constant 8388607 : i32
      %and3A_140 = vector.broadcast %and3A : i32 to vector<16xi32>
      %and3A_141 = arith.andi %get3A_137, %and3A_140 : vector<16xi32>
      %convert_element_type3A_142 = arith.sitofp %and3A_141 : vector<16xi32> to vector<16xf32>
      %mul3A_143 = arith.constant 2.38418579E-7 : f32
      %mul3A_144 = vector.broadcast %mul3A_143 : f32 to vector<16xf32>
      %mul3A_145 = arith.mulf %convert_element_type3A_142, %mul3A_144 : vector<16xf32>
      %sub3A = vector.broadcast %mul3A_68 : i32 to vector<16xi32>
      %sub3A_146 = arith.subi %get3A_134, %sub3A : vector<16xi32>
      %ge3A_147 = arith.constant 0 : i32
      %ge3A_148 = vector.broadcast %ge3A_147 : i32 to vector<16xi32>
      %ge3A_149 = arith.cmpi sge, %sub3A_146, %ge3A_148 : vector<16xi32>
      %lt3A_150 = arith.constant 5056 : i32
      %lt3A_151 = vector.broadcast %lt3A_150 : i32 to vector<16xi32>
      %lt3A_152 = arith.cmpi slt, %sub3A_146, %lt3A_151 : vector<16xi32>
      %and3A_153 = arith.andi %ge3A_149, %lt3A_152 : vector<16xi1>
      %jit3A = arith.constant 0.000000e+00 : f32
      %broadcast_in_dim3A_154 = vector.broadcast %jit3A : f32 to vector<16xf32>
      %select_n3A = arith.select %and3A_153, %mul3A_145, %broadcast_in_dim3A_154 : vector<16xi1>, vector<16xf32>
      %mul3A_155 = arith.constant 256 : i32
      %mul3A_156 = vector.broadcast %mul3A_155 : i32 to vector<16xi32>
      %mul3A_157 = arith.muli %sub3A_146, %mul3A_156 : vector<16xi32>
      %add3A_158 = arith.addi %mul3A_157, %shift_right_logical3A_139 : vector<16xi32>
      %add3A_159 = arith.constant 1294336 : i32
      %add3A_160 = vector.broadcast %add3A_159 : i32 to vector<16xi32>
      %add3A_161 = arith.addi %add3A_160, %iota3A : vector<16xi32>
      %select_n3A_162 = arith.select %and3A_153, %add3A_158, %add3A_161 : vector<16xi1>, vector<16xi32>
      %swap3A = arith.constant 0 : index
      %swap3A_163 = tpu.vector_load %arg13[%swap3A] {strides = array<i32>} : memref<128xi32, #tpu.memory_space<vmem>>, vector<16xi32>,
      %swap3A_164 = vector.shape_cast %swap3A_163 : vector<16xi32> to vector<16xi32>
      %swap3A_165 = vector.shape_cast %select_n3A_162 : vector<16xi32> to vector<16xi32>
      tpu.vector_store %arg13[%swap3A], %swap3A_165 {strides = array<i32>} : memref<128xi32, #tpu.memory_space<vmem>>, vector<16xi32>,
      %swap3A_166 = arith.constant 0 : index
      %swap3A_167 = tpu.vector_load %arg15[%swap3A_166] {strides = array<i32>} : memref<128xf32, #tpu.memory_space<vmem>>, vector<16xf32>,
      %swap3A_168 = vector.shape_cast %swap3A_167 : vector<16xf32> to vector<16xf32>
      %swap3A_169 = vector.shape_cast %select_n3A : vector<16xf32> to vector<16xf32>
      tpu.vector_store %arg15[%swap3A_166], %swap3A_169 {strides = array<i32>} : memref<128xf32, #tpu.memory_space<vmem>>, vector<16xf32>,
      %get3A_170 = arith.constant 1 : i32
      %get3A_171 = arith.index_cast %get3A_170 : i32 to index
      %get3A_172 = arith.constant 16 : index
      %get3A_173 = tpu.vector_load %arg5[%get3A_171, %get3A_172] {strides = array<i32>} : memref<2x128xi32, #tpu.memory_space<vmem>>, vector<1x16xi32>,
      %get3A_174 = vector.shape_cast %get3A_173 : vector<1x16xi32> to vector<16xi32>
      %get3A_175 = arith.constant 16 : index
      %get3A_176 = tpu.vector_load %arg9[%get3A_175] {strides = array<i32>} : memref<128xi32, #tpu.memory_space<vmem>>, vector<16xi32>,
      %get3A_177 = vector.shape_cast %get3A_176 : vector<16xi32> to vector<16xi32>
      %shift_right_logical3A_178 = arith.constant 23 : i32
      %shift_right_logical3A_179 = vector.broadcast %shift_right_logical3A_178 : i32 to vector<16xi32>
      %shift_right_logical3A_180 = arith.shrui %get3A_177, %shift_right_logical3A_179 : vector<16xi32>
      %and3A_181 = arith.constant 8388607 : i32
      %and3A_182 = vector.broadcast %and3A_181 : i32 to vector<16xi32>
      %and3A_183 = arith.andi %get3A_177, %and3A_182 : vector<16xi32>
      %convert_element_type3A_184 = arith.sitofp %and3A_183 : vector<16xi32> to vector<16xf32>
      %mul3A_185 = arith.constant 2.38418579E-7 : f32
      %mul3A_186 = vector.broadcast %mul3A_185 : f32 to vector<16xf32>
      %mul3A_187 = arith.mulf %convert_element_type3A_184, %mul3A_186 : vector<16xf32>
      %sub3A_188 = vector.broadcast %mul3A_68 : i32 to vector<16xi32>
      %sub3A_189 = arith.subi %get3A_174, %sub3A_188 : vector<16xi32>
      %ge3A_190 = arith.constant 0 : i32
      %ge3A_191 = vector.broadcast %ge3A_190 : i32 to vector<16xi32>
      %ge3A_192 = arith.cmpi sge, %sub3A_189, %ge3A_191 : vector<16xi32>
      %lt3A_193 = arith.constant 5056 : i32
      %lt3A_194 = vector.broadcast %lt3A_193 : i32 to vector<16xi32>
      %lt3A_195 = arith.cmpi slt, %sub3A_189, %lt3A_194 : vector<16xi32>
      %and3A_196 = arith.andi %ge3A_192, %lt3A_195 : vector<16xi1>
      %jit3A_197 = arith.constant 0.000000e+00 : f32
      %broadcast_in_dim3A_198 = vector.broadcast %jit3A_197 : f32 to vector<16xf32>
      %select_n3A_199 = arith.select %and3A_196, %mul3A_187, %broadcast_in_dim3A_198 : vector<16xi1>, vector<16xf32>
      %mul3A_200 = arith.constant 256 : i32
      %mul3A_201 = vector.broadcast %mul3A_200 : i32 to vector<16xi32>
      %mul3A_202 = arith.muli %sub3A_189, %mul3A_201 : vector<16xi32>
      %add3A_203 = arith.addi %mul3A_202, %shift_right_logical3A_180 : vector<16xi32>
      %add3A_204 = arith.constant 1294352 : i32
      %add3A_205 = vector.broadcast %add3A_204 : i32 to vector<16xi32>
      %add3A_206 = arith.addi %add3A_205, %iota3A : vector<16xi32>
      %select_n3A_207 = arith.select %and3A_196, %add3A_203, %add3A_206 : vector<16xi1>, vector<16xi32>
      %swap3A_208 = arith.constant 16 : index
      %swap3A_209 = tpu.vector_load %arg13[%swap3A_208] {strides = array<i32>} : memref<128xi32, #tpu.memory_space<vmem>>, vector<16xi32>,
      %swap3A_210 = vector.shape_cast %swap3A_209 : vector<16xi32> to vector<16xi32>
      %swap3A_211 = vector.shape_cast %select_n3A_207 : vector<16xi32> to vector<16xi32>
      tpu.vector_store %arg13[%swap3A_208], %swap3A_211 {strides = array<i32>} : memref<128xi32, #tpu.memory_space<vmem>>, vector<16xi32>,
      %swap3A_212 = arith.constant 16 : index
      %swap3A_213 = tpu.vector_load %arg15[%swap3A_212] {strides = array<i32>} : memref<128xf32, #tpu.memory_space<vmem>>, vector<16xf32>,
      %swap3A_214 = vector.shape_cast %swap3A_213 : vector<16xf32> to vector<16xf32>
      %swap3A_215 = vector.shape_cast %select_n3A_199 : vector<16xf32> to vector<16xf32>
      tpu.vector_store %arg15[%swap3A_212], %swap3A_215 {strides = array<i32>} : memref<128xf32, #tpu.memory_space<vmem>>, vector<16xf32>,
      %get3A_216 = arith.constant 1 : i32
      %get3A_217 = arith.index_cast %get3A_216 : i32 to index
      %get3A_218 = arith.constant 32 : index
      %get3A_219 = tpu.vector_load %arg5[%get3A_217, %get3A_218] {strides = array<i32>} : memref<2x128xi32, #tpu.memory_space<vmem>>, vector<1x16xi32>,
      %get3A_220 = vector.shape_cast %get3A_219 : vector<1x16xi32> to vector<16xi32>
      %get3A_221 = arith.constant 32 : index
      %get3A_222 = tpu.vector_load %arg9[%get3A_221] {strides = array<i32>} : memref<128xi32, #tpu.memory_space<vmem>>, vector<16xi32>,
      %get3A_223 = vector.shape_cast %get3A_222 : vector<16xi32> to vector<16xi32>
      %shift_right_logical3A_224 = arith.constant 23 : i32
      %shift_right_logical3A_225 = vector.broadcast %shift_right_logical3A_224 : i32 to vector<16xi32>
      %shift_right_logical3A_226 = arith.shrui %get3A_223, %shift_right_logical3A_225 : vector<16xi32>
      %and3A_227 = arith.constant 8388607 : i32
      %and3A_228 = vector.broadcast %and3A_227 : i32 to vector<16xi32>
      %and3A_229 = arith.andi %get3A_223, %and3A_228 : vector<16xi32>
      %convert_element_type3A_230 = arith.sitofp %and3A_229 : vector<16xi32> to vector<16xf32>
      %mul3A_231 = arith.constant 2.38418579E-7 : f32
      %mul3A_232 = vector.broadcast %mul3A_231 : f32 to vector<16xf32>
      %mul3A_233 = arith.mulf %convert_element_type3A_230, %mul3A_232 : vector<16xf32>
      %sub3A_234 = vector.broadcast %mul3A_68 : i32 to vector<16xi32>
      %sub3A_235 = arith.subi %get3A_220, %sub3A_234 : vector<16xi32>
      %ge3A_236 = arith.constant 0 : i32
      %ge3A_237 = vector.broadcast %ge3A_236 : i32 to vector<16xi32>
      %ge3A_238 = arith.cmpi sge, %sub3A_235, %ge3A_237 : vector<16xi32>
      %lt3A_239 = arith.constant 5056 : i32
      %lt3A_240 = vector.broadcast %lt3A_239 : i32 to vector<16xi32>
      %lt3A_241 = arith.cmpi slt, %sub3A_235, %lt3A_240 : vector<16xi32>
      %and3A_242 = arith.andi %ge3A_238, %lt3A_241 : vector<16xi1>
      %jit3A_243 = arith.constant 0.000000e+00 : f32
      %broadcast_in_dim3A_244 = vector.broadcast %jit3A_243 : f32 to vector<16xf32>
      %select_n3A_245 = arith.select %and3A_242, %mul3A_233, %broadcast_in_dim3A_244 : vector<16xi1>, vector<16xf32>
      %mul3A_246 = arith.constant 256 : i32
      %mul3A_247 = vector.broadcast %mul3A_246 : i32 to vector<16xi32>
      %mul3A_248 = arith.muli %sub3A_235, %mul3A_247 : vector<16xi32>
      %add3A_249 = arith.addi %mul3A_248, %shift_right_logical3A_226 : vector<16xi32>
      %add3A_250 = arith.constant 1294368 : i32
      %add3A_251 = vector.broadcast %add3A_250 : i32 to vector<16xi32>
      %add3A_252 = arith.addi %add3A_251, %iota3A : vector<16xi32>
      %select_n3A_253 = arith.select %and3A_242, %add3A_249, %add3A_252 : vector<16xi1>, vector<16xi32>
      %swap3A_254 = arith.constant 32 : index
      %swap3A_255 = tpu.vector_load %arg13[%swap3A_254] {strides = array<i32>} : memref<128xi32, #tpu.memory_space<vmem>>, vector<16xi32>,
      %swap3A_256 = vector.shape_cast %swap3A_255 : vector<16xi32> to vector<16xi32>
      %swap3A_257 = vector.shape_cast %select_n3A_253 : vector<16xi32> to vector<16xi32>
      tpu.vector_store %arg13[%swap3A_254], %swap3A_257 {strides = array<i32>} : memref<128xi32, #tpu.memory_space<vmem>>, vector<16xi32>,
      %swap3A_258 = arith.constant 32 : index
      %swap3A_259 = tpu.vector_load %arg15[%swap3A_258] {strides = array<i32>} : memref<128xf32, #tpu.memory_space<vmem>>, vector<16xf32>,
      %swap3A_260 = vector.shape_cast %swap3A_259 : vector<16xf32> to vector<16xf32>
      %swap3A_261 = vector.shape_cast %select_n3A_245 : vector<16xf32> to vector<16xf32>
      tpu.vector_store %arg15[%swap3A_258], %swap3A_261 {strides = array<i32>} : memref<128xf32, #tpu.memory_space<vmem>>, vector<16xf32>,
      %get3A_262 = arith.constant 1 : i32
      %get3A_263 = arith.index_cast %get3A_262 : i32 to index
      %get3A_264 = arith.constant 48 : index
      %get3A_265 = tpu.vector_load %arg5[%get3A_263, %get3A_264] {strides = array<i32>} : memref<2x128xi32, #tpu.memory_space<vmem>>, vector<1x16xi32>,
      %get3A_266 = vector.shape_cast %get3A_265 : vector<1x16xi32> to vector<16xi32>
      %get3A_267 = arith.constant 48 : index
      %get3A_268 = tpu.vector_load %arg9[%get3A_267] {strides = array<i32>} : memref<128xi32, #tpu.memory_space<vmem>>, vector<16xi32>,
      %get3A_269 = vector.shape_cast %get3A_268 : vector<16xi32> to vector<16xi32>
      %shift_right_logical3A_270 = arith.constant 23 : i32
      %shift_right_logical3A_271 = vector.broadcast %shift_right_logical3A_270 : i32 to vector<16xi32>
      %shift_right_logical3A_272 = arith.shrui %get3A_269, %shift_right_logical3A_271 : vector<16xi32>
      %and3A_273 = arith.constant 8388607 : i32
      %and3A_274 = vector.broadcast %and3A_273 : i32 to vector<16xi32>
      %and3A_275 = arith.andi %get3A_269, %and3A_274 : vector<16xi32>
      %convert_element_type3A_276 = arith.sitofp %and3A_275 : vector<16xi32> to vector<16xf32>
      %mul3A_277 = arith.constant 2.38418579E-7 : f32
      %mul3A_278 = vector.broadcast %mul3A_277 : f32 to vector<16xf32>
      %mul3A_279 = arith.mulf %convert_element_type3A_276, %mul3A_278 : vector<16xf32>
      %sub3A_280 = vector.broadcast %mul3A_68 : i32 to vector<16xi32>
      %sub3A_281 = arith.subi %get3A_266, %sub3A_280 : vector<16xi32>
      %ge3A_282 = arith.constant 0 : i32
      %ge3A_283 = vector.broadcast %ge3A_282 : i32 to vector<16xi32>
      %ge3A_284 = arith.cmpi sge, %sub3A_281, %ge3A_283 : vector<16xi32>
      %lt3A_285 = arith.constant 5056 : i32
      %lt3A_286 = vector.broadcast %lt3A_285 : i32 to vector<16xi32>
      %lt3A_287 = arith.cmpi slt, %sub3A_281, %lt3A_286 : vector<16xi32>
      %and3A_288 = arith.andi %ge3A_284, %lt3A_287 : vector<16xi1>
      %jit3A_289 = arith.constant 0.000000e+00 : f32
      %broadcast_in_dim3A_290 = vector.broadcast %jit3A_289 : f32 to vector<16xf32>
      %select_n3A_291 = arith.select %and3A_288, %mul3A_279, %broadcast_in_dim3A_290 : vector<16xi1>, vector<16xf32>
      %mul3A_292 = arith.constant 256 : i32
      %mul3A_293 = vector.broadcast %mul3A_292 : i32 to vector<16xi32>
      %mul3A_294 = arith.muli %sub3A_281, %mul3A_293 : vector<16xi32>
      %add3A_295 = arith.addi %mul3A_294, %shift_right_logical3A_272 : vector<16xi32>
      %add3A_296 = arith.constant 1294384 : i32
      %add3A_297 = vector.broadcast %add3A_296 : i32 to vector<16xi32>
      %add3A_298 = arith.addi %add3A_297, %iota3A : vector<16xi32>
      %select_n3A_299 = arith.select %and3A_288, %add3A_295, %add3A_298 : vector<16xi1>, vector<16xi32>
      %swap3A_300 = arith.constant 48 : index
      %swap3A_301 = tpu.vector_load %arg13[%swap3A_300] {strides = array<i32>} : memref<128xi32, #tpu.memory_space<vmem>>, vector<16xi32>,
      %swap3A_302 = vector.shape_cast %swap3A_301 : vector<16xi32> to vector<16xi32>
      %swap3A_303 = vector.shape_cast %select_n3A_299 : vector<16xi32> to vector<16xi32>
      tpu.vector_store %arg13[%swap3A_300], %swap3A_303 {strides = array<i32>} : memref<128xi32, #tpu.memory_space<vmem>>, vector<16xi32>,
      %swap3A_304 = arith.constant 48 : index
      %swap3A_305 = tpu.vector_load %arg15[%swap3A_304] {strides = array<i32>} : memref<128xf32, #tpu.memory_space<vmem>>, vector<16xf32>,
      %swap3A_306 = vector.shape_cast %swap3A_305 : vector<16xf32> to vector<16xf32>
      %swap3A_307 = vector.shape_cast %select_n3A_291 : vector<16xf32> to vector<16xf32>
      tpu.vector_store %arg15[%swap3A_304], %swap3A_307 {strides = array<i32>} : memref<128xf32, #tpu.memory_space<vmem>>, vector<16xf32>,
      %get3A_308 = arith.constant 1 : i32
      %get3A_309 = arith.index_cast %get3A_308 : i32 to index
      %get3A_310 = arith.constant 64 : index
      %get3A_311 = tpu.vector_load %arg5[%get3A_309, %get3A_310] {strides = array<i32>} : memref<2x128xi32, #tpu.memory_space<vmem>>, vector<1x16xi32>,
      %get3A_312 = vector.shape_cast %get3A_311 : vector<1x16xi32> to vector<16xi32>
      %get3A_313 = arith.constant 64 : index
      %get3A_314 = tpu.vector_load %arg9[%get3A_313] {strides = array<i32>} : memref<128xi32, #tpu.memory_space<vmem>>, vector<16xi32>,
      %get3A_315 = vector.shape_cast %get3A_314 : vector<16xi32> to vector<16xi32>
      %shift_right_logical3A_316 = arith.constant 23 : i32
      %shift_right_logical3A_317 = vector.broadcast %shift_right_logical3A_316 : i32 to vector<16xi32>
      %shift_right_logical3A_318 = arith.shrui %get3A_315, %shift_right_logical3A_317 : vector<16xi32>
      %and3A_319 = arith.constant 8388607 : i32
      %and3A_320 = vector.broadcast %and3A_319 : i32 to vector<16xi32>
      %and3A_321 = arith.andi %get3A_315, %and3A_320 : vector<16xi32>
      %convert_element_type3A_322 = arith.sitofp %and3A_321 : vector<16xi32> to vector<16xf32>
      %mul3A_323 = arith.constant 2.38418579E-7 : f32
      %mul3A_324 = vector.broadcast %mul3A_323 : f32 to vector<16xf32>
      %mul3A_325 = arith.mulf %convert_element_type3A_322, %mul3A_324 : vector<16xf32>
      %sub3A_326 = vector.broadcast %mul3A_68 : i32 to vector<16xi32>
      %sub3A_327 = arith.subi %get3A_312, %sub3A_326 : vector<16xi32>
      %ge3A_328 = arith.constant 0 : i32
      %ge3A_329 = vector.broadcast %ge3A_328 : i32 to vector<16xi32>
      %ge3A_330 = arith.cmpi sge, %sub3A_327, %ge3A_329 : vector<16xi32>
      %lt3A_331 = arith.constant 5056 : i32
      %lt3A_332 = vector.broadcast %lt3A_331 : i32 to vector<16xi32>
      %lt3A_333 = arith.cmpi slt, %sub3A_327, %lt3A_332 : vector<16xi32>
      %and3A_334 = arith.andi %ge3A_330, %lt3A_333 : vector<16xi1>
      %jit3A_335 = arith.constant 0.000000e+00 : f32
      %broadcast_in_dim3A_336 = vector.broadcast %jit3A_335 : f32 to vector<16xf32>
      %select_n3A_337 = arith.select %and3A_334, %mul3A_325, %broadcast_in_dim3A_336 : vector<16xi1>, vector<16xf32>
      %mul3A_338 = arith.constant 256 : i32
      %mul3A_339 = vector.broadcast %mul3A_338 : i32 to vector<16xi32>
      %mul3A_340 = arith.muli %sub3A_327, %mul3A_339 : vector<16xi32>
      %add3A_341 = arith.addi %mul3A_340, %shift_right_logical3A_318 : vector<16xi32>
      %add3A_342 = arith.constant 1294400 : i32
      %add3A_343 = vector.broadcast %add3A_342 : i32 to vector<16xi32>
      %add3A_344 = arith.addi %add3A_343, %iota3A : vector<16xi32>
      %select_n3A_345 = arith.select %and3A_334, %add3A_341, %add3A_344 : vector<16xi1>, vector<16xi32>
      %swap3A_346 = arith.constant 64 : index
      %swap3A_347 = tpu.vector_load %arg13[%swap3A_346] {strides = array<i32>} : memref<128xi32, #tpu.memory_space<vmem>>, vector<16xi32>,
      %swap3A_348 = vector.shape_cast %swap3A_347 : vector<16xi32> to vector<16xi32>
      %swap3A_349 = vector.shape_cast %select_n3A_345 : vector<16xi32> to vector<16xi32>
      tpu.vector_store %arg13[%swap3A_346], %swap3A_349 {strides = array<i32>} : memref<128xi32, #tpu.memory_space<vmem>>, vector<16xi32>,
      %swap3A_350 = arith.constant 64 : index
      %swap3A_351 = tpu.vector_load %arg15[%swap3A_350] {strides = array<i32>} : memref<128xf32, #tpu.memory_space<vmem>>, vector<16xf32>,
      %swap3A_352 = vector.shape_cast %swap3A_351 : vector<16xf32> to vector<16xf32>
      %swap3A_353 = vector.shape_cast %select_n3A_337 : vector<16xf32> to vector<16xf32>
      tpu.vector_store %arg15[%swap3A_350], %swap3A_353 {strides = array<i32>} : memref<128xf32, #tpu.memory_space<vmem>>, vector<16xf32>,
      %get3A_354 = arith.constant 1 : i32
      %get3A_355 = arith.index_cast %get3A_354 : i32 to index
      %get3A_356 = arith.constant 80 : index
      %get3A_357 = tpu.vector_load %arg5[%get3A_355, %get3A_356] {strides = array<i32>} : memref<2x128xi32, #tpu.memory_space<vmem>>, vector<1x16xi32>,
      %get3A_358 = vector.shape_cast %get3A_357 : vector<1x16xi32> to vector<16xi32>
      %get3A_359 = arith.constant 80 : index
      %get3A_360 = tpu.vector_load %arg9[%get3A_359] {strides = array<i32>} : memref<128xi32, #tpu.memory_space<vmem>>, vector<16xi32>,
      %get3A_361 = vector.shape_cast %get3A_360 : vector<16xi32> to vector<16xi32>
      %shift_right_logical3A_362 = arith.constant 23 : i32
      %shift_right_logical3A_363 = vector.broadcast %shift_right_logical3A_362 : i32 to vector<16xi32>
      %shift_right_logical3A_364 = arith.shrui %get3A_361, %shift_right_logical3A_363 : vector<16xi32>
      %and3A_365 = arith.constant 8388607 : i32
      %and3A_366 = vector.broadcast %and3A_365 : i32 to vector<16xi32>
      %and3A_367 = arith.andi %get3A_361, %and3A_366 : vector<16xi32>
      %convert_element_type3A_368 = arith.sitofp %and3A_367 : vector<16xi32> to vector<16xf32>
      %mul3A_369 = arith.constant 2.38418579E-7 : f32
      %mul3A_370 = vector.broadcast %mul3A_369 : f32 to vector<16xf32>
      %mul3A_371 = arith.mulf %convert_element_type3A_368, %mul3A_370 : vector<16xf32>
      %sub3A_372 = vector.broadcast %mul3A_68 : i32 to vector<16xi32>
      %sub3A_373 = arith.subi %get3A_358, %sub3A_372 : vector<16xi32>
      %ge3A_374 = arith.constant 0 : i32
      %ge3A_375 = vector.broadcast %ge3A_374 : i32 to vector<16xi32>
      %ge3A_376 = arith.cmpi sge, %sub3A_373, %ge3A_375 : vector<16xi32>
      %lt3A_377 = arith.constant 5056 : i32
      %lt3A_378 = vector.broadcast %lt3A_377 : i32 to vector<16xi32>
      %lt3A_379 = arith.cmpi slt, %sub3A_373, %lt3A_378 : vector<16xi32>
      %and3A_380 = arith.andi %ge3A_376, %lt3A_379 : vector<16xi1>
      %jit3A_381 = arith.constant 0.000000e+00 : f32
      %broadcast_in_dim3A_382 = vector.broadcast %jit3A_381 : f32 to vector<16xf32>
      %select_n3A_383 = arith.select %and3A_380, %mul3A_371, %broadcast_in_dim3A_382 : vector<16xi1>, vector<16xf32>
      %mul3A_384 = arith.constant 256 : i32
      %mul3A_385 = vector.broadcast %mul3A_384 : i32 to vector<16xi32>
      %mul3A_386 = arith.muli %sub3A_373, %mul3A_385 : vector<16xi32>
      %add3A_387 = arith.addi %mul3A_386, %shift_right_logical3A_364 : vector<16xi32>
      %add3A_388 = arith.constant 1294416 : i32
      %add3A_389 = vector.broadcast %add3A_388 : i32 to vector<16xi32>
      %add3A_390 = arith.addi %add3A_389, %iota3A : vector<16xi32>
      %select_n3A_391 = arith.select %and3A_380, %add3A_387, %add3A_390 : vector<16xi1>, vector<16xi32>
      %swap3A_392 = arith.constant 80 : index
      %swap3A_393 = tpu.vector_load %arg13[%swap3A_392] {strides = array<i32>} : memref<128xi32, #tpu.memory_space<vmem>>, vector<16xi32>,
      %swap3A_394 = vector.shape_cast %swap3A_393 : vector<16xi32> to vector<16xi32>
      %swap3A_395 = vector.shape_cast %select_n3A_391 : vector<16xi32> to vector<16xi32>
      tpu.vector_store %arg13[%swap3A_392], %swap3A_395 {strides = array<i32>} : memref<128xi32, #tpu.memory_space<vmem>>, vector<16xi32>,
      %swap3A_396 = arith.constant 80 : index
      %swap3A_397 = tpu.vector_load %arg15[%swap3A_396] {strides = array<i32>} : memref<128xf32, #tpu.memory_space<vmem>>, vector<16xf32>,
      %swap3A_398 = vector.shape_cast %swap3A_397 : vector<16xf32> to vector<16xf32>
      %swap3A_399 = vector.shape_cast %select_n3A_383 : vector<16xf32> to vector<16xf32>
      tpu.vector_store %arg15[%swap3A_396], %swap3A_399 {strides = array<i32>} : memref<128xf32, #tpu.memory_space<vmem>>, vector<16xf32>,
      %get3A_400 = arith.constant 1 : i32
      %get3A_401 = arith.index_cast %get3A_400 : i32 to index
      %get3A_402 = arith.constant 96 : index
      %get3A_403 = tpu.vector_load %arg5[%get3A_401, %get3A_402] {strides = array<i32>} : memref<2x128xi32, #tpu.memory_space<vmem>>, vector<1x16xi32>,
      %get3A_404 = vector.shape_cast %get3A_403 : vector<1x16xi32> to vector<16xi32>
      %get3A_405 = arith.constant 96 : index
      %get3A_406 = tpu.vector_load %arg9[%get3A_405] {strides = array<i32>} : memref<128xi32, #tpu.memory_space<vmem>>, vector<16xi32>,
      %get3A_407 = vector.shape_cast %get3A_406 : vector<16xi32> to vector<16xi32>
      %shift_right_logical3A_408 = arith.constant 23 : i32
      %shift_right_logical3A_409 = vector.broadcast %shift_right_logical3A_408 : i32 to vector<16xi32>
      %shift_right_logical3A_410 = arith.shrui %get3A_407, %shift_right_logical3A_409 : vector<16xi32>
      %and3A_411 = arith.constant 8388607 : i32
      %and3A_412 = vector.broadcast %and3A_411 : i32 to vector<16xi32>
      %and3A_413 = arith.andi %get3A_407, %and3A_412 : vector<16xi32>
      %convert_element_type3A_414 = arith.sitofp %and3A_413 : vector<16xi32> to vector<16xf32>
      %mul3A_415 = arith.constant 2.38418579E-7 : f32
      %mul3A_416 = vector.broadcast %mul3A_415 : f32 to vector<16xf32>
      %mul3A_417 = arith.mulf %convert_element_type3A_414, %mul3A_416 : vector<16xf32>
      %sub3A_418 = vector.broadcast %mul3A_68 : i32 to vector<16xi32>
      %sub3A_419 = arith.subi %get3A_404, %sub3A_418 : vector<16xi32>
      %ge3A_420 = arith.constant 0 : i32
      %ge3A_421 = vector.broadcast %ge3A_420 : i32 to vector<16xi32>
      %ge3A_422 = arith.cmpi sge, %sub3A_419, %ge3A_421 : vector<16xi32>
      %lt3A_423 = arith.constant 5056 : i32
      %lt3A_424 = vector.broadcast %lt3A_423 : i32 to vector<16xi32>
      %lt3A_425 = arith.cmpi slt, %sub3A_419, %lt3A_424 : vector<16xi32>
      %and3A_426 = arith.andi %ge3A_422, %lt3A_425 : vector<16xi1>
      %jit3A_427 = arith.constant 0.000000e+00 : f32
      %broadcast_in_dim3A_428 = vector.broadcast %jit3A_427 : f32 to vector<16xf32>
      %select_n3A_429 = arith.select %and3A_426, %mul3A_417, %broadcast_in_dim3A_428 : vector<16xi1>, vector<16xf32>
      %mul3A_430 = arith.constant 256 : i32
      %mul3A_431 = vector.broadcast %mul3A_430 : i32 to vector<16xi32>
      %mul3A_432 = arith.muli %sub3A_419, %mul3A_431 : vector<16xi32>
      %add3A_433 = arith.addi %mul3A_432, %shift_right_logical3A_410 : vector<16xi32>
      %add3A_434 = arith.constant 1294432 : i32
      %add3A_435 = vector.broadcast %add3A_434 : i32 to vector<16xi32>
      %add3A_436 = arith.addi %add3A_435, %iota3A : vector<16xi32>
      %select_n3A_437 = arith.select %and3A_426, %add3A_433, %add3A_436 : vector<16xi1>, vector<16xi32>
      %swap3A_438 = arith.constant 96 : index
      %swap3A_439 = tpu.vector_load %arg13[%swap3A_438] {strides = array<i32>} : memref<128xi32, #tpu.memory_space<vmem>>, vector<16xi32>,
      %swap3A_440 = vector.shape_cast %swap3A_439 : vector<16xi32> to vector<16xi32>
      %swap3A_441 = vector.shape_cast %select_n3A_437 : vector<16xi32> to vector<16xi32>
      tpu.vector_store %arg13[%swap3A_438], %swap3A_441 {strides = array<i32>} : memref<128xi32, #tpu.memory_space<vmem>>, vector<16xi32>,
      %swap3A_442 = arith.constant 96 : index
      %swap3A_443 = tpu.vector_load %arg15[%swap3A_442] {strides = array<i32>} : memref<128xf32, #tpu.memory_space<vmem>>, vector<16xf32>,
      %swap3A_444 = vector.shape_cast %swap3A_443 : vector<16xf32> to vector<16xf32>
      %swap3A_445 = vector.shape_cast %select_n3A_429 : vector<16xf32> to vector<16xf32>
      tpu.vector_store %arg15[%swap3A_442], %swap3A_445 {strides = array<i32>} : memref<128xf32, #tpu.memory_space<vmem>>, vector<16xf32>,
      %get3A_446 = arith.constant 1 : i32
      %get3A_447 = arith.index_cast %get3A_446 : i32 to index
      %get3A_448 = arith.constant 112 : index
      %get3A_449 = tpu.vector_load %arg5[%get3A_447, %get3A_448] {strides = array<i32>} : memref<2x128xi32, #tpu.memory_space<vmem>>, vector<1x16xi32>,
      %get3A_450 = vector.shape_cast %get3A_449 : vector<1x16xi32> to vector<16xi32>
      %get3A_451 = arith.constant 112 : index
      %get3A_452 = tpu.vector_load %arg9[%get3A_451] {strides = array<i32>} : memref<128xi32, #tpu.memory_space<vmem>>, vector<16xi32>,
      %get3A_453 = vector.shape_cast %get3A_452 : vector<16xi32> to vector<16xi32>
      %shift_right_logical3A_454 = arith.constant 23 : i32
      %shift_right_logical3A_455 = vector.broadcast %shift_right_logical3A_454 : i32 to vector<16xi32>
      %shift_right_logical3A_456 = arith.shrui %get3A_453, %shift_right_logical3A_455 : vector<16xi32>
      %and3A_457 = arith.constant 8388607 : i32
      %and3A_458 = vector.broadcast %and3A_457 : i32 to vector<16xi32>
      %and3A_459 = arith.andi %get3A_453, %and3A_458 : vector<16xi32>
      %convert_element_type3A_460 = arith.sitofp %and3A_459 : vector<16xi32> to vector<16xf32>
      %mul3A_461 = arith.constant 2.38418579E-7 : f32
      %mul3A_462 = vector.broadcast %mul3A_461 : f32 to vector<16xf32>
      %mul3A_463 = arith.mulf %convert_element_type3A_460, %mul3A_462 : vector<16xf32>
      %sub3A_464 = vector.broadcast %mul3A_68 : i32 to vector<16xi32>
      %sub3A_465 = arith.subi %get3A_450, %sub3A_464 : vector<16xi32>
      %ge3A_466 = arith.constant 0 : i32
      %ge3A_467 = vector.broadcast %ge3A_466 : i32 to vector<16xi32>
      %ge3A_468 = arith.cmpi sge, %sub3A_465, %ge3A_467 : vector<16xi32>
      %lt3A_469 = arith.constant 5056 : i32
      %lt3A_470 = vector.broadcast %lt3A_469 : i32 to vector<16xi32>
      %lt3A_471 = arith.cmpi slt, %sub3A_465, %lt3A_470 : vector<16xi32>
      %and3A_472 = arith.andi %ge3A_468, %lt3A_471 : vector<16xi1>
      %jit3A_473 = arith.constant 0.000000e+00 : f32
      %broadcast_in_dim3A_474 = vector.broadcast %jit3A_473 : f32 to vector<16xf32>
      %select_n3A_475 = arith.select %and3A_472, %mul3A_463, %broadcast_in_dim3A_474 : vector<16xi1>, vector<16xf32>
      %mul3A_476 = arith.constant 256 : i32
      %mul3A_477 = vector.broadcast %mul3A_476 : i32 to vector<16xi32>
      %mul3A_478 = arith.muli %sub3A_465, %mul3A_477 : vector<16xi32>
      %add3A_479 = arith.addi %mul3A_478, %shift_right_logical3A_456 : vector<16xi32>
      %add3A_480 = arith.constant 1294448 : i32
      %add3A_481 = vector.broadcast %add3A_480 : i32 to vector<16xi32>
      %add3A_482 = arith.addi %add3A_481, %iota3A : vector<16xi32>
      %select_n3A_483 = arith.select %and3A_472, %add3A_479, %add3A_482 : vector<16xi1>, vector<16xi32>
      %swap3A_484 = arith.constant 112 : index
      %swap3A_485 = tpu.vector_load %arg13[%swap3A_484] {strides = array<i32>} : memref<128xi32, #tpu.memory_space<vmem>>, vector<16xi32>,
      %swap3A_486 = vector.shape_cast %swap3A_485 : vector<16xi32> to vector<16xi32>
      %swap3A_487 = vector.shape_cast %select_n3A_483 : vector<16xi32> to vector<16xi32>
      tpu.vector_store %arg13[%swap3A_484], %swap3A_487 {strides = array<i32>} : memref<128xi32, #tpu.memory_space<vmem>>, vector<16xi32>,
      %swap3A_488 = arith.constant 112 : index
      %swap3A_489 = tpu.vector_load %arg15[%swap3A_488] {strides = array<i32>} : memref<128xf32, #tpu.memory_space<vmem>>, vector<16xf32>,
      %swap3A_490 = vector.shape_cast %swap3A_489 : vector<16xf32> to vector<16xf32>
      %swap3A_491 = vector.shape_cast %select_n3A_475 : vector<16xf32> to vector<16xf32>
      tpu.vector_store %arg15[%swap3A_488], %swap3A_491 {strides = array<i32>} : memref<128xf32, #tpu.memory_space<vmem>>, vector<16xf32>,
      %dma_start3A_492 = arith.constant 0 : i32
      %dma_start3A_493 = tpu.memref_slice %arg18[%dma_start3A_492] : memref<1296384xf32, #tpu.memory_space<vmem_shared>> -> memref<1296384xf32, #tpu.memory_space<vmem_shared>>
      tpu.enqueue_indirect_dma source(%arg15 : memref<128xf32, #tpu.memory_space<vmem>>) target(%dma_start3A_493 : memref<1296384xf32, #tpu.memory_space<vmem_shared>>) offsets(%arg13 : memref<128xi32, #tpu.memory_space<vmem>>) semaphore(%arg27 : memref<!tpu.dma_semaphore, #tpu.memory_space<semaphore_mem>>) {add = true}
      %lt3A_494 = arith.constant 156 : i32
      %lt3A_495 = arith.cmpi slt, %add3A_118, %lt3A_494 : i32
      %convert_element_type3A_496 = arith.extui %lt3A_495 : i1 to i32
      %cond3A_497 = arith.constant 0 : i32
      %cond3A_498 = arith.cmpi ne, %convert_element_type3A_496, %cond3A_497 : i32
      scf.if %cond3A_498 {
        %add3A_1684 = arith.addi %mul3A_0, %add3A_118 : i32
        %add3A_1685 = arith.constant 4 : i32
        %add3A_1686 = arith.addi %add3A_1684, %add3A_1685 : i32
        %dma_start3A_1687 = arith.constant 0 : i32
        %dma_start3A_1688 = arith.constant 0 : i32
        %dma_start3A_1689 = tpu.memref_slice %arg2[%add3A_1686, %dma_start3A_1687, %dma_start3A_1688] : memref<2560x2x128xi32, #tpu.memory_space<hbm>> -> memref<1x2x128xi32, #tpu.memory_space<hbm>>
        %dma_start3A_1690 = tpu.memref_squeeze %dma_start3A_1689 : memref<1x2x128xi32, #tpu.memory_space<hbm>> -> memref<2x128xi32, #tpu.memory_space<hbm>>
        %dma_start3A_1691 = arith.constant 0 : i32
        %dma_start3A_1692 = arith.constant 0 : i32
        %dma_start3A_1693 = tpu.memref_slice %arg2[%add3A_1686, %dma_start3A_1691, %dma_start3A_1692] : memref<2560x2x128xi32, #tpu.memory_space<hbm>> -> memref<1x2x128xi32, #tpu.memory_space<hbm>>
        %dma_start3A_1694 = tpu.memref_squeeze %dma_start3A_1693 : memref<1x2x128xi32, #tpu.memory_space<hbm>> -> memref<2x128xi32, #tpu.memory_space<hbm>>
        tpu.enqueue_dma source(%dma_start3A_1694 : memref<2x128xi32, #tpu.memory_space<hbm>>) target(%arg5 : memref<2x128xi32, #tpu.memory_space<vmem>>) target_semaphore(%arg19 : memref<!tpu.dma_semaphore, #tpu.memory_space<semaphore_mem>>)
      } else {
      }
      %mul3A_499 = arith.constant 4 : i32
      %mul3A_500 = arith.muli %mul3A_499, %scan3A_114 : i32
      %add3A_501 = arith.constant 1 : i32
      %add3A_502 = arith.addi %mul3A_500, %add3A_501 : i32
      %dma_wait3A_503 = arith.constant 0 : i32
      %dma_wait3A_504 = arith.constant 0 : i32
      %dma_wait3A_505 = tpu.memref_slice %arg6[%dma_wait3A_503, %dma_wait3A_504] : memref<2x128xi32, #tpu.memory_space<vmem>> -> memref<1x128xi32, #tpu.memory_space<vmem>>
      %dma_wait3A_506 = tpu.memref_squeeze %dma_wait3A_505 : memref<1x128xi32, #tpu.memory_space<vmem>> -> memref<128xi32, #tpu.memory_space<vmem>>
      %dma_wait3A_507 = arith.constant 0 : i32
      %dma_wait3A_508 = tpu.memref_slice %arg3[%dma_wait3A_507] : memref<10000xi32, #tpu.memory_space<hbm>> -> memref<10000xi32, #tpu.memory_space<hbm>>
      tpu.wait_indirect_dma semaphore(%arg24 : memref<!tpu.dma_semaphore, #tpu.memory_space<semaphore_mem>>) src(%dma_wait3A_508 : memref<10000xi32, #tpu.memory_space<hbm>>) dst(%arg10 : memref<128xi32, #tpu.memory_space<vmem>>)
      %lt3A_509 = arith.constant 158 : i32
      %lt3A_510 = arith.cmpi slt, %add3A_502, %lt3A_509 : i32
      %convert_element_type3A_511 = arith.extui %lt3A_510 : i1 to i32
      %cond3A_512 = arith.constant 0 : i32
      %cond3A_513 = arith.cmpi ne, %convert_element_type3A_511, %cond3A_512 : i32
      scf.if %cond3A_513 {
        %add3A_1684 = arith.addi %mul3A_0, %add3A_502 : i32
        %add3A_1685 = arith.constant 2 : i32
        %add3A_1686 = arith.addi %add3A_1684, %add3A_1685 : i32
        %dma_wait3A_1687 = arith.constant 0 : i32
        %dma_wait3A_1688 = arith.constant 0 : i32
        %dma_wait3A_1689 = tpu.memref_slice %arg2[%add3A_1686, %dma_wait3A_1687, %dma_wait3A_1688] : memref<2560x2x128xi32, #tpu.memory_space<hbm>> -> memref<1x2x128xi32, #tpu.memory_space<hbm>>
        %dma_wait3A_1690 = tpu.memref_squeeze %dma_wait3A_1689 : memref<1x2x128xi32, #tpu.memory_space<hbm>> -> memref<2x128xi32, #tpu.memory_space<hbm>>
        %dma_wait3A_1691 = arith.constant 0 : i32
        %dma_wait3A_1692 = arith.constant 0 : i32
        %dma_wait3A_1693 = tpu.memref_slice %arg2[%add3A_1686, %dma_wait3A_1691, %dma_wait3A_1692] : memref<2560x2x128xi32, #tpu.memory_space<hbm>> -> memref<1x2x128xi32, #tpu.memory_space<hbm>>
        %dma_wait3A_1694 = tpu.memref_squeeze %dma_wait3A_1693 : memref<1x2x128xi32, #tpu.memory_space<hbm>> -> memref<2x128xi32, #tpu.memory_space<hbm>>
        tpu.wait_dma2 semaphore(%arg22 : memref<!tpu.dma_semaphore, #tpu.memory_space<semaphore_mem>>) src(%dma_wait3A_1694 : memref<2x128xi32, #tpu.memory_space<hbm>>) dst(%arg8 : memref<2x128xi32, #tpu.memory_space<vmem>>)
        %dma_start3A_1695 = arith.constant 0 : i32
        %dma_start3A_1696 = arith.constant 0 : i32
        %dma_start3A_1697 = tpu.memref_slice %arg8[%dma_start3A_1695, %dma_start3A_1696] : memref<2x128xi32, #tpu.memory_space<vmem>> -> memref<1x128xi32, #tpu.memory_space<vmem>>
        %dma_start3A_1698 = tpu.memref_squeeze %dma_start3A_1697 : memref<1x128xi32, #tpu.memory_space<vmem>> -> memref<128xi32, #tpu.memory_space<vmem>>
        %dma_start3A_1699 = arith.constant 0 : i32
        %dma_start3A_1700 = tpu.memref_slice %arg3[%dma_start3A_1699] : memref<10000xi32, #tpu.memory_space<hbm>> -> memref<10000xi32, #tpu.memory_space<hbm>>
        tpu.enqueue_indirect_dma source(%dma_start3A_1700 : memref<10000xi32, #tpu.memory_space<hbm>>) target(%arg12 : memref<128xi32, #tpu.memory_space<vmem>>) offsets(%dma_start3A_1698 : memref<128xi32, #tpu.memory_space<vmem>>) semaphore(%arg26 : memref<!tpu.dma_semaphore, #tpu.memory_space<semaphore_mem>>)
      } else {
      }
      %ge3A_514 = arith.constant 2 : i32
      %ge3A_515 = arith.cmpi sge, %add3A_502, %ge3A_514 : i32
      %convert_element_type3A_516 = arith.extui %ge3A_515 : i1 to i32
      %cond3A_517 = arith.constant 0 : i32
      %cond3A_518 = arith.cmpi ne, %convert_element_type3A_516, %cond3A_517 : i32
      scf.if %cond3A_518 {
        %dma_wait3A_1684 = arith.constant 0 : i32
        %dma_wait3A_1685 = tpu.memref_slice %arg18[%dma_wait3A_1684] : memref<1296384xf32, #tpu.memory_space<vmem_shared>> -> memref<1296384xf32, #tpu.memory_space<vmem_shared>>
        tpu.wait_indirect_dma semaphore(%arg28 : memref<!tpu.dma_semaphore, #tpu.memory_space<semaphore_mem>>) src(%arg16 : memref<128xf32, #tpu.memory_space<vmem>>) dst(%dma_wait3A_1685 : memref<1296384xf32, #tpu.memory_space<vmem_shared>>)
      } else {
      }
      %get3A_519 = arith.constant 1 : i32
      %get3A_520 = arith.index_cast %get3A_519 : i32 to index
      %get3A_521 = arith.constant 0 : index
      %get3A_522 = tpu.vector_load %arg6[%get3A_520, %get3A_521] {strides = array<i32>} : memref<2x128xi32, #tpu.memory_space<vmem>>, vector<1x16xi32>,
      %get3A_523 = vector.shape_cast %get3A_522 : vector<1x16xi32> to vector<16xi32>
      %get3A_524 = arith.constant 0 : index
      %get3A_525 = tpu.vector_load %arg10[%get3A_524] {strides = array<i32>} : memref<128xi32, #tpu.memory_space<vmem>>, vector<16xi32>,
      %get3A_526 = vector.shape_cast %get3A_525 : vector<16xi32> to vector<16xi32>
      %shift_right_logical3A_527 = arith.constant 23 : i32
      %shift_right_logical3A_528 = vector.broadcast %shift_right_logical3A_527 : i32 to vector<16xi32>
      %shift_right_logical3A_529 = arith.shrui %get3A_526, %shift_right_logical3A_528 : vector<16xi32>
      %and3A_530 = arith.constant 8388607 : i32
      %and3A_531 = vector.broadcast %and3A_530 : i32 to vector<16xi32>
      %and3A_532 = arith.andi %get3A_526, %and3A_531 : vector<16xi32>
      %convert_element_type3A_533 = arith.sitofp %and3A_532 : vector<16xi32> to vector<16xf32>
      %mul3A_534 = arith.constant 2.38418579E-7 : f32
      %mul3A_535 = vector.broadcast %mul3A_534 : f32 to vector<16xf32>
      %mul3A_536 = arith.mulf %convert_element_type3A_533, %mul3A_535 : vector<16xf32>
      %sub3A_537 = vector.broadcast %mul3A_68 : i32 to vector<16xi32>
      %sub3A_538 = arith.subi %get3A_523, %sub3A_537 : vector<16xi32>
      %ge3A_539 = arith.constant 0 : i32
      %ge3A_540 = vector.broadcast %ge3A_539 : i32 to vector<16xi32>
      %ge3A_541 = arith.cmpi sge, %sub3A_538, %ge3A_540 : vector<16xi32>
      %lt3A_542 = arith.constant 5056 : i32
      %lt3A_543 = vector.broadcast %lt3A_542 : i32 to vector<16xi32>
      %lt3A_544 = arith.cmpi slt, %sub3A_538, %lt3A_543 : vector<16xi32>
      %and3A_545 = arith.andi %ge3A_541, %lt3A_544 : vector<16xi1>
      %jit3A_546 = arith.constant 0.000000e+00 : f32
      %broadcast_in_dim3A_547 = vector.broadcast %jit3A_546 : f32 to vector<16xf32>
      %select_n3A_548 = arith.select %and3A_545, %mul3A_536, %broadcast_in_dim3A_547 : vector<16xi1>, vector<16xf32>
      %mul3A_549 = arith.constant 256 : i32
      %mul3A_550 = vector.broadcast %mul3A_549 : i32 to vector<16xi32>
      %mul3A_551 = arith.muli %sub3A_538, %mul3A_550 : vector<16xi32>
      %add3A_552 = arith.addi %mul3A_551, %shift_right_logical3A_529 : vector<16xi32>
      %add3A_553 = arith.constant 1294336 : i32
      %add3A_554 = vector.broadcast %add3A_553 : i32 to vector<16xi32>
      %add3A_555 = arith.addi %add3A_554, %iota3A : vector<16xi32>
      %select_n3A_556 = arith.select %and3A_545, %add3A_552, %add3A_555 : vector<16xi1>, vector<16xi32>
      %swap3A_557 = arith.constant 0 : index
      %swap3A_558 = tpu.vector_load %arg14[%swap3A_557] {strides = array<i32>} : memref<128xi32, #tpu.memory_space<vmem>>, vector<16xi32>,
      %swap3A_559 = vector.shape_cast %swap3A_558 : vector<16xi32> to vector<16xi32>
      %swap3A_560 = vector.shape_cast %select_n3A_556 : vector<16xi32> to vector<16xi32>
      tpu.vector_store %arg14[%swap3A_557], %swap3A_560 {strides = array<i32>} : memref<128xi32, #tpu.memory_space<vmem>>, vector<16xi32>,
      %swap3A_561 = arith.constant 0 : index
      %swap3A_562 = tpu.vector_load %arg16[%swap3A_561] {strides = array<i32>} : memref<128xf32, #tpu.memory_space<vmem>>, vector<16xf32>,
      %swap3A_563 = vector.shape_cast %swap3A_562 : vector<16xf32> to vector<16xf32>
      %swap3A_564 = vector.shape_cast %select_n3A_548 : vector<16xf32> to vector<16xf32>
      tpu.vector_store %arg16[%swap3A_561], %swap3A_564 {strides = array<i32>} : memref<128xf32, #tpu.memory_space<vmem>>, vector<16xf32>,
      %get3A_565 = arith.constant 1 : i32
      %get3A_566 = arith.index_cast %get3A_565 : i32 to index
      %get3A_567 = arith.constant 16 : index
      %get3A_568 = tpu.vector_load %arg6[%get3A_566, %get3A_567] {strides = array<i32>} : memref<2x128xi32, #tpu.memory_space<vmem>>, vector<1x16xi32>,
      %get3A_569 = vector.shape_cast %get3A_568 : vector<1x16xi32> to vector<16xi32>
      %get3A_570 = arith.constant 16 : index
      %get3A_571 = tpu.vector_load %arg10[%get3A_570] {strides = array<i32>} : memref<128xi32, #tpu.memory_space<vmem>>, vector<16xi32>,
      %get3A_572 = vector.shape_cast %get3A_571 : vector<16xi32> to vector<16xi32>
      %shift_right_logical3A_573 = arith.constant 23 : i32
      %shift_right_logical3A_574 = vector.broadcast %shift_right_logical3A_573 : i32 to vector<16xi32>
      %shift_right_logical3A_575 = arith.shrui %get3A_572, %shift_right_logical3A_574 : vector<16xi32>
      %and3A_576 = arith.constant 8388607 : i32
      %and3A_577 = vector.broadcast %and3A_576 : i32 to vector<16xi32>
      %and3A_578 = arith.andi %get3A_572, %and3A_577 : vector<16xi32>
      %convert_element_type3A_579 = arith.sitofp %and3A_578 : vector<16xi32> to vector<16xf32>
      %mul3A_580 = arith.constant 2.38418579E-7 : f32
      %mul3A_581 = vector.broadcast %mul3A_580 : f32 to vector<16xf32>
      %mul3A_582 = arith.mulf %convert_element_type3A_579, %mul3A_581 : vector<16xf32>
      %sub3A_583 = vector.broadcast %mul3A_68 : i32 to vector<16xi32>
      %sub3A_584 = arith.subi %get3A_569, %sub3A_583 : vector<16xi32>
      %ge3A_585 = arith.constant 0 : i32
      %ge3A_586 = vector.broadcast %ge3A_585 : i32 to vector<16xi32>
      %ge3A_587 = arith.cmpi sge, %sub3A_584, %ge3A_586 : vector<16xi32>
      %lt3A_588 = arith.constant 5056 : i32
      %lt3A_589 = vector.broadcast %lt3A_588 : i32 to vector<16xi32>
      %lt3A_590 = arith.cmpi slt, %sub3A_584, %lt3A_589 : vector<16xi32>
      %and3A_591 = arith.andi %ge3A_587, %lt3A_590 : vector<16xi1>
      %jit3A_592 = arith.constant 0.000000e+00 : f32
      %broadcast_in_dim3A_593 = vector.broadcast %jit3A_592 : f32 to vector<16xf32>
      %select_n3A_594 = arith.select %and3A_591, %mul3A_582, %broadcast_in_dim3A_593 : vector<16xi1>, vector<16xf32>
      %mul3A_595 = arith.constant 256 : i32
      %mul3A_596 = vector.broadcast %mul3A_595 : i32 to vector<16xi32>
      %mul3A_597 = arith.muli %sub3A_584, %mul3A_596 : vector<16xi32>
      %add3A_598 = arith.addi %mul3A_597, %shift_right_logical3A_575 : vector<16xi32>
      %add3A_599 = arith.constant 1294352 : i32
      %add3A_600 = vector.broadcast %add3A_599 : i32 to vector<16xi32>
      %add3A_601 = arith.addi %add3A_600, %iota3A : vector<16xi32>
      %select_n3A_602 = arith.select %and3A_591, %add3A_598, %add3A_601 : vector<16xi1>, vector<16xi32>
      %swap3A_603 = arith.constant 16 : index
      %swap3A_604 = tpu.vector_load %arg14[%swap3A_603] {strides = array<i32>} : memref<128xi32, #tpu.memory_space<vmem>>, vector<16xi32>,
      %swap3A_605 = vector.shape_cast %swap3A_604 : vector<16xi32> to vector<16xi32>
      %swap3A_606 = vector.shape_cast %select_n3A_602 : vector<16xi32> to vector<16xi32>
      tpu.vector_store %arg14[%swap3A_603], %swap3A_606 {strides = array<i32>} : memref<128xi32, #tpu.memory_space<vmem>>, vector<16xi32>,
      %swap3A_607 = arith.constant 16 : index
      %swap3A_608 = tpu.vector_load %arg16[%swap3A_607] {strides = array<i32>} : memref<128xf32, #tpu.memory_space<vmem>>, vector<16xf32>,
      %swap3A_609 = vector.shape_cast %swap3A_608 : vector<16xf32> to vector<16xf32>
      %swap3A_610 = vector.shape_cast %select_n3A_594 : vector<16xf32> to vector<16xf32>
      tpu.vector_store %arg16[%swap3A_607], %swap3A_610 {strides = array<i32>} : memref<128xf32, #tpu.memory_space<vmem>>, vector<16xf32>,
      %get3A_611 = arith.constant 1 : i32
      %get3A_612 = arith.index_cast %get3A_611 : i32 to index
      %get3A_613 = arith.constant 32 : index
      %get3A_614 = tpu.vector_load %arg6[%get3A_612, %get3A_613] {strides = array<i32>} : memref<2x128xi32, #tpu.memory_space<vmem>>, vector<1x16xi32>,
      %get3A_615 = vector.shape_cast %get3A_614 : vector<1x16xi32> to vector<16xi32>
      %get3A_616 = arith.constant 32 : index
      %get3A_617 = tpu.vector_load %arg10[%get3A_616] {strides = array<i32>} : memref<128xi32, #tpu.memory_space<vmem>>, vector<16xi32>,
      %get3A_618 = vector.shape_cast %get3A_617 : vector<16xi32> to vector<16xi32>
      %shift_right_logical3A_619 = arith.constant 23 : i32
      %shift_right_logical3A_620 = vector.broadcast %shift_right_logical3A_619 : i32 to vector<16xi32>
      %shift_right_logical3A_621 = arith.shrui %get3A_618, %shift_right_logical3A_620 : vector<16xi32>
      %and3A_622 = arith.constant 8388607 : i32
      %and3A_623 = vector.broadcast %and3A_622 : i32 to vector<16xi32>
      %and3A_624 = arith.andi %get3A_618, %and3A_623 : vector<16xi32>
      %convert_element_type3A_625 = arith.sitofp %and3A_624 : vector<16xi32> to vector<16xf32>
      %mul3A_626 = arith.constant 2.38418579E-7 : f32
      %mul3A_627 = vector.broadcast %mul3A_626 : f32 to vector<16xf32>
      %mul3A_628 = arith.mulf %convert_element_type3A_625, %mul3A_627 : vector<16xf32>
      %sub3A_629 = vector.broadcast %mul3A_68 : i32 to vector<16xi32>
      %sub3A_630 = arith.subi %get3A_615, %sub3A_629 : vector<16xi32>
      %ge3A_631 = arith.constant 0 : i32
      %ge3A_632 = vector.broadcast %ge3A_631 : i32 to vector<16xi32>
      %ge3A_633 = arith.cmpi sge, %sub3A_630, %ge3A_632 : vector<16xi32>
      %lt3A_634 = arith.constant 5056 : i32
      %lt3A_635 = vector.broadcast %lt3A_634 : i32 to vector<16xi32>
      %lt3A_636 = arith.cmpi slt, %sub3A_630, %lt3A_635 : vector<16xi32>
      %and3A_637 = arith.andi %ge3A_633, %lt3A_636 : vector<16xi1>
      %jit3A_638 = arith.constant 0.000000e+00 : f32
      %broadcast_in_dim3A_639 = vector.broadcast %jit3A_638 : f32 to vector<16xf32>
      %select_n3A_640 = arith.select %and3A_637, %mul3A_628, %broadcast_in_dim3A_639 : vector<16xi1>, vector<16xf32>
      %mul3A_641 = arith.constant 256 : i32
      %mul3A_642 = vector.broadcast %mul3A_641 : i32 to vector<16xi32>
      %mul3A_643 = arith.muli %sub3A_630, %mul3A_642 : vector<16xi32>
      %add3A_644 = arith.addi %mul3A_643, %shift_right_logical3A_621 : vector<16xi32>
      %add3A_645 = arith.constant 1294368 : i32
      %add3A_646 = vector.broadcast %add3A_645 : i32 to vector<16xi32>
      %add3A_647 = arith.addi %add3A_646, %iota3A : vector<16xi32>
      %select_n3A_648 = arith.select %and3A_637, %add3A_644, %add3A_647 : vector<16xi1>, vector<16xi32>
      %swap3A_649 = arith.constant 32 : index
      %swap3A_650 = tpu.vector_load %arg14[%swap3A_649] {strides = array<i32>} : memref<128xi32, #tpu.memory_space<vmem>>, vector<16xi32>,
      %swap3A_651 = vector.shape_cast %swap3A_650 : vector<16xi32> to vector<16xi32>
      %swap3A_652 = vector.shape_cast %select_n3A_648 : vector<16xi32> to vector<16xi32>
      tpu.vector_store %arg14[%swap3A_649], %swap3A_652 {strides = array<i32>} : memref<128xi32, #tpu.memory_space<vmem>>, vector<16xi32>,
      %swap3A_653 = arith.constant 32 : index
      %swap3A_654 = tpu.vector_load %arg16[%swap3A_653] {strides = array<i32>} : memref<128xf32, #tpu.memory_space<vmem>>, vector<16xf32>,
      %swap3A_655 = vector.shape_cast %swap3A_654 : vector<16xf32> to vector<16xf32>
      %swap3A_656 = vector.shape_cast %select_n3A_640 : vector<16xf32> to vector<16xf32>
      tpu.vector_store %arg16[%swap3A_653], %swap3A_656 {strides = array<i32>} : memref<128xf32, #tpu.memory_space<vmem>>, vector<16xf32>,
      %get3A_657 = arith.constant 1 : i32
      %get3A_658 = arith.index_cast %get3A_657 : i32 to index
      %get3A_659 = arith.constant 48 : index
      %get3A_660 = tpu.vector_load %arg6[%get3A_658, %get3A_659] {strides = array<i32>} : memref<2x128xi32, #tpu.memory_space<vmem>>, vector<1x16xi32>,
      %get3A_661 = vector.shape_cast %get3A_660 : vector<1x16xi32> to vector<16xi32>
      %get3A_662 = arith.constant 48 : index
      %get3A_663 = tpu.vector_load %arg10[%get3A_662] {strides = array<i32>} : memref<128xi32, #tpu.memory_space<vmem>>, vector<16xi32>,
      %get3A_664 = vector.shape_cast %get3A_663 : vector<16xi32> to vector<16xi32>
      %shift_right_logical3A_665 = arith.constant 23 : i32
      %shift_right_logical3A_666 = vector.broadcast %shift_right_logical3A_665 : i32 to vector<16xi32>
      %shift_right_logical3A_667 = arith.shrui %get3A_664, %shift_right_logical3A_666 : vector<16xi32>
      %and3A_668 = arith.constant 8388607 : i32
      %and3A_669 = vector.broadcast %and3A_668 : i32 to vector<16xi32>
      %and3A_670 = arith.andi %get3A_664, %and3A_669 : vector<16xi32>
      %convert_element_type3A_671 = arith.sitofp %and3A_670 : vector<16xi32> to vector<16xf32>
      %mul3A_672 = arith.constant 2.38418579E-7 : f32
      %mul3A_673 = vector.broadcast %mul3A_672 : f32 to vector<16xf32>
      %mul3A_674 = arith.mulf %convert_element_type3A_671, %mul3A_673 : vector<16xf32>
      %sub3A_675 = vector.broadcast %mul3A_68 : i32 to vector<16xi32>
      %sub3A_676 = arith.subi %get3A_661, %sub3A_675 : vector<16xi32>
      %ge3A_677 = arith.constant 0 : i32
      %ge3A_678 = vector.broadcast %ge3A_677 : i32 to vector<16xi32>
      %ge3A_679 = arith.cmpi sge, %sub3A_676, %ge3A_678 : vector<16xi32>
      %lt3A_680 = arith.constant 5056 : i32
      %lt3A_681 = vector.broadcast %lt3A_680 : i32 to vector<16xi32>
      %lt3A_682 = arith.cmpi slt, %sub3A_676, %lt3A_681 : vector<16xi32>
      %and3A_683 = arith.andi %ge3A_679, %lt3A_682 : vector<16xi1>
      %jit3A_684 = arith.constant 0.000000e+00 : f32
      %broadcast_in_dim3A_685 = vector.broadcast %jit3A_684 : f32 to vector<16xf32>
      %select_n3A_686 = arith.select %and3A_683, %mul3A_674, %broadcast_in_dim3A_685 : vector<16xi1>, vector<16xf32>
      %mul3A_687 = arith.constant 256 : i32
      %mul3A_688 = vector.broadcast %mul3A_687 : i32 to vector<16xi32>
      %mul3A_689 = arith.muli %sub3A_676, %mul3A_688 : vector<16xi32>
      %add3A_690 = arith.addi %mul3A_689, %shift_right_logical3A_667 : vector<16xi32>
      %add3A_691 = arith.constant 1294384 : i32
      %add3A_692 = vector.broadcast %add3A_691 : i32 to vector<16xi32>
      %add3A_693 = arith.addi %add3A_692, %iota3A : vector<16xi32>
      %select_n3A_694 = arith.select %and3A_683, %add3A_690, %add3A_693 : vector<16xi1>, vector<16xi32>
      %swap3A_695 = arith.constant 48 : index
      %swap3A_696 = tpu.vector_load %arg14[%swap3A_695] {strides = array<i32>} : memref<128xi32, #tpu.memory_space<vmem>>, vector<16xi32>,
      %swap3A_697 = vector.shape_cast %swap3A_696 : vector<16xi32> to vector<16xi32>
      %swap3A_698 = vector.shape_cast %select_n3A_694 : vector<16xi32> to vector<16xi32>
      tpu.vector_store %arg14[%swap3A_695], %swap3A_698 {strides = array<i32>} : memref<128xi32, #tpu.memory_space<vmem>>, vector<16xi32>,
      %swap3A_699 = arith.constant 48 : index
      %swap3A_700 = tpu.vector_load %arg16[%swap3A_699] {strides = array<i32>} : memref<128xf32, #tpu.memory_space<vmem>>, vector<16xf32>,
      %swap3A_701 = vector.shape_cast %swap3A_700 : vector<16xf32> to vector<16xf32>
      %swap3A_702 = vector.shape_cast %select_n3A_686 : vector<16xf32> to vector<16xf32>
      tpu.vector_store %arg16[%swap3A_699], %swap3A_702 {strides = array<i32>} : memref<128xf32, #tpu.memory_space<vmem>>, vector<16xf32>,
      %get3A_703 = arith.constant 1 : i32
      %get3A_704 = arith.index_cast %get3A_703 : i32 to index
      %get3A_705 = arith.constant 64 : index
      %get3A_706 = tpu.vector_load %arg6[%get3A_704, %get3A_705] {strides = array<i32>} : memref<2x128xi32, #tpu.memory_space<vmem>>, vector<1x16xi32>,
      %get3A_707 = vector.shape_cast %get3A_706 : vector<1x16xi32> to vector<16xi32>
      %get3A_708 = arith.constant 64 : index
      %get3A_709 = tpu.vector_load %arg10[%get3A_708] {strides = array<i32>} : memref<128xi32, #tpu.memory_space<vmem>>, vector<16xi32>,
      %get3A_710 = vector.shape_cast %get3A_709 : vector<16xi32> to vector<16xi32>
      %shift_right_logical3A_711 = arith.constant 23 : i32
      %shift_right_logical3A_712 = vector.broadcast %shift_right_logical3A_711 : i32 to vector<16xi32>
      %shift_right_logical3A_713 = arith.shrui %get3A_710, %shift_right_logical3A_712 : vector<16xi32>
      %and3A_714 = arith.constant 8388607 : i32
      %and3A_715 = vector.broadcast %and3A_714 : i32 to vector<16xi32>
      %and3A_716 = arith.andi %get3A_710, %and3A_715 : vector<16xi32>
      %convert_element_type3A_717 = arith.sitofp %and3A_716 : vector<16xi32> to vector<16xf32>
      %mul3A_718 = arith.constant 2.38418579E-7 : f32
      %mul3A_719 = vector.broadcast %mul3A_718 : f32 to vector<16xf32>
      %mul3A_720 = arith.mulf %convert_element_type3A_717, %mul3A_719 : vector<16xf32>
      %sub3A_721 = vector.broadcast %mul3A_68 : i32 to vector<16xi32>
      %sub3A_722 = arith.subi %get3A_707, %sub3A_721 : vector<16xi32>
      %ge3A_723 = arith.constant 0 : i32
      %ge3A_724 = vector.broadcast %ge3A_723 : i32 to vector<16xi32>
      %ge3A_725 = arith.cmpi sge, %sub3A_722, %ge3A_724 : vector<16xi32>
      %lt3A_726 = arith.constant 5056 : i32
      %lt3A_727 = vector.broadcast %lt3A_726 : i32 to vector<16xi32>
      %lt3A_728 = arith.cmpi slt, %sub3A_722, %lt3A_727 : vector<16xi32>
      %and3A_729 = arith.andi %ge3A_725, %lt3A_728 : vector<16xi1>
      %jit3A_730 = arith.constant 0.000000e+00 : f32
      %broadcast_in_dim3A_731 = vector.broadcast %jit3A_730 : f32 to vector<16xf32>
      %select_n3A_732 = arith.select %and3A_729, %mul3A_720, %broadcast_in_dim3A_731 : vector<16xi1>, vector<16xf32>
      %mul3A_733 = arith.constant 256 : i32
      %mul3A_734 = vector.broadcast %mul3A_733 : i32 to vector<16xi32>
      %mul3A_735 = arith.muli %sub3A_722, %mul3A_734 : vector<16xi32>
      %add3A_736 = arith.addi %mul3A_735, %shift_right_logical3A_713 : vector<16xi32>
      %add3A_737 = arith.constant 1294400 : i32
      %add3A_738 = vector.broadcast %add3A_737 : i32 to vector<16xi32>
      %add3A_739 = arith.addi %add3A_738, %iota3A : vector<16xi32>
      %select_n3A_740 = arith.select %and3A_729, %add3A_736, %add3A_739 : vector<16xi1>, vector<16xi32>
      %swap3A_741 = arith.constant 64 : index
      %swap3A_742 = tpu.vector_load %arg14[%swap3A_741] {strides = array<i32>} : memref<128xi32, #tpu.memory_space<vmem>>, vector<16xi32>,
      %swap3A_743 = vector.shape_cast %swap3A_742 : vector<16xi32> to vector<16xi32>
      %swap3A_744 = vector.shape_cast %select_n3A_740 : vector<16xi32> to vector<16xi32>
      tpu.vector_store %arg14[%swap3A_741], %swap3A_744 {strides = array<i32>} : memref<128xi32, #tpu.memory_space<vmem>>, vector<16xi32>,
      %swap3A_745 = arith.constant 64 : index
      %swap3A_746 = tpu.vector_load %arg16[%swap3A_745] {strides = array<i32>} : memref<128xf32, #tpu.memory_space<vmem>>, vector<16xf32>,
      %swap3A_747 = vector.shape_cast %swap3A_746 : vector<16xf32> to vector<16xf32>
      %swap3A_748 = vector.shape_cast %select_n3A_732 : vector<16xf32> to vector<16xf32>
      tpu.vector_store %arg16[%swap3A_745], %swap3A_748 {strides = array<i32>} : memref<128xf32, #tpu.memory_space<vmem>>, vector<16xf32>,
      %get3A_749 = arith.constant 1 : i32
      %get3A_750 = arith.index_cast %get3A_749 : i32 to index
      %get3A_751 = arith.constant 80 : index
      %get3A_752 = tpu.vector_load %arg6[%get3A_750, %get3A_751] {strides = array<i32>} : memref<2x128xi32, #tpu.memory_space<vmem>>, vector<1x16xi32>,
      %get3A_753 = vector.shape_cast %get3A_752 : vector<1x16xi32> to vector<16xi32>
      %get3A_754 = arith.constant 80 : index
      %get3A_755 = tpu.vector_load %arg10[%get3A_754] {strides = array<i32>} : memref<128xi32, #tpu.memory_space<vmem>>, vector<16xi32>,
      %get3A_756 = vector.shape_cast %get3A_755 : vector<16xi32> to vector<16xi32>
      %shift_right_logical3A_757 = arith.constant 23 : i32
      %shift_right_logical3A_758 = vector.broadcast %shift_right_logical3A_757 : i32 to vector<16xi32>
      %shift_right_logical3A_759 = arith.shrui %get3A_756, %shift_right_logical3A_758 : vector<16xi32>
      %and3A_760 = arith.constant 8388607 : i32
      %and3A_761 = vector.broadcast %and3A_760 : i32 to vector<16xi32>
      %and3A_762 = arith.andi %get3A_756, %and3A_761 : vector<16xi32>
      %convert_element_type3A_763 = arith.sitofp %and3A_762 : vector<16xi32> to vector<16xf32>
      %mul3A_764 = arith.constant 2.38418579E-7 : f32
      %mul3A_765 = vector.broadcast %mul3A_764 : f32 to vector<16xf32>
      %mul3A_766 = arith.mulf %convert_element_type3A_763, %mul3A_765 : vector<16xf32>
      %sub3A_767 = vector.broadcast %mul3A_68 : i32 to vector<16xi32>
      %sub3A_768 = arith.subi %get3A_753, %sub3A_767 : vector<16xi32>
      %ge3A_769 = arith.constant 0 : i32
      %ge3A_770 = vector.broadcast %ge3A_769 : i32 to vector<16xi32>
      %ge3A_771 = arith.cmpi sge, %sub3A_768, %ge3A_770 : vector<16xi32>
      %lt3A_772 = arith.constant 5056 : i32
      %lt3A_773 = vector.broadcast %lt3A_772 : i32 to vector<16xi32>
      %lt3A_774 = arith.cmpi slt, %sub3A_768, %lt3A_773 : vector<16xi32>
      %and3A_775 = arith.andi %ge3A_771, %lt3A_774 : vector<16xi1>
      %jit3A_776 = arith.constant 0.000000e+00 : f32
      %broadcast_in_dim3A_777 = vector.broadcast %jit3A_776 : f32 to vector<16xf32>
      %select_n3A_778 = arith.select %and3A_775, %mul3A_766, %broadcast_in_dim3A_777 : vector<16xi1>, vector<16xf32>
      %mul3A_779 = arith.constant 256 : i32
      %mul3A_780 = vector.broadcast %mul3A_779 : i32 to vector<16xi32>
      %mul3A_781 = arith.muli %sub3A_768, %mul3A_780 : vector<16xi32>
      %add3A_782 = arith.addi %mul3A_781, %shift_right_logical3A_759 : vector<16xi32>
      %add3A_783 = arith.constant 1294416 : i32
      %add3A_784 = vector.broadcast %add3A_783 : i32 to vector<16xi32>
      %add3A_785 = arith.addi %add3A_784, %iota3A : vector<16xi32>
      %select_n3A_786 = arith.select %and3A_775, %add3A_782, %add3A_785 : vector<16xi1>, vector<16xi32>
      %swap3A_787 = arith.constant 80 : index
      %swap3A_788 = tpu.vector_load %arg14[%swap3A_787] {strides = array<i32>} : memref<128xi32, #tpu.memory_space<vmem>>, vector<16xi32>,
      %swap3A_789 = vector.shape_cast %swap3A_788 : vector<16xi32> to vector<16xi32>
      %swap3A_790 = vector.shape_cast %select_n3A_786 : vector<16xi32> to vector<16xi32>
      tpu.vector_store %arg14[%swap3A_787], %swap3A_790 {strides = array<i32>} : memref<128xi32, #tpu.memory_space<vmem>>, vector<16xi32>,
      %swap3A_791 = arith.constant 80 : index
      %swap3A_792 = tpu.vector_load %arg16[%swap3A_791] {strides = array<i32>} : memref<128xf32, #tpu.memory_space<vmem>>, vector<16xf32>,
      %swap3A_793 = vector.shape_cast %swap3A_792 : vector<16xf32> to vector<16xf32>
      %swap3A_794 = vector.shape_cast %select_n3A_778 : vector<16xf32> to vector<16xf32>
      tpu.vector_store %arg16[%swap3A_791], %swap3A_794 {strides = array<i32>} : memref<128xf32, #tpu.memory_space<vmem>>, vector<16xf32>,
      %get3A_795 = arith.constant 1 : i32
      %get3A_796 = arith.index_cast %get3A_795 : i32 to index
      %get3A_797 = arith.constant 96 : index
      %get3A_798 = tpu.vector_load %arg6[%get3A_796, %get3A_797] {strides = array<i32>} : memref<2x128xi32, #tpu.memory_space<vmem>>, vector<1x16xi32>,
      %get3A_799 = vector.shape_cast %get3A_798 : vector<1x16xi32> to vector<16xi32>
      %get3A_800 = arith.constant 96 : index
      %get3A_801 = tpu.vector_load %arg10[%get3A_800] {strides = array<i32>} : memref<128xi32, #tpu.memory_space<vmem>>, vector<16xi32>,
      %get3A_802 = vector.shape_cast %get3A_801 : vector<16xi32> to vector<16xi32>
      %shift_right_logical3A_803 = arith.constant 23 : i32
      %shift_right_logical3A_804 = vector.broadcast %shift_right_logical3A_803 : i32 to vector<16xi32>
      %shift_right_logical3A_805 = arith.shrui %get3A_802, %shift_right_logical3A_804 : vector<16xi32>
      %and3A_806 = arith.constant 8388607 : i32
      %and3A_807 = vector.broadcast %and3A_806 : i32 to vector<16xi32>
      %and3A_808 = arith.andi %get3A_802, %and3A_807 : vector<16xi32>
      %convert_element_type3A_809 = arith.sitofp %and3A_808 : vector<16xi32> to vector<16xf32>
      %mul3A_810 = arith.constant 2.38418579E-7 : f32
      %mul3A_811 = vector.broadcast %mul3A_810 : f32 to vector<16xf32>
      %mul3A_812 = arith.mulf %convert_element_type3A_809, %mul3A_811 : vector<16xf32>
      %sub3A_813 = vector.broadcast %mul3A_68 : i32 to vector<16xi32>
      %sub3A_814 = arith.subi %get3A_799, %sub3A_813 : vector<16xi32>
      %ge3A_815 = arith.constant 0 : i32
      %ge3A_816 = vector.broadcast %ge3A_815 : i32 to vector<16xi32>
      %ge3A_817 = arith.cmpi sge, %sub3A_814, %ge3A_816 : vector<16xi32>
      %lt3A_818 = arith.constant 5056 : i32
      %lt3A_819 = vector.broadcast %lt3A_818 : i32 to vector<16xi32>
      %lt3A_820 = arith.cmpi slt, %sub3A_814, %lt3A_819 : vector<16xi32>
      %and3A_821 = arith.andi %ge3A_817, %lt3A_820 : vector<16xi1>
      %jit3A_822 = arith.constant 0.000000e+00 : f32
      %broadcast_in_dim3A_823 = vector.broadcast %jit3A_822 : f32 to vector<16xf32>
      %select_n3A_824 = arith.select %and3A_821, %mul3A_812, %broadcast_in_dim3A_823 : vector<16xi1>, vector<16xf32>
      %mul3A_825 = arith.constant 256 : i32
      %mul3A_826 = vector.broadcast %mul3A_825 : i32 to vector<16xi32>
      %mul3A_827 = arith.muli %sub3A_814, %mul3A_826 : vector<16xi32>
      %add3A_828 = arith.addi %mul3A_827, %shift_right_logical3A_805 : vector<16xi32>
      %add3A_829 = arith.constant 1294432 : i32
      %add3A_830 = vector.broadcast %add3A_829 : i32 to vector<16xi32>
      %add3A_831 = arith.addi %add3A_830, %iota3A : vector<16xi32>
      %select_n3A_832 = arith.select %and3A_821, %add3A_828, %add3A_831 : vector<16xi1>, vector<16xi32>
      %swap3A_833 = arith.constant 96 : index
      %swap3A_834 = tpu.vector_load %arg14[%swap3A_833] {strides = array<i32>} : memref<128xi32, #tpu.memory_space<vmem>>, vector<16xi32>,
      %swap3A_835 = vector.shape_cast %swap3A_834 : vector<16xi32> to vector<16xi32>
      %swap3A_836 = vector.shape_cast %select_n3A_832 : vector<16xi32> to vector<16xi32>
      tpu.vector_store %arg14[%swap3A_833], %swap3A_836 {strides = array<i32>} : memref<128xi32, #tpu.memory_space<vmem>>, vector<16xi32>,
      %swap3A_837 = arith.constant 96 : index
      %swap3A_838 = tpu.vector_load %arg16[%swap3A_837] {strides = array<i32>} : memref<128xf32, #tpu.memory_space<vmem>>, vector<16xf32>,
      %swap3A_839 = vector.shape_cast %swap3A_838 : vector<16xf32> to vector<16xf32>
      %swap3A_840 = vector.shape_cast %select_n3A_824 : vector<16xf32> to vector<16xf32>
      tpu.vector_store %arg16[%swap3A_837], %swap3A_840 {strides = array<i32>} : memref<128xf32, #tpu.memory_space<vmem>>, vector<16xf32>,
      %get3A_841 = arith.constant 1 : i32
      %get3A_842 = arith.index_cast %get3A_841 : i32 to index
      %get3A_843 = arith.constant 112 : index
      %get3A_844 = tpu.vector_load %arg6[%get3A_842, %get3A_843] {strides = array<i32>} : memref<2x128xi32, #tpu.memory_space<vmem>>, vector<1x16xi32>,
      %get3A_845 = vector.shape_cast %get3A_844 : vector<1x16xi32> to vector<16xi32>
      %get3A_846 = arith.constant 112 : index
      %get3A_847 = tpu.vector_load %arg10[%get3A_846] {strides = array<i32>} : memref<128xi32, #tpu.memory_space<vmem>>, vector<16xi32>,
      %get3A_848 = vector.shape_cast %get3A_847 : vector<16xi32> to vector<16xi32>
      %shift_right_logical3A_849 = arith.constant 23 : i32
      %shift_right_logical3A_850 = vector.broadcast %shift_right_logical3A_849 : i32 to vector<16xi32>
      %shift_right_logical3A_851 = arith.shrui %get3A_848, %shift_right_logical3A_850 : vector<16xi32>
      %and3A_852 = arith.constant 8388607 : i32
      %and3A_853 = vector.broadcast %and3A_852 : i32 to vector<16xi32>
      %and3A_854 = arith.andi %get3A_848, %and3A_853 : vector<16xi32>
      %convert_element_type3A_855 = arith.sitofp %and3A_854 : vector<16xi32> to vector<16xf32>
      %mul3A_856 = arith.constant 2.38418579E-7 : f32
      %mul3A_857 = vector.broadcast %mul3A_856 : f32 to vector<16xf32>
      %mul3A_858 = arith.mulf %convert_element_type3A_855, %mul3A_857 : vector<16xf32>
      %sub3A_859 = vector.broadcast %mul3A_68 : i32 to vector<16xi32>
      %sub3A_860 = arith.subi %get3A_845, %sub3A_859 : vector<16xi32>
      %ge3A_861 = arith.constant 0 : i32
      %ge3A_862 = vector.broadcast %ge3A_861 : i32 to vector<16xi32>
      %ge3A_863 = arith.cmpi sge, %sub3A_860, %ge3A_862 : vector<16xi32>
      %lt3A_864 = arith.constant 5056 : i32
      %lt3A_865 = vector.broadcast %lt3A_864 : i32 to vector<16xi32>
      %lt3A_866 = arith.cmpi slt, %sub3A_860, %lt3A_865 : vector<16xi32>
      %and3A_867 = arith.andi %ge3A_863, %lt3A_866 : vector<16xi1>
      %jit3A_868 = arith.constant 0.000000e+00 : f32
      %broadcast_in_dim3A_869 = vector.broadcast %jit3A_868 : f32 to vector<16xf32>
      %select_n3A_870 = arith.select %and3A_867, %mul3A_858, %broadcast_in_dim3A_869 : vector<16xi1>, vector<16xf32>
      %mul3A_871 = arith.constant 256 : i32
      %mul3A_872 = vector.broadcast %mul3A_871 : i32 to vector<16xi32>
      %mul3A_873 = arith.muli %sub3A_860, %mul3A_872 : vector<16xi32>
      %add3A_874 = arith.addi %mul3A_873, %shift_right_logical3A_851 : vector<16xi32>
      %add3A_875 = arith.constant 1294448 : i32
      %add3A_876 = vector.broadcast %add3A_875 : i32 to vector<16xi32>
      %add3A_877 = arith.addi %add3A_876, %iota3A : vector<16xi32>
      %select_n3A_878 = arith.select %and3A_867, %add3A_874, %add3A_877 : vector<16xi1>, vector<16xi32>
      %swap3A_879 = arith.constant 112 : index
      %swap3A_880 = tpu.vector_load %arg14[%swap3A_879] {strides = array<i32>} : memref<128xi32, #tpu.memory_space<vmem>>, vector<16xi32>,
      %swap3A_881 = vector.shape_cast %swap3A_880 : vector<16xi32> to vector<16xi32>
      %swap3A_882 = vector.shape_cast %select_n3A_878 : vector<16xi32> to vector<16xi32>
      tpu.vector_store %arg14[%swap3A_879], %swap3A_882 {strides = array<i32>} : memref<128xi32, #tpu.memory_space<vmem>>, vector<16xi32>,
      %swap3A_883 = arith.constant 112 : index
      %swap3A_884 = tpu.vector_load %arg16[%swap3A_883] {strides = array<i32>} : memref<128xf32, #tpu.memory_space<vmem>>, vector<16xf32>,
      %swap3A_885 = vector.shape_cast %swap3A_884 : vector<16xf32> to vector<16xf32>
      %swap3A_886 = vector.shape_cast %select_n3A_870 : vector<16xf32> to vector<16xf32>
      tpu.vector_store %arg16[%swap3A_883], %swap3A_886 {strides = array<i32>} : memref<128xf32, #tpu.memory_space<vmem>>, vector<16xf32>,
      %dma_start3A_887 = arith.constant 0 : i32
      %dma_start3A_888 = tpu.memref_slice %arg18[%dma_start3A_887] : memref<1296384xf32, #tpu.memory_space<vmem_shared>> -> memref<1296384xf32, #tpu.memory_space<vmem_shared>>
      tpu.enqueue_indirect_dma source(%arg16 : memref<128xf32, #tpu.memory_space<vmem>>) target(%dma_start3A_888 : memref<1296384xf32, #tpu.memory_space<vmem_shared>>) offsets(%arg14 : memref<128xi32, #tpu.memory_space<vmem>>) semaphore(%arg28 : memref<!tpu.dma_semaphore, #tpu.memory_space<semaphore_mem>>) {add = true}
      %lt3A_889 = arith.constant 156 : i32
      %lt3A_890 = arith.cmpi slt, %add3A_502, %lt3A_889 : i32
      %convert_element_type3A_891 = arith.extui %lt3A_890 : i1 to i32
      %cond3A_892 = arith.constant 0 : i32
      %cond3A_893 = arith.cmpi ne, %convert_element_type3A_891, %cond3A_892 : i32
      scf.if %cond3A_893 {
        %add3A_1684 = arith.addi %mul3A_0, %add3A_502 : i32
        %add3A_1685 = arith.constant 4 : i32
        %add3A_1686 = arith.addi %add3A_1684, %add3A_1685 : i32
        %dma_start3A_1687 = arith.constant 0 : i32
        %dma_start3A_1688 = arith.constant 0 : i32
        %dma_start3A_1689 = tpu.memref_slice %arg2[%add3A_1686, %dma_start3A_1687, %dma_start3A_1688] : memref<2560x2x128xi32, #tpu.memory_space<hbm>> -> memref<1x2x128xi32, #tpu.memory_space<hbm>>
        %dma_start3A_1690 = tpu.memref_squeeze %dma_start3A_1689 : memref<1x2x128xi32, #tpu.memory_space<hbm>> -> memref<2x128xi32, #tpu.memory_space<hbm>>
        %dma_start3A_1691 = arith.constant 0 : i32
        %dma_start3A_1692 = arith.constant 0 : i32
        %dma_start3A_1693 = tpu.memref_slice %arg2[%add3A_1686, %dma_start3A_1691, %dma_start3A_1692] : memref<2560x2x128xi32, #tpu.memory_space<hbm>> -> memref<1x2x128xi32, #tpu.memory_space<hbm>>
        %dma_start3A_1694 = tpu.memref_squeeze %dma_start3A_1693 : memref<1x2x128xi32, #tpu.memory_space<hbm>> -> memref<2x128xi32, #tpu.memory_space<hbm>>
        tpu.enqueue_dma source(%dma_start3A_1694 : memref<2x128xi32, #tpu.memory_space<hbm>>) target(%arg6 : memref<2x128xi32, #tpu.memory_space<vmem>>) target_semaphore(%arg20 : memref<!tpu.dma_semaphore, #tpu.memory_space<semaphore_mem>>)
      } else {
      }
      %mul3A_894 = arith.constant 4 : i32
      %mul3A_895 = arith.muli %mul3A_894, %scan3A_114 : i32
      %add3A_896 = arith.constant 2 : i32
      %add3A_897 = arith.addi %mul3A_895, %add3A_896 : i32
      %dma_wait3A_898 = arith.constant 0 : i32
      %dma_wait3A_899 = arith.constant 0 : i32
      %dma_wait3A_900 = tpu.memref_slice %arg7[%dma_wait3A_898, %dma_wait3A_899] : memref<2x128xi32, #tpu.memory_space<vmem>> -> memref<1x128xi32, #tpu.memory_space<vmem>>
      %dma_wait3A_901 = tpu.memref_squeeze %dma_wait3A_900 : memref<1x128xi32, #tpu.memory_space<vmem>> -> memref<128xi32, #tpu.memory_space<vmem>>
      %dma_wait3A_902 = arith.constant 0 : i32
      %dma_wait3A_903 = tpu.memref_slice %arg3[%dma_wait3A_902] : memref<10000xi32, #tpu.memory_space<hbm>> -> memref<10000xi32, #tpu.memory_space<hbm>>
      tpu.wait_indirect_dma semaphore(%arg25 : memref<!tpu.dma_semaphore, #tpu.memory_space<semaphore_mem>>) src(%dma_wait3A_903 : memref<10000xi32, #tpu.memory_space<hbm>>) dst(%arg11 : memref<128xi32, #tpu.memory_space<vmem>>)
      %lt3A_904 = arith.constant 158 : i32
      %lt3A_905 = arith.cmpi slt, %add3A_897, %lt3A_904 : i32
      %convert_element_type3A_906 = arith.extui %lt3A_905 : i1 to i32
      %cond3A_907 = arith.constant 0 : i32
      %cond3A_908 = arith.cmpi ne, %convert_element_type3A_906, %cond3A_907 : i32
      scf.if %cond3A_908 {
        %add3A_1684 = arith.addi %mul3A_0, %add3A_897 : i32
        %add3A_1685 = arith.constant 2 : i32
        %add3A_1686 = arith.addi %add3A_1684, %add3A_1685 : i32
        %dma_wait3A_1687 = arith.constant 0 : i32
        %dma_wait3A_1688 = arith.constant 0 : i32
        %dma_wait3A_1689 = tpu.memref_slice %arg2[%add3A_1686, %dma_wait3A_1687, %dma_wait3A_1688] : memref<2560x2x128xi32, #tpu.memory_space<hbm>> -> memref<1x2x128xi32, #tpu.memory_space<hbm>>
        %dma_wait3A_1690 = tpu.memref_squeeze %dma_wait3A_1689 : memref<1x2x128xi32, #tpu.memory_space<hbm>> -> memref<2x128xi32, #tpu.memory_space<hbm>>
        %dma_wait3A_1691 = arith.constant 0 : i32
        %dma_wait3A_1692 = arith.constant 0 : i32
        %dma_wait3A_1693 = tpu.memref_slice %arg2[%add3A_1686, %dma_wait3A_1691, %dma_wait3A_1692] : memref<2560x2x128xi32, #tpu.memory_space<hbm>> -> memref<1x2x128xi32, #tpu.memory_space<hbm>>
        %dma_wait3A_1694 = tpu.memref_squeeze %dma_wait3A_1693 : memref<1x2x128xi32, #tpu.memory_space<hbm>> -> memref<2x128xi32, #tpu.memory_space<hbm>>
        tpu.wait_dma2 semaphore(%arg19 : memref<!tpu.dma_semaphore, #tpu.memory_space<semaphore_mem>>) src(%dma_wait3A_1694 : memref<2x128xi32, #tpu.memory_space<hbm>>) dst(%arg5 : memref<2x128xi32, #tpu.memory_space<vmem>>)
        %dma_start3A_1695 = arith.constant 0 : i32
        %dma_start3A_1696 = arith.constant 0 : i32
        %dma_start3A_1697 = tpu.memref_slice %arg5[%dma_start3A_1695, %dma_start3A_1696] : memref<2x128xi32, #tpu.memory_space<vmem>> -> memref<1x128xi32, #tpu.memory_space<vmem>>
        %dma_start3A_1698 = tpu.memref_squeeze %dma_start3A_1697 : memref<1x128xi32, #tpu.memory_space<vmem>> -> memref<128xi32, #tpu.memory_space<vmem>>
        %dma_start3A_1699 = arith.constant 0 : i32
        %dma_start3A_1700 = tpu.memref_slice %arg3[%dma_start3A_1699] : memref<10000xi32, #tpu.memory_space<hbm>> -> memref<10000xi32, #tpu.memory_space<hbm>>
        tpu.enqueue_indirect_dma source(%dma_start3A_1700 : memref<10000xi32, #tpu.memory_space<hbm>>) target(%arg9 : memref<128xi32, #tpu.memory_space<vmem>>) offsets(%dma_start3A_1698 : memref<128xi32, #tpu.memory_space<vmem>>) semaphore(%arg23 : memref<!tpu.dma_semaphore, #tpu.memory_space<semaphore_mem>>)
      } else {
      }
      %ge3A_909 = arith.constant 2 : i32
      %ge3A_910 = arith.cmpi sge, %add3A_897, %ge3A_909 : i32
      %convert_element_type3A_911 = arith.extui %ge3A_910 : i1 to i32
      %cond3A_912 = arith.constant 0 : i32
      %cond3A_913 = arith.cmpi ne, %convert_element_type3A_911, %cond3A_912 : i32
      scf.if %cond3A_913 {
        %dma_wait3A_1684 = arith.constant 0 : i32
        %dma_wait3A_1685 = tpu.memref_slice %arg18[%dma_wait3A_1684] : memref<1296384xf32, #tpu.memory_space<vmem_shared>> -> memref<1296384xf32, #tpu.memory_space<vmem_shared>>
        tpu.wait_indirect_dma semaphore(%arg27 : memref<!tpu.dma_semaphore, #tpu.memory_space<semaphore_mem>>) src(%arg15 : memref<128xf32, #tpu.memory_space<vmem>>) dst(%dma_wait3A_1685 : memref<1296384xf32, #tpu.memory_space<vmem_shared>>)
      } else {
      }
      %get3A_914 = arith.constant 1 : i32
      %get3A_915 = arith.index_cast %get3A_914 : i32 to index
      %get3A_916 = arith.constant 0 : index
      %get3A_917 = tpu.vector_load %arg7[%get3A_915, %get3A_916] {strides = array<i32>} : memref<2x128xi32, #tpu.memory_space<vmem>>, vector<1x16xi32>,
      %get3A_918 = vector.shape_cast %get3A_917 : vector<1x16xi32> to vector<16xi32>
      %get3A_919 = arith.constant 0 : index
      %get3A_920 = tpu.vector_load %arg11[%get3A_919] {strides = array<i32>} : memref<128xi32, #tpu.memory_space<vmem>>, vector<16xi32>,
      %get3A_921 = vector.shape_cast %get3A_920 : vector<16xi32> to vector<16xi32>
      %shift_right_logical3A_922 = arith.constant 23 : i32
      %shift_right_logical3A_923 = vector.broadcast %shift_right_logical3A_922 : i32 to vector<16xi32>
      %shift_right_logical3A_924 = arith.shrui %get3A_921, %shift_right_logical3A_923 : vector<16xi32>
      %and3A_925 = arith.constant 8388607 : i32
      %and3A_926 = vector.broadcast %and3A_925 : i32 to vector<16xi32>
      %and3A_927 = arith.andi %get3A_921, %and3A_926 : vector<16xi32>
      %convert_element_type3A_928 = arith.sitofp %and3A_927 : vector<16xi32> to vector<16xf32>
      %mul3A_929 = arith.constant 2.38418579E-7 : f32
      %mul3A_930 = vector.broadcast %mul3A_929 : f32 to vector<16xf32>
      %mul3A_931 = arith.mulf %convert_element_type3A_928, %mul3A_930 : vector<16xf32>
      %sub3A_932 = vector.broadcast %mul3A_68 : i32 to vector<16xi32>
      %sub3A_933 = arith.subi %get3A_918, %sub3A_932 : vector<16xi32>
      %ge3A_934 = arith.constant 0 : i32
      %ge3A_935 = vector.broadcast %ge3A_934 : i32 to vector<16xi32>
      %ge3A_936 = arith.cmpi sge, %sub3A_933, %ge3A_935 : vector<16xi32>
      %lt3A_937 = arith.constant 5056 : i32
      %lt3A_938 = vector.broadcast %lt3A_937 : i32 to vector<16xi32>
      %lt3A_939 = arith.cmpi slt, %sub3A_933, %lt3A_938 : vector<16xi32>
      %and3A_940 = arith.andi %ge3A_936, %lt3A_939 : vector<16xi1>
      %jit3A_941 = arith.constant 0.000000e+00 : f32
      %broadcast_in_dim3A_942 = vector.broadcast %jit3A_941 : f32 to vector<16xf32>
      %select_n3A_943 = arith.select %and3A_940, %mul3A_931, %broadcast_in_dim3A_942 : vector<16xi1>, vector<16xf32>
      %mul3A_944 = arith.constant 256 : i32
      %mul3A_945 = vector.broadcast %mul3A_944 : i32 to vector<16xi32>
      %mul3A_946 = arith.muli %sub3A_933, %mul3A_945 : vector<16xi32>
      %add3A_947 = arith.addi %mul3A_946, %shift_right_logical3A_924 : vector<16xi32>
      %add3A_948 = arith.constant 1294336 : i32
      %add3A_949 = vector.broadcast %add3A_948 : i32 to vector<16xi32>
      %add3A_950 = arith.addi %add3A_949, %iota3A : vector<16xi32>
      %select_n3A_951 = arith.select %and3A_940, %add3A_947, %add3A_950 : vector<16xi1>, vector<16xi32>
      %swap3A_952 = arith.constant 0 : index
      %swap3A_953 = tpu.vector_load %arg13[%swap3A_952] {strides = array<i32>} : memref<128xi32, #tpu.memory_space<vmem>>, vector<16xi32>,
      %swap3A_954 = vector.shape_cast %swap3A_953 : vector<16xi32> to vector<16xi32>
      %swap3A_955 = vector.shape_cast %select_n3A_951 : vector<16xi32> to vector<16xi32>
      tpu.vector_store %arg13[%swap3A_952], %swap3A_955 {strides = array<i32>} : memref<128xi32, #tpu.memory_space<vmem>>, vector<16xi32>,
      %swap3A_956 = arith.constant 0 : index
      %swap3A_957 = tpu.vector_load %arg15[%swap3A_956] {strides = array<i32>} : memref<128xf32, #tpu.memory_space<vmem>>, vector<16xf32>,
      %swap3A_958 = vector.shape_cast %swap3A_957 : vector<16xf32> to vector<16xf32>
      %swap3A_959 = vector.shape_cast %select_n3A_943 : vector<16xf32> to vector<16xf32>
      tpu.vector_store %arg15[%swap3A_956], %swap3A_959 {strides = array<i32>} : memref<128xf32, #tpu.memory_space<vmem>>, vector<16xf32>,
      %get3A_960 = arith.constant 1 : i32
      %get3A_961 = arith.index_cast %get3A_960 : i32 to index
      %get3A_962 = arith.constant 16 : index
      %get3A_963 = tpu.vector_load %arg7[%get3A_961, %get3A_962] {strides = array<i32>} : memref<2x128xi32, #tpu.memory_space<vmem>>, vector<1x16xi32>,
      %get3A_964 = vector.shape_cast %get3A_963 : vector<1x16xi32> to vector<16xi32>
      %get3A_965 = arith.constant 16 : index
      %get3A_966 = tpu.vector_load %arg11[%get3A_965] {strides = array<i32>} : memref<128xi32, #tpu.memory_space<vmem>>, vector<16xi32>,
      %get3A_967 = vector.shape_cast %get3A_966 : vector<16xi32> to vector<16xi32>
      %shift_right_logical3A_968 = arith.constant 23 : i32
      %shift_right_logical3A_969 = vector.broadcast %shift_right_logical3A_968 : i32 to vector<16xi32>
      %shift_right_logical3A_970 = arith.shrui %get3A_967, %shift_right_logical3A_969 : vector<16xi32>
      %and3A_971 = arith.constant 8388607 : i32
      %and3A_972 = vector.broadcast %and3A_971 : i32 to vector<16xi32>
      %and3A_973 = arith.andi %get3A_967, %and3A_972 : vector<16xi32>
      %convert_element_type3A_974 = arith.sitofp %and3A_973 : vector<16xi32> to vector<16xf32>
      %mul3A_975 = arith.constant 2.38418579E-7 : f32
      %mul3A_976 = vector.broadcast %mul3A_975 : f32 to vector<16xf32>
      %mul3A_977 = arith.mulf %convert_element_type3A_974, %mul3A_976 : vector<16xf32>
      %sub3A_978 = vector.broadcast %mul3A_68 : i32 to vector<16xi32>
      %sub3A_979 = arith.subi %get3A_964, %sub3A_978 : vector<16xi32>
      %ge3A_980 = arith.constant 0 : i32
      %ge3A_981 = vector.broadcast %ge3A_980 : i32 to vector<16xi32>
      %ge3A_982 = arith.cmpi sge, %sub3A_979, %ge3A_981 : vector<16xi32>
      %lt3A_983 = arith.constant 5056 : i32
      %lt3A_984 = vector.broadcast %lt3A_983 : i32 to vector<16xi32>
      %lt3A_985 = arith.cmpi slt, %sub3A_979, %lt3A_984 : vector<16xi32>
      %and3A_986 = arith.andi %ge3A_982, %lt3A_985 : vector<16xi1>
      %jit3A_987 = arith.constant 0.000000e+00 : f32
      %broadcast_in_dim3A_988 = vector.broadcast %jit3A_987 : f32 to vector<16xf32>
      %select_n3A_989 = arith.select %and3A_986, %mul3A_977, %broadcast_in_dim3A_988 : vector<16xi1>, vector<16xf32>
      %mul3A_990 = arith.constant 256 : i32
      %mul3A_991 = vector.broadcast %mul3A_990 : i32 to vector<16xi32>
      %mul3A_992 = arith.muli %sub3A_979, %mul3A_991 : vector<16xi32>
      %add3A_993 = arith.addi %mul3A_992, %shift_right_logical3A_970 : vector<16xi32>
      %add3A_994 = arith.constant 1294352 : i32
      %add3A_995 = vector.broadcast %add3A_994 : i32 to vector<16xi32>
      %add3A_996 = arith.addi %add3A_995, %iota3A : vector<16xi32>
      %select_n3A_997 = arith.select %and3A_986, %add3A_993, %add3A_996 : vector<16xi1>, vector<16xi32>
      %swap3A_998 = arith.constant 16 : index
      %swap3A_999 = tpu.vector_load %arg13[%swap3A_998] {strides = array<i32>} : memref<128xi32, #tpu.memory_space<vmem>>, vector<16xi32>,
      %swap3A_1000 = vector.shape_cast %swap3A_999 : vector<16xi32> to vector<16xi32>
      %swap3A_1001 = vector.shape_cast %select_n3A_997 : vector<16xi32> to vector<16xi32>
      tpu.vector_store %arg13[%swap3A_998], %swap3A_1001 {strides = array<i32>} : memref<128xi32, #tpu.memory_space<vmem>>, vector<16xi32>,
      %swap3A_1002 = arith.constant 16 : index
      %swap3A_1003 = tpu.vector_load %arg15[%swap3A_1002] {strides = array<i32>} : memref<128xf32, #tpu.memory_space<vmem>>, vector<16xf32>,
      %swap3A_1004 = vector.shape_cast %swap3A_1003 : vector<16xf32> to vector<16xf32>
      %swap3A_1005 = vector.shape_cast %select_n3A_989 : vector<16xf32> to vector<16xf32>
      tpu.vector_store %arg15[%swap3A_1002], %swap3A_1005 {strides = array<i32>} : memref<128xf32, #tpu.memory_space<vmem>>, vector<16xf32>,
      %get3A_1006 = arith.constant 1 : i32
      %get3A_1007 = arith.index_cast %get3A_1006 : i32 to index
      %get3A_1008 = arith.constant 32 : index
      %get3A_1009 = tpu.vector_load %arg7[%get3A_1007, %get3A_1008] {strides = array<i32>} : memref<2x128xi32, #tpu.memory_space<vmem>>, vector<1x16xi32>,
      %get3A_1010 = vector.shape_cast %get3A_1009 : vector<1x16xi32> to vector<16xi32>
      %get3A_1011 = arith.constant 32 : index
      %get3A_1012 = tpu.vector_load %arg11[%get3A_1011] {strides = array<i32>} : memref<128xi32, #tpu.memory_space<vmem>>, vector<16xi32>,
      %get3A_1013 = vector.shape_cast %get3A_1012 : vector<16xi32> to vector<16xi32>
      %shift_right_logical3A_1014 = arith.constant 23 : i32
      %shift_right_logical3A_1015 = vector.broadcast %shift_right_logical3A_1014 : i32 to vector<16xi32>
      %shift_right_logical3A_1016 = arith.shrui %get3A_1013, %shift_right_logical3A_1015 : vector<16xi32>
      %and3A_1017 = arith.constant 8388607 : i32
      %and3A_1018 = vector.broadcast %and3A_1017 : i32 to vector<16xi32>
      %and3A_1019 = arith.andi %get3A_1013, %and3A_1018 : vector<16xi32>
      %convert_element_type3A_1020 = arith.sitofp %and3A_1019 : vector<16xi32> to vector<16xf32>
      %mul3A_1021 = arith.constant 2.38418579E-7 : f32
      %mul3A_1022 = vector.broadcast %mul3A_1021 : f32 to vector<16xf32>
      %mul3A_1023 = arith.mulf %convert_element_type3A_1020, %mul3A_1022 : vector<16xf32>
      %sub3A_1024 = vector.broadcast %mul3A_68 : i32 to vector<16xi32>
      %sub3A_1025 = arith.subi %get3A_1010, %sub3A_1024 : vector<16xi32>
      %ge3A_1026 = arith.constant 0 : i32
      %ge3A_1027 = vector.broadcast %ge3A_1026 : i32 to vector<16xi32>
      %ge3A_1028 = arith.cmpi sge, %sub3A_1025, %ge3A_1027 : vector<16xi32>
      %lt3A_1029 = arith.constant 5056 : i32
      %lt3A_1030 = vector.broadcast %lt3A_1029 : i32 to vector<16xi32>
      %lt3A_1031 = arith.cmpi slt, %sub3A_1025, %lt3A_1030 : vector<16xi32>
      %and3A_1032 = arith.andi %ge3A_1028, %lt3A_1031 : vector<16xi1>
      %jit3A_1033 = arith.constant 0.000000e+00 : f32
      %broadcast_in_dim3A_1034 = vector.broadcast %jit3A_1033 : f32 to vector<16xf32>
      %select_n3A_1035 = arith.select %and3A_1032, %mul3A_1023, %broadcast_in_dim3A_1034 : vector<16xi1>, vector<16xf32>
      %mul3A_1036 = arith.constant 256 : i32
      %mul3A_1037 = vector.broadcast %mul3A_1036 : i32 to vector<16xi32>
      %mul3A_1038 = arith.muli %sub3A_1025, %mul3A_1037 : vector<16xi32>
      %add3A_1039 = arith.addi %mul3A_1038, %shift_right_logical3A_1016 : vector<16xi32>
      %add3A_1040 = arith.constant 1294368 : i32
      %add3A_1041 = vector.broadcast %add3A_1040 : i32 to vector<16xi32>
      %add3A_1042 = arith.addi %add3A_1041, %iota3A : vector<16xi32>
      %select_n3A_1043 = arith.select %and3A_1032, %add3A_1039, %add3A_1042 : vector<16xi1>, vector<16xi32>
      %swap3A_1044 = arith.constant 32 : index
      %swap3A_1045 = tpu.vector_load %arg13[%swap3A_1044] {strides = array<i32>} : memref<128xi32, #tpu.memory_space<vmem>>, vector<16xi32>,
      %swap3A_1046 = vector.shape_cast %swap3A_1045 : vector<16xi32> to vector<16xi32>
      %swap3A_1047 = vector.shape_cast %select_n3A_1043 : vector<16xi32> to vector<16xi32>
      tpu.vector_store %arg13[%swap3A_1044], %swap3A_1047 {strides = array<i32>} : memref<128xi32, #tpu.memory_space<vmem>>, vector<16xi32>,
      %swap3A_1048 = arith.constant 32 : index
      %swap3A_1049 = tpu.vector_load %arg15[%swap3A_1048] {strides = array<i32>} : memref<128xf32, #tpu.memory_space<vmem>>, vector<16xf32>,
      %swap3A_1050 = vector.shape_cast %swap3A_1049 : vector<16xf32> to vector<16xf32>
      %swap3A_1051 = vector.shape_cast %select_n3A_1035 : vector<16xf32> to vector<16xf32>
      tpu.vector_store %arg15[%swap3A_1048], %swap3A_1051 {strides = array<i32>} : memref<128xf32, #tpu.memory_space<vmem>>, vector<16xf32>,
      %get3A_1052 = arith.constant 1 : i32
      %get3A_1053 = arith.index_cast %get3A_1052 : i32 to index
      %get3A_1054 = arith.constant 48 : index
      %get3A_1055 = tpu.vector_load %arg7[%get3A_1053, %get3A_1054] {strides = array<i32>} : memref<2x128xi32, #tpu.memory_space<vmem>>, vector<1x16xi32>,
      %get3A_1056 = vector.shape_cast %get3A_1055 : vector<1x16xi32> to vector<16xi32>
      %get3A_1057 = arith.constant 48 : index
      %get3A_1058 = tpu.vector_load %arg11[%get3A_1057] {strides = array<i32>} : memref<128xi32, #tpu.memory_space<vmem>>, vector<16xi32>,
      %get3A_1059 = vector.shape_cast %get3A_1058 : vector<16xi32> to vector<16xi32>
      %shift_right_logical3A_1060 = arith.constant 23 : i32
      %shift_right_logical3A_1061 = vector.broadcast %shift_right_logical3A_1060 : i32 to vector<16xi32>
      %shift_right_logical3A_1062 = arith.shrui %get3A_1059, %shift_right_logical3A_1061 : vector<16xi32>
      %and3A_1063 = arith.constant 8388607 : i32
      %and3A_1064 = vector.broadcast %and3A_1063 : i32 to vector<16xi32>
      %and3A_1065 = arith.andi %get3A_1059, %and3A_1064 : vector<16xi32>
      %convert_element_type3A_1066 = arith.sitofp %and3A_1065 : vector<16xi32> to vector<16xf32>
      %mul3A_1067 = arith.constant 2.38418579E-7 : f32
      %mul3A_1068 = vector.broadcast %mul3A_1067 : f32 to vector<16xf32>
      %mul3A_1069 = arith.mulf %convert_element_type3A_1066, %mul3A_1068 : vector<16xf32>
      %sub3A_1070 = vector.broadcast %mul3A_68 : i32 to vector<16xi32>
      %sub3A_1071 = arith.subi %get3A_1056, %sub3A_1070 : vector<16xi32>
      %ge3A_1072 = arith.constant 0 : i32
      %ge3A_1073 = vector.broadcast %ge3A_1072 : i32 to vector<16xi32>
      %ge3A_1074 = arith.cmpi sge, %sub3A_1071, %ge3A_1073 : vector<16xi32>
      %lt3A_1075 = arith.constant 5056 : i32
      %lt3A_1076 = vector.broadcast %lt3A_1075 : i32 to vector<16xi32>
      %lt3A_1077 = arith.cmpi slt, %sub3A_1071, %lt3A_1076 : vector<16xi32>
      %and3A_1078 = arith.andi %ge3A_1074, %lt3A_1077 : vector<16xi1>
      %jit3A_1079 = arith.constant 0.000000e+00 : f32
      %broadcast_in_dim3A_1080 = vector.broadcast %jit3A_1079 : f32 to vector<16xf32>
      %select_n3A_1081 = arith.select %and3A_1078, %mul3A_1069, %broadcast_in_dim3A_1080 : vector<16xi1>, vector<16xf32>
      %mul3A_1082 = arith.constant 256 : i32
      %mul3A_1083 = vector.broadcast %mul3A_1082 : i32 to vector<16xi32>
      %mul3A_1084 = arith.muli %sub3A_1071, %mul3A_1083 : vector<16xi32>
      %add3A_1085 = arith.addi %mul3A_1084, %shift_right_logical3A_1062 : vector<16xi32>
      %add3A_1086 = arith.constant 1294384 : i32
      %add3A_1087 = vector.broadcast %add3A_1086 : i32 to vector<16xi32>
      %add3A_1088 = arith.addi %add3A_1087, %iota3A : vector<16xi32>
      %select_n3A_1089 = arith.select %and3A_1078, %add3A_1085, %add3A_1088 : vector<16xi1>, vector<16xi32>
      %swap3A_1090 = arith.constant 48 : index
      %swap3A_1091 = tpu.vector_load %arg13[%swap3A_1090] {strides = array<i32>} : memref<128xi32, #tpu.memory_space<vmem>>, vector<16xi32>,
      %swap3A_1092 = vector.shape_cast %swap3A_1091 : vector<16xi32> to vector<16xi32>
      %swap3A_1093 = vector.shape_cast %select_n3A_1089 : vector<16xi32> to vector<16xi32>
      tpu.vector_store %arg13[%swap3A_1090], %swap3A_1093 {strides = array<i32>} : memref<128xi32, #tpu.memory_space<vmem>>, vector<16xi32>,
      %swap3A_1094 = arith.constant 48 : index
      %swap3A_1095 = tpu.vector_load %arg15[%swap3A_1094] {strides = array<i32>} : memref<128xf32, #tpu.memory_space<vmem>>, vector<16xf32>,
      %swap3A_1096 = vector.shape_cast %swap3A_1095 : vector<16xf32> to vector<16xf32>
      %swap3A_1097 = vector.shape_cast %select_n3A_1081 : vector<16xf32> to vector<16xf32>
      tpu.vector_store %arg15[%swap3A_1094], %swap3A_1097 {strides = array<i32>} : memref<128xf32, #tpu.memory_space<vmem>>, vector<16xf32>,
      %get3A_1098 = arith.constant 1 : i32
      %get3A_1099 = arith.index_cast %get3A_1098 : i32 to index
      %get3A_1100 = arith.constant 64 : index
      %get3A_1101 = tpu.vector_load %arg7[%get3A_1099, %get3A_1100] {strides = array<i32>} : memref<2x128xi32, #tpu.memory_space<vmem>>, vector<1x16xi32>,
      %get3A_1102 = vector.shape_cast %get3A_1101 : vector<1x16xi32> to vector<16xi32>
      %get3A_1103 = arith.constant 64 : index
      %get3A_1104 = tpu.vector_load %arg11[%get3A_1103] {strides = array<i32>} : memref<128xi32, #tpu.memory_space<vmem>>, vector<16xi32>,
      %get3A_1105 = vector.shape_cast %get3A_1104 : vector<16xi32> to vector<16xi32>
      %shift_right_logical3A_1106 = arith.constant 23 : i32
      %shift_right_logical3A_1107 = vector.broadcast %shift_right_logical3A_1106 : i32 to vector<16xi32>
      %shift_right_logical3A_1108 = arith.shrui %get3A_1105, %shift_right_logical3A_1107 : vector<16xi32>
      %and3A_1109 = arith.constant 8388607 : i32
      %and3A_1110 = vector.broadcast %and3A_1109 : i32 to vector<16xi32>
      %and3A_1111 = arith.andi %get3A_1105, %and3A_1110 : vector<16xi32>
      %convert_element_type3A_1112 = arith.sitofp %and3A_1111 : vector<16xi32> to vector<16xf32>
      %mul3A_1113 = arith.constant 2.38418579E-7 : f32
      %mul3A_1114 = vector.broadcast %mul3A_1113 : f32 to vector<16xf32>
      %mul3A_1115 = arith.mulf %convert_element_type3A_1112, %mul3A_1114 : vector<16xf32>
      %sub3A_1116 = vector.broadcast %mul3A_68 : i32 to vector<16xi32>
      %sub3A_1117 = arith.subi %get3A_1102, %sub3A_1116 : vector<16xi32>
      %ge3A_1118 = arith.constant 0 : i32
      %ge3A_1119 = vector.broadcast %ge3A_1118 : i32 to vector<16xi32>
      %ge3A_1120 = arith.cmpi sge, %sub3A_1117, %ge3A_1119 : vector<16xi32>
      %lt3A_1121 = arith.constant 5056 : i32
      %lt3A_1122 = vector.broadcast %lt3A_1121 : i32 to vector<16xi32>
      %lt3A_1123 = arith.cmpi slt, %sub3A_1117, %lt3A_1122 : vector<16xi32>
      %and3A_1124 = arith.andi %ge3A_1120, %lt3A_1123 : vector<16xi1>
      %jit3A_1125 = arith.constant 0.000000e+00 : f32
      %broadcast_in_dim3A_1126 = vector.broadcast %jit3A_1125 : f32 to vector<16xf32>
      %select_n3A_1127 = arith.select %and3A_1124, %mul3A_1115, %broadcast_in_dim3A_1126 : vector<16xi1>, vector<16xf32>
      %mul3A_1128 = arith.constant 256 : i32
      %mul3A_1129 = vector.broadcast %mul3A_1128 : i32 to vector<16xi32>
      %mul3A_1130 = arith.muli %sub3A_1117, %mul3A_1129 : vector<16xi32>
      %add3A_1131 = arith.addi %mul3A_1130, %shift_right_logical3A_1108 : vector<16xi32>
      %add3A_1132 = arith.constant 1294400 : i32
      %add3A_1133 = vector.broadcast %add3A_1132 : i32 to vector<16xi32>
      %add3A_1134 = arith.addi %add3A_1133, %iota3A : vector<16xi32>
      %select_n3A_1135 = arith.select %and3A_1124, %add3A_1131, %add3A_1134 : vector<16xi1>, vector<16xi32>
      %swap3A_1136 = arith.constant 64 : index
      %swap3A_1137 = tpu.vector_load %arg13[%swap3A_1136] {strides = array<i32>} : memref<128xi32, #tpu.memory_space<vmem>>, vector<16xi32>,
      %swap3A_1138 = vector.shape_cast %swap3A_1137 : vector<16xi32> to vector<16xi32>
      %swap3A_1139 = vector.shape_cast %select_n3A_1135 : vector<16xi32> to vector<16xi32>
      tpu.vector_store %arg13[%swap3A_1136], %swap3A_1139 {strides = array<i32>} : memref<128xi32, #tpu.memory_space<vmem>>, vector<16xi32>,
      %swap3A_1140 = arith.constant 64 : index
      %swap3A_1141 = tpu.vector_load %arg15[%swap3A_1140] {strides = array<i32>} : memref<128xf32, #tpu.memory_space<vmem>>, vector<16xf32>,
      %swap3A_1142 = vector.shape_cast %swap3A_1141 : vector<16xf32> to vector<16xf32>
      %swap3A_1143 = vector.shape_cast %select_n3A_1127 : vector<16xf32> to vector<16xf32>
      tpu.vector_store %arg15[%swap3A_1140], %swap3A_1143 {strides = array<i32>} : memref<128xf32, #tpu.memory_space<vmem>>, vector<16xf32>,
      %get3A_1144 = arith.constant 1 : i32
      %get3A_1145 = arith.index_cast %get3A_1144 : i32 to index
      %get3A_1146 = arith.constant 80 : index
      %get3A_1147 = tpu.vector_load %arg7[%get3A_1145, %get3A_1146] {strides = array<i32>} : memref<2x128xi32, #tpu.memory_space<vmem>>, vector<1x16xi32>,
      %get3A_1148 = vector.shape_cast %get3A_1147 : vector<1x16xi32> to vector<16xi32>
      %get3A_1149 = arith.constant 80 : index
      %get3A_1150 = tpu.vector_load %arg11[%get3A_1149] {strides = array<i32>} : memref<128xi32, #tpu.memory_space<vmem>>, vector<16xi32>,
      %get3A_1151 = vector.shape_cast %get3A_1150 : vector<16xi32> to vector<16xi32>
      %shift_right_logical3A_1152 = arith.constant 23 : i32
      %shift_right_logical3A_1153 = vector.broadcast %shift_right_logical3A_1152 : i32 to vector<16xi32>
      %shift_right_logical3A_1154 = arith.shrui %get3A_1151, %shift_right_logical3A_1153 : vector<16xi32>
      %and3A_1155 = arith.constant 8388607 : i32
      %and3A_1156 = vector.broadcast %and3A_1155 : i32 to vector<16xi32>
      %and3A_1157 = arith.andi %get3A_1151, %and3A_1156 : vector<16xi32>
      %convert_element_type3A_1158 = arith.sitofp %and3A_1157 : vector<16xi32> to vector<16xf32>
      %mul3A_1159 = arith.constant 2.38418579E-7 : f32
      %mul3A_1160 = vector.broadcast %mul3A_1159 : f32 to vector<16xf32>
      %mul3A_1161 = arith.mulf %convert_element_type3A_1158, %mul3A_1160 : vector<16xf32>
      %sub3A_1162 = vector.broadcast %mul3A_68 : i32 to vector<16xi32>
      %sub3A_1163 = arith.subi %get3A_1148, %sub3A_1162 : vector<16xi32>
      %ge3A_1164 = arith.constant 0 : i32
      %ge3A_1165 = vector.broadcast %ge3A_1164 : i32 to vector<16xi32>
      %ge3A_1166 = arith.cmpi sge, %sub3A_1163, %ge3A_1165 : vector<16xi32>
      %lt3A_1167 = arith.constant 5056 : i32
      %lt3A_1168 = vector.broadcast %lt3A_1167 : i32 to vector<16xi32>
      %lt3A_1169 = arith.cmpi slt, %sub3A_1163, %lt3A_1168 : vector<16xi32>
      %and3A_1170 = arith.andi %ge3A_1166, %lt3A_1169 : vector<16xi1>
      %jit3A_1171 = arith.constant 0.000000e+00 : f32
      %broadcast_in_dim3A_1172 = vector.broadcast %jit3A_1171 : f32 to vector<16xf32>
      %select_n3A_1173 = arith.select %and3A_1170, %mul3A_1161, %broadcast_in_dim3A_1172 : vector<16xi1>, vector<16xf32>
      %mul3A_1174 = arith.constant 256 : i32
      %mul3A_1175 = vector.broadcast %mul3A_1174 : i32 to vector<16xi32>
      %mul3A_1176 = arith.muli %sub3A_1163, %mul3A_1175 : vector<16xi32>
      %add3A_1177 = arith.addi %mul3A_1176, %shift_right_logical3A_1154 : vector<16xi32>
      %add3A_1178 = arith.constant 1294416 : i32
      %add3A_1179 = vector.broadcast %add3A_1178 : i32 to vector<16xi32>
      %add3A_1180 = arith.addi %add3A_1179, %iota3A : vector<16xi32>
      %select_n3A_1181 = arith.select %and3A_1170, %add3A_1177, %add3A_1180 : vector<16xi1>, vector<16xi32>
      %swap3A_1182 = arith.constant 80 : index
      %swap3A_1183 = tpu.vector_load %arg13[%swap3A_1182] {strides = array<i32>} : memref<128xi32, #tpu.memory_space<vmem>>, vector<16xi32>,
      %swap3A_1184 = vector.shape_cast %swap3A_1183 : vector<16xi32> to vector<16xi32>
      %swap3A_1185 = vector.shape_cast %select_n3A_1181 : vector<16xi32> to vector<16xi32>
      tpu.vector_store %arg13[%swap3A_1182], %swap3A_1185 {strides = array<i32>} : memref<128xi32, #tpu.memory_space<vmem>>, vector<16xi32>,
      %swap3A_1186 = arith.constant 80 : index
      %swap3A_1187 = tpu.vector_load %arg15[%swap3A_1186] {strides = array<i32>} : memref<128xf32, #tpu.memory_space<vmem>>, vector<16xf32>,
      %swap3A_1188 = vector.shape_cast %swap3A_1187 : vector<16xf32> to vector<16xf32>
      %swap3A_1189 = vector.shape_cast %select_n3A_1173 : vector<16xf32> to vector<16xf32>
      tpu.vector_store %arg15[%swap3A_1186], %swap3A_1189 {strides = array<i32>} : memref<128xf32, #tpu.memory_space<vmem>>, vector<16xf32>,
      %get3A_1190 = arith.constant 1 : i32
      %get3A_1191 = arith.index_cast %get3A_1190 : i32 to index
      %get3A_1192 = arith.constant 96 : index
      %get3A_1193 = tpu.vector_load %arg7[%get3A_1191, %get3A_1192] {strides = array<i32>} : memref<2x128xi32, #tpu.memory_space<vmem>>, vector<1x16xi32>,
      %get3A_1194 = vector.shape_cast %get3A_1193 : vector<1x16xi32> to vector<16xi32>
      %get3A_1195 = arith.constant 96 : index
      %get3A_1196 = tpu.vector_load %arg11[%get3A_1195] {strides = array<i32>} : memref<128xi32, #tpu.memory_space<vmem>>, vector<16xi32>,
      %get3A_1197 = vector.shape_cast %get3A_1196 : vector<16xi32> to vector<16xi32>
      %shift_right_logical3A_1198 = arith.constant 23 : i32
      %shift_right_logical3A_1199 = vector.broadcast %shift_right_logical3A_1198 : i32 to vector<16xi32>
      %shift_right_logical3A_1200 = arith.shrui %get3A_1197, %shift_right_logical3A_1199 : vector<16xi32>
      %and3A_1201 = arith.constant 8388607 : i32
      %and3A_1202 = vector.broadcast %and3A_1201 : i32 to vector<16xi32>
      %and3A_1203 = arith.andi %get3A_1197, %and3A_1202 : vector<16xi32>
      %convert_element_type3A_1204 = arith.sitofp %and3A_1203 : vector<16xi32> to vector<16xf32>
      %mul3A_1205 = arith.constant 2.38418579E-7 : f32
      %mul3A_1206 = vector.broadcast %mul3A_1205 : f32 to vector<16xf32>
      %mul3A_1207 = arith.mulf %convert_element_type3A_1204, %mul3A_1206 : vector<16xf32>
      %sub3A_1208 = vector.broadcast %mul3A_68 : i32 to vector<16xi32>
      %sub3A_1209 = arith.subi %get3A_1194, %sub3A_1208 : vector<16xi32>
      %ge3A_1210 = arith.constant 0 : i32
      %ge3A_1211 = vector.broadcast %ge3A_1210 : i32 to vector<16xi32>
      %ge3A_1212 = arith.cmpi sge, %sub3A_1209, %ge3A_1211 : vector<16xi32>
      %lt3A_1213 = arith.constant 5056 : i32
      %lt3A_1214 = vector.broadcast %lt3A_1213 : i32 to vector<16xi32>
      %lt3A_1215 = arith.cmpi slt, %sub3A_1209, %lt3A_1214 : vector<16xi32>
      %and3A_1216 = arith.andi %ge3A_1212, %lt3A_1215 : vector<16xi1>
      %jit3A_1217 = arith.constant 0.000000e+00 : f32
      %broadcast_in_dim3A_1218 = vector.broadcast %jit3A_1217 : f32 to vector<16xf32>
      %select_n3A_1219 = arith.select %and3A_1216, %mul3A_1207, %broadcast_in_dim3A_1218 : vector<16xi1>, vector<16xf32>
      %mul3A_1220 = arith.constant 256 : i32
      %mul3A_1221 = vector.broadcast %mul3A_1220 : i32 to vector<16xi32>
      %mul3A_1222 = arith.muli %sub3A_1209, %mul3A_1221 : vector<16xi32>
      %add3A_1223 = arith.addi %mul3A_1222, %shift_right_logical3A_1200 : vector<16xi32>
      %add3A_1224 = arith.constant 1294432 : i32
      %add3A_1225 = vector.broadcast %add3A_1224 : i32 to vector<16xi32>
      %add3A_1226 = arith.addi %add3A_1225, %iota3A : vector<16xi32>
      %select_n3A_1227 = arith.select %and3A_1216, %add3A_1223, %add3A_1226 : vector<16xi1>, vector<16xi32>
      %swap3A_1228 = arith.constant 96 : index
      %swap3A_1229 = tpu.vector_load %arg13[%swap3A_1228] {strides = array<i32>} : memref<128xi32, #tpu.memory_space<vmem>>, vector<16xi32>,
      %swap3A_1230 = vector.shape_cast %swap3A_1229 : vector<16xi32> to vector<16xi32>
      %swap3A_1231 = vector.shape_cast %select_n3A_1227 : vector<16xi32> to vector<16xi32>
      tpu.vector_store %arg13[%swap3A_1228], %swap3A_1231 {strides = array<i32>} : memref<128xi32, #tpu.memory_space<vmem>>, vector<16xi32>,
      %swap3A_1232 = arith.constant 96 : index
      %swap3A_1233 = tpu.vector_load %arg15[%swap3A_1232] {strides = array<i32>} : memref<128xf32, #tpu.memory_space<vmem>>, vector<16xf32>,
      %swap3A_1234 = vector.shape_cast %swap3A_1233 : vector<16xf32> to vector<16xf32>
      %swap3A_1235 = vector.shape_cast %select_n3A_1219 : vector<16xf32> to vector<16xf32>
      tpu.vector_store %arg15[%swap3A_1232], %swap3A_1235 {strides = array<i32>} : memref<128xf32, #tpu.memory_space<vmem>>, vector<16xf32>,
      %get3A_1236 = arith.constant 1 : i32
      %get3A_1237 = arith.index_cast %get3A_1236 : i32 to index
      %get3A_1238 = arith.constant 112 : index
      %get3A_1239 = tpu.vector_load %arg7[%get3A_1237, %get3A_1238] {strides = array<i32>} : memref<2x128xi32, #tpu.memory_space<vmem>>, vector<1x16xi32>,
      %get3A_1240 = vector.shape_cast %get3A_1239 : vector<1x16xi32> to vector<16xi32>
      %get3A_1241 = arith.constant 112 : index
      %get3A_1242 = tpu.vector_load %arg11[%get3A_1241] {strides = array<i32>} : memref<128xi32, #tpu.memory_space<vmem>>, vector<16xi32>,
      %get3A_1243 = vector.shape_cast %get3A_1242 : vector<16xi32> to vector<16xi32>
      %shift_right_logical3A_1244 = arith.constant 23 : i32
      %shift_right_logical3A_1245 = vector.broadcast %shift_right_logical3A_1244 : i32 to vector<16xi32>
      %shift_right_logical3A_1246 = arith.shrui %get3A_1243, %shift_right_logical3A_1245 : vector<16xi32>
      %and3A_1247 = arith.constant 8388607 : i32
      %and3A_1248 = vector.broadcast %and3A_1247 : i32 to vector<16xi32>
      %and3A_1249 = arith.andi %get3A_1243, %and3A_1248 : vector<16xi32>
      %convert_element_type3A_1250 = arith.sitofp %and3A_1249 : vector<16xi32> to vector<16xf32>
      %mul3A_1251 = arith.constant 2.38418579E-7 : f32
      %mul3A_1252 = vector.broadcast %mul3A_1251 : f32 to vector<16xf32>
      %mul3A_1253 = arith.mulf %convert_element_type3A_1250, %mul3A_1252 : vector<16xf32>
      %sub3A_1254 = vector.broadcast %mul3A_68 : i32 to vector<16xi32>
      %sub3A_1255 = arith.subi %get3A_1240, %sub3A_1254 : vector<16xi32>
      %ge3A_1256 = arith.constant 0 : i32
      %ge3A_1257 = vector.broadcast %ge3A_1256 : i32 to vector<16xi32>
      %ge3A_1258 = arith.cmpi sge, %sub3A_1255, %ge3A_1257 : vector<16xi32>
      %lt3A_1259 = arith.constant 5056 : i32
      %lt3A_1260 = vector.broadcast %lt3A_1259 : i32 to vector<16xi32>
      %lt3A_1261 = arith.cmpi slt, %sub3A_1255, %lt3A_1260 : vector<16xi32>
      %and3A_1262 = arith.andi %ge3A_1258, %lt3A_1261 : vector<16xi1>
      %jit3A_1263 = arith.constant 0.000000e+00 : f32
      %broadcast_in_dim3A_1264 = vector.broadcast %jit3A_1263 : f32 to vector<16xf32>
      %select_n3A_1265 = arith.select %and3A_1262, %mul3A_1253, %broadcast_in_dim3A_1264 : vector<16xi1>, vector<16xf32>
      %mul3A_1266 = arith.constant 256 : i32
      %mul3A_1267 = vector.broadcast %mul3A_1266 : i32 to vector<16xi32>
      %mul3A_1268 = arith.muli %sub3A_1255, %mul3A_1267 : vector<16xi32>
      %add3A_1269 = arith.addi %mul3A_1268, %shift_right_logical3A_1246 : vector<16xi32>
      %add3A_1270 = arith.constant 1294448 : i32
      %add3A_1271 = vector.broadcast %add3A_1270 : i32 to vector<16xi32>
      %add3A_1272 = arith.addi %add3A_1271, %iota3A : vector<16xi32>
      %select_n3A_1273 = arith.select %and3A_1262, %add3A_1269, %add3A_1272 : vector<16xi1>, vector<16xi32>
      %swap3A_1274 = arith.constant 112 : index
      %swap3A_1275 = tpu.vector_load %arg13[%swap3A_1274] {strides = array<i32>} : memref<128xi32, #tpu.memory_space<vmem>>, vector<16xi32>,
      %swap3A_1276 = vector.shape_cast %swap3A_1275 : vector<16xi32> to vector<16xi32>
      %swap3A_1277 = vector.shape_cast %select_n3A_1273 : vector<16xi32> to vector<16xi32>
      tpu.vector_store %arg13[%swap3A_1274], %swap3A_1277 {strides = array<i32>} : memref<128xi32, #tpu.memory_space<vmem>>, vector<16xi32>,
      %swap3A_1278 = arith.constant 112 : index
      %swap3A_1279 = tpu.vector_load %arg15[%swap3A_1278] {strides = array<i32>} : memref<128xf32, #tpu.memory_space<vmem>>, vector<16xf32>,
      %swap3A_1280 = vector.shape_cast %swap3A_1279 : vector<16xf32> to vector<16xf32>
      %swap3A_1281 = vector.shape_cast %select_n3A_1265 : vector<16xf32> to vector<16xf32>
      tpu.vector_store %arg15[%swap3A_1278], %swap3A_1281 {strides = array<i32>} : memref<128xf32, #tpu.memory_space<vmem>>, vector<16xf32>,
      %dma_start3A_1282 = arith.constant 0 : i32
      %dma_start3A_1283 = tpu.memref_slice %arg18[%dma_start3A_1282] : memref<1296384xf32, #tpu.memory_space<vmem_shared>> -> memref<1296384xf32, #tpu.memory_space<vmem_shared>>
      tpu.enqueue_indirect_dma source(%arg15 : memref<128xf32, #tpu.memory_space<vmem>>) target(%dma_start3A_1283 : memref<1296384xf32, #tpu.memory_space<vmem_shared>>) offsets(%arg13 : memref<128xi32, #tpu.memory_space<vmem>>) semaphore(%arg27 : memref<!tpu.dma_semaphore, #tpu.memory_space<semaphore_mem>>) {add = true}
      %lt3A_1284 = arith.constant 156 : i32
      %lt3A_1285 = arith.cmpi slt, %add3A_897, %lt3A_1284 : i32
      %convert_element_type3A_1286 = arith.extui %lt3A_1285 : i1 to i32
      %cond3A_1287 = arith.constant 0 : i32
      %cond3A_1288 = arith.cmpi ne, %convert_element_type3A_1286, %cond3A_1287 : i32
      scf.if %cond3A_1288 {
        %add3A_1684 = arith.addi %mul3A_0, %add3A_897 : i32
        %add3A_1685 = arith.constant 4 : i32
        %add3A_1686 = arith.addi %add3A_1684, %add3A_1685 : i32
        %dma_start3A_1687 = arith.constant 0 : i32
        %dma_start3A_1688 = arith.constant 0 : i32
        %dma_start3A_1689 = tpu.memref_slice %arg2[%add3A_1686, %dma_start3A_1687, %dma_start3A_1688] : memref<2560x2x128xi32, #tpu.memory_space<hbm>> -> memref<1x2x128xi32, #tpu.memory_space<hbm>>
        %dma_start3A_1690 = tpu.memref_squeeze %dma_start3A_1689 : memref<1x2x128xi32, #tpu.memory_space<hbm>> -> memref<2x128xi32, #tpu.memory_space<hbm>>
        %dma_start3A_1691 = arith.constant 0 : i32
        %dma_start3A_1692 = arith.constant 0 : i32
        %dma_start3A_1693 = tpu.memref_slice %arg2[%add3A_1686, %dma_start3A_1691, %dma_start3A_1692] : memref<2560x2x128xi32, #tpu.memory_space<hbm>> -> memref<1x2x128xi32, #tpu.memory_space<hbm>>
        %dma_start3A_1694 = tpu.memref_squeeze %dma_start3A_1693 : memref<1x2x128xi32, #tpu.memory_space<hbm>> -> memref<2x128xi32, #tpu.memory_space<hbm>>
        tpu.enqueue_dma source(%dma_start3A_1694 : memref<2x128xi32, #tpu.memory_space<hbm>>) target(%arg7 : memref<2x128xi32, #tpu.memory_space<vmem>>) target_semaphore(%arg21 : memref<!tpu.dma_semaphore, #tpu.memory_space<semaphore_mem>>)
      } else {
      }
      %mul3A_1289 = arith.constant 4 : i32
      %mul3A_1290 = arith.muli %mul3A_1289, %scan3A_114 : i32
      %add3A_1291 = arith.constant 3 : i32
      %add3A_1292 = arith.addi %mul3A_1290, %add3A_1291 : i32
      %dma_wait3A_1293 = arith.constant 0 : i32
      %dma_wait3A_1294 = arith.constant 0 : i32
      %dma_wait3A_1295 = tpu.memref_slice %arg8[%dma_wait3A_1293, %dma_wait3A_1294] : memref<2x128xi32, #tpu.memory_space<vmem>> -> memref<1x128xi32, #tpu.memory_space<vmem>>
      %dma_wait3A_1296 = tpu.memref_squeeze %dma_wait3A_1295 : memref<1x128xi32, #tpu.memory_space<vmem>> -> memref<128xi32, #tpu.memory_space<vmem>>
      %dma_wait3A_1297 = arith.constant 0 : i32
      %dma_wait3A_1298 = tpu.memref_slice %arg3[%dma_wait3A_1297] : memref<10000xi32, #tpu.memory_space<hbm>> -> memref<10000xi32, #tpu.memory_space<hbm>>
      tpu.wait_indirect_dma semaphore(%arg26 : memref<!tpu.dma_semaphore, #tpu.memory_space<semaphore_mem>>) src(%dma_wait3A_1298 : memref<10000xi32, #tpu.memory_space<hbm>>) dst(%arg12 : memref<128xi32, #tpu.memory_space<vmem>>)
      %lt3A_1299 = arith.constant 158 : i32
      %lt3A_1300 = arith.cmpi slt, %add3A_1292, %lt3A_1299 : i32
      %convert_element_type3A_1301 = arith.extui %lt3A_1300 : i1 to i32
      %cond3A_1302 = arith.constant 0 : i32
      %cond3A_1303 = arith.cmpi ne, %convert_element_type3A_1301, %cond3A_1302 : i32
      scf.if %cond3A_1303 {
        %add3A_1684 = arith.addi %mul3A_0, %add3A_1292 : i32
        %add3A_1685 = arith.constant 2 : i32
        %add3A_1686 = arith.addi %add3A_1684, %add3A_1685 : i32
        %dma_wait3A_1687 = arith.constant 0 : i32
        %dma_wait3A_1688 = arith.constant 0 : i32
        %dma_wait3A_1689 = tpu.memref_slice %arg2[%add3A_1686, %dma_wait3A_1687, %dma_wait3A_1688] : memref<2560x2x128xi32, #tpu.memory_space<hbm>> -> memref<1x2x128xi32, #tpu.memory_space<hbm>>
        %dma_wait3A_1690 = tpu.memref_squeeze %dma_wait3A_1689 : memref<1x2x128xi32, #tpu.memory_space<hbm>> -> memref<2x128xi32, #tpu.memory_space<hbm>>
        %dma_wait3A_1691 = arith.constant 0 : i32
        %dma_wait3A_1692 = arith.constant 0 : i32
        %dma_wait3A_1693 = tpu.memref_slice %arg2[%add3A_1686, %dma_wait3A_1691, %dma_wait3A_1692] : memref<2560x2x128xi32, #tpu.memory_space<hbm>> -> memref<1x2x128xi32, #tpu.memory_space<hbm>>
        %dma_wait3A_1694 = tpu.memref_squeeze %dma_wait3A_1693 : memref<1x2x128xi32, #tpu.memory_space<hbm>> -> memref<2x128xi32, #tpu.memory_space<hbm>>
        tpu.wait_dma2 semaphore(%arg20 : memref<!tpu.dma_semaphore, #tpu.memory_space<semaphore_mem>>) src(%dma_wait3A_1694 : memref<2x128xi32, #tpu.memory_space<hbm>>) dst(%arg6 : memref<2x128xi32, #tpu.memory_space<vmem>>)
        %dma_start3A_1695 = arith.constant 0 : i32
        %dma_start3A_1696 = arith.constant 0 : i32
        %dma_start3A_1697 = tpu.memref_slice %arg6[%dma_start3A_1695, %dma_start3A_1696] : memref<2x128xi32, #tpu.memory_space<vmem>> -> memref<1x128xi32, #tpu.memory_space<vmem>>
        %dma_start3A_1698 = tpu.memref_squeeze %dma_start3A_1697 : memref<1x128xi32, #tpu.memory_space<vmem>> -> memref<128xi32, #tpu.memory_space<vmem>>
        %dma_start3A_1699 = arith.constant 0 : i32
        %dma_start3A_1700 = tpu.memref_slice %arg3[%dma_start3A_1699] : memref<10000xi32, #tpu.memory_space<hbm>> -> memref<10000xi32, #tpu.memory_space<hbm>>
        tpu.enqueue_indirect_dma source(%dma_start3A_1700 : memref<10000xi32, #tpu.memory_space<hbm>>) target(%arg10 : memref<128xi32, #tpu.memory_space<vmem>>) offsets(%dma_start3A_1698 : memref<128xi32, #tpu.memory_space<vmem>>) semaphore(%arg24 : memref<!tpu.dma_semaphore, #tpu.memory_space<semaphore_mem>>)
      } else {
      }
      %ge3A_1304 = arith.constant 2 : i32
      %ge3A_1305 = arith.cmpi sge, %add3A_1292, %ge3A_1304 : i32
      %convert_element_type3A_1306 = arith.extui %ge3A_1305 : i1 to i32
      %cond3A_1307 = arith.constant 0 : i32
      %cond3A_1308 = arith.cmpi ne, %convert_element_type3A_1306, %cond3A_1307 : i32
      scf.if %cond3A_1308 {
        %dma_wait3A_1684 = arith.constant 0 : i32
        %dma_wait3A_1685 = tpu.memref_slice %arg18[%dma_wait3A_1684] : memref<1296384xf32, #tpu.memory_space<vmem_shared>> -> memref<1296384xf32, #tpu.memory_space<vmem_shared>>
        tpu.wait_indirect_dma semaphore(%arg28 : memref<!tpu.dma_semaphore, #tpu.memory_space<semaphore_mem>>) src(%arg16 : memref<128xf32, #tpu.memory_space<vmem>>) dst(%dma_wait3A_1685 : memref<1296384xf32, #tpu.memory_space<vmem_shared>>)
      } else {
      }
      %get3A_1309 = arith.constant 1 : i32
      %get3A_1310 = arith.index_cast %get3A_1309 : i32 to index
      %get3A_1311 = arith.constant 0 : index
      %get3A_1312 = tpu.vector_load %arg8[%get3A_1310, %get3A_1311] {strides = array<i32>} : memref<2x128xi32, #tpu.memory_space<vmem>>, vector<1x16xi32>,
      %get3A_1313 = vector.shape_cast %get3A_1312 : vector<1x16xi32> to vector<16xi32>
      %get3A_1314 = arith.constant 0 : index
      %get3A_1315 = tpu.vector_load %arg12[%get3A_1314] {strides = array<i32>} : memref<128xi32, #tpu.memory_space<vmem>>, vector<16xi32>,
      %get3A_1316 = vector.shape_cast %get3A_1315 : vector<16xi32> to vector<16xi32>
      %shift_right_logical3A_1317 = arith.constant 23 : i32
      %shift_right_logical3A_1318 = vector.broadcast %shift_right_logical3A_1317 : i32 to vector<16xi32>
      %shift_right_logical3A_1319 = arith.shrui %get3A_1316, %shift_right_logical3A_1318 : vector<16xi32>
      %and3A_1320 = arith.constant 8388607 : i32
      %and3A_1321 = vector.broadcast %and3A_1320 : i32 to vector<16xi32>
      %and3A_1322 = arith.andi %get3A_1316, %and3A_1321 : vector<16xi32>
      %convert_element_type3A_1323 = arith.sitofp %and3A_1322 : vector<16xi32> to vector<16xf32>
      %mul3A_1324 = arith.constant 2.38418579E-7 : f32
      %mul3A_1325 = vector.broadcast %mul3A_1324 : f32 to vector<16xf32>
      %mul3A_1326 = arith.mulf %convert_element_type3A_1323, %mul3A_1325 : vector<16xf32>
      %sub3A_1327 = vector.broadcast %mul3A_68 : i32 to vector<16xi32>
      %sub3A_1328 = arith.subi %get3A_1313, %sub3A_1327 : vector<16xi32>
      %ge3A_1329 = arith.constant 0 : i32
      %ge3A_1330 = vector.broadcast %ge3A_1329 : i32 to vector<16xi32>
      %ge3A_1331 = arith.cmpi sge, %sub3A_1328, %ge3A_1330 : vector<16xi32>
      %lt3A_1332 = arith.constant 5056 : i32
      %lt3A_1333 = vector.broadcast %lt3A_1332 : i32 to vector<16xi32>
      %lt3A_1334 = arith.cmpi slt, %sub3A_1328, %lt3A_1333 : vector<16xi32>
      %and3A_1335 = arith.andi %ge3A_1331, %lt3A_1334 : vector<16xi1>
      %jit3A_1336 = arith.constant 0.000000e+00 : f32
      %broadcast_in_dim3A_1337 = vector.broadcast %jit3A_1336 : f32 to vector<16xf32>
      %select_n3A_1338 = arith.select %and3A_1335, %mul3A_1326, %broadcast_in_dim3A_1337 : vector<16xi1>, vector<16xf32>
      %mul3A_1339 = arith.constant 256 : i32
      %mul3A_1340 = vector.broadcast %mul3A_1339 : i32 to vector<16xi32>
      %mul3A_1341 = arith.muli %sub3A_1328, %mul3A_1340 : vector<16xi32>
      %add3A_1342 = arith.addi %mul3A_1341, %shift_right_logical3A_1319 : vector<16xi32>
      %add3A_1343 = arith.constant 1294336 : i32
      %add3A_1344 = vector.broadcast %add3A_1343 : i32 to vector<16xi32>
      %add3A_1345 = arith.addi %add3A_1344, %iota3A : vector<16xi32>
      %select_n3A_1346 = arith.select %and3A_1335, %add3A_1342, %add3A_1345 : vector<16xi1>, vector<16xi32>
      %swap3A_1347 = arith.constant 0 : index
      %swap3A_1348 = tpu.vector_load %arg14[%swap3A_1347] {strides = array<i32>} : memref<128xi32, #tpu.memory_space<vmem>>, vector<16xi32>,
      %swap3A_1349 = vector.shape_cast %swap3A_1348 : vector<16xi32> to vector<16xi32>
      %swap3A_1350 = vector.shape_cast %select_n3A_1346 : vector<16xi32> to vector<16xi32>
      tpu.vector_store %arg14[%swap3A_1347], %swap3A_1350 {strides = array<i32>} : memref<128xi32, #tpu.memory_space<vmem>>, vector<16xi32>,
      %swap3A_1351 = arith.constant 0 : index
      %swap3A_1352 = tpu.vector_load %arg16[%swap3A_1351] {strides = array<i32>} : memref<128xf32, #tpu.memory_space<vmem>>, vector<16xf32>,
      %swap3A_1353 = vector.shape_cast %swap3A_1352 : vector<16xf32> to vector<16xf32>
      %swap3A_1354 = vector.shape_cast %select_n3A_1338 : vector<16xf32> to vector<16xf32>
      tpu.vector_store %arg16[%swap3A_1351], %swap3A_1354 {strides = array<i32>} : memref<128xf32, #tpu.memory_space<vmem>>, vector<16xf32>,
      %get3A_1355 = arith.constant 1 : i32
      %get3A_1356 = arith.index_cast %get3A_1355 : i32 to index
      %get3A_1357 = arith.constant 16 : index
      %get3A_1358 = tpu.vector_load %arg8[%get3A_1356, %get3A_1357] {strides = array<i32>} : memref<2x128xi32, #tpu.memory_space<vmem>>, vector<1x16xi32>,
      %get3A_1359 = vector.shape_cast %get3A_1358 : vector<1x16xi32> to vector<16xi32>
      %get3A_1360 = arith.constant 16 : index
      %get3A_1361 = tpu.vector_load %arg12[%get3A_1360] {strides = array<i32>} : memref<128xi32, #tpu.memory_space<vmem>>, vector<16xi32>,
      %get3A_1362 = vector.shape_cast %get3A_1361 : vector<16xi32> to vector<16xi32>
      %shift_right_logical3A_1363 = arith.constant 23 : i32
      %shift_right_logical3A_1364 = vector.broadcast %shift_right_logical3A_1363 : i32 to vector<16xi32>
      %shift_right_logical3A_1365 = arith.shrui %get3A_1362, %shift_right_logical3A_1364 : vector<16xi32>
      %and3A_1366 = arith.constant 8388607 : i32
      %and3A_1367 = vector.broadcast %and3A_1366 : i32 to vector<16xi32>
      %and3A_1368 = arith.andi %get3A_1362, %and3A_1367 : vector<16xi32>
      %convert_element_type3A_1369 = arith.sitofp %and3A_1368 : vector<16xi32> to vector<16xf32>
      %mul3A_1370 = arith.constant 2.38418579E-7 : f32
      %mul3A_1371 = vector.broadcast %mul3A_1370 : f32 to vector<16xf32>
      %mul3A_1372 = arith.mulf %convert_element_type3A_1369, %mul3A_1371 : vector<16xf32>
      %sub3A_1373 = vector.broadcast %mul3A_68 : i32 to vector<16xi32>
      %sub3A_1374 = arith.subi %get3A_1359, %sub3A_1373 : vector<16xi32>
      %ge3A_1375 = arith.constant 0 : i32
      %ge3A_1376 = vector.broadcast %ge3A_1375 : i32 to vector<16xi32>
      %ge3A_1377 = arith.cmpi sge, %sub3A_1374, %ge3A_1376 : vector<16xi32>
      %lt3A_1378 = arith.constant 5056 : i32
      %lt3A_1379 = vector.broadcast %lt3A_1378 : i32 to vector<16xi32>
      %lt3A_1380 = arith.cmpi slt, %sub3A_1374, %lt3A_1379 : vector<16xi32>
      %and3A_1381 = arith.andi %ge3A_1377, %lt3A_1380 : vector<16xi1>
      %jit3A_1382 = arith.constant 0.000000e+00 : f32
      %broadcast_in_dim3A_1383 = vector.broadcast %jit3A_1382 : f32 to vector<16xf32>
      %select_n3A_1384 = arith.select %and3A_1381, %mul3A_1372, %broadcast_in_dim3A_1383 : vector<16xi1>, vector<16xf32>
      %mul3A_1385 = arith.constant 256 : i32
      %mul3A_1386 = vector.broadcast %mul3A_1385 : i32 to vector<16xi32>
      %mul3A_1387 = arith.muli %sub3A_1374, %mul3A_1386 : vector<16xi32>
      %add3A_1388 = arith.addi %mul3A_1387, %shift_right_logical3A_1365 : vector<16xi32>
      %add3A_1389 = arith.constant 1294352 : i32
      %add3A_1390 = vector.broadcast %add3A_1389 : i32 to vector<16xi32>
      %add3A_1391 = arith.addi %add3A_1390, %iota3A : vector<16xi32>
      %select_n3A_1392 = arith.select %and3A_1381, %add3A_1388, %add3A_1391 : vector<16xi1>, vector<16xi32>
      %swap3A_1393 = arith.constant 16 : index
      %swap3A_1394 = tpu.vector_load %arg14[%swap3A_1393] {strides = array<i32>} : memref<128xi32, #tpu.memory_space<vmem>>, vector<16xi32>,
      %swap3A_1395 = vector.shape_cast %swap3A_1394 : vector<16xi32> to vector<16xi32>
      %swap3A_1396 = vector.shape_cast %select_n3A_1392 : vector<16xi32> to vector<16xi32>
      tpu.vector_store %arg14[%swap3A_1393], %swap3A_1396 {strides = array<i32>} : memref<128xi32, #tpu.memory_space<vmem>>, vector<16xi32>,
      %swap3A_1397 = arith.constant 16 : index
      %swap3A_1398 = tpu.vector_load %arg16[%swap3A_1397] {strides = array<i32>} : memref<128xf32, #tpu.memory_space<vmem>>, vector<16xf32>,
      %swap3A_1399 = vector.shape_cast %swap3A_1398 : vector<16xf32> to vector<16xf32>
      %swap3A_1400 = vector.shape_cast %select_n3A_1384 : vector<16xf32> to vector<16xf32>
      tpu.vector_store %arg16[%swap3A_1397], %swap3A_1400 {strides = array<i32>} : memref<128xf32, #tpu.memory_space<vmem>>, vector<16xf32>,
      %get3A_1401 = arith.constant 1 : i32
      %get3A_1402 = arith.index_cast %get3A_1401 : i32 to index
      %get3A_1403 = arith.constant 32 : index
      %get3A_1404 = tpu.vector_load %arg8[%get3A_1402, %get3A_1403] {strides = array<i32>} : memref<2x128xi32, #tpu.memory_space<vmem>>, vector<1x16xi32>,
      %get3A_1405 = vector.shape_cast %get3A_1404 : vector<1x16xi32> to vector<16xi32>
      %get3A_1406 = arith.constant 32 : index
      %get3A_1407 = tpu.vector_load %arg12[%get3A_1406] {strides = array<i32>} : memref<128xi32, #tpu.memory_space<vmem>>, vector<16xi32>,
      %get3A_1408 = vector.shape_cast %get3A_1407 : vector<16xi32> to vector<16xi32>
      %shift_right_logical3A_1409 = arith.constant 23 : i32
      %shift_right_logical3A_1410 = vector.broadcast %shift_right_logical3A_1409 : i32 to vector<16xi32>
      %shift_right_logical3A_1411 = arith.shrui %get3A_1408, %shift_right_logical3A_1410 : vector<16xi32>
      %and3A_1412 = arith.constant 8388607 : i32
      %and3A_1413 = vector.broadcast %and3A_1412 : i32 to vector<16xi32>
      %and3A_1414 = arith.andi %get3A_1408, %and3A_1413 : vector<16xi32>
      %convert_element_type3A_1415 = arith.sitofp %and3A_1414 : vector<16xi32> to vector<16xf32>
      %mul3A_1416 = arith.constant 2.38418579E-7 : f32
      %mul3A_1417 = vector.broadcast %mul3A_1416 : f32 to vector<16xf32>
      %mul3A_1418 = arith.mulf %convert_element_type3A_1415, %mul3A_1417 : vector<16xf32>
      %sub3A_1419 = vector.broadcast %mul3A_68 : i32 to vector<16xi32>
      %sub3A_1420 = arith.subi %get3A_1405, %sub3A_1419 : vector<16xi32>
      %ge3A_1421 = arith.constant 0 : i32
      %ge3A_1422 = vector.broadcast %ge3A_1421 : i32 to vector<16xi32>
      %ge3A_1423 = arith.cmpi sge, %sub3A_1420, %ge3A_1422 : vector<16xi32>
      %lt3A_1424 = arith.constant 5056 : i32
      %lt3A_1425 = vector.broadcast %lt3A_1424 : i32 to vector<16xi32>
      %lt3A_1426 = arith.cmpi slt, %sub3A_1420, %lt3A_1425 : vector<16xi32>
      %and3A_1427 = arith.andi %ge3A_1423, %lt3A_1426 : vector<16xi1>
      %jit3A_1428 = arith.constant 0.000000e+00 : f32
      %broadcast_in_dim3A_1429 = vector.broadcast %jit3A_1428 : f32 to vector<16xf32>
      %select_n3A_1430 = arith.select %and3A_1427, %mul3A_1418, %broadcast_in_dim3A_1429 : vector<16xi1>, vector<16xf32>
      %mul3A_1431 = arith.constant 256 : i32
      %mul3A_1432 = vector.broadcast %mul3A_1431 : i32 to vector<16xi32>
      %mul3A_1433 = arith.muli %sub3A_1420, %mul3A_1432 : vector<16xi32>
      %add3A_1434 = arith.addi %mul3A_1433, %shift_right_logical3A_1411 : vector<16xi32>
      %add3A_1435 = arith.constant 1294368 : i32
      %add3A_1436 = vector.broadcast %add3A_1435 : i32 to vector<16xi32>
      %add3A_1437 = arith.addi %add3A_1436, %iota3A : vector<16xi32>
      %select_n3A_1438 = arith.select %and3A_1427, %add3A_1434, %add3A_1437 : vector<16xi1>, vector<16xi32>
      %swap3A_1439 = arith.constant 32 : index
      %swap3A_1440 = tpu.vector_load %arg14[%swap3A_1439] {strides = array<i32>} : memref<128xi32, #tpu.memory_space<vmem>>, vector<16xi32>,
      %swap3A_1441 = vector.shape_cast %swap3A_1440 : vector<16xi32> to vector<16xi32>
      %swap3A_1442 = vector.shape_cast %select_n3A_1438 : vector<16xi32> to vector<16xi32>
      tpu.vector_store %arg14[%swap3A_1439], %swap3A_1442 {strides = array<i32>} : memref<128xi32, #tpu.memory_space<vmem>>, vector<16xi32>,
      %swap3A_1443 = arith.constant 32 : index
      %swap3A_1444 = tpu.vector_load %arg16[%swap3A_1443] {strides = array<i32>} : memref<128xf32, #tpu.memory_space<vmem>>, vector<16xf32>,
      %swap3A_1445 = vector.shape_cast %swap3A_1444 : vector<16xf32> to vector<16xf32>
      %swap3A_1446 = vector.shape_cast %select_n3A_1430 : vector<16xf32> to vector<16xf32>
      tpu.vector_store %arg16[%swap3A_1443], %swap3A_1446 {strides = array<i32>} : memref<128xf32, #tpu.memory_space<vmem>>, vector<16xf32>,
      %get3A_1447 = arith.constant 1 : i32
      %get3A_1448 = arith.index_cast %get3A_1447 : i32 to index
      %get3A_1449 = arith.constant 48 : index
      %get3A_1450 = tpu.vector_load %arg8[%get3A_1448, %get3A_1449] {strides = array<i32>} : memref<2x128xi32, #tpu.memory_space<vmem>>, vector<1x16xi32>,
      %get3A_1451 = vector.shape_cast %get3A_1450 : vector<1x16xi32> to vector<16xi32>
      %get3A_1452 = arith.constant 48 : index
      %get3A_1453 = tpu.vector_load %arg12[%get3A_1452] {strides = array<i32>} : memref<128xi32, #tpu.memory_space<vmem>>, vector<16xi32>,
      %get3A_1454 = vector.shape_cast %get3A_1453 : vector<16xi32> to vector<16xi32>
      %shift_right_logical3A_1455 = arith.constant 23 : i32
      %shift_right_logical3A_1456 = vector.broadcast %shift_right_logical3A_1455 : i32 to vector<16xi32>
      %shift_right_logical3A_1457 = arith.shrui %get3A_1454, %shift_right_logical3A_1456 : vector<16xi32>
      %and3A_1458 = arith.constant 8388607 : i32
      %and3A_1459 = vector.broadcast %and3A_1458 : i32 to vector<16xi32>
      %and3A_1460 = arith.andi %get3A_1454, %and3A_1459 : vector<16xi32>
      %convert_element_type3A_1461 = arith.sitofp %and3A_1460 : vector<16xi32> to vector<16xf32>
      %mul3A_1462 = arith.constant 2.38418579E-7 : f32
      %mul3A_1463 = vector.broadcast %mul3A_1462 : f32 to vector<16xf32>
      %mul3A_1464 = arith.mulf %convert_element_type3A_1461, %mul3A_1463 : vector<16xf32>
      %sub3A_1465 = vector.broadcast %mul3A_68 : i32 to vector<16xi32>
      %sub3A_1466 = arith.subi %get3A_1451, %sub3A_1465 : vector<16xi32>
      %ge3A_1467 = arith.constant 0 : i32
      %ge3A_1468 = vector.broadcast %ge3A_1467 : i32 to vector<16xi32>
      %ge3A_1469 = arith.cmpi sge, %sub3A_1466, %ge3A_1468 : vector<16xi32>
      %lt3A_1470 = arith.constant 5056 : i32
      %lt3A_1471 = vector.broadcast %lt3A_1470 : i32 to vector<16xi32>
      %lt3A_1472 = arith.cmpi slt, %sub3A_1466, %lt3A_1471 : vector<16xi32>
      %and3A_1473 = arith.andi %ge3A_1469, %lt3A_1472 : vector<16xi1>
      %jit3A_1474 = arith.constant 0.000000e+00 : f32
      %broadcast_in_dim3A_1475 = vector.broadcast %jit3A_1474 : f32 to vector<16xf32>
      %select_n3A_1476 = arith.select %and3A_1473, %mul3A_1464, %broadcast_in_dim3A_1475 : vector<16xi1>, vector<16xf32>
      %mul3A_1477 = arith.constant 256 : i32
      %mul3A_1478 = vector.broadcast %mul3A_1477 : i32 to vector<16xi32>
      %mul3A_1479 = arith.muli %sub3A_1466, %mul3A_1478 : vector<16xi32>
      %add3A_1480 = arith.addi %mul3A_1479, %shift_right_logical3A_1457 : vector<16xi32>
      %add3A_1481 = arith.constant 1294384 : i32
      %add3A_1482 = vector.broadcast %add3A_1481 : i32 to vector<16xi32>
      %add3A_1483 = arith.addi %add3A_1482, %iota3A : vector<16xi32>
      %select_n3A_1484 = arith.select %and3A_1473, %add3A_1480, %add3A_1483 : vector<16xi1>, vector<16xi32>
      %swap3A_1485 = arith.constant 48 : index
      %swap3A_1486 = tpu.vector_load %arg14[%swap3A_1485] {strides = array<i32>} : memref<128xi32, #tpu.memory_space<vmem>>, vector<16xi32>,
      %swap3A_1487 = vector.shape_cast %swap3A_1486 : vector<16xi32> to vector<16xi32>
      %swap3A_1488 = vector.shape_cast %select_n3A_1484 : vector<16xi32> to vector<16xi32>
      tpu.vector_store %arg14[%swap3A_1485], %swap3A_1488 {strides = array<i32>} : memref<128xi32, #tpu.memory_space<vmem>>, vector<16xi32>,
      %swap3A_1489 = arith.constant 48 : index
      %swap3A_1490 = tpu.vector_load %arg16[%swap3A_1489] {strides = array<i32>} : memref<128xf32, #tpu.memory_space<vmem>>, vector<16xf32>,
      %swap3A_1491 = vector.shape_cast %swap3A_1490 : vector<16xf32> to vector<16xf32>
      %swap3A_1492 = vector.shape_cast %select_n3A_1476 : vector<16xf32> to vector<16xf32>
      tpu.vector_store %arg16[%swap3A_1489], %swap3A_1492 {strides = array<i32>} : memref<128xf32, #tpu.memory_space<vmem>>, vector<16xf32>,
      %get3A_1493 = arith.constant 1 : i32
      %get3A_1494 = arith.index_cast %get3A_1493 : i32 to index
      %get3A_1495 = arith.constant 64 : index
      %get3A_1496 = tpu.vector_load %arg8[%get3A_1494, %get3A_1495] {strides = array<i32>} : memref<2x128xi32, #tpu.memory_space<vmem>>, vector<1x16xi32>,
      %get3A_1497 = vector.shape_cast %get3A_1496 : vector<1x16xi32> to vector<16xi32>
      %get3A_1498 = arith.constant 64 : index
      %get3A_1499 = tpu.vector_load %arg12[%get3A_1498] {strides = array<i32>} : memref<128xi32, #tpu.memory_space<vmem>>, vector<16xi32>,
      %get3A_1500 = vector.shape_cast %get3A_1499 : vector<16xi32> to vector<16xi32>
      %shift_right_logical3A_1501 = arith.constant 23 : i32
      %shift_right_logical3A_1502 = vector.broadcast %shift_right_logical3A_1501 : i32 to vector<16xi32>
      %shift_right_logical3A_1503 = arith.shrui %get3A_1500, %shift_right_logical3A_1502 : vector<16xi32>
      %and3A_1504 = arith.constant 8388607 : i32
      %and3A_1505 = vector.broadcast %and3A_1504 : i32 to vector<16xi32>
      %and3A_1506 = arith.andi %get3A_1500, %and3A_1505 : vector<16xi32>
      %convert_element_type3A_1507 = arith.sitofp %and3A_1506 : vector<16xi32> to vector<16xf32>
      %mul3A_1508 = arith.constant 2.38418579E-7 : f32
      %mul3A_1509 = vector.broadcast %mul3A_1508 : f32 to vector<16xf32>
      %mul3A_1510 = arith.mulf %convert_element_type3A_1507, %mul3A_1509 : vector<16xf32>
      %sub3A_1511 = vector.broadcast %mul3A_68 : i32 to vector<16xi32>
      %sub3A_1512 = arith.subi %get3A_1497, %sub3A_1511 : vector<16xi32>
      %ge3A_1513 = arith.constant 0 : i32
      %ge3A_1514 = vector.broadcast %ge3A_1513 : i32 to vector<16xi32>
      %ge3A_1515 = arith.cmpi sge, %sub3A_1512, %ge3A_1514 : vector<16xi32>
      %lt3A_1516 = arith.constant 5056 : i32
      %lt3A_1517 = vector.broadcast %lt3A_1516 : i32 to vector<16xi32>
      %lt3A_1518 = arith.cmpi slt, %sub3A_1512, %lt3A_1517 : vector<16xi32>
      %and3A_1519 = arith.andi %ge3A_1515, %lt3A_1518 : vector<16xi1>
      %jit3A_1520 = arith.constant 0.000000e+00 : f32
      %broadcast_in_dim3A_1521 = vector.broadcast %jit3A_1520 : f32 to vector<16xf32>
      %select_n3A_1522 = arith.select %and3A_1519, %mul3A_1510, %broadcast_in_dim3A_1521 : vector<16xi1>, vector<16xf32>
      %mul3A_1523 = arith.constant 256 : i32
      %mul3A_1524 = vector.broadcast %mul3A_1523 : i32 to vector<16xi32>
      %mul3A_1525 = arith.muli %sub3A_1512, %mul3A_1524 : vector<16xi32>
      %add3A_1526 = arith.addi %mul3A_1525, %shift_right_logical3A_1503 : vector<16xi32>
      %add3A_1527 = arith.constant 1294400 : i32
      %add3A_1528 = vector.broadcast %add3A_1527 : i32 to vector<16xi32>
      %add3A_1529 = arith.addi %add3A_1528, %iota3A : vector<16xi32>
      %select_n3A_1530 = arith.select %and3A_1519, %add3A_1526, %add3A_1529 : vector<16xi1>, vector<16xi32>
      %swap3A_1531 = arith.constant 64 : index
      %swap3A_1532 = tpu.vector_load %arg14[%swap3A_1531] {strides = array<i32>} : memref<128xi32, #tpu.memory_space<vmem>>, vector<16xi32>,
      %swap3A_1533 = vector.shape_cast %swap3A_1532 : vector<16xi32> to vector<16xi32>
      %swap3A_1534 = vector.shape_cast %select_n3A_1530 : vector<16xi32> to vector<16xi32>
      tpu.vector_store %arg14[%swap3A_1531], %swap3A_1534 {strides = array<i32>} : memref<128xi32, #tpu.memory_space<vmem>>, vector<16xi32>,
      %swap3A_1535 = arith.constant 64 : index
      %swap3A_1536 = tpu.vector_load %arg16[%swap3A_1535] {strides = array<i32>} : memref<128xf32, #tpu.memory_space<vmem>>, vector<16xf32>,
      %swap3A_1537 = vector.shape_cast %swap3A_1536 : vector<16xf32> to vector<16xf32>
      %swap3A_1538 = vector.shape_cast %select_n3A_1522 : vector<16xf32> to vector<16xf32>
      tpu.vector_store %arg16[%swap3A_1535], %swap3A_1538 {strides = array<i32>} : memref<128xf32, #tpu.memory_space<vmem>>, vector<16xf32>,
      %get3A_1539 = arith.constant 1 : i32
      %get3A_1540 = arith.index_cast %get3A_1539 : i32 to index
      %get3A_1541 = arith.constant 80 : index
      %get3A_1542 = tpu.vector_load %arg8[%get3A_1540, %get3A_1541] {strides = array<i32>} : memref<2x128xi32, #tpu.memory_space<vmem>>, vector<1x16xi32>,
      %get3A_1543 = vector.shape_cast %get3A_1542 : vector<1x16xi32> to vector<16xi32>
      %get3A_1544 = arith.constant 80 : index
      %get3A_1545 = tpu.vector_load %arg12[%get3A_1544] {strides = array<i32>} : memref<128xi32, #tpu.memory_space<vmem>>, vector<16xi32>,
      %get3A_1546 = vector.shape_cast %get3A_1545 : vector<16xi32> to vector<16xi32>
      %shift_right_logical3A_1547 = arith.constant 23 : i32
      %shift_right_logical3A_1548 = vector.broadcast %shift_right_logical3A_1547 : i32 to vector<16xi32>
      %shift_right_logical3A_1549 = arith.shrui %get3A_1546, %shift_right_logical3A_1548 : vector<16xi32>
      %and3A_1550 = arith.constant 8388607 : i32
      %and3A_1551 = vector.broadcast %and3A_1550 : i32 to vector<16xi32>
      %and3A_1552 = arith.andi %get3A_1546, %and3A_1551 : vector<16xi32>
      %convert_element_type3A_1553 = arith.sitofp %and3A_1552 : vector<16xi32> to vector<16xf32>
      %mul3A_1554 = arith.constant 2.38418579E-7 : f32
      %mul3A_1555 = vector.broadcast %mul3A_1554 : f32 to vector<16xf32>
      %mul3A_1556 = arith.mulf %convert_element_type3A_1553, %mul3A_1555 : vector<16xf32>
      %sub3A_1557 = vector.broadcast %mul3A_68 : i32 to vector<16xi32>
      %sub3A_1558 = arith.subi %get3A_1543, %sub3A_1557 : vector<16xi32>
      %ge3A_1559 = arith.constant 0 : i32
      %ge3A_1560 = vector.broadcast %ge3A_1559 : i32 to vector<16xi32>
      %ge3A_1561 = arith.cmpi sge, %sub3A_1558, %ge3A_1560 : vector<16xi32>
      %lt3A_1562 = arith.constant 5056 : i32
      %lt3A_1563 = vector.broadcast %lt3A_1562 : i32 to vector<16xi32>
      %lt3A_1564 = arith.cmpi slt, %sub3A_1558, %lt3A_1563 : vector<16xi32>
      %and3A_1565 = arith.andi %ge3A_1561, %lt3A_1564 : vector<16xi1>
      %jit3A_1566 = arith.constant 0.000000e+00 : f32
      %broadcast_in_dim3A_1567 = vector.broadcast %jit3A_1566 : f32 to vector<16xf32>
      %select_n3A_1568 = arith.select %and3A_1565, %mul3A_1556, %broadcast_in_dim3A_1567 : vector<16xi1>, vector<16xf32>
      %mul3A_1569 = arith.constant 256 : i32
      %mul3A_1570 = vector.broadcast %mul3A_1569 : i32 to vector<16xi32>
      %mul3A_1571 = arith.muli %sub3A_1558, %mul3A_1570 : vector<16xi32>
      %add3A_1572 = arith.addi %mul3A_1571, %shift_right_logical3A_1549 : vector<16xi32>
      %add3A_1573 = arith.constant 1294416 : i32
      %add3A_1574 = vector.broadcast %add3A_1573 : i32 to vector<16xi32>
      %add3A_1575 = arith.addi %add3A_1574, %iota3A : vector<16xi32>
      %select_n3A_1576 = arith.select %and3A_1565, %add3A_1572, %add3A_1575 : vector<16xi1>, vector<16xi32>
      %swap3A_1577 = arith.constant 80 : index
      %swap3A_1578 = tpu.vector_load %arg14[%swap3A_1577] {strides = array<i32>} : memref<128xi32, #tpu.memory_space<vmem>>, vector<16xi32>,
      %swap3A_1579 = vector.shape_cast %swap3A_1578 : vector<16xi32> to vector<16xi32>
      %swap3A_1580 = vector.shape_cast %select_n3A_1576 : vector<16xi32> to vector<16xi32>
      tpu.vector_store %arg14[%swap3A_1577], %swap3A_1580 {strides = array<i32>} : memref<128xi32, #tpu.memory_space<vmem>>, vector<16xi32>,
      %swap3A_1581 = arith.constant 80 : index
      %swap3A_1582 = tpu.vector_load %arg16[%swap3A_1581] {strides = array<i32>} : memref<128xf32, #tpu.memory_space<vmem>>, vector<16xf32>,
      %swap3A_1583 = vector.shape_cast %swap3A_1582 : vector<16xf32> to vector<16xf32>
      %swap3A_1584 = vector.shape_cast %select_n3A_1568 : vector<16xf32> to vector<16xf32>
      tpu.vector_store %arg16[%swap3A_1581], %swap3A_1584 {strides = array<i32>} : memref<128xf32, #tpu.memory_space<vmem>>, vector<16xf32>,
      %get3A_1585 = arith.constant 1 : i32
      %get3A_1586 = arith.index_cast %get3A_1585 : i32 to index
      %get3A_1587 = arith.constant 96 : index
      %get3A_1588 = tpu.vector_load %arg8[%get3A_1586, %get3A_1587] {strides = array<i32>} : memref<2x128xi32, #tpu.memory_space<vmem>>, vector<1x16xi32>,
      %get3A_1589 = vector.shape_cast %get3A_1588 : vector<1x16xi32> to vector<16xi32>
      %get3A_1590 = arith.constant 96 : index
      %get3A_1591 = tpu.vector_load %arg12[%get3A_1590] {strides = array<i32>} : memref<128xi32, #tpu.memory_space<vmem>>, vector<16xi32>,
      %get3A_1592 = vector.shape_cast %get3A_1591 : vector<16xi32> to vector<16xi32>
      %shift_right_logical3A_1593 = arith.constant 23 : i32
      %shift_right_logical3A_1594 = vector.broadcast %shift_right_logical3A_1593 : i32 to vector<16xi32>
      %shift_right_logical3A_1595 = arith.shrui %get3A_1592, %shift_right_logical3A_1594 : vector<16xi32>
      %and3A_1596 = arith.constant 8388607 : i32
      %and3A_1597 = vector.broadcast %and3A_1596 : i32 to vector<16xi32>
      %and3A_1598 = arith.andi %get3A_1592, %and3A_1597 : vector<16xi32>
      %convert_element_type3A_1599 = arith.sitofp %and3A_1598 : vector<16xi32> to vector<16xf32>
      %mul3A_1600 = arith.constant 2.38418579E-7 : f32
      %mul3A_1601 = vector.broadcast %mul3A_1600 : f32 to vector<16xf32>
      %mul3A_1602 = arith.mulf %convert_element_type3A_1599, %mul3A_1601 : vector<16xf32>
      %sub3A_1603 = vector.broadcast %mul3A_68 : i32 to vector<16xi32>
      %sub3A_1604 = arith.subi %get3A_1589, %sub3A_1603 : vector<16xi32>
      %ge3A_1605 = arith.constant 0 : i32
      %ge3A_1606 = vector.broadcast %ge3A_1605 : i32 to vector<16xi32>
      %ge3A_1607 = arith.cmpi sge, %sub3A_1604, %ge3A_1606 : vector<16xi32>
      %lt3A_1608 = arith.constant 5056 : i32
      %lt3A_1609 = vector.broadcast %lt3A_1608 : i32 to vector<16xi32>
      %lt3A_1610 = arith.cmpi slt, %sub3A_1604, %lt3A_1609 : vector<16xi32>
      %and3A_1611 = arith.andi %ge3A_1607, %lt3A_1610 : vector<16xi1>
      %jit3A_1612 = arith.constant 0.000000e+00 : f32
      %broadcast_in_dim3A_1613 = vector.broadcast %jit3A_1612 : f32 to vector<16xf32>
      %select_n3A_1614 = arith.select %and3A_1611, %mul3A_1602, %broadcast_in_dim3A_1613 : vector<16xi1>, vector<16xf32>
      %mul3A_1615 = arith.constant 256 : i32
      %mul3A_1616 = vector.broadcast %mul3A_1615 : i32 to vector<16xi32>
      %mul3A_1617 = arith.muli %sub3A_1604, %mul3A_1616 : vector<16xi32>
      %add3A_1618 = arith.addi %mul3A_1617, %shift_right_logical3A_1595 : vector<16xi32>
      %add3A_1619 = arith.constant 1294432 : i32
      %add3A_1620 = vector.broadcast %add3A_1619 : i32 to vector<16xi32>
      %add3A_1621 = arith.addi %add3A_1620, %iota3A : vector<16xi32>
      %select_n3A_1622 = arith.select %and3A_1611, %add3A_1618, %add3A_1621 : vector<16xi1>, vector<16xi32>
      %swap3A_1623 = arith.constant 96 : index
      %swap3A_1624 = tpu.vector_load %arg14[%swap3A_1623] {strides = array<i32>} : memref<128xi32, #tpu.memory_space<vmem>>, vector<16xi32>,
      %swap3A_1625 = vector.shape_cast %swap3A_1624 : vector<16xi32> to vector<16xi32>
      %swap3A_1626 = vector.shape_cast %select_n3A_1622 : vector<16xi32> to vector<16xi32>
      tpu.vector_store %arg14[%swap3A_1623], %swap3A_1626 {strides = array<i32>} : memref<128xi32, #tpu.memory_space<vmem>>, vector<16xi32>,
      %swap3A_1627 = arith.constant 96 : index
      %swap3A_1628 = tpu.vector_load %arg16[%swap3A_1627] {strides = array<i32>} : memref<128xf32, #tpu.memory_space<vmem>>, vector<16xf32>,
      %swap3A_1629 = vector.shape_cast %swap3A_1628 : vector<16xf32> to vector<16xf32>
      %swap3A_1630 = vector.shape_cast %select_n3A_1614 : vector<16xf32> to vector<16xf32>
      tpu.vector_store %arg16[%swap3A_1627], %swap3A_1630 {strides = array<i32>} : memref<128xf32, #tpu.memory_space<vmem>>, vector<16xf32>,
      %get3A_1631 = arith.constant 1 : i32
      %get3A_1632 = arith.index_cast %get3A_1631 : i32 to index
      %get3A_1633 = arith.constant 112 : index
      %get3A_1634 = tpu.vector_load %arg8[%get3A_1632, %get3A_1633] {strides = array<i32>} : memref<2x128xi32, #tpu.memory_space<vmem>>, vector<1x16xi32>,
      %get3A_1635 = vector.shape_cast %get3A_1634 : vector<1x16xi32> to vector<16xi32>
      %get3A_1636 = arith.constant 112 : index
      %get3A_1637 = tpu.vector_load %arg12[%get3A_1636] {strides = array<i32>} : memref<128xi32, #tpu.memory_space<vmem>>, vector<16xi32>,
      %get3A_1638 = vector.shape_cast %get3A_1637 : vector<16xi32> to vector<16xi32>
      %shift_right_logical3A_1639 = arith.constant 23 : i32
      %shift_right_logical3A_1640 = vector.broadcast %shift_right_logical3A_1639 : i32 to vector<16xi32>
      %shift_right_logical3A_1641 = arith.shrui %get3A_1638, %shift_right_logical3A_1640 : vector<16xi32>
      %and3A_1642 = arith.constant 8388607 : i32
      %and3A_1643 = vector.broadcast %and3A_1642 : i32 to vector<16xi32>
      %and3A_1644 = arith.andi %get3A_1638, %and3A_1643 : vector<16xi32>
      %convert_element_type3A_1645 = arith.sitofp %and3A_1644 : vector<16xi32> to vector<16xf32>
      %mul3A_1646 = arith.constant 2.38418579E-7 : f32
      %mul3A_1647 = vector.broadcast %mul3A_1646 : f32 to vector<16xf32>
      %mul3A_1648 = arith.mulf %convert_element_type3A_1645, %mul3A_1647 : vector<16xf32>
      %sub3A_1649 = vector.broadcast %mul3A_68 : i32 to vector<16xi32>
      %sub3A_1650 = arith.subi %get3A_1635, %sub3A_1649 : vector<16xi32>
      %ge3A_1651 = arith.constant 0 : i32
      %ge3A_1652 = vector.broadcast %ge3A_1651 : i32 to vector<16xi32>
      %ge3A_1653 = arith.cmpi sge, %sub3A_1650, %ge3A_1652 : vector<16xi32>
      %lt3A_1654 = arith.constant 5056 : i32
      %lt3A_1655 = vector.broadcast %lt3A_1654 : i32 to vector<16xi32>
      %lt3A_1656 = arith.cmpi slt, %sub3A_1650, %lt3A_1655 : vector<16xi32>
      %and3A_1657 = arith.andi %ge3A_1653, %lt3A_1656 : vector<16xi1>
      %jit3A_1658 = arith.constant 0.000000e+00 : f32
      %broadcast_in_dim3A_1659 = vector.broadcast %jit3A_1658 : f32 to vector<16xf32>
      %select_n3A_1660 = arith.select %and3A_1657, %mul3A_1648, %broadcast_in_dim3A_1659 : vector<16xi1>, vector<16xf32>
      %mul3A_1661 = arith.constant 256 : i32
      %mul3A_1662 = vector.broadcast %mul3A_1661 : i32 to vector<16xi32>
      %mul3A_1663 = arith.muli %sub3A_1650, %mul3A_1662 : vector<16xi32>
      %add3A_1664 = arith.addi %mul3A_1663, %shift_right_logical3A_1641 : vector<16xi32>
      %add3A_1665 = arith.constant 1294448 : i32
      %add3A_1666 = vector.broadcast %add3A_1665 : i32 to vector<16xi32>
      %add3A_1667 = arith.addi %add3A_1666, %iota3A : vector<16xi32>
      %select_n3A_1668 = arith.select %and3A_1657, %add3A_1664, %add3A_1667 : vector<16xi1>, vector<16xi32>
      %swap3A_1669 = arith.constant 112 : index
      %swap3A_1670 = tpu.vector_load %arg14[%swap3A_1669] {strides = array<i32>} : memref<128xi32, #tpu.memory_space<vmem>>, vector<16xi32>,
      %swap3A_1671 = vector.shape_cast %swap3A_1670 : vector<16xi32> to vector<16xi32>
      %swap3A_1672 = vector.shape_cast %select_n3A_1668 : vector<16xi32> to vector<16xi32>
      tpu.vector_store %arg14[%swap3A_1669], %swap3A_1672 {strides = array<i32>} : memref<128xi32, #tpu.memory_space<vmem>>, vector<16xi32>,
      %swap3A_1673 = arith.constant 112 : index
      %swap3A_1674 = tpu.vector_load %arg16[%swap3A_1673] {strides = array<i32>} : memref<128xf32, #tpu.memory_space<vmem>>, vector<16xf32>,
      %swap3A_1675 = vector.shape_cast %swap3A_1674 : vector<16xf32> to vector<16xf32>
      %swap3A_1676 = vector.shape_cast %select_n3A_1660 : vector<16xf32> to vector<16xf32>
      tpu.vector_store %arg16[%swap3A_1673], %swap3A_1676 {strides = array<i32>} : memref<128xf32, #tpu.memory_space<vmem>>, vector<16xf32>,
      %dma_start3A_1677 = arith.constant 0 : i32
      %dma_start3A_1678 = tpu.memref_slice %arg18[%dma_start3A_1677] : memref<1296384xf32, #tpu.memory_space<vmem_shared>> -> memref<1296384xf32, #tpu.memory_space<vmem_shared>>
      tpu.enqueue_indirect_dma source(%arg16 : memref<128xf32, #tpu.memory_space<vmem>>) target(%dma_start3A_1678 : memref<1296384xf32, #tpu.memory_space<vmem_shared>>) offsets(%arg14 : memref<128xi32, #tpu.memory_space<vmem>>) semaphore(%arg28 : memref<!tpu.dma_semaphore, #tpu.memory_space<semaphore_mem>>) {add = true}
      %lt3A_1679 = arith.constant 156 : i32
      %lt3A_1680 = arith.cmpi slt, %add3A_1292, %lt3A_1679 : i32
      %convert_element_type3A_1681 = arith.extui %lt3A_1680 : i1 to i32
      %cond3A_1682 = arith.constant 0 : i32
      %cond3A_1683 = arith.cmpi ne, %convert_element_type3A_1681, %cond3A_1682 : i32
      scf.if %cond3A_1683 {
        %add3A_1684 = arith.addi %mul3A_0, %add3A_1292 : i32
        %add3A_1685 = arith.constant 4 : i32
        %add3A_1686 = arith.addi %add3A_1684, %add3A_1685 : i32
        %dma_start3A_1687 = arith.constant 0 : i32
        %dma_start3A_1688 = arith.constant 0 : i32
        %dma_start3A_1689 = tpu.memref_slice %arg2[%add3A_1686, %dma_start3A_1687, %dma_start3A_1688] : memref<2560x2x128xi32, #tpu.memory_space<hbm>> -> memref<1x2x128xi32, #tpu.memory_space<hbm>>
        %dma_start3A_1690 = tpu.memref_squeeze %dma_start3A_1689 : memref<1x2x128xi32, #tpu.memory_space<hbm>> -> memref<2x128xi32, #tpu.memory_space<hbm>>
        %dma_start3A_1691 = arith.constant 0 : i32
        %dma_start3A_1692 = arith.constant 0 : i32
        %dma_start3A_1693 = tpu.memref_slice %arg2[%add3A_1686, %dma_start3A_1691, %dma_start3A_1692] : memref<2560x2x128xi32, #tpu.memory_space<hbm>> -> memref<1x2x128xi32, #tpu.memory_space<hbm>>
        %dma_start3A_1694 = tpu.memref_squeeze %dma_start3A_1693 : memref<1x2x128xi32, #tpu.memory_space<hbm>> -> memref<2x128xi32, #tpu.memory_space<hbm>>
        tpu.enqueue_dma source(%dma_start3A_1694 : memref<2x128xi32, #tpu.memory_space<hbm>>) target(%arg8 : memref<2x128xi32, #tpu.memory_space<vmem>>) target_semaphore(%arg22 : memref<!tpu.dma_semaphore, #tpu.memory_space<semaphore_mem>>)
      } else {
      }
    }
    %scan3A_103 = arith.constant 40 : i32
    %dma_wait3A_104 = arith.constant 0 : i32
    %dma_wait3A_105 = tpu.memref_slice %arg18[%dma_wait3A_104] : memref<1296384xf32, #tpu.memory_space<vmem_shared>> -> memref<1296384xf32, #tpu.memory_space<vmem_shared>>
    tpu.wait_indirect_dma semaphore(%arg27 : memref<!tpu.dma_semaphore, #tpu.memory_space<semaphore_mem>>) src(%arg15 : memref<128xf32, #tpu.memory_space<vmem>>) dst(%dma_wait3A_105 : memref<1296384xf32, #tpu.memory_space<vmem_shared>>)
    %dma_wait3A_106 = arith.constant 0 : i32
    %dma_wait3A_107 = tpu.memref_slice %arg18[%dma_wait3A_106] : memref<1296384xf32, #tpu.memory_space<vmem_shared>> -> memref<1296384xf32, #tpu.memory_space<vmem_shared>>
    tpu.wait_indirect_dma semaphore(%arg28 : memref<!tpu.dma_semaphore, #tpu.memory_space<semaphore_mem>>) src(%arg16 : memref<128xf32, #tpu.memory_space<vmem>>) dst(%dma_wait3A_107 : memref<1296384xf32, #tpu.memory_space<vmem_shared>>)
    %barrier3A_108 = arith.constant 0 : index
    tpu.barrier barrier_id(%barrier3A_108)
    %mul3A_109 = arith.constant 80896 : i32
    %mul3A_110 = arith.muli %arg1, %mul3A_109 : i32
    %mul3A_111 = arith.constant 1294336 : i32
    %mul3A_112 = arith.muli %arg0, %mul3A_111 : i32
    %add3A_113 = arith.addi %mul3A_112, %mul3A_110 : i32
    "tpu.region"() ({
      %run_scoped3A = tpu.sem_alloc : memref<!tpu.dma_semaphore, #tpu.memory_space<semaphore_mem>>
      %dma_start3A_114 = tpu.memref_slice %arg4[%add3A_113] : memref<2588672xf32, #tpu.memory_space<hbm>> -> memref<80896xf32, #tpu.memory_space<hbm>>
      %dma_start3A_115 = tpu.memref_slice %arg18[%mul3A_110] : memref<1296384xf32, #tpu.memory_space<vmem_shared>> -> memref<80896xf32, #tpu.memory_space<vmem_shared>>
      tpu.enqueue_dma source(%dma_start3A_115 : memref<80896xf32, #tpu.memory_space<vmem_shared>>) target(%dma_start3A_114 : memref<80896xf32, #tpu.memory_space<hbm>>) target_semaphore(%run_scoped3A : memref<!tpu.dma_semaphore, #tpu.memory_space<semaphore_mem>>)
      %dma_wait3A_116 = tpu.memref_slice %arg4[%add3A_113] : memref<2588672xf32, #tpu.memory_space<hbm>> -> memref<80896xf32, #tpu.memory_space<hbm>>
      %dma_wait3A_117 = tpu.memref_slice %arg18[%mul3A_110] : memref<1296384xf32, #tpu.memory_space<vmem_shared>> -> memref<80896xf32, #tpu.memory_space<vmem_shared>>
      tpu.wait_dma2 semaphore(%run_scoped3A : memref<!tpu.dma_semaphore, #tpu.memory_space<semaphore_mem>>) src(%dma_wait3A_117 : memref<80896xf32, #tpu.memory_space<vmem_shared>>) dst(%dma_wait3A_116 : memref<80896xf32, #tpu.memory_space<hbm>>)
      tpu.yield
    }) : () -> ()
    return
  }
}

#map = affine_map<(d0, d1) -> (0, 0, 0)>
#map1 = affine_map<(d0, d1) -> (0, 0)>
module attributes {stable_mosaic.version = 14 : i64} {
  func.func @_sc_deg_body(%arg0: i32, %arg1: i32, %arg2: memref<2560x2x128xi32, #tpu.memory_space<hbm>>, %arg3: memref<2x10240xf32, #tpu.memory_space<hbm>>, %arg4: memref<2x128xi32, #tpu.memory_space<vmem>>, %arg5: memref<2x128xi32, #tpu.memory_space<vmem>>, %arg6: memref<128xf32, #tpu.memory_space<vmem>>, %arg7: memref<640xf32, #tpu.memory_space<vmem>>, %arg8: memref<10240xf32, #tpu.memory_space<vmem_shared>>, %arg9: memref<!tpu.dma_semaphore, #tpu.memory_space<semaphore_mem>>, %arg10: memref<!tpu.dma_semaphore, #tpu.memory_space<semaphore_mem>>) attributes {dimension_semantics = [#tpu.dimension_semantics<core_parallel>, #tpu.dimension_semantics<subcore_parallel>], iteration_bounds = array<i64: 2, 16>, scalar_prefetch = 0 : i64, scratch_operands = 7 : i64, tpu.core_type = #tpu.core_type<sc_vector_subcore>, window_params = [{transform_indices = #map}, {transform_indices = #map1}]} {
    %mul3A = arith.constant 2 : i32
    %mul3A_0 = arith.muli %arg1, %mul3A : i32
    %add3A = arith.addi %mul3A_0, %arg0 : i32
    %mul3A_1 = arith.constant 80 : i32
    %mul3A_2 = arith.muli %add3A, %mul3A_1 : i32
    %dma_start3A = arith.constant 0 : i32
    %dma_start3A_3 = arith.constant 0 : i32
    %dma_start3A_4 = tpu.memref_slice %arg2[%mul3A_2, %dma_start3A, %dma_start3A_3] : memref<2560x2x128xi32, #tpu.memory_space<hbm>> -> memref<1x2x128xi32, #tpu.memory_space<hbm>>
    %dma_start3A_5 = tpu.memref_squeeze %dma_start3A_4 : memref<1x2x128xi32, #tpu.memory_space<hbm>> -> memref<2x128xi32, #tpu.memory_space<hbm>>
    %dma_start3A_6 = arith.constant 0 : i32
    %dma_start3A_7 = arith.constant 0 : i32
    %dma_start3A_8 = tpu.memref_slice %arg2[%mul3A_2, %dma_start3A_6, %dma_start3A_7] : memref<2560x2x128xi32, #tpu.memory_space<hbm>> -> memref<1x2x128xi32, #tpu.memory_space<hbm>>
    %dma_start3A_9 = tpu.memref_squeeze %dma_start3A_8 : memref<1x2x128xi32, #tpu.memory_space<hbm>> -> memref<2x128xi32, #tpu.memory_space<hbm>>
    tpu.enqueue_dma source(%dma_start3A_9 : memref<2x128xi32, #tpu.memory_space<hbm>>) target(%arg4 : memref<2x128xi32, #tpu.memory_space<vmem>>) target_semaphore(%arg9 : memref<!tpu.dma_semaphore, #tpu.memory_space<semaphore_mem>>)
    %add3A_10 = arith.constant 1 : i32
    %add3A_11 = arith.addi %mul3A_2, %add3A_10 : i32
    %dma_start3A_12 = arith.constant 0 : i32
    %dma_start3A_13 = arith.constant 0 : i32
    %dma_start3A_14 = tpu.memref_slice %arg2[%add3A_11, %dma_start3A_12, %dma_start3A_13] : memref<2560x2x128xi32, #tpu.memory_space<hbm>> -> memref<1x2x128xi32, #tpu.memory_space<hbm>>
    %dma_start3A_15 = tpu.memref_squeeze %dma_start3A_14 : memref<1x2x128xi32, #tpu.memory_space<hbm>> -> memref<2x128xi32, #tpu.memory_space<hbm>>
    %dma_start3A_16 = arith.constant 0 : i32
    %dma_start3A_17 = arith.constant 0 : i32
    %dma_start3A_18 = tpu.memref_slice %arg2[%add3A_11, %dma_start3A_16, %dma_start3A_17] : memref<2560x2x128xi32, #tpu.memory_space<hbm>> -> memref<1x2x128xi32, #tpu.memory_space<hbm>>
    %dma_start3A_19 = tpu.memref_squeeze %dma_start3A_18 : memref<1x2x128xi32, #tpu.memory_space<hbm>> -> memref<2x128xi32, #tpu.memory_space<hbm>>
    tpu.enqueue_dma source(%dma_start3A_19 : memref<2x128xi32, #tpu.memory_space<hbm>>) target(%arg5 : memref<2x128xi32, #tpu.memory_space<vmem>>) target_semaphore(%arg10 : memref<!tpu.dma_semaphore, #tpu.memory_space<semaphore_mem>>)
    %broadcast_in_dim3A = arith.constant 1.000000e+00 : f32
    %broadcast_in_dim3A_20 = vector.broadcast %broadcast_in_dim3A : f32 to vector<16xf32>
    %broadcast_in_dim3A_21 = arith.constant 0.000000e+00 : f32
    %broadcast_in_dim3A_22 = vector.broadcast %broadcast_in_dim3A_21 : f32 to vector<16xf32>
    %swap3A = arith.constant 0 : index
    %swap3A_23 = tpu.vector_load %arg6[%swap3A] {strides = array<i32>} : memref<128xf32, #tpu.memory_space<vmem>>, vector<16xf32>,
    %swap3A_24 = vector.shape_cast %swap3A_23 : vector<16xf32> to vector<16xf32>
    %swap3A_25 = vector.shape_cast %broadcast_in_dim3A_20 : vector<16xf32> to vector<16xf32>
    tpu.vector_store %arg6[%swap3A], %swap3A_25 {strides = array<i32>} : memref<128xf32, #tpu.memory_space<vmem>>, vector<16xf32>,
    %swap3A_26 = arith.constant 16 : index
    %swap3A_27 = tpu.vector_load %arg6[%swap3A_26] {strides = array<i32>} : memref<128xf32, #tpu.memory_space<vmem>>, vector<16xf32>,
    %swap3A_28 = vector.shape_cast %swap3A_27 : vector<16xf32> to vector<16xf32>
    %swap3A_29 = vector.shape_cast %broadcast_in_dim3A_20 : vector<16xf32> to vector<16xf32>
    tpu.vector_store %arg6[%swap3A_26], %swap3A_29 {strides = array<i32>} : memref<128xf32, #tpu.memory_space<vmem>>, vector<16xf32>,
    %swap3A_30 = arith.constant 32 : index
    %swap3A_31 = tpu.vector_load %arg6[%swap3A_30] {strides = array<i32>} : memref<128xf32, #tpu.memory_space<vmem>>, vector<16xf32>,
    %swap3A_32 = vector.shape_cast %swap3A_31 : vector<16xf32> to vector<16xf32>
    %swap3A_33 = vector.shape_cast %broadcast_in_dim3A_20 : vector<16xf32> to vector<16xf32>
    tpu.vector_store %arg6[%swap3A_30], %swap3A_33 {strides = array<i32>} : memref<128xf32, #tpu.memory_space<vmem>>, vector<16xf32>,
    %swap3A_34 = arith.constant 48 : index
    %swap3A_35 = tpu.vector_load %arg6[%swap3A_34] {strides = array<i32>} : memref<128xf32, #tpu.memory_space<vmem>>, vector<16xf32>,
    %swap3A_36 = vector.shape_cast %swap3A_35 : vector<16xf32> to vector<16xf32>
    %swap3A_37 = vector.shape_cast %broadcast_in_dim3A_20 : vector<16xf32> to vector<16xf32>
    tpu.vector_store %arg6[%swap3A_34], %swap3A_37 {strides = array<i32>} : memref<128xf32, #tpu.memory_space<vmem>>, vector<16xf32>,
    %swap3A_38 = arith.constant 64 : index
    %swap3A_39 = tpu.vector_load %arg6[%swap3A_38] {strides = array<i32>} : memref<128xf32, #tpu.memory_space<vmem>>, vector<16xf32>,
    %swap3A_40 = vector.shape_cast %swap3A_39 : vector<16xf32> to vector<16xf32>
    %swap3A_41 = vector.shape_cast %broadcast_in_dim3A_20 : vector<16xf32> to vector<16xf32>
    tpu.vector_store %arg6[%swap3A_38], %swap3A_41 {strides = array<i32>} : memref<128xf32, #tpu.memory_space<vmem>>, vector<16xf32>,
    %swap3A_42 = arith.constant 80 : index
    %swap3A_43 = tpu.vector_load %arg6[%swap3A_42] {strides = array<i32>} : memref<128xf32, #tpu.memory_space<vmem>>, vector<16xf32>,
    %swap3A_44 = vector.shape_cast %swap3A_43 : vector<16xf32> to vector<16xf32>
    %swap3A_45 = vector.shape_cast %broadcast_in_dim3A_20 : vector<16xf32> to vector<16xf32>
    tpu.vector_store %arg6[%swap3A_42], %swap3A_45 {strides = array<i32>} : memref<128xf32, #tpu.memory_space<vmem>>, vector<16xf32>,
    %swap3A_46 = arith.constant 96 : index
    %swap3A_47 = tpu.vector_load %arg6[%swap3A_46] {strides = array<i32>} : memref<128xf32, #tpu.memory_space<vmem>>, vector<16xf32>,
    %swap3A_48 = vector.shape_cast %swap3A_47 : vector<16xf32> to vector<16xf32>
    %swap3A_49 = vector.shape_cast %broadcast_in_dim3A_20 : vector<16xf32> to vector<16xf32>
    tpu.vector_store %arg6[%swap3A_46], %swap3A_49 {strides = array<i32>} : memref<128xf32, #tpu.memory_space<vmem>>, vector<16xf32>,
    %swap3A_50 = arith.constant 112 : index
    %swap3A_51 = tpu.vector_load %arg6[%swap3A_50] {strides = array<i32>} : memref<128xf32, #tpu.memory_space<vmem>>, vector<16xf32>,
    %swap3A_52 = vector.shape_cast %swap3A_51 : vector<16xf32> to vector<16xf32>
    %swap3A_53 = vector.shape_cast %broadcast_in_dim3A_20 : vector<16xf32> to vector<16xf32>
    tpu.vector_store %arg6[%swap3A_50], %swap3A_53 {strides = array<i32>} : memref<128xf32, #tpu.memory_space<vmem>>, vector<16xf32>,
    %swap3A_54 = arith.constant 0 : index
    %swap3A_55 = tpu.vector_load %arg7[%swap3A_54] {strides = array<i32>} : memref<640xf32, #tpu.memory_space<vmem>>, vector<16xf32>,
    %swap3A_56 = vector.shape_cast %swap3A_55 : vector<16xf32> to vector<16xf32>
    %swap3A_57 = vector.shape_cast %broadcast_in_dim3A_22 : vector<16xf32> to vector<16xf32>
    tpu.vector_store %arg7[%swap3A_54], %swap3A_57 {strides = array<i32>} : memref<640xf32, #tpu.memory_space<vmem>>, vector<16xf32>,
    %swap3A_58 = arith.constant 16 : index
    %swap3A_59 = tpu.vector_load %arg7[%swap3A_58] {strides = array<i32>} : memref<640xf32, #tpu.memory_space<vmem>>, vector<16xf32>,
    %swap3A_60 = vector.shape_cast %swap3A_59 : vector<16xf32> to vector<16xf32>
    %swap3A_61 = vector.shape_cast %broadcast_in_dim3A_22 : vector<16xf32> to vector<16xf32>
    tpu.vector_store %arg7[%swap3A_58], %swap3A_61 {strides = array<i32>} : memref<640xf32, #tpu.memory_space<vmem>>, vector<16xf32>,
    %swap3A_62 = arith.constant 32 : index
    %swap3A_63 = tpu.vector_load %arg7[%swap3A_62] {strides = array<i32>} : memref<640xf32, #tpu.memory_space<vmem>>, vector<16xf32>,
    %swap3A_64 = vector.shape_cast %swap3A_63 : vector<16xf32> to vector<16xf32>
    %swap3A_65 = vector.shape_cast %broadcast_in_dim3A_22 : vector<16xf32> to vector<16xf32>
    tpu.vector_store %arg7[%swap3A_62], %swap3A_65 {strides = array<i32>} : memref<640xf32, #tpu.memory_space<vmem>>, vector<16xf32>,
    %swap3A_66 = arith.constant 48 : index
    %swap3A_67 = tpu.vector_load %arg7[%swap3A_66] {strides = array<i32>} : memref<640xf32, #tpu.memory_space<vmem>>, vector<16xf32>,
    %swap3A_68 = vector.shape_cast %swap3A_67 : vector<16xf32> to vector<16xf32>
    %swap3A_69 = vector.shape_cast %broadcast_in_dim3A_22 : vector<16xf32> to vector<16xf32>
    tpu.vector_store %arg7[%swap3A_66], %swap3A_69 {strides = array<i32>} : memref<640xf32, #tpu.memory_space<vmem>>, vector<16xf32>,
    %swap3A_70 = arith.constant 64 : index
    %swap3A_71 = tpu.vector_load %arg7[%swap3A_70] {strides = array<i32>} : memref<640xf32, #tpu.memory_space<vmem>>, vector<16xf32>,
    %swap3A_72 = vector.shape_cast %swap3A_71 : vector<16xf32> to vector<16xf32>
    %swap3A_73 = vector.shape_cast %broadcast_in_dim3A_22 : vector<16xf32> to vector<16xf32>
    tpu.vector_store %arg7[%swap3A_70], %swap3A_73 {strides = array<i32>} : memref<640xf32, #tpu.memory_space<vmem>>, vector<16xf32>,
    %swap3A_74 = arith.constant 80 : index
    %swap3A_75 = tpu.vector_load %arg7[%swap3A_74] {strides = array<i32>} : memref<640xf32, #tpu.memory_space<vmem>>, vector<16xf32>,
    %swap3A_76 = vector.shape_cast %swap3A_75 : vector<16xf32> to vector<16xf32>
    %swap3A_77 = vector.shape_cast %broadcast_in_dim3A_22 : vector<16xf32> to vector<16xf32>
    tpu.vector_store %arg7[%swap3A_74], %swap3A_77 {strides = array<i32>} : memref<640xf32, #tpu.memory_space<vmem>>, vector<16xf32>,
    %swap3A_78 = arith.constant 96 : index
    %swap3A_79 = tpu.vector_load %arg7[%swap3A_78] {strides = array<i32>} : memref<640xf32, #tpu.memory_space<vmem>>, vector<16xf32>,
    %swap3A_80 = vector.shape_cast %swap3A_79 : vector<16xf32> to vector<16xf32>
    %swap3A_81 = vector.shape_cast %broadcast_in_dim3A_22 : vector<16xf32> to vector<16xf32>
    tpu.vector_store %arg7[%swap3A_78], %swap3A_81 {strides = array<i32>} : memref<640xf32, #tpu.memory_space<vmem>>, vector<16xf32>,
    %swap3A_82 = arith.constant 112 : index
    %swap3A_83 = tpu.vector_load %arg7[%swap3A_82] {strides = array<i32>} : memref<640xf32, #tpu.memory_space<vmem>>, vector<16xf32>,
    %swap3A_84 = vector.shape_cast %swap3A_83 : vector<16xf32> to vector<16xf32>
    %swap3A_85 = vector.shape_cast %broadcast_in_dim3A_22 : vector<16xf32> to vector<16xf32>
    tpu.vector_store %arg7[%swap3A_82], %swap3A_85 {strides = array<i32>} : memref<640xf32, #tpu.memory_space<vmem>>, vector<16xf32>,
    %swap3A_86 = arith.constant 128 : index
    %swap3A_87 = tpu.vector_load %arg7[%swap3A_86] {strides = array<i32>} : memref<640xf32, #tpu.memory_space<vmem>>, vector<16xf32>,
    %swap3A_88 = vector.shape_cast %swap3A_87 : vector<16xf32> to vector<16xf32>
    %swap3A_89 = vector.shape_cast %broadcast_in_dim3A_22 : vector<16xf32> to vector<16xf32>
    tpu.vector_store %arg7[%swap3A_86], %swap3A_89 {strides = array<i32>} : memref<640xf32, #tpu.memory_space<vmem>>, vector<16xf32>,
    %swap3A_90 = arith.constant 144 : index
    %swap3A_91 = tpu.vector_load %arg7[%swap3A_90] {strides = array<i32>} : memref<640xf32, #tpu.memory_space<vmem>>, vector<16xf32>,
    %swap3A_92 = vector.shape_cast %swap3A_91 : vector<16xf32> to vector<16xf32>
    %swap3A_93 = vector.shape_cast %broadcast_in_dim3A_22 : vector<16xf32> to vector<16xf32>
    tpu.vector_store %arg7[%swap3A_90], %swap3A_93 {strides = array<i32>} : memref<640xf32, #tpu.memory_space<vmem>>, vector<16xf32>,
    %swap3A_94 = arith.constant 160 : index
    %swap3A_95 = tpu.vector_load %arg7[%swap3A_94] {strides = array<i32>} : memref<640xf32, #tpu.memory_space<vmem>>, vector<16xf32>,
    %swap3A_96 = vector.shape_cast %swap3A_95 : vector<16xf32> to vector<16xf32>
    %swap3A_97 = vector.shape_cast %broadcast_in_dim3A_22 : vector<16xf32> to vector<16xf32>
    tpu.vector_store %arg7[%swap3A_94], %swap3A_97 {strides = array<i32>} : memref<640xf32, #tpu.memory_space<vmem>>, vector<16xf32>,
    %swap3A_98 = arith.constant 176 : index
    %swap3A_99 = tpu.vector_load %arg7[%swap3A_98] {strides = array<i32>} : memref<640xf32, #tpu.memory_space<vmem>>, vector<16xf32>,
    %swap3A_100 = vector.shape_cast %swap3A_99 : vector<16xf32> to vector<16xf32>
    %swap3A_101 = vector.shape_cast %broadcast_in_dim3A_22 : vector<16xf32> to vector<16xf32>
    tpu.vector_store %arg7[%swap3A_98], %swap3A_101 {strides = array<i32>} : memref<640xf32, #tpu.memory_space<vmem>>, vector<16xf32>,
    %swap3A_102 = arith.constant 192 : index
    %swap3A_103 = tpu.vector_load %arg7[%swap3A_102] {strides = array<i32>} : memref<640xf32, #tpu.memory_space<vmem>>, vector<16xf32>,
    %swap3A_104 = vector.shape_cast %swap3A_103 : vector<16xf32> to vector<16xf32>
    %swap3A_105 = vector.shape_cast %broadcast_in_dim3A_22 : vector<16xf32> to vector<16xf32>
    tpu.vector_store %arg7[%swap3A_102], %swap3A_105 {strides = array<i32>} : memref<640xf32, #tpu.memory_space<vmem>>, vector<16xf32>,
    %swap3A_106 = arith.constant 208 : index
    %swap3A_107 = tpu.vector_load %arg7[%swap3A_106] {strides = array<i32>} : memref<640xf32, #tpu.memory_space<vmem>>, vector<16xf32>,
    %swap3A_108 = vector.shape_cast %swap3A_107 : vector<16xf32> to vector<16xf32>
    %swap3A_109 = vector.shape_cast %broadcast_in_dim3A_22 : vector<16xf32> to vector<16xf32>
    tpu.vector_store %arg7[%swap3A_106], %swap3A_109 {strides = array<i32>} : memref<640xf32, #tpu.memory_space<vmem>>, vector<16xf32>,
    %swap3A_110 = arith.constant 224 : index
    %swap3A_111 = tpu.vector_load %arg7[%swap3A_110] {strides = array<i32>} : memref<640xf32, #tpu.memory_space<vmem>>, vector<16xf32>,
    %swap3A_112 = vector.shape_cast %swap3A_111 : vector<16xf32> to vector<16xf32>
    %swap3A_113 = vector.shape_cast %broadcast_in_dim3A_22 : vector<16xf32> to vector<16xf32>
    tpu.vector_store %arg7[%swap3A_110], %swap3A_113 {strides = array<i32>} : memref<640xf32, #tpu.memory_space<vmem>>, vector<16xf32>,
    %swap3A_114 = arith.constant 240 : index
    %swap3A_115 = tpu.vector_load %arg7[%swap3A_114] {strides = array<i32>} : memref<640xf32, #tpu.memory_space<vmem>>, vector<16xf32>,
    %swap3A_116 = vector.shape_cast %swap3A_115 : vector<16xf32> to vector<16xf32>
    %swap3A_117 = vector.shape_cast %broadcast_in_dim3A_22 : vector<16xf32> to vector<16xf32>
    tpu.vector_store %arg7[%swap3A_114], %swap3A_117 {strides = array<i32>} : memref<640xf32, #tpu.memory_space<vmem>>, vector<16xf32>,
    %swap3A_118 = arith.constant 256 : index
    %swap3A_119 = tpu.vector_load %arg7[%swap3A_118] {strides = array<i32>} : memref<640xf32, #tpu.memory_space<vmem>>, vector<16xf32>,
    %swap3A_120 = vector.shape_cast %swap3A_119 : vector<16xf32> to vector<16xf32>
    %swap3A_121 = vector.shape_cast %broadcast_in_dim3A_22 : vector<16xf32> to vector<16xf32>
    tpu.vector_store %arg7[%swap3A_118], %swap3A_121 {strides = array<i32>} : memref<640xf32, #tpu.memory_space<vmem>>, vector<16xf32>,
    %swap3A_122 = arith.constant 272 : index
    %swap3A_123 = tpu.vector_load %arg7[%swap3A_122] {strides = array<i32>} : memref<640xf32, #tpu.memory_space<vmem>>, vector<16xf32>,
    %swap3A_124 = vector.shape_cast %swap3A_123 : vector<16xf32> to vector<16xf32>
    %swap3A_125 = vector.shape_cast %broadcast_in_dim3A_22 : vector<16xf32> to vector<16xf32>
    tpu.vector_store %arg7[%swap3A_122], %swap3A_125 {strides = array<i32>} : memref<640xf32, #tpu.memory_space<vmem>>, vector<16xf32>,
    %swap3A_126 = arith.constant 288 : index
    %swap3A_127 = tpu.vector_load %arg7[%swap3A_126] {strides = array<i32>} : memref<640xf32, #tpu.memory_space<vmem>>, vector<16xf32>,
    %swap3A_128 = vector.shape_cast %swap3A_127 : vector<16xf32> to vector<16xf32>
    %swap3A_129 = vector.shape_cast %broadcast_in_dim3A_22 : vector<16xf32> to vector<16xf32>
    tpu.vector_store %arg7[%swap3A_126], %swap3A_129 {strides = array<i32>} : memref<640xf32, #tpu.memory_space<vmem>>, vector<16xf32>,
    %swap3A_130 = arith.constant 304 : index
    %swap3A_131 = tpu.vector_load %arg7[%swap3A_130] {strides = array<i32>} : memref<640xf32, #tpu.memory_space<vmem>>, vector<16xf32>,
    %swap3A_132 = vector.shape_cast %swap3A_131 : vector<16xf32> to vector<16xf32>
    %swap3A_133 = vector.shape_cast %broadcast_in_dim3A_22 : vector<16xf32> to vector<16xf32>
    tpu.vector_store %arg7[%swap3A_130], %swap3A_133 {strides = array<i32>} : memref<640xf32, #tpu.memory_space<vmem>>, vector<16xf32>,
    %swap3A_134 = arith.constant 320 : index
    %swap3A_135 = tpu.vector_load %arg7[%swap3A_134] {strides = array<i32>} : memref<640xf32, #tpu.memory_space<vmem>>, vector<16xf32>,
    %swap3A_136 = vector.shape_cast %swap3A_135 : vector<16xf32> to vector<16xf32>
    %swap3A_137 = vector.shape_cast %broadcast_in_dim3A_22 : vector<16xf32> to vector<16xf32>
    tpu.vector_store %arg7[%swap3A_134], %swap3A_137 {strides = array<i32>} : memref<640xf32, #tpu.memory_space<vmem>>, vector<16xf32>,
    %swap3A_138 = arith.constant 336 : index
    %swap3A_139 = tpu.vector_load %arg7[%swap3A_138] {strides = array<i32>} : memref<640xf32, #tpu.memory_space<vmem>>, vector<16xf32>,
    %swap3A_140 = vector.shape_cast %swap3A_139 : vector<16xf32> to vector<16xf32>
    %swap3A_141 = vector.shape_cast %broadcast_in_dim3A_22 : vector<16xf32> to vector<16xf32>
    tpu.vector_store %arg7[%swap3A_138], %swap3A_141 {strides = array<i32>} : memref<640xf32, #tpu.memory_space<vmem>>, vector<16xf32>,
    %swap3A_142 = arith.constant 352 : index
    %swap3A_143 = tpu.vector_load %arg7[%swap3A_142] {strides = array<i32>} : memref<640xf32, #tpu.memory_space<vmem>>, vector<16xf32>,
    %swap3A_144 = vector.shape_cast %swap3A_143 : vector<16xf32> to vector<16xf32>
    %swap3A_145 = vector.shape_cast %broadcast_in_dim3A_22 : vector<16xf32> to vector<16xf32>
    tpu.vector_store %arg7[%swap3A_142], %swap3A_145 {strides = array<i32>} : memref<640xf32, #tpu.memory_space<vmem>>, vector<16xf32>,
    %swap3A_146 = arith.constant 368 : index
    %swap3A_147 = tpu.vector_load %arg7[%swap3A_146] {strides = array<i32>} : memref<640xf32, #tpu.memory_space<vmem>>, vector<16xf32>,
    %swap3A_148 = vector.shape_cast %swap3A_147 : vector<16xf32> to vector<16xf32>
    %swap3A_149 = vector.shape_cast %broadcast_in_dim3A_22 : vector<16xf32> to vector<16xf32>
    tpu.vector_store %arg7[%swap3A_146], %swap3A_149 {strides = array<i32>} : memref<640xf32, #tpu.memory_space<vmem>>, vector<16xf32>,
    %swap3A_150 = arith.constant 384 : index
    %swap3A_151 = tpu.vector_load %arg7[%swap3A_150] {strides = array<i32>} : memref<640xf32, #tpu.memory_space<vmem>>, vector<16xf32>,
    %swap3A_152 = vector.shape_cast %swap3A_151 : vector<16xf32> to vector<16xf32>
    %swap3A_153 = vector.shape_cast %broadcast_in_dim3A_22 : vector<16xf32> to vector<16xf32>
    tpu.vector_store %arg7[%swap3A_150], %swap3A_153 {strides = array<i32>} : memref<640xf32, #tpu.memory_space<vmem>>, vector<16xf32>,
    %swap3A_154 = arith.constant 400 : index
    %swap3A_155 = tpu.vector_load %arg7[%swap3A_154] {strides = array<i32>} : memref<640xf32, #tpu.memory_space<vmem>>, vector<16xf32>,
    %swap3A_156 = vector.shape_cast %swap3A_155 : vector<16xf32> to vector<16xf32>
    %swap3A_157 = vector.shape_cast %broadcast_in_dim3A_22 : vector<16xf32> to vector<16xf32>
    tpu.vector_store %arg7[%swap3A_154], %swap3A_157 {strides = array<i32>} : memref<640xf32, #tpu.memory_space<vmem>>, vector<16xf32>,
    %swap3A_158 = arith.constant 416 : index
    %swap3A_159 = tpu.vector_load %arg7[%swap3A_158] {strides = array<i32>} : memref<640xf32, #tpu.memory_space<vmem>>, vector<16xf32>,
    %swap3A_160 = vector.shape_cast %swap3A_159 : vector<16xf32> to vector<16xf32>
    %swap3A_161 = vector.shape_cast %broadcast_in_dim3A_22 : vector<16xf32> to vector<16xf32>
    tpu.vector_store %arg7[%swap3A_158], %swap3A_161 {strides = array<i32>} : memref<640xf32, #tpu.memory_space<vmem>>, vector<16xf32>,
    %swap3A_162 = arith.constant 432 : index
    %swap3A_163 = tpu.vector_load %arg7[%swap3A_162] {strides = array<i32>} : memref<640xf32, #tpu.memory_space<vmem>>, vector<16xf32>,
    %swap3A_164 = vector.shape_cast %swap3A_163 : vector<16xf32> to vector<16xf32>
    %swap3A_165 = vector.shape_cast %broadcast_in_dim3A_22 : vector<16xf32> to vector<16xf32>
    tpu.vector_store %arg7[%swap3A_162], %swap3A_165 {strides = array<i32>} : memref<640xf32, #tpu.memory_space<vmem>>, vector<16xf32>,
    %swap3A_166 = arith.constant 448 : index
    %swap3A_167 = tpu.vector_load %arg7[%swap3A_166] {strides = array<i32>} : memref<640xf32, #tpu.memory_space<vmem>>, vector<16xf32>,
    %swap3A_168 = vector.shape_cast %swap3A_167 : vector<16xf32> to vector<16xf32>
    %swap3A_169 = vector.shape_cast %broadcast_in_dim3A_22 : vector<16xf32> to vector<16xf32>
    tpu.vector_store %arg7[%swap3A_166], %swap3A_169 {strides = array<i32>} : memref<640xf32, #tpu.memory_space<vmem>>, vector<16xf32>,
    %swap3A_170 = arith.constant 464 : index
    %swap3A_171 = tpu.vector_load %arg7[%swap3A_170] {strides = array<i32>} : memref<640xf32, #tpu.memory_space<vmem>>, vector<16xf32>,
    %swap3A_172 = vector.shape_cast %swap3A_171 : vector<16xf32> to vector<16xf32>
    %swap3A_173 = vector.shape_cast %broadcast_in_dim3A_22 : vector<16xf32> to vector<16xf32>
    tpu.vector_store %arg7[%swap3A_170], %swap3A_173 {strides = array<i32>} : memref<640xf32, #tpu.memory_space<vmem>>, vector<16xf32>,
    %swap3A_174 = arith.constant 480 : index
    %swap3A_175 = tpu.vector_load %arg7[%swap3A_174] {strides = array<i32>} : memref<640xf32, #tpu.memory_space<vmem>>, vector<16xf32>,
    %swap3A_176 = vector.shape_cast %swap3A_175 : vector<16xf32> to vector<16xf32>
    %swap3A_177 = vector.shape_cast %broadcast_in_dim3A_22 : vector<16xf32> to vector<16xf32>
    tpu.vector_store %arg7[%swap3A_174], %swap3A_177 {strides = array<i32>} : memref<640xf32, #tpu.memory_space<vmem>>, vector<16xf32>,
    %swap3A_178 = arith.constant 496 : index
    %swap3A_179 = tpu.vector_load %arg7[%swap3A_178] {strides = array<i32>} : memref<640xf32, #tpu.memory_space<vmem>>, vector<16xf32>,
    %swap3A_180 = vector.shape_cast %swap3A_179 : vector<16xf32> to vector<16xf32>
    %swap3A_181 = vector.shape_cast %broadcast_in_dim3A_22 : vector<16xf32> to vector<16xf32>
    tpu.vector_store %arg7[%swap3A_178], %swap3A_181 {strides = array<i32>} : memref<640xf32, #tpu.memory_space<vmem>>, vector<16xf32>,
    %swap3A_182 = arith.constant 512 : index
    %swap3A_183 = tpu.vector_load %arg7[%swap3A_182] {strides = array<i32>} : memref<640xf32, #tpu.memory_space<vmem>>, vector<16xf32>,
    %swap3A_184 = vector.shape_cast %swap3A_183 : vector<16xf32> to vector<16xf32>
    %swap3A_185 = vector.shape_cast %broadcast_in_dim3A_22 : vector<16xf32> to vector<16xf32>
    tpu.vector_store %arg7[%swap3A_182], %swap3A_185 {strides = array<i32>} : memref<640xf32, #tpu.memory_space<vmem>>, vector<16xf32>,
    %swap3A_186 = arith.constant 528 : index
    %swap3A_187 = tpu.vector_load %arg7[%swap3A_186] {strides = array<i32>} : memref<640xf32, #tpu.memory_space<vmem>>, vector<16xf32>,
    %swap3A_188 = vector.shape_cast %swap3A_187 : vector<16xf32> to vector<16xf32>
    %swap3A_189 = vector.shape_cast %broadcast_in_dim3A_22 : vector<16xf32> to vector<16xf32>
    tpu.vector_store %arg7[%swap3A_186], %swap3A_189 {strides = array<i32>} : memref<640xf32, #tpu.memory_space<vmem>>, vector<16xf32>,
    %swap3A_190 = arith.constant 544 : index
    %swap3A_191 = tpu.vector_load %arg7[%swap3A_190] {strides = array<i32>} : memref<640xf32, #tpu.memory_space<vmem>>, vector<16xf32>,
    %swap3A_192 = vector.shape_cast %swap3A_191 : vector<16xf32> to vector<16xf32>
    %swap3A_193 = vector.shape_cast %broadcast_in_dim3A_22 : vector<16xf32> to vector<16xf32>
    tpu.vector_store %arg7[%swap3A_190], %swap3A_193 {strides = array<i32>} : memref<640xf32, #tpu.memory_space<vmem>>, vector<16xf32>,
    %swap3A_194 = arith.constant 560 : index
    %swap3A_195 = tpu.vector_load %arg7[%swap3A_194] {strides = array<i32>} : memref<640xf32, #tpu.memory_space<vmem>>, vector<16xf32>,
    %swap3A_196 = vector.shape_cast %swap3A_195 : vector<16xf32> to vector<16xf32>
    %swap3A_197 = vector.shape_cast %broadcast_in_dim3A_22 : vector<16xf32> to vector<16xf32>
    tpu.vector_store %arg7[%swap3A_194], %swap3A_197 {strides = array<i32>} : memref<640xf32, #tpu.memory_space<vmem>>, vector<16xf32>,
    %swap3A_198 = arith.constant 576 : index
    %swap3A_199 = tpu.vector_load %arg7[%swap3A_198] {strides = array<i32>} : memref<640xf32, #tpu.memory_space<vmem>>, vector<16xf32>,
    %swap3A_200 = vector.shape_cast %swap3A_199 : vector<16xf32> to vector<16xf32>
    %swap3A_201 = vector.shape_cast %broadcast_in_dim3A_22 : vector<16xf32> to vector<16xf32>
    tpu.vector_store %arg7[%swap3A_198], %swap3A_201 {strides = array<i32>} : memref<640xf32, #tpu.memory_space<vmem>>, vector<16xf32>,
    %swap3A_202 = arith.constant 592 : index
    %swap3A_203 = tpu.vector_load %arg7[%swap3A_202] {strides = array<i32>} : memref<640xf32, #tpu.memory_space<vmem>>, vector<16xf32>,
    %swap3A_204 = vector.shape_cast %swap3A_203 : vector<16xf32> to vector<16xf32>
    %swap3A_205 = vector.shape_cast %broadcast_in_dim3A_22 : vector<16xf32> to vector<16xf32>
    tpu.vector_store %arg7[%swap3A_202], %swap3A_205 {strides = array<i32>} : memref<640xf32, #tpu.memory_space<vmem>>, vector<16xf32>,
    %swap3A_206 = arith.constant 608 : index
    %swap3A_207 = tpu.vector_load %arg7[%swap3A_206] {strides = array<i32>} : memref<640xf32, #tpu.memory_space<vmem>>, vector<16xf32>,
    %swap3A_208 = vector.shape_cast %swap3A_207 : vector<16xf32> to vector<16xf32>
    %swap3A_209 = vector.shape_cast %broadcast_in_dim3A_22 : vector<16xf32> to vector<16xf32>
    tpu.vector_store %arg7[%swap3A_206], %swap3A_209 {strides = array<i32>} : memref<640xf32, #tpu.memory_space<vmem>>, vector<16xf32>,
    %swap3A_210 = arith.constant 624 : index
    %swap3A_211 = tpu.vector_load %arg7[%swap3A_210] {strides = array<i32>} : memref<640xf32, #tpu.memory_space<vmem>>, vector<16xf32>,
    %swap3A_212 = vector.shape_cast %swap3A_211 : vector<16xf32> to vector<16xf32>
    %swap3A_213 = vector.shape_cast %broadcast_in_dim3A_22 : vector<16xf32> to vector<16xf32>
    tpu.vector_store %arg7[%swap3A_210], %swap3A_213 {strides = array<i32>} : memref<640xf32, #tpu.memory_space<vmem>>, vector<16xf32>,
    %mul3A_214 = arith.constant 640 : i32
    %mul3A_215 = arith.muli %arg1, %mul3A_214 : i32
    "tpu.region"() ({
      %run_scoped3A = tpu.sem_alloc : memref<!tpu.dma_semaphore, #tpu.memory_space<semaphore_mem>>
      %dma_start3A_226 = tpu.memref_slice %arg8[%mul3A_215] : memref<10240xf32, #tpu.memory_space<vmem_shared>> -> memref<640xf32, #tpu.memory_space<vmem_shared>>
      %dma_start3A_227 = tpu.memref_slice %arg8[%mul3A_215] : memref<10240xf32, #tpu.memory_space<vmem_shared>> -> memref<640xf32, #tpu.memory_space<vmem_shared>>
      tpu.enqueue_dma source(%arg7 : memref<640xf32, #tpu.memory_space<vmem>>) target(%dma_start3A_227 : memref<640xf32, #tpu.memory_space<vmem_shared>>) target_semaphore(%run_scoped3A : memref<!tpu.dma_semaphore, #tpu.memory_space<semaphore_mem>>)
      %dma_wait3A = tpu.memref_slice %arg8[%mul3A_215] : memref<10240xf32, #tpu.memory_space<vmem_shared>> -> memref<640xf32, #tpu.memory_space<vmem_shared>>
      %dma_wait3A_228 = tpu.memref_slice %arg8[%mul3A_215] : memref<10240xf32, #tpu.memory_space<vmem_shared>> -> memref<640xf32, #tpu.memory_space<vmem_shared>>
      tpu.wait_dma2 semaphore(%run_scoped3A : memref<!tpu.dma_semaphore, #tpu.memory_space<semaphore_mem>>) src(%arg7 : memref<640xf32, #tpu.memory_space<vmem>>) dst(%dma_wait3A_228 : memref<640xf32, #tpu.memory_space<vmem_shared>>)
      tpu.yield
    }) : () -> ()
    %barrier3A = arith.constant 0 : index
    tpu.barrier barrier_id(%barrier3A)
    %scan3A = arith.constant 0 : i32
    %scan3A_216 = arith.constant 0 : i32
    %scan3A_217 = arith.constant 40 : i32
    %scan3A_218 = arith.addi %scan3A_216, %scan3A_217 : i32
    %scan3A_219 = arith.constant 1 : i32
    scf.for %scan3A_226 = %scan3A_216 to %scan3A_218 step %scan3A_219  : i32 {
      %mul3A_227 = arith.constant 2 : i32
      %mul3A_228 = arith.muli %mul3A_227, %scan3A_226 : i32
      %add3A_229 = arith.constant 0 : i32
      %add3A_230 = arith.addi %mul3A_228, %add3A_229 : i32
      %add3A_231 = arith.addi %mul3A_2, %add3A_230 : i32
      %dma_wait3A = arith.constant 0 : i32
      %dma_wait3A_232 = arith.constant 0 : i32
      %dma_wait3A_233 = tpu.memref_slice %arg2[%add3A_231, %dma_wait3A, %dma_wait3A_232] : memref<2560x2x128xi32, #tpu.memory_space<hbm>> -> memref<1x2x128xi32, #tpu.memory_space<hbm>>
      %dma_wait3A_234 = tpu.memref_squeeze %dma_wait3A_233 : memref<1x2x128xi32, #tpu.memory_space<hbm>> -> memref<2x128xi32, #tpu.memory_space<hbm>>
      %dma_wait3A_235 = arith.constant 0 : i32
      %dma_wait3A_236 = arith.constant 0 : i32
      %dma_wait3A_237 = tpu.memref_slice %arg2[%add3A_231, %dma_wait3A_235, %dma_wait3A_236] : memref<2560x2x128xi32, #tpu.memory_space<hbm>> -> memref<1x2x128xi32, #tpu.memory_space<hbm>>
      %dma_wait3A_238 = tpu.memref_squeeze %dma_wait3A_237 : memref<1x2x128xi32, #tpu.memory_space<hbm>> -> memref<2x128xi32, #tpu.memory_space<hbm>>
      tpu.wait_dma2 semaphore(%arg9 : memref<!tpu.dma_semaphore, #tpu.memory_space<semaphore_mem>>) src(%dma_wait3A_238 : memref<2x128xi32, #tpu.memory_space<hbm>>) dst(%arg4 : memref<2x128xi32, #tpu.memory_space<vmem>>)
      %run_scoped3A = arith.constant 1 : i32
      "tpu.region"() ({
        %run_scoped3A_260 = tpu.sem_alloc : memref<!tpu.dma_semaphore, #tpu.memory_space<semaphore_mem>>
        %dma_start3A_261 = arith.constant 0 : i32
        %dma_start3A_262 = tpu.memref_slice %arg4[%run_scoped3A, %dma_start3A_261] : memref<2x128xi32, #tpu.memory_space<vmem>> -> memref<1x128xi32, #tpu.memory_space<vmem>>
        %dma_start3A_263 = tpu.memref_squeeze %dma_start3A_262 : memref<1x128xi32, #tpu.memory_space<vmem>> -> memref<128xi32, #tpu.memory_space<vmem>>
        %dma_start3A_264 = arith.constant 0 : i32
        %dma_start3A_265 = tpu.memref_slice %arg8[%dma_start3A_264] : memref<10240xf32, #tpu.memory_space<vmem_shared>> -> memref<10240xf32, #tpu.memory_space<vmem_shared>>
        tpu.enqueue_indirect_dma source(%arg6 : memref<128xf32, #tpu.memory_space<vmem>>) target(%dma_start3A_265 : memref<10240xf32, #tpu.memory_space<vmem_shared>>) offsets(%dma_start3A_263 : memref<128xi32, #tpu.memory_space<vmem>>) semaphore(%run_scoped3A_260 : memref<!tpu.dma_semaphore, #tpu.memory_space<semaphore_mem>>) {add = true}
        %dma_wait3A_266 = arith.constant 0 : i32
        %dma_wait3A_267 = tpu.memref_slice %arg4[%run_scoped3A, %dma_wait3A_266] : memref<2x128xi32, #tpu.memory_space<vmem>> -> memref<1x128xi32, #tpu.memory_space<vmem>>
        %dma_wait3A_268 = tpu.memref_squeeze %dma_wait3A_267 : memref<1x128xi32, #tpu.memory_space<vmem>> -> memref<128xi32, #tpu.memory_space<vmem>>
        %dma_wait3A_269 = arith.constant 0 : i32
        %dma_wait3A_270 = tpu.memref_slice %arg8[%dma_wait3A_269] : memref<10240xf32, #tpu.memory_space<vmem_shared>> -> memref<10240xf32, #tpu.memory_space<vmem_shared>>
        tpu.wait_indirect_dma semaphore(%run_scoped3A_260 : memref<!tpu.dma_semaphore, #tpu.memory_space<semaphore_mem>>) src(%arg6 : memref<128xf32, #tpu.memory_space<vmem>>) dst(%dma_wait3A_270 : memref<10240xf32, #tpu.memory_space<vmem_shared>>)
        tpu.yield
      }) : () -> ()
      %lt3A = arith.constant 78 : i32
      %lt3A_239 = arith.cmpi slt, %add3A_230, %lt3A : i32
      %convert_element_type3A = arith.extui %lt3A_239 : i1 to i32
      %cond3A = arith.constant 0 : i32
      %cond3A_240 = arith.cmpi ne, %convert_element_type3A, %cond3A : i32
      scf.if %cond3A_240 {
        %add3A_260 = arith.addi %mul3A_2, %add3A_230 : i32
        %add3A_261 = arith.constant 2 : i32
        %add3A_262 = arith.addi %add3A_260, %add3A_261 : i32
        %dma_start3A_263 = arith.constant 0 : i32
        %dma_start3A_264 = arith.constant 0 : i32
        %dma_start3A_265 = tpu.memref_slice %arg2[%add3A_262, %dma_start3A_263, %dma_start3A_264] : memref<2560x2x128xi32, #tpu.memory_space<hbm>> -> memref<1x2x128xi32, #tpu.memory_space<hbm>>
        %dma_start3A_266 = tpu.memref_squeeze %dma_start3A_265 : memref<1x2x128xi32, #tpu.memory_space<hbm>> -> memref<2x128xi32, #tpu.memory_space<hbm>>
        %dma_start3A_267 = arith.constant 0 : i32
        %dma_start3A_268 = arith.constant 0 : i32
        %dma_start3A_269 = tpu.memref_slice %arg2[%add3A_262, %dma_start3A_267, %dma_start3A_268] : memref<2560x2x128xi32, #tpu.memory_space<hbm>> -> memref<1x2x128xi32, #tpu.memory_space<hbm>>
        %dma_start3A_270 = tpu.memref_squeeze %dma_start3A_269 : memref<1x2x128xi32, #tpu.memory_space<hbm>> -> memref<2x128xi32, #tpu.memory_space<hbm>>
        tpu.enqueue_dma source(%dma_start3A_270 : memref<2x128xi32, #tpu.memory_space<hbm>>) target(%arg4 : memref<2x128xi32, #tpu.memory_space<vmem>>) target_semaphore(%arg9 : memref<!tpu.dma_semaphore, #tpu.memory_space<semaphore_mem>>)
      } else {
      }
      %mul3A_241 = arith.constant 2 : i32
      %mul3A_242 = arith.muli %mul3A_241, %scan3A_226 : i32
      %add3A_243 = arith.constant 1 : i32
      %add3A_244 = arith.addi %mul3A_242, %add3A_243 : i32
      %add3A_245 = arith.addi %mul3A_2, %add3A_244 : i32
      %dma_wait3A_246 = arith.constant 0 : i32
      %dma_wait3A_247 = arith.constant 0 : i32
      %dma_wait3A_248 = tpu.memref_slice %arg2[%add3A_245, %dma_wait3A_246, %dma_wait3A_247] : memref<2560x2x128xi32, #tpu.memory_space<hbm>> -> memref<1x2x128xi32, #tpu.memory_space<hbm>>
      %dma_wait3A_249 = tpu.memref_squeeze %dma_wait3A_248 : memref<1x2x128xi32, #tpu.memory_space<hbm>> -> memref<2x128xi32, #tpu.memory_space<hbm>>
      %dma_wait3A_250 = arith.constant 0 : i32
      %dma_wait3A_251 = arith.constant 0 : i32
      %dma_wait3A_252 = tpu.memref_slice %arg2[%add3A_245, %dma_wait3A_250, %dma_wait3A_251] : memref<2560x2x128xi32, #tpu.memory_space<hbm>> -> memref<1x2x128xi32, #tpu.memory_space<hbm>>
      %dma_wait3A_253 = tpu.memref_squeeze %dma_wait3A_252 : memref<1x2x128xi32, #tpu.memory_space<hbm>> -> memref<2x128xi32, #tpu.memory_space<hbm>>
      tpu.wait_dma2 semaphore(%arg10 : memref<!tpu.dma_semaphore, #tpu.memory_space<semaphore_mem>>) src(%dma_wait3A_253 : memref<2x128xi32, #tpu.memory_space<hbm>>) dst(%arg5 : memref<2x128xi32, #tpu.memory_space<vmem>>)
      %run_scoped3A_254 = arith.constant 1 : i32
      "tpu.region"() ({
        %run_scoped3A_260 = tpu.sem_alloc : memref<!tpu.dma_semaphore, #tpu.memory_space<semaphore_mem>>
        %dma_start3A_261 = arith.constant 0 : i32
        %dma_start3A_262 = tpu.memref_slice %arg5[%run_scoped3A_254, %dma_start3A_261] : memref<2x128xi32, #tpu.memory_space<vmem>> -> memref<1x128xi32, #tpu.memory_space<vmem>>
        %dma_start3A_263 = tpu.memref_squeeze %dma_start3A_262 : memref<1x128xi32, #tpu.memory_space<vmem>> -> memref<128xi32, #tpu.memory_space<vmem>>
        %dma_start3A_264 = arith.constant 0 : i32
        %dma_start3A_265 = tpu.memref_slice %arg8[%dma_start3A_264] : memref<10240xf32, #tpu.memory_space<vmem_shared>> -> memref<10240xf32, #tpu.memory_space<vmem_shared>>
        tpu.enqueue_indirect_dma source(%arg6 : memref<128xf32, #tpu.memory_space<vmem>>) target(%dma_start3A_265 : memref<10240xf32, #tpu.memory_space<vmem_shared>>) offsets(%dma_start3A_263 : memref<128xi32, #tpu.memory_space<vmem>>) semaphore(%run_scoped3A_260 : memref<!tpu.dma_semaphore, #tpu.memory_space<semaphore_mem>>) {add = true}
        %dma_wait3A_266 = arith.constant 0 : i32
        %dma_wait3A_267 = tpu.memref_slice %arg5[%run_scoped3A_254, %dma_wait3A_266] : memref<2x128xi32, #tpu.memory_space<vmem>> -> memref<1x128xi32, #tpu.memory_space<vmem>>
        %dma_wait3A_268 = tpu.memref_squeeze %dma_wait3A_267 : memref<1x128xi32, #tpu.memory_space<vmem>> -> memref<128xi32, #tpu.memory_space<vmem>>
        %dma_wait3A_269 = arith.constant 0 : i32
        %dma_wait3A_270 = tpu.memref_slice %arg8[%dma_wait3A_269] : memref<10240xf32, #tpu.memory_space<vmem_shared>> -> memref<10240xf32, #tpu.memory_space<vmem_shared>>
        tpu.wait_indirect_dma semaphore(%run_scoped3A_260 : memref<!tpu.dma_semaphore, #tpu.memory_space<semaphore_mem>>) src(%arg6 : memref<128xf32, #tpu.memory_space<vmem>>) dst(%dma_wait3A_270 : memref<10240xf32, #tpu.memory_space<vmem_shared>>)
        tpu.yield
      }) : () -> ()
      %lt3A_255 = arith.constant 78 : i32
      %lt3A_256 = arith.cmpi slt, %add3A_244, %lt3A_255 : i32
      %convert_element_type3A_257 = arith.extui %lt3A_256 : i1 to i32
      %cond3A_258 = arith.constant 0 : i32
      %cond3A_259 = arith.cmpi ne, %convert_element_type3A_257, %cond3A_258 : i32
      scf.if %cond3A_259 {
        %add3A_260 = arith.addi %mul3A_2, %add3A_244 : i32
        %add3A_261 = arith.constant 2 : i32
        %add3A_262 = arith.addi %add3A_260, %add3A_261 : i32
        %dma_start3A_263 = arith.constant 0 : i32
        %dma_start3A_264 = arith.constant 0 : i32
        %dma_start3A_265 = tpu.memref_slice %arg2[%add3A_262, %dma_start3A_263, %dma_start3A_264] : memref<2560x2x128xi32, #tpu.memory_space<hbm>> -> memref<1x2x128xi32, #tpu.memory_space<hbm>>
        %dma_start3A_266 = tpu.memref_squeeze %dma_start3A_265 : memref<1x2x128xi32, #tpu.memory_space<hbm>> -> memref<2x128xi32, #tpu.memory_space<hbm>>
        %dma_start3A_267 = arith.constant 0 : i32
        %dma_start3A_268 = arith.constant 0 : i32
        %dma_start3A_269 = tpu.memref_slice %arg2[%add3A_262, %dma_start3A_267, %dma_start3A_268] : memref<2560x2x128xi32, #tpu.memory_space<hbm>> -> memref<1x2x128xi32, #tpu.memory_space<hbm>>
        %dma_start3A_270 = tpu.memref_squeeze %dma_start3A_269 : memref<1x2x128xi32, #tpu.memory_space<hbm>> -> memref<2x128xi32, #tpu.memory_space<hbm>>
        tpu.enqueue_dma source(%dma_start3A_270 : memref<2x128xi32, #tpu.memory_space<hbm>>) target(%arg5 : memref<2x128xi32, #tpu.memory_space<vmem>>) target_semaphore(%arg10 : memref<!tpu.dma_semaphore, #tpu.memory_space<semaphore_mem>>)
      } else {
      }
    }
    %scan3A_220 = arith.constant 40 : i32
    %barrier3A_221 = arith.constant 0 : index
    tpu.barrier barrier_id(%barrier3A_221)
    %mul3A_222 = arith.constant 640 : i32
    %mul3A_223 = arith.muli %arg1, %mul3A_222 : i32
    %mul3A_224 = arith.constant 640 : i32
    %mul3A_225 = arith.muli %arg1, %mul3A_224 : i32
    "tpu.region"() ({
      %run_scoped3A = tpu.sem_alloc : memref<!tpu.dma_semaphore, #tpu.memory_space<semaphore_mem>>
      %dma_start3A_226 = tpu.memref_slice %arg3[%arg0, %mul3A_225] : memref<2x10240xf32, #tpu.memory_space<hbm>> -> memref<1x640xf32, #tpu.memory_space<hbm>>
      %dma_start3A_227 = tpu.memref_squeeze %dma_start3A_226 : memref<1x640xf32, #tpu.memory_space<hbm>> -> memref<640xf32, #tpu.memory_space<hbm>>
      %dma_start3A_228 = tpu.memref_slice %arg8[%mul3A_223] : memref<10240xf32, #tpu.memory_space<vmem_shared>> -> memref<640xf32, #tpu.memory_space<vmem_shared>>
      tpu.enqueue_dma source(%dma_start3A_228 : memref<640xf32, #tpu.memory_space<vmem_shared>>) target(%dma_start3A_227 : memref<640xf32, #tpu.memory_space<hbm>>) target_semaphore(%run_scoped3A : memref<!tpu.dma_semaphore, #tpu.memory_space<semaphore_mem>>)
      %dma_wait3A = tpu.memref_slice %arg3[%arg0, %mul3A_225] : memref<2x10240xf32, #tpu.memory_space<hbm>> -> memref<1x640xf32, #tpu.memory_space<hbm>>
      %dma_wait3A_229 = tpu.memref_squeeze %dma_wait3A : memref<1x640xf32, #tpu.memory_space<hbm>> -> memref<640xf32, #tpu.memory_space<hbm>>
      %dma_wait3A_230 = tpu.memref_slice %arg8[%mul3A_223] : memref<10240xf32, #tpu.memory_space<vmem_shared>> -> memref<640xf32, #tpu.memory_space<vmem_shared>>
      tpu.wait_dma2 semaphore(%run_scoped3A : memref<!tpu.dma_semaphore, #tpu.memory_space<semaphore_mem>>) src(%dma_wait3A_230 : memref<640xf32, #tpu.memory_space<vmem_shared>>) dst(%dma_wait3A_229 : memref<640xf32, #tpu.memory_space<hbm>>)
      tpu.yield
    }) : () -> ()
    return
  }
}

module attributes {stable_mosaic.version = 14 : i64} {
  func.func @_tc1_body(%arg0: i32, %arg1: memref<2x2000x1xf32, #tpu.memory_space<vmem>>, %arg2: memref<2000x1xi32, #tpu.memory_space<vmem>>, %arg3: memref<256x128xf32, #tpu.memory_space<vmem>>, %arg4: memref<128x128xf32, #tpu.memory_space<vmem>>, %arg5: memref<2000x1xf32, #tpu.memory_space<vmem>>, %arg6: memref<2000x1xi32, #tpu.memory_space<vmem>>, %arg7: memref<2000x128xf32, #tpu.memory_space<vmem>>, %arg8: memref<2000x128xf32, #tpu.memory_space<vmem>>) attributes {dimension_semantics = [#tpu.dimension_semantics<arbitrary>], iteration_bounds = array<i64: 5>, scalar_prefetch = 0 : i64, scratch_operands = 0 : i64, tpu.core_type = #tpu.core_type<tc>, window_params = [{transform_indices = @transform_0, window_bounds = array<i64: 2, 2000, 1>}, {transform_indices = @transform_1, window_bounds = array<i64: 2000, 1>}, {pipeline_mode = #tpu.pipeline_mode<synchronous>, transform_indices = @transform_2, window_bounds = array<i64: 256, 128>}, {pipeline_mode = #tpu.pipeline_mode<synchronous>, transform_indices = @transform_3, window_bounds = array<i64: 128, 128>}, {transform_indices = @transform_4, window_bounds = array<i64: 2000, 1>}, {transform_indices = @transform_5, window_bounds = array<i64: 2000, 1>}, {transform_indices = @transform_6, window_bounds = array<i64: 2000, 128>}, {transform_indices = @transform_7, window_bounds = array<i64: 2000, 128>}]} {
    %get3A = arith.constant 0 : index
    %get3A_0 = arith.constant 0 : index
    %get3A_1 = arith.constant 0 : index
    %get3A_2 = vector.load %arg1[%get3A, %get3A_0, %get3A_1] : memref<2x2000x1xf32, #tpu.memory_space<vmem>>, vector<1x2000x1xf32>
    %get3A_3 = vector.shape_cast %get3A_2 : vector<1x2000x1xf32> to vector<2000x1xf32>
    %get3A_4 = arith.constant 1 : index
    %get3A_5 = arith.constant 0 : index
    %get3A_6 = arith.constant 0 : index
    %get3A_7 = vector.load %arg1[%get3A_4, %get3A_5, %get3A_6] : memref<2x2000x1xf32, #tpu.memory_space<vmem>>, vector<1x2000x1xf32>
    %get3A_8 = vector.shape_cast %get3A_7 : vector<1x2000x1xf32> to vector<2000x1xf32>
    %add3A = arith.addf %get3A_3, %get3A_8 : vector<2000x1xf32>
    %add3A_9 = arith.constant 1.000000e+00 : f32
    %add3A_10 = vector.broadcast %add3A_9 : f32 to vector<2000x1xf32>
    %add3A_11 = arith.addf %add3A, %add3A_10 : vector<2000x1xf32>
    %rsqrt3A = math.rsqrt %add3A_11 : vector<2000x1xf32>
    %swap3A = arith.constant 0 : index
    %swap3A_12 = arith.constant 0 : index
    %swap3A_13 = vector.load %arg5[%swap3A, %swap3A_12] : memref<2000x1xf32, #tpu.memory_space<vmem>>, vector<2000x1xf32>
    tpu.vector_store %arg5[%swap3A, %swap3A_12], %rsqrt3A {strides = array<i32>} : memref<2000x1xf32, #tpu.memory_space<vmem>>, vector<2000x1xf32>,
    %get3A_14 = arith.constant 0 : index
    %get3A_15 = arith.constant 0 : index
    %get3A_16 = vector.load %arg2[%get3A_14, %get3A_15] : memref<2000x1xi32, #tpu.memory_space<vmem>>, vector<2000x1xi32>
    %mul3A = arith.constant 0x4A800000 : f32
    %mul3A_17 = vector.broadcast %mul3A : f32 to vector<2000x1xf32>
    %mul3A_18 = arith.mulf %rsqrt3A, %mul3A_17 : vector<2000x1xf32>
    %round3A = math.roundeven %mul3A_18 : vector<2000x1xf32>
    %convert_element_type3A = arith.fptosi %round3A : vector<2000x1xf32> to vector<2000x1xi32>
    %shift_left3A = arith.constant 23 : i32
    %shift_left3A_19 = vector.broadcast %shift_left3A : i32 to vector<2000x1xi32>
    %shift_left3A_20 = arith.shli %get3A_16, %shift_left3A_19 : vector<2000x1xi32>
    %or3A = arith.ori %shift_left3A_20, %convert_element_type3A : vector<2000x1xi32>
    %swap3A_21 = arith.constant 0 : index
    %swap3A_22 = arith.constant 0 : index
    %swap3A_23 = vector.load %arg6[%swap3A_21, %swap3A_22] : memref<2000x1xi32, #tpu.memory_space<vmem>>, vector<2000x1xi32>
    tpu.vector_store %arg6[%swap3A_21, %swap3A_22], %or3A {strides = array<i32>} : memref<2000x1xi32, #tpu.memory_space<vmem>>, vector<2000x1xi32>,
    %iota3A = tpu.iota {dimensions = array<i32: 1>} : vector<2000x256xi32>
    %eq3A = vector.broadcast %get3A_16 : vector<2000x1xi32> to vector<2000x256xi32>
    %eq3A_24 = arith.cmpi eq, %eq3A, %iota3A : vector<2000x256xi32>
    %jit3A = arith.constant 1.000000e+00 : f32
    %jit3A_25 = arith.constant 0.000000e+00 : f32
    %broadcast_in_dim3A = vector.broadcast %jit3A : f32 to vector<2000x256xf32>
    %broadcast_in_dim3A_26 = vector.broadcast %jit3A_25 : f32 to vector<2000x256xf32>
    %select_n3A = arith.select %eq3A_24, %broadcast_in_dim3A, %broadcast_in_dim3A_26 : vector<2000x256xi1>, vector<2000x256xf32>
    %get3A_27 = arith.constant 0 : index
    %get3A_28 = arith.constant 0 : index
    %get3A_29 = vector.load %arg3[%get3A_27, %get3A_28] : memref<256x128xf32, #tpu.memory_space<vmem>>, vector<256x128xf32>
    %dot_general3A = arith.constant dense<0.000000e+00> : vector<2000x128xf32>
    %dot_general3A_30 = tpu.matmul %select_n3A, %get3A_29, %dot_general3A {dimension_numbers = #tpu.dot_dimension_numbers<[1], [0], [0], [1], [0, 0, 1, 1], [], []>, precision = #tpu.contract_precision<fp32>, transpose_lhs_hint = false} : vector<2000x256xf32>, vector<256x128xf32>, vector<2000x128xf32> -> vector<2000x128xf32>
    %swap3A_31 = arith.constant 0 : index
    %swap3A_32 = arith.constant 0 : index
    %swap3A_33 = vector.load %arg7[%swap3A_31, %swap3A_32] : memref<2000x128xf32, #tpu.memory_space<vmem>>, vector<2000x128xf32>
    tpu.vector_store %arg7[%swap3A_31, %swap3A_32], %dot_general3A_30 {strides = array<i32>} : memref<2000x128xf32, #tpu.memory_space<vmem>>, vector<2000x128xf32>,
    %get3A_34 = arith.constant 0 : index
    %get3A_35 = arith.constant 0 : index
    %get3A_36 = vector.load %arg4[%get3A_34, %get3A_35] : memref<128x128xf32, #tpu.memory_space<vmem>>, vector<128x128xf32>
    %dot_general3A_37 = arith.constant dense<0.000000e+00> : vector<2000x128xf32>
    %dot_general3A_38 = tpu.matmul %dot_general3A_30, %get3A_36, %dot_general3A_37 {dimension_numbers = #tpu.dot_dimension_numbers<[1], [0], [0], [1], [0, 0, 1, 1], [], []>, precision = #tpu.contract_precision<fp32>, transpose_lhs_hint = false} : vector<2000x128xf32>, vector<128x128xf32>, vector<2000x128xf32> -> vector<2000x128xf32>
    %mul3A_39 = vector.broadcast %rsqrt3A : vector<2000x1xf32> to vector<2000x128xf32>
    %mul3A_40 = arith.mulf %mul3A_39, %dot_general3A_38 : vector<2000x128xf32>
    %swap3A_41 = arith.constant 0 : index
    %swap3A_42 = arith.constant 0 : index
    %swap3A_43 = vector.load %arg8[%swap3A_41, %swap3A_42] : memref<2000x128xf32, #tpu.memory_space<vmem>>, vector<2000x128xf32>
    tpu.vector_store %arg8[%swap3A_41, %swap3A_42], %mul3A_40 {strides = array<i32>} : memref<2000x128xf32, #tpu.memory_space<vmem>>, vector<2000x128xf32>,
    return
  }
  func.func @transform_0(%arg0: i32) -> (i32, i32, i32) {
    %c0_i32 = arith.constant 0 : i32
    %c0_i32_0 = arith.constant 0 : i32
    %c0_i32_1 = arith.constant 0 : i32
    return %c0_i32, %arg0, %c0_i32_0 : i32, i32, i32
  }
  func.func @transform_1(%arg0: i32) -> (i32, i32) {
    %c0_i32 = arith.constant 0 : i32
    %c0_i32_0 = arith.constant 0 : i32
    return %arg0, %c0_i32 : i32, i32
  }
  func.func @transform_2(%arg0: i32) -> (i32, i32) {
    %c0_i32 = arith.constant 0 : i32
    %c0_i32_0 = arith.constant 0 : i32
    %c0_i32_1 = arith.constant 0 : i32
    return %c0_i32, %c0_i32_0 : i32, i32
  }
  func.func @transform_3(%arg0: i32) -> (i32, i32) {
    %c0_i32 = arith.constant 0 : i32
    %c0_i32_0 = arith.constant 0 : i32
    %c0_i32_1 = arith.constant 0 : i32
    return %c0_i32, %c0_i32_0 : i32, i32
  }
  func.func @transform_4(%arg0: i32) -> (i32, i32) {
    %c0_i32 = arith.constant 0 : i32
    %c0_i32_0 = arith.constant 0 : i32
    return %arg0, %c0_i32 : i32, i32
  }
  func.func @transform_5(%arg0: i32) -> (i32, i32) {
    %c0_i32 = arith.constant 0 : i32
    %c0_i32_0 = arith.constant 0 : i32
    return %arg0, %c0_i32 : i32, i32
  }
  func.func @transform_6(%arg0: i32) -> (i32, i32) {
    %c0_i32 = arith.constant 0 : i32
    %c0_i32_0 = arith.constant 0 : i32
    return %arg0, %c0_i32 : i32, i32
  }
  func.func @transform_7(%arg0: i32) -> (i32, i32) {
    %c0_i32 = arith.constant 0 : i32
    %c0_i32_0 = arith.constant 0 : i32
    return %arg0, %c0_i32 : i32, i32
  }
}

module attributes {stable_mosaic.version = 14 : i64} {
  func.func @_tc2_body(%arg0: i32, %arg1: memref<2000x256xf32, #tpu.memory_space<vmem>>, %arg2: memref<256x128xf32, #tpu.memory_space<vmem>>, %arg3: memref<128x128xf32, #tpu.memory_space<vmem>>, %arg4: memref<2000x128xf32, #tpu.memory_space<vmem>>, %arg5: memref<2000x128xf32, #tpu.memory_space<vmem>>, %arg6: memref<2000x1xf32, #tpu.memory_space<vmem>>, %arg7: memref<1x128xf32, #tpu.memory_space<vmem>>, %arg8: memref<1x128xf32, #tpu.memory_space<vmem>>, %arg9: memref<1x128xf32, #tpu.memory_space<vmem>>, %arg10: memref<128x128xf32, #tpu.memory_space<vmem>>, %arg11: memref<2000x128xf32, #tpu.memory_space<vmem>>, %arg12: memref<2000x128xf32, #tpu.memory_space<vmem>>) attributes {dimension_semantics = [#tpu.dimension_semantics<arbitrary>], iteration_bounds = array<i64: 5>, scalar_prefetch = 0 : i64, scratch_operands = 0 : i64, tpu.core_type = #tpu.core_type<tc>, window_params = [{transform_indices = @transform_0, window_bounds = array<i64: 2000, 256>}, {pipeline_mode = #tpu.pipeline_mode<synchronous>, transform_indices = @transform_1, window_bounds = array<i64: 256, 128>}, {pipeline_mode = #tpu.pipeline_mode<synchronous>, transform_indices = @transform_2, window_bounds = array<i64: 128, 128>}, {transform_indices = @transform_3, window_bounds = array<i64: 2000, 128>}, {transform_indices = @transform_4, window_bounds = array<i64: 2000, 128>}, {transform_indices = @transform_5, window_bounds = array<i64: 2000, 1>}, {pipeline_mode = #tpu.pipeline_mode<synchronous>, transform_indices = @transform_6, window_bounds = array<i64: 1, 128>}, {pipeline_mode = #tpu.pipeline_mode<synchronous>, transform_indices = @transform_7, window_bounds = array<i64: 1, 128>}, {pipeline_mode = #tpu.pipeline_mode<synchronous>, transform_indices = @transform_8, window_bounds = array<i64: 1, 128>}, {pipeline_mode = #tpu.pipeline_mode<synchronous>, transform_indices = @transform_9, window_bounds = array<i64: 128, 128>}, {transform_indices = @transform_10, window_bounds = array<i64: 2000, 128>}, {transform_indices = @transform_11, window_bounds = array<i64: 2000, 128>}]} {
    %get3A = arith.constant 0 : index
    %get3A_0 = arith.constant 0 : index
    %get3A_1 = vector.load %arg2[%get3A, %get3A_0] : memref<256x128xf32, #tpu.memory_space<vmem>>, vector<256x128xf32>
    %get3A_2 = arith.constant 0 : index
    %get3A_3 = arith.constant 0 : index
    %get3A_4 = vector.load %arg3[%get3A_2, %get3A_3] : memref<128x128xf32, #tpu.memory_space<vmem>>, vector<128x128xf32>
    %dot_general3A = arith.constant dense<0.000000e+00> : vector<256x128xf32>
    %dot_general3A_5 = tpu.matmul %get3A_1, %get3A_4, %dot_general3A {dimension_numbers = #tpu.dot_dimension_numbers<[1], [0], [0], [1], [0, 0, 1, 1], [], []>, precision = #tpu.contract_precision<fp32>, transpose_lhs_hint = false} : vector<256x128xf32>, vector<128x128xf32>, vector<256x128xf32> -> vector<256x128xf32>
    %get3A_6 = arith.constant 0 : index
    %get3A_7 = arith.constant 0 : index
    %get3A_8 = vector.load %arg1[%get3A_6, %get3A_7] : memref<2000x256xf32, #tpu.memory_space<vmem>>, vector<2000x256xf32>
    %dot_general3A_9 = arith.constant dense<0.000000e+00> : vector<2000x128xf32>
    %dot_general3A_10 = tpu.matmul %get3A_8, %dot_general3A_5, %dot_general3A_9 {dimension_numbers = #tpu.dot_dimension_numbers<[1], [0], [0], [1], [0, 0, 1, 1], [], []>, precision = #tpu.contract_precision<fp32>, transpose_lhs_hint = false} : vector<2000x256xf32>, vector<256x128xf32>, vector<2000x128xf32> -> vector<2000x128xf32>
    %get3A_11 = arith.constant 0 : index
    %get3A_12 = arith.constant 0 : index
    %get3A_13 = vector.load %arg4[%get3A_11, %get3A_12] : memref<2000x128xf32, #tpu.memory_space<vmem>>, vector<2000x128xf32>
    %add3A = arith.addf %dot_general3A_10, %get3A_13 : vector<2000x128xf32>
    %get3A_14 = arith.constant 0 : index
    %get3A_15 = arith.constant 0 : index
    %get3A_16 = vector.load %arg6[%get3A_14, %get3A_15] : memref<2000x1xf32, #tpu.memory_space<vmem>>, vector<2000x1xf32>
    %mul3A = vector.broadcast %get3A_16 : vector<2000x1xf32> to vector<2000x128xf32>
    %mul3A_17 = arith.mulf %mul3A, %add3A : vector<2000x128xf32>
    %get3A_18 = arith.constant 0 : index
    %get3A_19 = arith.constant 0 : index
    %get3A_20 = vector.load %arg7[%get3A_18, %get3A_19] : memref<1x128xf32, #tpu.memory_space<vmem>>, vector<1x128xf32>
    %add3A_21 = vector.broadcast %get3A_20 : vector<1x128xf32> to vector<2000x128xf32>
    %add3A_22 = arith.addf %mul3A_17, %add3A_21 : vector<2000x128xf32>
    %get3A_23 = arith.constant 0 : index
    %get3A_24 = arith.constant 0 : index
    %get3A_25 = vector.load %arg5[%get3A_23, %get3A_24] : memref<2000x128xf32, #tpu.memory_space<vmem>>, vector<2000x128xf32>
    %add3A_26 = arith.addf %get3A_25, %add3A_22 : vector<2000x128xf32>
    %get3A_27 = arith.constant 0 : index
    %get3A_28 = arith.constant 0 : index
    %get3A_29 = vector.load %arg8[%get3A_27, %get3A_28] : memref<1x128xf32, #tpu.memory_space<vmem>>, vector<1x128xf32>
    %get3A_30 = arith.constant 0 : index
    %get3A_31 = arith.constant 0 : index
    %get3A_32 = vector.load %arg9[%get3A_30, %get3A_31] : memref<1x128xf32, #tpu.memory_space<vmem>>, vector<1x128xf32>
    %reduce_sum3A = arith.constant dense<0.000000e+00> : vector<2000xf32>
    %reduce_sum3A_33 = vector.multi_reduction <add>, %add3A_26, %reduce_sum3A [1] : vector<2000x128xf32> to vector<2000xf32>
    %broadcast_in_dim3A = vector.shape_cast %reduce_sum3A_33 : vector<2000xf32> to vector<2000x1xf32>
    %div3A = arith.constant 1.280000e+02 : f32
    %div3A_34 = vector.broadcast %div3A : f32 to vector<2000x1xf32>
    %div3A_35 = arith.divf %broadcast_in_dim3A, %div3A_34 : vector<2000x1xf32>
    %sub3A = vector.broadcast %div3A_35 : vector<2000x1xf32> to vector<2000x128xf32>
    %sub3A_36 = arith.subf %add3A_26, %sub3A : vector<2000x128xf32>
    %integer_pow3A = arith.mulf %sub3A_36, %sub3A_36 : vector<2000x128xf32>
    %reduce_sum3A_37 = arith.constant dense<0.000000e+00> : vector<2000xf32>
    %reduce_sum3A_38 = vector.multi_reduction <add>, %integer_pow3A, %reduce_sum3A_37 [1] : vector<2000x128xf32> to vector<2000xf32>
    %broadcast_in_dim3A_39 = vector.shape_cast %reduce_sum3A_38 : vector<2000xf32> to vector<2000x1xf32>
    %div3A_40 = arith.constant 1.280000e+02 : f32
    %div3A_41 = vector.broadcast %div3A_40 : f32 to vector<2000x1xf32>
    %div3A_42 = arith.divf %broadcast_in_dim3A_39, %div3A_41 : vector<2000x1xf32>
    %sub3A_43 = vector.broadcast %div3A_35 : vector<2000x1xf32> to vector<2000x128xf32>
    %sub3A_44 = arith.subf %add3A_26, %sub3A_43 : vector<2000x128xf32>
    %add3A_45 = arith.constant 9.99999974E-6 : f32
    %add3A_46 = vector.broadcast %add3A_45 : f32 to vector<2000x1xf32>
    %add3A_47 = arith.addf %div3A_42, %add3A_46 : vector<2000x1xf32>
    %rsqrt3A = math.rsqrt %add3A_47 : vector<2000x1xf32>
    %mul3A_48 = vector.broadcast %rsqrt3A : vector<2000x1xf32> to vector<2000x128xf32>
    %mul3A_49 = arith.mulf %sub3A_44, %mul3A_48 : vector<2000x128xf32>
    %mul3A_50 = vector.broadcast %get3A_29 : vector<1x128xf32> to vector<2000x128xf32>
    %mul3A_51 = arith.mulf %mul3A_49, %mul3A_50 : vector<2000x128xf32>
    %add3A_52 = vector.broadcast %get3A_32 : vector<1x128xf32> to vector<2000x128xf32>
    %add3A_53 = arith.addf %mul3A_51, %add3A_52 : vector<2000x128xf32>
    %swap3A = arith.constant 0 : index
    %swap3A_54 = arith.constant 0 : index
    %swap3A_55 = vector.load %arg11[%swap3A, %swap3A_54] : memref<2000x128xf32, #tpu.memory_space<vmem>>, vector<2000x128xf32>
    tpu.vector_store %arg11[%swap3A, %swap3A_54], %add3A_53 {strides = array<i32>} : memref<2000x128xf32, #tpu.memory_space<vmem>>, vector<2000x128xf32>,
    %get3A_56 = arith.constant 0 : index
    %get3A_57 = arith.constant 0 : index
    %get3A_58 = vector.load %arg10[%get3A_56, %get3A_57] : memref<128x128xf32, #tpu.memory_space<vmem>>, vector<128x128xf32>
    %dot_general3A_59 = arith.constant dense<0.000000e+00> : vector<2000x128xf32>
    %dot_general3A_60 = tpu.matmul %add3A_53, %get3A_58, %dot_general3A_59 {dimension_numbers = #tpu.dot_dimension_numbers<[1], [0], [0], [1], [0, 0, 1, 1], [], []>, precision = #tpu.contract_precision<fp32>, transpose_lhs_hint = false} : vector<2000x128xf32>, vector<128x128xf32>, vector<2000x128xf32> -> vector<2000x128xf32>
    %mul3A_61 = vector.broadcast %get3A_16 : vector<2000x1xf32> to vector<2000x128xf32>
    %mul3A_62 = arith.mulf %mul3A_61, %dot_general3A_60 : vector<2000x128xf32>
    %swap3A_63 = arith.constant 0 : index
    %swap3A_64 = arith.constant 0 : index
    %swap3A_65 = vector.load %arg12[%swap3A_63, %swap3A_64] : memref<2000x128xf32, #tpu.memory_space<vmem>>, vector<2000x128xf32>
    tpu.vector_store %arg12[%swap3A_63, %swap3A_64], %mul3A_62 {strides = array<i32>} : memref<2000x128xf32, #tpu.memory_space<vmem>>, vector<2000x128xf32>,
    return
  }
  func.func @transform_0(%arg0: i32) -> (i32, i32) {
    %c0_i32 = arith.constant 0 : i32
    %c0_i32_0 = arith.constant 0 : i32
    return %arg0, %c0_i32 : i32, i32
  }
  func.func @transform_1(%arg0: i32) -> (i32, i32) {
    %c0_i32 = arith.constant 0 : i32
    %c0_i32_0 = arith.constant 0 : i32
    %c0_i32_1 = arith.constant 0 : i32
    return %c0_i32, %c0_i32_0 : i32, i32
  }
  func.func @transform_2(%arg0: i32) -> (i32, i32) {
    %c0_i32 = arith.constant 0 : i32
    %c0_i32_0 = arith.constant 0 : i32
    %c0_i32_1 = arith.constant 0 : i32
    return %c0_i32, %c0_i32_0 : i32, i32
  }
  func.func @transform_3(%arg0: i32) -> (i32, i32) {
    %c0_i32 = arith.constant 0 : i32
    %c0_i32_0 = arith.constant 0 : i32
    return %arg0, %c0_i32 : i32, i32
  }
  func.func @transform_4(%arg0: i32) -> (i32, i32) {
    %c0_i32 = arith.constant 0 : i32
    %c0_i32_0 = arith.constant 0 : i32
    return %arg0, %c0_i32 : i32, i32
  }
  func.func @transform_5(%arg0: i32) -> (i32, i32) {
    %c0_i32 = arith.constant 0 : i32
    %c0_i32_0 = arith.constant 0 : i32
    return %arg0, %c0_i32 : i32, i32
  }
  func.func @transform_6(%arg0: i32) -> (i32, i32) {
    %c0_i32 = arith.constant 0 : i32
    %c0_i32_0 = arith.constant 0 : i32
    %c0_i32_1 = arith.constant 0 : i32
    return %c0_i32, %c0_i32_0 : i32, i32
  }
  func.func @transform_7(%arg0: i32) -> (i32, i32) {
    %c0_i32 = arith.constant 0 : i32
    %c0_i32_0 = arith.constant 0 : i32
    %c0_i32_1 = arith.constant 0 : i32
    return %c0_i32, %c0_i32_0 : i32, i32
  }
  func.func @transform_8(%arg0: i32) -> (i32, i32) {
    %c0_i32 = arith.constant 0 : i32
    %c0_i32_0 = arith.constant 0 : i32
    %c0_i32_1 = arith.constant 0 : i32
    return %c0_i32, %c0_i32_0 : i32, i32
  }
  func.func @transform_9(%arg0: i32) -> (i32, i32) {
    %c0_i32 = arith.constant 0 : i32
    %c0_i32_0 = arith.constant 0 : i32
    %c0_i32_1 = arith.constant 0 : i32
    return %c0_i32, %c0_i32_0 : i32, i32
  }
  func.func @transform_10(%arg0: i32) -> (i32, i32) {
    %c0_i32 = arith.constant 0 : i32
    %c0_i32_0 = arith.constant 0 : i32
    return %arg0, %c0_i32 : i32, i32
  }
  func.func @transform_11(%arg0: i32) -> (i32, i32) {
    %c0_i32 = arith.constant 0 : i32
    %c0_i32_0 = arith.constant 0 : i32
    return %arg0, %c0_i32 : i32, i32
  }
}

module attributes {stable_mosaic.version = 14 : i64} {
  func.func @_tc3_body(%arg0: i32, %arg1: memref<2x2000x128xf32, #tpu.memory_space<vmem>>, %arg2: memref<2000x128xf32, #tpu.memory_space<vmem>>, %arg3: memref<2000x128xf32, #tpu.memory_space<vmem>>, %arg4: memref<2000x1xf32, #tpu.memory_space<vmem>>, %arg5: memref<1x128xf32, #tpu.memory_space<vmem>>, %arg6: memref<1x128xf32, #tpu.memory_space<vmem>>, %arg7: memref<1x128xf32, #tpu.memory_space<vmem>>, %arg8: memref<2000x128xf32, #tpu.memory_space<vmem>>) attributes {dimension_semantics = [#tpu.dimension_semantics<arbitrary>], iteration_bounds = array<i64: 5>, scalar_prefetch = 0 : i64, scratch_operands = 0 : i64, tpu.core_type = #tpu.core_type<tc>, window_params = [{transform_indices = @transform_0, window_bounds = array<i64: 2, 2000, 128>}, {transform_indices = @transform_1, window_bounds = array<i64: 2000, 128>}, {transform_indices = @transform_2, window_bounds = array<i64: 2000, 128>}, {transform_indices = @transform_3, window_bounds = array<i64: 2000, 1>}, {pipeline_mode = #tpu.pipeline_mode<synchronous>, transform_indices = @transform_4, window_bounds = array<i64: 1, 128>}, {pipeline_mode = #tpu.pipeline_mode<synchronous>, transform_indices = @transform_5, window_bounds = array<i64: 1, 128>}, {pipeline_mode = #tpu.pipeline_mode<synchronous>, transform_indices = @transform_6, window_bounds = array<i64: 1, 128>}, {transform_indices = @transform_7, window_bounds = array<i64: 2000, 128>}]} {
    %get3A = arith.constant 0 : index
    %get3A_0 = arith.constant 0 : index
    %get3A_1 = arith.constant 0 : index
    %get3A_2 = vector.load %arg1[%get3A, %get3A_0, %get3A_1] : memref<2x2000x128xf32, #tpu.memory_space<vmem>>, vector<1x2000x128xf32>
    %get3A_3 = vector.shape_cast %get3A_2 : vector<1x2000x128xf32> to vector<2000x128xf32>
    %get3A_4 = arith.constant 1 : index
    %get3A_5 = arith.constant 0 : index
    %get3A_6 = arith.constant 0 : index
    %get3A_7 = vector.load %arg1[%get3A_4, %get3A_5, %get3A_6] : memref<2x2000x128xf32, #tpu.memory_space<vmem>>, vector<1x2000x128xf32>
    %get3A_8 = vector.shape_cast %get3A_7 : vector<1x2000x128xf32> to vector<2000x128xf32>
    %add3A = arith.addf %get3A_3, %get3A_8 : vector<2000x128xf32>
    %get3A_9 = arith.constant 0 : index
    %get3A_10 = arith.constant 0 : index
    %get3A_11 = vector.load %arg2[%get3A_9, %get3A_10] : memref<2000x128xf32, #tpu.memory_space<vmem>>, vector<2000x128xf32>
    %add3A_12 = arith.addf %add3A, %get3A_11 : vector<2000x128xf32>
    %get3A_13 = arith.constant 0 : index
    %get3A_14 = arith.constant 0 : index
    %get3A_15 = vector.load %arg4[%get3A_13, %get3A_14] : memref<2000x1xf32, #tpu.memory_space<vmem>>, vector<2000x1xf32>
    %mul3A = vector.broadcast %get3A_15 : vector<2000x1xf32> to vector<2000x128xf32>
    %mul3A_16 = arith.mulf %mul3A, %add3A_12 : vector<2000x128xf32>
    %get3A_17 = arith.constant 0 : index
    %get3A_18 = arith.constant 0 : index
    %get3A_19 = vector.load %arg5[%get3A_17, %get3A_18] : memref<1x128xf32, #tpu.memory_space<vmem>>, vector<1x128xf32>
    %add3A_20 = vector.broadcast %get3A_19 : vector<1x128xf32> to vector<2000x128xf32>
    %add3A_21 = arith.addf %mul3A_16, %add3A_20 : vector<2000x128xf32>
    %get3A_22 = arith.constant 0 : index
    %get3A_23 = arith.constant 0 : index
    %get3A_24 = vector.load %arg3[%get3A_22, %get3A_23] : memref<2000x128xf32, #tpu.memory_space<vmem>>, vector<2000x128xf32>
    %add3A_25 = arith.addf %get3A_24, %add3A_21 : vector<2000x128xf32>
    %get3A_26 = arith.constant 0 : index
    %get3A_27 = arith.constant 0 : index
    %get3A_28 = vector.load %arg6[%get3A_26, %get3A_27] : memref<1x128xf32, #tpu.memory_space<vmem>>, vector<1x128xf32>
    %get3A_29 = arith.constant 0 : index
    %get3A_30 = arith.constant 0 : index
    %get3A_31 = vector.load %arg7[%get3A_29, %get3A_30] : memref<1x128xf32, #tpu.memory_space<vmem>>, vector<1x128xf32>
    %reduce_sum3A = arith.constant dense<0.000000e+00> : vector<2000xf32>
    %reduce_sum3A_32 = vector.multi_reduction <add>, %add3A_25, %reduce_sum3A [1] : vector<2000x128xf32> to vector<2000xf32>
    %broadcast_in_dim3A = vector.shape_cast %reduce_sum3A_32 : vector<2000xf32> to vector<2000x1xf32>
    %div3A = arith.constant 1.280000e+02 : f32
    %div3A_33 = vector.broadcast %div3A : f32 to vector<2000x1xf32>
    %div3A_34 = arith.divf %broadcast_in_dim3A, %div3A_33 : vector<2000x1xf32>
    %sub3A = vector.broadcast %div3A_34 : vector<2000x1xf32> to vector<2000x128xf32>
    %sub3A_35 = arith.subf %add3A_25, %sub3A : vector<2000x128xf32>
    %integer_pow3A = arith.mulf %sub3A_35, %sub3A_35 : vector<2000x128xf32>
    %reduce_sum3A_36 = arith.constant dense<0.000000e+00> : vector<2000xf32>
    %reduce_sum3A_37 = vector.multi_reduction <add>, %integer_pow3A, %reduce_sum3A_36 [1] : vector<2000x128xf32> to vector<2000xf32>
    %broadcast_in_dim3A_38 = vector.shape_cast %reduce_sum3A_37 : vector<2000xf32> to vector<2000x1xf32>
    %div3A_39 = arith.constant 1.280000e+02 : f32
    %div3A_40 = vector.broadcast %div3A_39 : f32 to vector<2000x1xf32>
    %div3A_41 = arith.divf %broadcast_in_dim3A_38, %div3A_40 : vector<2000x1xf32>
    %sub3A_42 = vector.broadcast %div3A_34 : vector<2000x1xf32> to vector<2000x128xf32>
    %sub3A_43 = arith.subf %add3A_25, %sub3A_42 : vector<2000x128xf32>
    %add3A_44 = arith.constant 9.99999974E-6 : f32
    %add3A_45 = vector.broadcast %add3A_44 : f32 to vector<2000x1xf32>
    %add3A_46 = arith.addf %div3A_41, %add3A_45 : vector<2000x1xf32>
    %rsqrt3A = math.rsqrt %add3A_46 : vector<2000x1xf32>
    %mul3A_47 = vector.broadcast %rsqrt3A : vector<2000x1xf32> to vector<2000x128xf32>
    %mul3A_48 = arith.mulf %sub3A_43, %mul3A_47 : vector<2000x128xf32>
    %mul3A_49 = vector.broadcast %get3A_28 : vector<1x128xf32> to vector<2000x128xf32>
    %mul3A_50 = arith.mulf %mul3A_48, %mul3A_49 : vector<2000x128xf32>
    %add3A_51 = vector.broadcast %get3A_31 : vector<1x128xf32> to vector<2000x128xf32>
    %add3A_52 = arith.addf %mul3A_50, %add3A_51 : vector<2000x128xf32>
    %swap3A = arith.constant 0 : index
    %swap3A_53 = arith.constant 0 : index
    %swap3A_54 = vector.load %arg8[%swap3A, %swap3A_53] : memref<2000x128xf32, #tpu.memory_space<vmem>>, vector<2000x128xf32>
    tpu.vector_store %arg8[%swap3A, %swap3A_53], %add3A_52 {strides = array<i32>} : memref<2000x128xf32, #tpu.memory_space<vmem>>, vector<2000x128xf32>,
    return
  }
  func.func @transform_0(%arg0: i32) -> (i32, i32, i32) {
    %c0_i32 = arith.constant 0 : i32
    %c0_i32_0 = arith.constant 0 : i32
    %c0_i32_1 = arith.constant 0 : i32
    return %c0_i32, %arg0, %c0_i32_0 : i32, i32, i32
  }
  func.func @transform_1(%arg0: i32) -> (i32, i32) {
    %c0_i32 = arith.constant 0 : i32
    %c0_i32_0 = arith.constant 0 : i32
    return %arg0, %c0_i32 : i32, i32
  }
  func.func @transform_2(%arg0: i32) -> (i32, i32) {
    %c0_i32 = arith.constant 0 : i32
    %c0_i32_0 = arith.constant 0 : i32
    return %arg0, %c0_i32 : i32, i32
  }
  func.func @transform_3(%arg0: i32) -> (i32, i32) {
    %c0_i32 = arith.constant 0 : i32
    %c0_i32_0 = arith.constant 0 : i32
    return %arg0, %c0_i32 : i32, i32
  }
  func.func @transform_4(%arg0: i32) -> (i32, i32) {
    %c0_i32 = arith.constant 0 : i32
    %c0_i32_0 = arith.constant 0 : i32
    %c0_i32_1 = arith.constant 0 : i32
    return %c0_i32, %c0_i32_0 : i32, i32
  }
  func.func @transform_5(%arg0: i32) -> (i32, i32) {
    %c0_i32 = arith.constant 0 : i32
    %c0_i32_0 = arith.constant 0 : i32
    %c0_i32_1 = arith.constant 0 : i32
    return %c0_i32, %c0_i32_0 : i32, i32
  }
  func.func @transform_6(%arg0: i32) -> (i32, i32) {
    %c0_i32 = arith.constant 0 : i32
    %c0_i32_0 = arith.constant 0 : i32
    %c0_i32_1 = arith.constant 0 : i32
    return %c0_i32, %c0_i32_0 : i32, i32
  }
  func.func @transform_7(%arg0: i32) -> (i32, i32) {
    %c0_i32 = arith.constant 0 : i32
    %c0_i32_0 = arith.constant 0 : i32
    return %arg0, %c0_i32 : i32, i32
  }
}

</mosaic_0001>

<sc_bundles>
// kernel: kernel.11.cloned.1.call-start
scs
__scs_entry_jumppad:
0x0: {  	(pc) =	sbr.rel $0x88, $3  }
0x1: {  	(tag) =	ssettag $0x0;
	lr =	simm.s32 $0x1  }
0x2: {  	[smem:$0x3F96] =	sst lr;
	_ =	strace $0xD0000000  }
0x3: {  	_ = 	snop  }
0x4: {  	_ = 	snop  }
0x5: {  	_ = 	snop  }
0x6: {  	_ = 	snop  }
0x7: {  	_ = 	snop  }
__scs_overlays_trampoline_lowered:
0x8: {  	[smem:$0x3FA5] =	sst s0  }
0x9: {  	[smem:$0x3FA6] =	sst s1  }
0xa: {  	[smem:$0x3FA7] =	sst s2  }
0xb: {  	[smem:$0x3FA8] =	sst s3  }
0xc: {  	[smem:$0x3FA9] =	sst s4  }
0xd: {  	[smem:$0x3FAA] =	sst s5  }
0xe: {  	[smem:$0x3FAB] =	sst s6  }
0xf: {  	[smem:$0x3FAC] =	sst s7  }
0x10: {  	[smem:$0x3FAD] =	sst s8  }
0x11: {  	[smem:$0x3FAE] =	sst s9;
	s0 =	simm.s32 @!p0 $0x0  }
0x12: {  	s1 =	sld [smem:$0x3F94];
	s0 =	simm.s32 @p0 $0x1  }
0x13: {  	[smem:$0x3FAF] =	sst s0;
	s0 =	simm.s32 @!p1 $0x0  }
0x14: {  	s2 =	sld [smem:$0x3F93];
	s0 =	simm.s32 @p1 $0x1  }
0x15: {  	[smem:$0x3FB0] =	sst s0;
	s0 =	simm.s32 @!p2 $0x0  }
0x16: {  	s3 =	sld [smem:$0x3FDB];
	s0 =	simm.s32 @p2 $0x1  }
0x17: {  	s4 =	simm.s32 $0x1BF5;
	[smem:$0x3FB2] =	sst s0  }
0x18: {  	s0 =	sld [smem:$0x3F95];
	_ =	swait.ge [sflag:s4], $0x0  }
0x19: {  	s7 =	sld [smem:$0x3F96]  }
0x1a: {  	s8 =	sadd.s32 $0xFFFFE003, lr  }
0x1b: {  	s9 =	sadd.s32 $0xFFFFFEF7, lr;
	s5 =	simm.s32 $0xFFFFFFFF;
	p2 =	slt.u32 s8, $0xFFFFF086  }
0x1c: {  	p1 =	slt.u32 s9, $0xF7A;
	s5 =	simm.s32 @!p2 $0x0  }
0x1d: {  	s5 =	simm.s32 @p1 $0x1;
	p0 =	seq.s32 s7, s2  }
0x1e: {  	s7 =	smul.u32 @!p0 $0xF7A, s2;
	p2 =	seq.s32 @!p0 s5, $0x0  }
0x1f: {  	s9 =	smul.u32 $0xF7A, s1;
	s8 =	simm.s32 @!p0 $0x1BF5;
	p2 =	por !p2, p0  }
0x20: {  	[sflag:s8] =	ssyncset.s32 @!p0 $0xFFFFF086;
	s6 =	sadd.s32 @!p0 s3, s7;
	s7 =	simm.s32 @!p0 $0x108  }
0x21: {  	s3 =	sadd.s32 s3, s9;
	s6 =	sadd.s32 @!p0 $0x88, s6;
	s7 =	simm.s32 @p2 $0x1082  }
0x22: {  	[simem:s7], [sflag:s8] =	dma.local @!p0 [hbm:s6], $0xF7A  }
0x23: {  	s9 =	sor.u32 $0xD0000000, s2;
	s6 =	simm.s32 $0x108;
	_ =	swait.ge @!p0 [sflag:s8], $0x0  }
0x24: {  	s3 =	sadd.s32 $0x88, s3;
	s6 =	simm.s32 @!p1 $0x1082;
	[sflag:s4] =	ssyncset.s32 $0xFFFFF086  }
0x25: {  	[simem:s6], [sflag:s4] =	dma.local [hbm:s3], $0xF7A  }
0x26: {  	[smem:$0x3F96] =	sst s1;
	(tag) =	ssettag s2;
	_ =	strace s9  }
0x27: {  	s1 =	sld [smem:$0x3FA6]  }
0x28: {  	s2 =	sld [smem:$0x3FA7]  }
0x29: {  	s4 =	sld [smem:$0x3FA9]  }
0x2a: {  	p0 =	seq.s32 s5, $0x0;
	s5 =	sld [smem:$0x3FAA]  }
0x2b: {  	s6 =	sld [smem:$0x3FAB]  }
0x2c: {  	s7 =	sld [smem:$0x3FAC]  }
0x2d: {  	s3 =	simm.s32 $0x108;
	s8 =	sld [smem:$0x3FAD]  }
0x2e: {  	s3 =	simm.s32 @!p0 $0x1082;
	s9 =	sld [smem:$0x3FAE]  }
0x2f: {  	lr =	sadd.s32 s0, s3;
	s0 =	sld [smem:$0x3FA5]  }
0x30: {  	s3 =	sld [smem:$0x3FA8]  }
0x31: {  	[smem:$0x3FB1] =	sst s10  }
0x32: {  	s10 =	sld [smem:$0x3FAF];
	_ =	sdelay $0x3  }
0x33: {  	p0 =	seq.s32 s10, $0x1;
	s10 =	sld [smem:$0x3FB1];
	_ =	sdelay $0x3  }
0x34: {  	[smem:$0x3FB1] =	sst s10  }
0x35: {  	s10 =	sld [smem:$0x3FB0];
	_ =	sdelay $0x3  }
0x36: {  	p1 =	seq.s32 s10, $0x1;
	s10 =	sld [smem:$0x3FB1];
	_ =	sdelay $0x3  }
0x37: {  	[smem:$0x3FB1] =	sst s10  }
0x38: {  	s10 =	sld [smem:$0x3FB2]  }
0x39: {  	_ = 	snop;
	(pc) =	sbr.ind lr, $3  }
0x3a: {  	_ = 	snop  }
0x3b: {  	_ = 	snop  }
0x3c: {  	p2 =	seq.s32 s10, $0x1;
	s10 =	sld [smem:$0x3FB1]  }
0x3d: {  	_ =	shalt  }
0x3e: {  	_ =	shalt  }
0x3f: {  	_ =	shalt  }
0x40: {  	_ =	shalt  }
0x41: {  	_ =	shalt  }
0x42: {  	_ =	shalt  }
0x43: {  	_ =	shalt  }
0x44: {  	_ =	shalt  }
0x45: {  	_ =	shalt  }
0x46: {  	_ =	shalt  }
0x47: {  	_ =	shalt  }
0x48: {  	_ =	shalt  }
0x49: {  	_ =	shalt  }
0x4a: {  	_ =	shalt  }
0x4b: {  	_ =	shalt  }
0x4c: {  	_ =	shalt  }
0x4d: {  	_ =	shalt  }
0x4e: {  	_ =	shalt  }
0x4f: {  	_ =	shalt  }
0x50: {  	_ =	shalt  }
0x51: {  	_ =	shalt  }
0x52: {  	_ =	shalt  }
0x53: {  	_ =	shalt  }
0x54: {  	_ =	shalt  }
0x55: {  	_ =	shalt  }
0x56: {  	_ =	shalt  }
0x57: {  	_ =	shalt  }
0x58: {  	_ =	shalt  }
0x59: {  	_ =	shalt  }
0x5a: {  	_ =	shalt  }
0x5b: {  	_ =	shalt  }
0x5c: {  	_ =	shalt  }
0x5d: {  	_ =	shalt  }
0x5e: {  	_ =	shalt  }
0x5f: {  	_ =	shalt  }
0x60: {  	_ =	shalt  }
0x61: {  	_ =	shalt  }
0x62: {  	_ =	shalt  }
0x63: {  	_ =	shalt  }
0x64: {  	_ =	shalt  }
0x65: {  	_ =	shalt  }
0x66: {  	_ =	shalt  }
0x67: {  	_ =	shalt  }
0x68: {  	_ =	shalt  }
0x69: {  	_ =	shalt  }
0x6a: {  	_ =	shalt  }
0x6b: {  	_ =	shalt  }
0x6c: {  	_ =	shalt  }
0x6d: {  	_ =	shalt  }
0x6e: {  	_ =	shalt  }
0x6f: {  	_ =	shalt  }
0x70: {  	_ =	shalt  }
0x71: {  	_ =	shalt  }
0x72: {  	_ =	shalt  }
0x73: {  	_ =	shalt  }
0x74: {  	_ =	shalt  }
0x75: {  	_ =	shalt  }
0x76: {  	_ =	shalt  }
0x77: {  	_ =	shalt  }
0x78: {  	_ =	shalt  }
0x79: {  	_ =	shalt  }
0x7a: {  	_ =	shalt  }
0x7b: {  	_ =	shalt  }
0x7c: {  	_ =	shalt  }
0x7d: {  	_ =	shalt  }
0x7e: {  	_ =	shalt  }
0x7f: {  	_ =	shalt  }
0x80: {  	_ =	shalt  }
0x81: {  	_ =	shalt  }
0x82: {  	_ =	shalt  }
0x83: {  	_ =	shalt  }
0x84: {  	_ =	shalt  }
0x85: {  	_ =	shalt  }
0x86: {  	_ =	shalt  }
0x87: {  	_ =	shalt  }
.Lfunc_end0:
.L_simem_size_0:
called_computation.1_lowered:
.L_overlay_start_0:
0x88: {  	s2 =	sld [smem:$0x3FD9]  }
0x89: {  	s3 =	sld [smem:$0x3FFE];
	_ =	sdelay $0x1  }
0x8a: {  	s1 =	srdreg.scid  }
0x8b: {  	s0 =	sand.u32 $0x1, s1  }
0x8c: {  	s16 =	sshll.u32 s0, $0xA;
	s2 =	sadd.s32 s3, s2  }
0x8d: {  	s2 =	sadd.s32 s2, s16  }
0x8e: {  	[smem:$0x3FBD] =	sst s2  }
0x8f: {  	_ = 	snop  }
0x90: {  	(tm) =	ssettm $0x1  }
0x91: {  	s17 =	sld [smem:$0x3FFB];
	_ =	sdelay $0x3  }
0x92: {  	_ =	strace s17  }
0x93: {  	s2 =	sld [smem:$0x3FFC];
	_ =	sdelay $0x3  }
0x94: {  	_ =	strace s2  }
0x95: {  	s2 =	sld [smem:$0x3FFD];
	_ =	sdelay $0x3  }
0x96: {  	_ =	strace s2  }
0x97: {  	_ =	strace $0x8FFFFFFF  }
0x98: {  	s18 =	sld [smem:$0x3FDB];
	_ =	sdelay $0x1  }
0x99: {  	s19 =	simm.s32 $_scs_section_size  }
0x9a: {  	s4 =	simm.s32 $_size__tile_overlayer_lowered;
	s5 =	simm.s32 $_tile_overlayer_lowered  }
0x9b: {  	s22 =	simm.s32 $0x1BFF;
	s21 =	sshll.u32 s5, $0x1;
	s2 =	sadd.s32 s19, s18  }
0x9c: {  	s6 =	simm.s32 $0x0;
	s20 =	sshll.u32 s4, $0x1;
	s4 =	sadd.s32 s21, s2  }
0x9d: {  	[timem:s6], [sflag:s22] =	dma.local [hbm:s4], s20  }
0x9e: {  	_ =	swait.ge [sflag:s22], s20  }
0x9f: {  	s3 =	ssub.s32 $0x0, s20;
	[sflag:s22] =	ssyncset.done $0x0  }
0xa0: {  	[sflag:s22] =	ssyncadd.s32 s3;
	_ =	sdelay $0x1  }
0xa1: {  	s23 =	simm.s32 $0x1B8B  }
0xa2: {  	_ =	swait.ge [sflag:s23], $0x1  }
0xa3: {  	[sflag:s23] =	ssyncset.done $0x0  }
0xa4: {  	s25 =	simm.s32 $0x1B8E;
	s24 =	sld [smem:$0x3FFE];
	[sflag:s23] =	ssyncadd.s32 $0xFFFFFFFF  }
0xa5: {  	s26 =	simm.s32 $execute0_lowered;
	[smem:$0x3FD2] =	sst s25  }
0xa6: {  	s4 =	sshll.u32 s26, $0x1;
	_ =	strace $0x80000049;
	[dreg:$0x1] =	wrdreg $0xFFFFFFFF  }
0xa7: {  	s28 =	simm.s32 $_size_execute0_lowered;
	s2 =	sadd.s32 s2, s4;
	[dreg:$0x0] =	wrdreg $0x0  }
0xa8: {  	s4 =	sshll.u32 s28, $0x1;
	[dreg:$0x2] =	wrdreg s2  }
0xa9: {  	[dreg:$0x3] =	wrdreg s4  }
0xaa: {  	[dreg:$0x4] =	wrdreg $0xC0  }
0xab: {  	_ =	task [dreg:s6], $0x5FFFF  }
0xac: {  	[dreg:$0x1] =	wrdreg $0xFFFFFFFF  }
0xad: {  	[dreg:$0x0] =	wrdreg $0x60  }
0xae: {  	[dreg:$0x2] =	wrdreg s24  }
0xaf: {  	[dreg:$0x3] =	wrdreg $0x28000  }
0xb0: {  	[dreg:$0x4] =	wrdreg $0x9  }
0xb1: {  	_ =	task.clear_ibuf [dreg:s6], $0x5FFFF;
	_ =	strace $0x90000049  }
0xb2: {  	s29 =	simm.s32 $0x9;
	_ =	strace $0x8000004B  }
0xb3: {  	_ =	swait.ge [sflag:s29], $0x1  }
0xb4: {  	[sflag:s29] =	ssyncadd.s32 $0xFFFFFFFF  }
0xb5: {  	_ =	strace $0x9000004B  }
0xb6: {  	_ =	sfence  }
0xb7: {  	s30 =	sld [smem:$0x0];
	_ =	sdelay $0x2  }
0xb8: {  	s31 =	sshll.u32 s1, $0xD;
	s1 =	sshrl.u32 s1, $0x2  }
0xb9: {  	s3 =	sand.u32 $0x4000, s31;
	s1 =	sadd.s32 s1, s30  }
0xba: {  	s0 =	sor.u32 s3, s0;
	s1 =	sshll.u32 s1, $0x11  }
0xbb: {  	s0 =	sor.u32 s1, s0  }
0xbc: {  	s0 =	sadd.s32 $0x8F2B, s0  }
0xbd: {  	[sflag:s0] =	ssyncadd.remote.s32 $0x1  }
0xbe: {  	_ =	sfence.sel $0xFFFF  }
0xbf: {  	[dreg:$0x0] =	wrdreg $0xFFFFFFFF;
	(pc) =	sbr.abs _section_cstart, $3  }
0xc0: {  	[dreg:$0x1] =	wrdreg $0xFFFFFFFF  }
0xc1: {  	_ =	task.clear_ibuf [dreg:s6], $0x2FFFF;
	_ =	strace $0x9FFFFFFF  }
0xc2: {  	(tm) =	ssettm $0x7FFFFFFF  }
0xc3: {  	_ =	shalt  }
tec
execute0_lowered:
.L_overlay_start_1:
0x0: {  	(tag) =	ssettag $0x1  }
0x1: {  	s0 =	rddreg [dreg:$0x0]  }
0x2: {  	s10 =	stileid.u32;
	s1 =	srdreg.scid  }
0x3: {  	s2 =	rddreg [dreg:$0x1];
	s3 =	simm.s32 $0x0;
	s4 =	smul.u32 $0x1400, s10  }
0x4: {  	s25 =	simm.s32 $0x800;
	s26 =	simm.s32 $0xB;
	s6 =	smul.u32 $0x13C00, s10  }
0x5: {  	s29 =	simm.s32 $0x80;
	s1 =	sand.u32 $0x1, s1;
	s10 =	smul.u32 $0x4F200, s10  }
0x6: {  	s30 =	simm.s32 $0x5;
	[smem:$0x7FF] =	sst s3;
	s5 =	smul.u32 $0x13C000, s1  }
0x7: {  	_ =	strace $0x8000004A;
	s11 =	ssub.s32 $0x2, s1;
	s24 =	smul.u32 $0x13C0, s1  }
0x8: {  	s1 =	simm.s32 $0x3;
	s7 =	sadd.s32 s4, s0;
	s4 =	sadd.s32 $0x16C00, s0  }
0x9: {  	s14 =	sshrl.u32 s10, $0x2;
	s28 =	sadd.s32 s6, s2;
	s13 =	sadd.s32 $0x2C20, s7  }
0xa: {  	s9 =	sadd.s32 s6, s5;
	s15 =	sadd.s32 $0x2C40, s7;
	[dreg:$0x3] =	wrdreg s13  }
0xb: {  	s5 =	sadd.s32 $0x2C00, s7;
	s7 =	sadd.s32 $0x2C60, s7;
	[dreg:$0x4] =	wrdreg s15  }
0xc: {  	s10 =	simm.s32 $0x4;
	s16 =	sadd.s32 s14, s2;
	[dreg:$0x5] =	wrdreg s7  }
0xd: {  	s6 =	simm.s32 $0x600;
	s17 =	sadd.s32 $0x4000, s16;
	[dreg:$0x6] =	wrdreg s16  }
0xe: {  	s14 =	simm.s32 $0x9;
	s18 =	sadd.s32 $0x6000, s16;
	[dreg:$0x8] =	wrdreg s17  }
0xf: {  	s8 =	sshrl.u32 s9, $0x3;
	s19 =	sadd.s32 $0x8000, s16;
	[dreg:$0x9] =	wrdreg s18  }
0x10: {  	s9 =	sshrl.u32 s11, $0x1;
	s20 =	sadd.s32 $0xA000, s16;
	[dreg:$0xa] =	wrdreg s19  }
0x11: {  	s21 =	sadd.s32 $0xC000, s16;
	s22 =	sadd.s32 $0xE000, s16;
	[dreg:$0xb] =	wrdreg s20  }
0x12: {  	s23 =	sadd.s32 $0x10000, s16;
	s7 =	sadd.s32 $0x12000, s16;
	[dreg:$0xc] =	wrdreg s21  }
0x13: {  	s13 =	simm.s32 $0x7;
	s15 =	simm.s32 $0x8;
	[dreg:$0xd] =	wrdreg s22  }
0x14: {  	s0 =	sadd.s32 s8, s0;
	s12 =	ssub.s32 s11, s9;
	[dreg:$0xe] =	wrdreg s23  }
0x15: {  	s9 =	sadd.s32 $0x2000, s16;
	[dreg:$0xf] =	wrdreg s7;
	s20 =	simm.s32 $0x100  }
0x16: {  	s22 =	simm.s32 $0x200;
	s23 =	simm.s32 $0x300;
	s7 =	simm.s32 $0x700  }
.Ltmp0:
0x17: {  	v9 =	vlaneseq.u32;
	s8 =	simm.s32 $0x6;
	s11 =	simm.s32 $0x580;
	(pc) =	sbr.rel .LBB2_1-.Ltmp0, $4  }
0x18: {  	v0 =	vor.u32 $0x13C010, v9;
	s21 =	simm.s32 $0x780;
	[dreg:$0x7] =	wrdreg s9;
	s0 =	sadd.s32 $0x17200, s0  }
0x19: {  	v4 =	vimm.f32 $0.0e+00;
	v2 =	vor.u32 $0x13C020, v9;
	v3 =	vor.u32 $0x13C030, v9;
	s16 =	simm.s32 $0xA;
	s31 =	smax.u32 s12, $0x1;
	[dreg:$0x10] =	wrdreg s0  }
0x1a: {  	v5 =	vor.u32 $0x13C040, v9;
	v6 =	vor.u32 $0x13C050, v9;
	v7 =	vor.u32 $0x13C000, v9;
	s17 =	simm.s32 $0x0;
	[dreg:$0x11] =	wrdreg s31;
	s0 =	sshrl.u32 s28, $0x3  }
0x1b: {  	v8 =	vor.u32 $0x13C060, v9;
	v9 =	vor.u32 $0x13C070, v9;
	v1 =	vmov s24;
	s12 =	simm.s32 $0x680;
	[dreg:$0x12] =	wrdreg s0;
	s0 =	simm.s32 $0x500  }
.LBB2_6:
0x1c: {  	_ =	swait.ge [sflag:s14], $0x80  }
0x1d: {  	[sflag:s14] =	ssyncset.done $0x0  }
0x1e: {  	[sflag:s14] =	ssyncadd.s32 $0xFFFFFF80  }
0x1f: {  	_ =	swait.ge [sflag:s16], $0x80  }
0x20: {  	[sflag:s16] =	ssyncset.done $0x0  }
0x21: {  	[sflag:s16] =	ssyncadd.s32 $0xFFFFFF80  }
0x22: {  	s9 =	stileid.u32;
	[bflag:$0x0] =	sbarrier.arrive $0xFFFF  }
0x23: {  	s9 =	sshll.u32 s9, $0x6;
	s18 =	rddreg [dreg:$0x10]  }
0x24: {  	s9 =	sor.u32 $0x1C0B, s9;
	s19 =	rddreg [dreg:$0x12]  }
0x25: {  	[hbm:s18], [sflag:s9] =	dma.local [spmem:s19], $0x2780  }
0x26: {  	_ =	swait.ge [sflag:s26], $0x2780  }
0x27: {  	s17 =	sadd.s32 $0x1, s17;
	s31 =	rddreg [dreg:$0x11]  }
0x28: {  	p0 =	sne.s32 s17, s31  }
.Ltmp1:
0x29: {  	_ = 	snop;
	(pc) =	sbr.rel @!p0 .LBB2_7-.Ltmp1, $3  }
0x2a: {  	_ =	sdelay $0x1  }
0x2b: {  	[sflag:s26] =	ssyncset.done $0x0  }
0x2c: {  	s20 =	simm.s32 $0x100;
	[sflag:s26] =	ssyncadd.s32 $0xFFFFD880  }
.LBB2_1:
0x2d: {  	[tilespmem:s3], [sflag:$0x1] =	stream.linear.gather [hbm4b:s5+s3], $0x100, $0x38;
	[tilespmem:$0x16480] =	vst v63  }
0x2e: {  	s9 =	rddreg [dreg:$0x3]  }
0x2f: {  	[tilespmem:s20], [sflag:$0x2] =	stream.linear.gather [hbm4b:s9+s3], $0x100, $0x38;
	[tilespmem:$0x16480] =	vst v63  }
0x30: {  	s28 =	rddreg [dreg:$0x4]  }
0x31: {  	[tilespmem:s22], [sflag:$0x3] =	stream.linear.gather [hbm4b:s28+s3], $0x100, $0x38;
	[tilespmem:$0x16480] =	vst v63  }
0x32: {  	s31 =	rddreg [dreg:$0x5];
	s18 =	simm.s32 $0x40;
	s19 =	simm.s32 $0x0  }
0x33: {  	[tilespmem:s23], [sflag:$0x4] =	stream.linear.gather [hbm4b:s31+s3], $0x100, $0x38;
	[tilespmem:$0x16480] =	vst v63  }
.LBB2_2:
0x34: {  	p0 =	sne.s32 s18, $0x7FC0;
	[tilespmem:s19+$0x800] =	vst v4;
	s19 =	smov.u32 s18;
	s18 =	sadd.s32 $0x40, s18  }
.Ltmp2:
0x35: {  	(pc) =	sbr.rel @p0 .LBB2_2-.Ltmp2, $2  }
0x36: {  	_ =	sdelay $0x2  }
0x37: {  	s19 =	sshra.s32 s19, $0x2  }
0x38: {  	[tilespmem:s19+$0x800] =	vst v4;
	s9 =	rddreg [dreg:$0x6]  }
0x39: {  	[spmem:s9] =	stream.linear.scatter [tilespmem:s25], [sflag:$0xB], $0x2000, $0x38;
	[tilespmem:$0x16480] =	vst v63  }
0x3a: {  	_ =	swait.ge [sflag:s26], $0x2000  }
0x3b: {  	[sflag:s26] =	ssyncset.done $0x0  }
0x3c: {  	s24 =	rddreg [dreg:$0x7];
	[sflag:s26] =	ssyncadd.s32 $0xFFFFE000  }
0x3d: {  	[spmem:s24] =	stream.linear.scatter [tilespmem:s25], [sflag:$0xB], $0x2000, $0x38;
	[tilespmem:$0x16480] =	vst v63  }
0x3e: {  	_ =	swait.ge [sflag:s26], $0x2000  }
0x3f: {  	[sflag:s26] =	ssyncset.done $0x0  }
0x40: {  	s28 =	rddreg [dreg:$0x8];
	[sflag:s26] =	ssyncadd.s32 $0xFFFFE000  }
0x41: {  	[spmem:s28] =	stream.linear.scatter [tilespmem:s25], [sflag:$0xB], $0x2000, $0x38;
	[tilespmem:$0x16480] =	vst v63  }
0x42: {  	_ =	swait.ge [sflag:s26], $0x2000  }
0x43: {  	[sflag:s26] =	ssyncset.done $0x0  }
0x44: {  	s31 =	rddreg [dreg:$0x9];
	[sflag:s26] =	ssyncadd.s32 $0xFFFFE000  }
0x45: {  	[spmem:s31] =	stream.linear.scatter [tilespmem:s25], [sflag:$0xB], $0x2000, $0x38;
	[tilespmem:$0x16480] =	vst v63  }
0x46: {  	_ =	swait.ge [sflag:s26], $0x2000  }
0x47: {  	[sflag:s26] =	ssyncset.done $0x0  }
0x48: {  	s18 =	rddreg [dreg:$0xa];
	[sflag:s26] =	ssyncadd.s32 $0xFFFFE000  }
0x49: {  	[spmem:s18] =	stream.linear.scatter [tilespmem:s25], [sflag:$0xB], $0x2000, $0x38;
	[tilespmem:$0x16480] =	vst v63  }
0x4a: {  	_ =	swait.ge [sflag:s26], $0x2000  }
0x4b: {  	[sflag:s26] =	ssyncset.done $0x0  }
0x4c: {  	s19 =	rddreg [dreg:$0xb];
	[sflag:s26] =	ssyncadd.s32 $0xFFFFE000  }
0x4d: {  	[spmem:s19] =	stream.linear.scatter [tilespmem:s25], [sflag:$0xB], $0x2000, $0x38;
	[tilespmem:$0x16480] =	vst v63  }
0x4e: {  	_ =	swait.ge [sflag:s26], $0x2000  }
0x4f: {  	[sflag:s26] =	ssyncset.done $0x0  }
0x50: {  	s24 =	rddreg [dreg:$0xc];
	[sflag:s26] =	ssyncadd.s32 $0xFFFFE000  }
0x51: {  	[spmem:s24] =	stream.linear.scatter [tilespmem:s25], [sflag:$0xB], $0x2000, $0x38;
	[tilespmem:$0x16480] =	vst v63  }
0x52: {  	_ =	swait.ge [sflag:s26], $0x2000  }
0x53: {  	[sflag:s26] =	ssyncset.done $0x0  }
0x54: {  	s28 =	rddreg [dreg:$0xd];
	[sflag:s26] =	ssyncadd.s32 $0xFFFFE000  }
0x55: {  	[spmem:s28] =	stream.linear.scatter [tilespmem:s25], [sflag:$0xB], $0x2000, $0x38;
	[tilespmem:$0x16480] =	vst v63  }
0x56: {  	_ =	swait.ge [sflag:s26], $0x2000  }
0x57: {  	[sflag:s26] =	ssyncset.done $0x0  }
0x58: {  	s31 =	rddreg [dreg:$0xe];
	[sflag:s26] =	ssyncadd.s32 $0xFFFFE000  }
0x59: {  	[spmem:s31] =	stream.linear.scatter [tilespmem:s25], [sflag:$0xB], $0x2000, $0x38;
	[tilespmem:$0x16480] =	vst v63  }
0x5a: {  	_ =	swait.ge [sflag:s26], $0x2000  }
0x5b: {  	[sflag:s26] =	ssyncset.done $0x0  }
0x5c: {  	s18 =	rddreg [dreg:$0xf];
	[sflag:s26] =	ssyncadd.s32 $0xFFFFE000  }
0x5d: {  	[spmem:s18] =	stream.linear.scatter [tilespmem:s25], [sflag:$0xB], $0x1C80, $0x38;
	[tilespmem:$0x16480] =	vst v63  }
0x5e: {  	_ =	swait.ge [sflag:s26], $0x1C80  }
0x5f: {  	[sflag:s26] =	ssyncset.done $0x0  }
0x60: {  	[sflag:s26] =	ssyncadd.s32 $0xFFFFE380  }
0x61: {  	s19 =	simm.s32 $0x1;
	[bflag:$0x0] =	sbarrier.arrive $0xFFFF  }
0x62: {  	_ =	swait.ge [sflag:s19], $0x100  }
0x63: {  	s24 =	simm.s32 $0x400;
	[sflag:s19] =	ssyncset.done $0x0  }
0x64: {  	s28 =	simm.s32 $0x2;
	s18 =	simm.s32 $0x0;
	[sflag:s19] =	ssyncadd.s32 $0xFFFFFF00  }
0x65: {  	[tilespmem:s24], [sflag:$0x5] =	stream.indirect.gather [hbm4b:s4+s29], $0x1, s18, s29, $0xb8;
	[tilespmem:$0x16480] =	vst v63  }
0x66: {  	_ =	swait.ge [sflag:s28], $0x100  }
0x67: {  	[sflag:s28] =	ssyncset.done $0x0  }
0x68: {  	s31 =	simm.s32 $0x480;
	s19 =	simm.s32 $0x3;
	[sflag:s28] =	ssyncadd.s32 $0xFFFFFF00  }
0x69: {  	[tilespmem:s31], [sflag:$0x6] =	stream.indirect.gather [hbm4b:s4+s29], $0x1, s20, s29, $0xb8;
	[tilespmem:$0x16480] =	vst v63  }
.LBB2_4:
0x6a: {  	_ =	swait.ge [sflag:s30], $0x80  }
0x6b: {  	[sflag:s30] =	ssyncset.done $0x0  }
0x6c: {  	[sflag:s30] =	ssyncadd.s32 $0xFFFFFF80  }
0x6d: {  	_ =	swait.ge [sflag:s1], $0x100  }
0x6e: {  	p1 =	seq.s32 s18, $0x0;
	[sflag:s1] =	ssyncset.done $0x0  }
0x6f: {  	s20 =	simm.s32 @!p1 $0x9;
	[sflag:s1] =	ssyncadd.s32 $0xFFFFFF00  }
0x70: {  	[tilespmem:s0], [sflag:$0x7] =	stream.indirect.gather [hbm4b:s4+s29], $0x1, s22, s29, $0xb8;
	[tilespmem:$0x16480] =	vst v63  }
0x71: {  	_ =	swait.ge @!p1 [sflag:s20], $0x80  }
0x72: {  	[sflag:s20] =	ssyncset.done @!p1 $0x0  }
0x73: {  	[sflag:s20] =	ssyncadd.s32 @!p1 $0xFFFFFF80  }
0x74: {  	v10 =	vld [tilespmem:$0x400]  }
0x75: {  	v11 =	vld [tilespmem:$0x80]  }
0x76: {  	v12 =	vld [tilespmem:$0x410]  }
0x77: {  	v14 =	vld [tilespmem:$0x90]  }
0x78: {  	v15 =	vld [tilespmem:$0x420]  }
0x79: {  	v44 =	vld [tilespmem:$0x430]  }
0x7a: {  	v19 =	vld [tilespmem:$0xB0]  }
0x7b: {  	v46 =	vld [tilespmem:$0x440]  }
0x7c: {  	v22 =	vld [tilespmem:$0xC0]  }
0x7d: {  	v48 =	vld [tilespmem:$0x450]  }
0x7e: {  	v23 =	vld [tilespmem:$0xD0]  }
0x7f: {  	v24 =	vld [tilespmem:$0x460]  }
0x80: {  	v61 =	vld [tilespmem:$0x470]  }
0x81: {  	v63 =	vld [tilespmem:$0xF0];
	v13 =	vand.u32 $0x7FFFFF, v10;
	v10 =	vshrl.u32 v10, $0x17;
	v11 =	vsub.s32 v11, v1  }
0x82: {  	v17 =	vand.u32 $0x7FFFFF, v12;
	v12 =	vshrl.u32 v12, $0x17;
	v14 =	vsub.s32 v14, v1  }
0x83: {  	v18 =	vand.u32 $0x7FFFFF, v15;
	v15 =	vshrl.u32 v15, $0x17;
	v21 =	vand.u32 $0x7FFFFF, v44  }
0x84: {  	v19 =	vsub.s32 v19, v1;
	v49 =	vand.u32 $0x7FFFFF, v46;
	v51 =	vshrl.u32 v46, $0x17  }
0x85: {  	v53 =	vsub.s32 v22, v1;
	v54 =	vand.u32 $0x7FFFFF, v48;
	v59 =	vsub.s32 v23, v1  }
0x86: {  	v60 =	vand.u32 $0x7FFFFF, v24;
	v23 =	vand.u32 $0x7FFFFF, v61;
	v25 =	vsub.s32 v63, v1  }
0x87: {  	v26 =	vshrl.u32 v61, $0x17;
	v13 =	vcvt.s32.f32 v13;
	v16 =	vshll.u32 v11, $0x8  }
0x88: {  	vm0 =	vlt.u32 v11, $0x13C0;
	v11 =	vcvt.s32.f32 v17;
	vm10 =	vlt.u32 v14, $0x13C0  }
0x89: {  	v43 =	vld [tilespmem:$0xA0];
	v14 =	vshll.u32 v14, $0x8;
	v45 =	vcvt.s32.f32 v18;
	v47 =	vcvt.s32.f32 v21  }
0x8a: {  	v17 =	vshrl.u32 v44, $0x17;
	vm12 =	vlt.u32 v19, $0x13C0;
	v19 =	vshll.u32 v19, $0x8  }
0x8b: {  	v21 =	vcvt.s32.f32 v49;
	vm1 =	vlt.u32 v53, $0x13C0;
	v55 =	vshll.u32 v53, $0x8  }
0x8c: {  	v56 =	vcvt.s32.f32 v54;
	vm13 =	vlt.u32 v59, $0x13C0;
	v10 =	vadd.s32 v10, v16  }
0x8d: {  	v12 =	vadd.s32 v12, v14;
	v13 =	vmul.f32 $2.384185790e-07, v13;
	v10 =	vsel vm0, v10, v7  }
0x8e: {  	v16 =	vsub.s32 v43, v1;
	v11 =	vmul.f32 $2.384185790e-07, v11;
	v12 =	vsel vm10, v12, v0;
	[tilespmem:$0x600] =	vst v10  }
0x8f: {  	v14 =	vmul.f32 $2.384185790e-07, v45;
	v20 =	vshll.u32 v16, $0x8;
	[tilespmem:$0x610] =	vst v12;
	v13 =	vnsel vm0, $0x0, v13  }
0x90: {  	vm11 =	vlt.u32 v16, $0x13C0;
	v15 =	vadd.s32 v15, v20;
	v11 =	vnsel vm10, $0x0, v11;
	[tilespmem:$0x700] =	vst v13  }
0x91: {  	v57 =	vld [tilespmem:$0xE0];
	v62 =	vcvt.s32.f32 v60;
	v16 =	vmul.f32 $2.384185790e-07, v47;
	v15 =	vsel vm11, v15, v2;
	[tilespmem:$0x710] =	vst v11  }
0x92: {  	v50 =	vadd.s32 v17, v19;
	v52 =	vmul.f32 $2.384185790e-07, v21;
	v14 =	vnsel vm11, $0x0, v14;
	[tilespmem:$0x620] =	vst v15  }
0x93: {  	v58 =	vmul.f32 $2.384185790e-07, v56;
	v21 =	vshrl.u32 v24, $0x17;
	v10 =	vnsel vm12, $0x0, v16;
	[tilespmem:$0x720] =	vst v14  }
0x94: {  	v24 =	vcvt.s32.f32 v23;
	v12 =	vadd.s32 v51, v55;
	v11 =	vsel vm12, v50, v3;
	[tilespmem:$0x730] =	vst v10  }
0x95: {  	v12 =	vsel vm1, v12, v5;
	v16 =	vshll.u32 v59, $0x8;
	[tilespmem:$0x630] =	vst v11;
	v11 =	vshrl.u32 v48, $0x17  }
0x96: {  	v20 =	vsub.s32 v57, v1;
	v13 =	vnsel vm1, $0x0, v52;
	[tilespmem:$0x640] =	vst v12;
	v10 =	vadd.s32 v11, v16  }
0x97: {  	vm14 =	vlt.u32 v20, $0x13C0;
	v22 =	vshll.u32 v20, $0x8;
	[tilespmem:$0x740] =	vst v13;
	v10 =	vsel vm13, v10, v6  }
0x98: {  	v15 =	vnsel vm13, $0x0, v58;
	v11 =	vmul.f32 $2.384185790e-07, v62;
	[tilespmem:$0x650] =	vst v10;
	v10 =	vadd.s32 v21, v22  }
0x99: {  	v27 =	vshll.u32 v25, $0x8;
	vm15 =	vlt.u32 v25, $0x13C0;
	[tilespmem:$0x750] =	vst v15;
	v10 =	vsel vm14, v10, v8  }
0x9a: {  	v28 =	vadd.s32 v26, v27;
	v11 =	vnsel vm14, $0x0, v11;
	[tilespmem:$0x660] =	vst v10;
	v10 =	vmul.f32 $2.384185790e-07, v24  }
0x9b: {  	[tilespmem:$0x760] =	vst v11;
	v11 =	vsel vm15, v28, v9  }
0x9c: {  	p0 =	seq.s32 s18, $0x1380;
	[tilespmem:$0x670] =	vst v11;
	v10 =	vnsel vm15, $0x0, v10  }
0x9d: {  	s20 =	sadd.s32 @!p0 s18, s5;
	[tilespmem:$0x770] =	vst v10  }
0x9e: {  	[spmem:s2] =	stream.indirect.scatter.add.f32 [tilespmem:s7], [sflag:$0x9], $0x1, s6, s29, $0xb8;
	[tilespmem:$0x16480] =	vst v63  }
0x9f: {  	s24 =	simm.s32 @!p0 $0x0;
	s9 =	sadd.s32 @!p0 $0x80, s20  }
0xa0: {  	[tilespmem:s24], [sflag:$0x1] =	stream.linear.gather @!p0 [hbm4b:s9+s24], $0x100, $0x38;
	[tilespmem:$0x16480] =	vst v63  }
0xa1: {  	_ =	swait.ge [sflag:s8], $0x80  }
0xa2: {  	[sflag:s8] =	ssyncset.done $0x0  }
0xa3: {  	[sflag:s8] =	ssyncadd.s32 $0xFFFFFF80  }
0xa4: {  	_ =	swait.ge [sflag:s10], $0x100  }
0xa5: {  	[sflag:s10] =	ssyncset.done $0x0  }
0xa6: {  	s9 =	simm.s32 @!p1 $0xA;
	[sflag:s10] =	ssyncadd.s32 $0xFFFFFF00  }
0xa7: {  	[tilespmem:s11], [sflag:$0x8] =	stream.indirect.gather [hbm4b:s4+s29], $0x1, s23, s29, $0xb8;
	[tilespmem:$0x16480] =	vst v63  }
0xa8: {  	_ =	swait.ge @!p1 [sflag:s9], $0x80  }
0xa9: {  	[sflag:s9] =	ssyncset.done @!p1 $0x0  }
0xaa: {  	[sflag:s9] =	ssyncadd.s32 @!p1 $0xFFFFFF80  }
0xab: {  	v10 =	vld [tilespmem:$0x480]  }
0xac: {  	v11 =	vld [tilespmem:$0x180]  }
0xad: {  	v29 =	vld [tilespmem:$0x490]  }
0xae: {  	v31 =	vld [tilespmem:$0x190]  }
0xaf: {  	v32 =	vld [tilespmem:$0x4A0]  }
0xb0: {  	v35 =	vld [tilespmem:$0x1A0]  }
0xb1: {  	v36 =	vld [tilespmem:$0x4B0]  }
0xb2: {  	v38 =	vld [tilespmem:$0x1B0]  }
0xb3: {  	v40 =	vld [tilespmem:$0x4C0]  }
0xb4: {  	v43 =	vld [tilespmem:$0x1C0]  }
0xb5: {  	v45 =	vld [tilespmem:$0x4D0]  }
0xb6: {  	v47 =	vld [tilespmem:$0x1D0]  }
0xb7: {  	v48 =	vld [tilespmem:$0x4E0]  }
0xb8: {  	v56 =	vld [tilespmem:$0x1E0]  }
0xb9: {  	v60 =	vld [tilespmem:$0x4F0];
	v30 =	vand.u32 $0x7FFFFF, v10;
	v10 =	vshrl.u32 v10, $0x17;
	v11 =	vsub.s32 v11, v1  }
0xba: {  	v62 =	vld [tilespmem:$0x1F0];
	v34 =	vand.u32 $0x7FFFFF, v29;
	v12 =	vshrl.u32 v29, $0x17;
	v14 =	vsub.s32 v31, v1  }
0xbb: {  	v37 =	vand.u32 $0x7FFFFF, v32;
	v15 =	vshrl.u32 v32, $0x17;
	v16 =	vsub.s32 v35, v1  }
0xbc: {  	v42 =	vand.u32 $0x7FFFFF, v36;
	v17 =	vshrl.u32 v36, $0x17;
	v19 =	vsub.s32 v38, v1  }
0xbd: {  	v46 =	vand.u32 $0x7FFFFF, v40;
	v50 =	vshrl.u32 v40, $0x17;
	v52 =	vsub.s32 v43, v1  }
0xbe: {  	v53 =	vand.u32 $0x7FFFFF, v45;
	v58 =	vsub.s32 v47, v1;
	v59 =	vand.u32 $0x7FFFFF, v48  }
0xbf: {  	v63 =	vsub.s32 v56, v1;
	v20 =	vand.u32 $0x7FFFFF, v60;
	v22 =	vsub.s32 v62, v1  }
0xc0: {  	v23 =	vshrl.u32 v60, $0x17;
	v13 =	vcvt.s32.f32 v30;
	v33 =	vshll.u32 v11, $0x8  }
0xc1: {  	vm4 =	vlt.u32 v11, $0x13C0;
	v11 =	vcvt.s32.f32 v34;
	vm5 =	vlt.u32 v14, $0x13C0  }
0xc2: {  	v14 =	vshll.u32 v14, $0x8;
	v39 =	vcvt.s32.f32 v37;
	v41 =	vshll.u32 v16, $0x8  }
0xc3: {  	vm6 =	vlt.u32 v16, $0x13C0;
	v44 =	vcvt.s32.f32 v42;
	vm7 =	vlt.u32 v19, $0x13C0  }
0xc4: {  	v19 =	vshll.u32 v19, $0x8;
	v21 =	vcvt.s32.f32 v46;
	v10 =	vadd.s32 v10, v33  }
0xc5: {  	vm8 =	vlt.u32 v52, $0x13C0;
	v12 =	vadd.s32 v12, v14;
	v10 =	vsel vm4, v10, v7  }
0xc6: {  	v15 =	vadd.s32 v15, v41;
	v13 =	vmul.f32 $2.384185790e-07, v13;
	v12 =	vsel vm5, v12, v0;
	[tilespmem:$0x680] =	vst v10  }
0xc7: {  	v54 =	vshll.u32 v52, $0x8;
	v11 =	vmul.f32 $2.384185790e-07, v11;
	v15 =	vsel vm6, v15, v2;
	[tilespmem:$0x690] =	vst v12  }
0xc8: {  	v55 =	vcvt.s32.f32 v53;
	v14 =	vmul.f32 $2.384185790e-07, v39;
	[tilespmem:$0x6A0] =	vst v15;
	v13 =	vnsel vm4, $0x0, v13  }
0xc9: {  	vm9 =	vlt.u32 v58, $0x13C0;
	v16 =	vmul.f32 $2.384185790e-07, v44;
	v11 =	vnsel vm5, $0x0, v11;
	[tilespmem:$0x780] =	vst v13  }
0xca: {  	v61 =	vcvt.s32.f32 v59;
	vm10 =	vlt.u32 v63, $0x13C0;
	v14 =	vnsel vm6, $0x0, v14;
	[tilespmem:$0x790] =	vst v11  }
0xcb: {  	v49 =	vadd.s32 v17, v19;
	v19 =	vshll.u32 v63, $0x8;
	v10 =	vnsel vm7, $0x0, v16;
	[tilespmem:$0x7A0] =	vst v14  }
0xcc: {  	v57 =	vmul.f32 $2.384185790e-07, v55;
	v12 =	vadd.s32 v50, v54;
	v11 =	vsel vm7, v49, v3;
	[tilespmem:$0x7B0] =	vst v10  }
0xcd: {  	v12 =	vsel vm8, v12, v5;
	v16 =	vshll.u32 v58, $0x8;
	[tilespmem:$0x6B0] =	vst v11;
	v11 =	vshrl.u32 v45, $0x17  }
0xce: {  	v51 =	vmul.f32 $2.384185790e-07, v21;
	v15 =	vnsel vm9, $0x0, v57;
	[tilespmem:$0x6C0] =	vst v12;
	v10 =	vadd.s32 v11, v16  }
0xcf: {  	v21 =	vcvt.s32.f32 v20;
	[tilespmem:$0x7D0] =	vst v15;
	v16 =	vshrl.u32 v48, $0x17;
	v10 =	vsel vm9, v10, v6  }
0xd0: {  	v13 =	vnsel vm8, $0x0, v51;
	v11 =	vmul.f32 $2.384185790e-07, v61;
	[tilespmem:$0x6D0] =	vst v10;
	v10 =	vadd.s32 v16, v19  }
0xd1: {  	v24 =	vshll.u32 v22, $0x8;
	vm11 =	vlt.u32 v22, $0x13C0;
	[tilespmem:$0x7C0] =	vst v13;
	v10 =	vsel vm10, v10, v8  }
0xd2: {  	v25 =	vadd.s32 v23, v24;
	v11 =	vnsel vm10, $0x0, v11;
	[tilespmem:$0x6E0] =	vst v10;
	v10 =	vmul.f32 $2.384185790e-07, v21  }
0xd3: {  	[tilespmem:$0x7E0] =	vst v11;
	v11 =	vsel vm11, v25, v9  }
0xd4: {  	[tilespmem:$0x6F0] =	vst v11;
	v10 =	vnsel vm11, $0x0, v10  }
0xd5: {  	[tilespmem:$0x7F0] =	vst v10  }
0xd6: {  	[spmem:s2] =	stream.indirect.scatter.add.f32 [tilespmem:s21], [sflag:$0xA], $0x1, s12, s29, $0xb8;
	[tilespmem:$0x16480] =	vst v63  }
0xd7: {  	s28 =	simm.s32 @!p0 $0x100;
	s9 =	sadd.s32 @!p0 $0xA0, s20  }
0xd8: {  	[tilespmem:s28], [sflag:$0x2] =	stream.linear.gather @!p0 [hbm4b:s9+s24], $0x100, $0x38;
	[tilespmem:$0x16480] =	vst v63  }
0xd9: {  	s31 =	sadd.s32 $0xFFFFFFFF, s19;
	_ =	swait.ge [sflag:s13], $0x80  }
0xda: {  	p1 =	sgt.u32 s31, $0x9D;
	[sflag:s13] =	ssyncset.done $0x0  }
0xdb: {  	s9 =	simm.s32 @!p1 $0x1;
	[sflag:s13] =	ssyncadd.s32 $0xFFFFFF80  }
0xdc: {  	_ =	swait.ge @!p1 [sflag:s9], $0x100  }
0xdd: {  	s31 =	simm.s32 @!p1 $0x400;
	[sflag:s9] =	ssyncset.done @!p1 $0x0  }
0xde: {  	s28 =	simm.s32 @!p1 $0x0;
	[sflag:s9] =	ssyncadd.s32 @!p1 $0xFFFFFF00;
	s9 =	simm.s32 @!p1 $0x80  }
0xdf: {  	[tilespmem:s31], [sflag:$0x5] =	stream.indirect.gather @!p1 [hbm4b:s4+s9], $0x1, s28, s9, $0xb8;
	[tilespmem:$0x16480] =	vst v63  }
0xe0: {  	_ =	swait.ge [sflag:s14], $0x80  }
0xe1: {  	[sflag:s14] =	ssyncset.done $0x0  }
0xe2: {  	[sflag:s14] =	ssyncadd.s32 $0xFFFFFF80  }
0xe3: {  	v10 =	vld [tilespmem:$0x500]  }
0xe4: {  	v11 =	vld [tilespmem:$0x280]  }
0xe5: {  	v26 =	vld [tilespmem:$0x510]  }
0xe6: {  	v29 =	vld [tilespmem:$0x2A0]  }
0xe7: {  	v31 =	vld [tilespmem:$0x520]  }
0xe8: {  	v32 =	vld [tilespmem:$0x530]  }
0xe9: {  	v37 =	vld [tilespmem:$0x540]  }
0xea: {  	v40 =	vld [tilespmem:$0x2C0]  }
0xeb: {  	v42 =	vld [tilespmem:$0x550]  }
0xec: {  	v44 =	vld [tilespmem:$0x2D0]  }
0xed: {  	v46 =	vld [tilespmem:$0x560]  }
0xee: {  	v52 =	vld [tilespmem:$0x2E0];
	v27 =	vand.u32 $0x7FFFFF, v10;
	v10 =	vshrl.u32 v10, $0x17;
	v11 =	vsub.s32 v11, v1  }
0xef: {  	v57 =	vld [tilespmem:$0x2F0];
	v30 =	vand.u32 $0x7FFFFF, v26;
	v12 =	vshrl.u32 v26, $0x17;
	v36 =	vand.u32 $0x7FFFFF, v31  }
0xf0: {  	v15 =	vsub.s32 v29, v1;
	v38 =	vand.u32 $0x7FFFFF, v32;
	v17 =	vshrl.u32 v31, $0x17  }
0xf1: {  	v18 =	vshrl.u32 v32, $0x17;
	v43 =	vand.u32 $0x7FFFFF, v37;
	v19 =	vshrl.u32 v37, $0x17  }
0xf2: {  	v49 =	vsub.s32 v40, v1;
	v50 =	vand.u32 $0x7FFFFF, v42;
	v53 =	vsub.s32 v44, v1  }
0xf3: {  	v54 =	vand.u32 $0x7FFFFF, v46;
	v58 =	vshrl.u32 v42, $0x17;
	v60 =	vsub.s32 v52, v1  }
0xf4: {  	v28 =	vld [tilespmem:$0x290];
	v61 =	vshrl.u32 v46, $0x17;
	v22 =	vsub.s32 v57, v1;
	v13 =	vcvt.s32.f32 v27  }
0xf5: {  	vm12 =	vlt.u32 v11, $0x13C0;
	v11 =	vshll.u32 v11, $0x8;
	v16 =	vcvt.s32.f32 v30  }
0xf6: {  	v39 =	vshll.u32 v15, $0x8;
	v20 =	vcvt.s32.f32 v38;
	vm14 =	vlt.u32 v15, $0x13C0  }
0xf7: {  	v45 =	vcvt.s32.f32 v43;
	vm4 =	vlt.u32 v49, $0x13C0;
	v51 =	vcvt.s32.f32 v50  }
0xf8: {  	vm5 =	vlt.u32 v53, $0x13C0;
	v56 =	vcvt.s32.f32 v54;
	vm6 =	vlt.u32 v60, $0x13C0  }
0xf9: {  	v35 =	vld [tilespmem:$0x2B0];
	v63 =	vshll.u32 v60, $0x8;
	v10 =	vadd.s32 v10, v11;
	v11 =	vsub.s32 v28, v1  }
0xfa: {  	v41 =	vadd.s32 v17, v39;
	v13 =	vmul.f32 $2.384185790e-07, v13;
	v10 =	vsel vm12, v10, v7  }
0xfb: {  	v33 =	vmul.f32 $2.384185790e-07, v16;
	v34 =	vshll.u32 v11, $0x8;
	[tilespmem:$0x600] =	vst v10;
	v10 =	vsel vm14, v41, v2  }
0xfc: {  	vm13 =	vlt.u32 v11, $0x13C0;
	v11 =	vadd.s32 v12, v34;
	v13 =	vnsel vm12, $0x0, v13;
	[tilespmem:$0x620] =	vst v10  }
0xfd: {  	v23 =	vshll.u32 v22, $0x8;
	v59 =	vmul.f32 $2.384185790e-07, v56;
	v11 =	vsel vm13, v11, v0;
	[tilespmem:$0x700] =	vst v13  }
0xfe: {  	v20 =	vmul.f32 $2.384185790e-07, v20;
	v12 =	vsub.s32 v35, v1;
	v14 =	vnsel vm13, $0x0, v33;
	[tilespmem:$0x610] =	vst v11  }
0xff: {  	v55 =	vld [tilespmem:$0x570];
	v48 =	vmul.f32 $2.384185790e-07, v45;
	vm15 =	vlt.u32 v12, $0x13C0;
	v62 =	vnsel vm6, $0x0, v59;
	[tilespmem:$0x710] =	vst v14  }
0x100: {  	v16 =	vcvt.s32.f32 v36;
	v12 =	vshll.u32 v12, $0x8;
	v47 =	vnsel vm15, $0x0, v20;
	[tilespmem:$0x760] =	vst v62  }
0x101: {  	v12 =	vadd.s32 v18, v12;
	v11 =	vshll.u32 v49, $0x8;
	v13 =	vnsel vm4, $0x0, v48;
	[tilespmem:$0x730] =	vst v47  }
0x102: {  	v14 =	vshll.u32 v53, $0x8;
	v12 =	vsel vm15, v12, v3;
	v11 =	vadd.s32 v19, v11;
	[tilespmem:$0x740] =	vst v13  }
0x103: {  	v10 =	vmul.f32 $2.384185790e-07, v51;
	v11 =	vsel vm4, v11, v5;
	[tilespmem:$0x630] =	vst v12;
	v12 =	vadd.s32 v58, v14  }
0x104: {  	v16 =	vmul.f32 $2.384185790e-07, v16;
	v20 =	vand.u32 $0x7FFFFF, v55;
	[tilespmem:$0x640] =	vst v11;
	v11 =	vsel vm5, v12, v6  }
0x105: {  	v10 =	vnsel vm5, $0x0, v10;
	v21 =	vcvt.s32.f32 v20;
	[tilespmem:$0x650] =	vst v11;
	v11 =	vadd.s32 v61, v63  }
0x106: {  	vm7 =	vlt.u32 v22, $0x13C0;
	[tilespmem:$0x750] =	vst v10;
	v10 =	vsel vm6, v11, v8;
	v11 =	vshrl.u32 v55, $0x17  }
0x107: {  	v16 =	vnsel vm14, $0x0, v16;
	[tilespmem:$0x660] =	vst v10;
	v10 =	vmul.f32 $2.384185790e-07, v21;
	v11 =	vadd.s32 v11, v23  }
0x108: {  	[tilespmem:$0x720] =	vst v16;
	v11 =	vsel vm7, v11, v9  }
0x109: {  	v10 =	vnsel vm7, $0x0, v10;
	[tilespmem:$0x670] =	vst v11  }
0x10a: {  	[tilespmem:$0x770] =	vst v10  }
0x10b: {  	[spmem:s2] =	stream.indirect.scatter.add.f32 [tilespmem:s7], [sflag:$0x9], $0x1, s6, s29, $0xb8;
	[tilespmem:$0x16480] =	vst v63  }
0x10c: {  	s9 =	sadd.s32 @!p0 $0xC0, s20;
	s20 =	simm.s32 @!p0 $0x200  }
0x10d: {  	[tilespmem:s20], [sflag:$0x3] =	stream.linear.gather @!p0 [hbm4b:s9+s24], $0x100, $0x38;
	[tilespmem:$0x16480] =	vst v63  }
0x10e: {  	_ =	swait.ge [sflag:s15], $0x80  }
0x10f: {  	p1 =	sgt.u32 s19, $0x9D;
	[sflag:s15] =	ssyncset.done $0x0  }
0x110: {  	s9 =	simm.s32 @!p1 $0x2;
	[sflag:s15] =	ssyncadd.s32 $0xFFFFFF80  }
0x111: {  	_ =	swait.ge @!p1 [sflag:s9], $0x100  }
0x112: {  	s20 =	simm.s32 @!p1 $0x100;
	[sflag:s9] =	ssyncset.done @!p1 $0x0  }
0x113: {  	s24 =	simm.s32 @!p1 $0x480;
	[sflag:s9] =	ssyncadd.s32 @!p1 $0xFFFFFF00;
	s9 =	simm.s32 @!p1 $0x80  }
0x114: {  	[tilespmem:s24], [sflag:$0x6] =	stream.indirect.gather @!p1 [hbm4b:s4+s9], $0x1, s20, s9, $0xb8;
	[tilespmem:$0x16480] =	vst v63  }
0x115: {  	_ =	swait.ge [sflag:s16], $0x80  }
0x116: {  	[sflag:s16] =	ssyncset.done $0x0  }
0x117: {  	[sflag:s16] =	ssyncadd.s32 $0xFFFFFF80  }
0x118: {  	v10 =	vld [tilespmem:$0x580]  }
0x119: {  	v11 =	vld [tilespmem:$0x380]  }
0x11a: {  	v24 =	vld [tilespmem:$0x590]  }
0x11b: {  	v27 =	vld [tilespmem:$0x3A0]  }
0x11c: {  	v29 =	vld [tilespmem:$0x5A0]  }
0x11d: {  	v30 =	vld [tilespmem:$0x5B0]  }
0x11e: {  	v35 =	vld [tilespmem:$0x5C0]  }
0x11f: {  	v40 =	vld [tilespmem:$0x5D0]  }
0x120: {  	v43 =	vld [tilespmem:$0x3D0]  }
0x121: {  	v44 =	vld [tilespmem:$0x5E0]  }
0x122: {  	v47 =	vld [tilespmem:$0x3E0]  }
0x123: {  	v52 =	vld [tilespmem:$0x5F0];
	v25 =	vand.u32 $0x7FFFFF, v10;
	v10 =	vshrl.u32 v10, $0x17;
	v11 =	vsub.s32 v11, v1  }
0x124: {  	v55 =	vld [tilespmem:$0x3F0];
	v28 =	vand.u32 $0x7FFFFF, v24;
	v12 =	vshrl.u32 v24, $0x17;
	v34 =	vand.u32 $0x7FFFFF, v29  }
0x125: {  	v15 =	vsub.s32 v27, v1;
	v36 =	vand.u32 $0x7FFFFF, v30;
	v17 =	vshrl.u32 v29, $0x17  }
0x126: {  	v18 =	vshrl.u32 v30, $0x17;
	v41 =	vand.u32 $0x7FFFFF, v35;
	v45 =	vshrl.u32 v35, $0x17  }
0x127: {  	v46 =	vand.u32 $0x7FFFFF, v40;
	v50 =	vshrl.u32 v40, $0x17;
	v51 =	vsub.s32 v43, v1  }
0x128: {  	v54 =	vand.u32 $0x7FFFFF, v44;
	v58 =	vsub.s32 v47, v1;
	v60 =	vand.u32 $0x7FFFFF, v52  }
0x129: {  	v26 =	vld [tilespmem:$0x390];
	v62 =	vsub.s32 v55, v1;
	v13 =	vcvt.s32.f32 v25;
	vm8 =	vlt.u32 v11, $0x13C0  }
0x12a: {  	v11 =	vshll.u32 v11, $0x8;
	v16 =	vcvt.s32.f32 v28;
	v37 =	vshll.u32 v15, $0x8  }
0x12b: {  	v20 =	vcvt.s32.f32 v36;
	vm10 =	vlt.u32 v15, $0x13C0;
	v42 =	vcvt.s32.f32 v41  }
0x12c: {  	v49 =	vcvt.s32.f32 v46;
	v53 =	vshll.u32 v51, $0x8;
	vm13 =	vlt.u32 v51, $0x13C0  }
0x12d: {  	v33 =	vld [tilespmem:$0x3B0];
	v57 =	vcvt.s32.f32 v54;
	v59 =	vshll.u32 v58, $0x8;
	vm14 =	vlt.u32 v58, $0x13C0  }
0x12e: {  	v10 =	vadd.s32 v10, v11;
	v11 =	vsub.s32 v26, v1;
	v38 =	vadd.s32 v17, v37  }
0x12f: {  	v39 =	vld [tilespmem:$0x3C0];
	v13 =	vmul.f32 $2.384185790e-07, v13;
	v31 =	vmul.f32 $2.384185790e-07, v16;
	v10 =	vsel vm8, v10, v7  }
0x130: {  	v32 =	vshll.u32 v11, $0x8;
	vm9 =	vlt.u32 v11, $0x13C0;
	v15 =	vsel vm10, v38, v2;
	[tilespmem:$0x680] =	vst v10  }
0x131: {  	v16 =	vcvt.s32.f32 v34;
	v11 =	vadd.s32 v12, v32;
	[tilespmem:$0x6A0] =	vst v15;
	v13 =	vnsel vm8, $0x0, v13  }
0x132: {  	v20 =	vmul.f32 $2.384185790e-07, v20;
	v12 =	vsub.s32 v33, v1;
	v11 =	vsel vm9, v11, v0;
	[tilespmem:$0x780] =	vst v13  }
0x133: {  	v15 =	vmul.f32 $2.384185790e-07, v57;
	v14 =	vnsel vm9, $0x0, v31;
	vm11 =	vlt.u32 v12, $0x13C0;
	[tilespmem:$0x690] =	vst v11  }
0x134: {  	v17 =	vsub.s32 v39, v1;
	v16 =	vmul.f32 $2.384185790e-07, v16;
	v10 =	vnsel vm11, $0x0, v20;
	[tilespmem:$0x790] =	vst v14  }
0x135: {  	vm12 =	vlt.u32 v17, $0x13C0;
	v12 =	vshll.u32 v12, $0x8;
	v61 =	vnsel vm14, $0x0, v15;
	[tilespmem:$0x7B0] =	vst v10  }
0x136: {  	v12 =	vadd.s32 v18, v12;
	v11 =	vshll.u32 v17, $0x8;
	v16 =	vnsel vm10, $0x0, v16;
	[tilespmem:$0x7E0] =	vst v61  }
0x137: {  	v18 =	vmul.f32 $2.384185790e-07, v42;
	v12 =	vsel vm11, v12, v3;
	v11 =	vadd.s32 v45, v11;
	[tilespmem:$0x7A0] =	vst v16  }
0x138: {  	v63 =	vshll.u32 v62, $0x8;
	v13 =	vmul.f32 $2.384185790e-07, v49;
	v11 =	vsel vm12, v11, v5;
	[tilespmem:$0x6B0] =	vst v12  }
0x139: {  	vm15 =	vlt.u32 v62, $0x13C0;
	v48 =	vnsel vm12, $0x0, v18;
	[tilespmem:$0x6C0] =	vst v11;
	v11 =	vshrl.u32 v44, $0x17  }
0x13a: {  	v10 =	vnsel vm13, $0x0, v13;
	v13 =	vcvt.s32.f32 v60;
	[tilespmem:$0x7C0] =	vst v48;
	v11 =	vadd.s32 v11, v59  }
0x13b: {  	v56 =	vadd.s32 v50, v53;
	[tilespmem:$0x7D0] =	vst v10;
	v10 =	vsel vm14, v11, v8;
	v11 =	vshrl.u32 v52, $0x17  }
.Ltmp3:
0x13c: {  	v12 =	vsel vm13, v56, v6;
	[tilespmem:$0x6E0] =	vst v10;
	v10 =	vadd.s32 v11, v63;
	v11 =	vmul.f32 $2.384185790e-07, v13;
	(pc) =	sbr.rel @p0 .LBB2_6-.Ltmp3, $4  }
0x13d: {  	[tilespmem:$0x6D0] =	vst v12;
	v10 =	vsel vm15, v10, v9  }
0x13e: {  	v11 =	vnsel vm15, $0x0, v11;
	[tilespmem:$0x6F0] =	vst v10  }
0x13f: {  	[tilespmem:$0x7F0] =	vst v11  }
0x140: {  	[spmem:s2] =	stream.indirect.scatter.add.f32 [tilespmem:s21], [sflag:$0xA], $0x1, s12, s29, $0xb8;
	[tilespmem:$0x16480] =	vst v63  }
.Ltmp4:
0x141: {  	(pc) =	sbr.rel .LBB2_4-.Ltmp4, $4  }
0x142: {  	_ = 	snop  }
0x143: {  	s9 =	sadd.s32 s18, s5  }
0x144: {  	s18 =	sadd.s32 $0x80, s18;
	s19 =	sadd.s32 $0x4, s19;
	s9 =	sadd.s32 $0xE0, s9  }
0x145: {  	[tilespmem:s23], [sflag:$0x4] =	stream.linear.gather [hbm4b:s9+s3], $0x100, $0x38;
	[tilespmem:$0x16480] =	vst v63  }
.LBB2_7:
0x146: {  	_ =	sfence.sel $0x180000  }
0x147: {  	[bflag:$0x0] =	sbarrier.arrive $0xFFFF  }
0x148: {  	_ =	strace $0x9000004A  }
0x149: {  	s0 =	stileid.u32;
	[bflag:$0x2] =	sbarrier.arrive $0xFFFF  }
0x14a: {  	p0 =	sne.s32 s0, $0x0;
	s0 =	rddreg [dreg:$0x2]  }
0x14b: {  	s0 =	sadd.s32 @!p0 $0x100000, s0  }
0x14c: {  	[sflag:s0] =	ssyncadd.tile.s32 @!p0 $0x1;
	_ =	shalt  }
.Lfunc_end2:
_tile_overlayer_lowered:
.L_overlay_start_2:
0x14d: {  	(tag) =	ssettag $0x2  }
0x14e: {  	s0 =	rddreg [dreg:$0x0];
	s2 =	stileid.u32  }
0x14f: {  	s1 =	rddreg [dreg:$0x1];
	p0 =	sne.s32 s2, $0x0  }
0x150: {  	s3 =	rddreg [dreg:$0x2];
	[bflag:$0x3] =	sbarrier.arrive $0xFFFF;
	s2 =	simm.s32 @!p0 $0x1C0B  }
0x151: {  	[timem:s3], [sflag:s2] =	dma.local @!p0 [hbm:s0], s1  }
0x152: {  	s0 =	simm.s32 @!p0 $0xB  }
0x153: {  	_ =	swait.ge @!p0 [sflag:s0], s1  }
0x154: {  	s1 =	ssub.s32 @!p0 $0x0, s1;
	[sflag:s0] =	ssyncset.done @!p0 $0x0  }
0x155: {  	[sflag:s0] =	ssyncadd.s32 @!p0 s1  }
0x156: {  	[bflag:$0x3] =	sbarrier.arrive $0xFFFF  }
0x157: {  	_ =	shalt  }

// kernel: kernel.14.cloned.1.call-start
scs
__scs_entry_jumppad:
0x0: {  	(pc) =	sbr.rel $0x88, $3  }
0x1: {  	(tag) =	ssettag $0x0;
	lr =	simm.s32 $0x1  }
0x2: {  	[smem:$0x3F96] =	sst lr;
	_ =	strace $0xD0000000  }
0x3: {  	_ = 	snop  }
0x4: {  	_ = 	snop  }
0x5: {  	_ = 	snop  }
0x6: {  	_ = 	snop  }
0x7: {  	_ = 	snop  }
__scs_overlays_trampoline_lowered:
0x8: {  	[smem:$0x3FA5] =	sst s0  }
0x9: {  	[smem:$0x3FA6] =	sst s1  }
0xa: {  	[smem:$0x3FA7] =	sst s2  }
0xb: {  	[smem:$0x3FA8] =	sst s3  }
0xc: {  	[smem:$0x3FA9] =	sst s4  }
0xd: {  	[smem:$0x3FAA] =	sst s5  }
0xe: {  	[smem:$0x3FAB] =	sst s6  }
0xf: {  	[smem:$0x3FAC] =	sst s7  }
0x10: {  	[smem:$0x3FAD] =	sst s8  }
0x11: {  	[smem:$0x3FAE] =	sst s9;
	s0 =	simm.s32 @!p0 $0x0  }
0x12: {  	s1 =	sld [smem:$0x3F94];
	s0 =	simm.s32 @p0 $0x1  }
0x13: {  	[smem:$0x3FAF] =	sst s0;
	s0 =	simm.s32 @!p1 $0x0  }
0x14: {  	s2 =	sld [smem:$0x3F93];
	s0 =	simm.s32 @p1 $0x1  }
0x15: {  	[smem:$0x3FB0] =	sst s0;
	s0 =	simm.s32 @!p2 $0x0  }
0x16: {  	s3 =	sld [smem:$0x3FDB];
	s0 =	simm.s32 @p2 $0x1  }
0x17: {  	s4 =	simm.s32 $0x1BF5;
	[smem:$0x3FB2] =	sst s0  }
0x18: {  	s0 =	sld [smem:$0x3F95];
	_ =	swait.ge [sflag:s4], $0x0  }
0x19: {  	s7 =	sld [smem:$0x3F96]  }
0x1a: {  	s8 =	sadd.s32 $0xFFFFE003, lr  }
0x1b: {  	s9 =	sadd.s32 $0xFFFFFEF7, lr;
	s5 =	simm.s32 $0xFFFFFFFF;
	p2 =	slt.u32 s8, $0xFFFFF086  }
0x1c: {  	p1 =	slt.u32 s9, $0xF7A;
	s5 =	simm.s32 @!p2 $0x0  }
0x1d: {  	s5 =	simm.s32 @p1 $0x1;
	p0 =	seq.s32 s7, s2  }
0x1e: {  	s7 =	smul.u32 @!p0 $0xF7A, s2;
	p2 =	seq.s32 @!p0 s5, $0x0  }
0x1f: {  	s9 =	smul.u32 $0xF7A, s1;
	s8 =	simm.s32 @!p0 $0x1BF5;
	p2 =	por !p2, p0  }
0x20: {  	[sflag:s8] =	ssyncset.s32 @!p0 $0xFFFFF086;
	s6 =	sadd.s32 @!p0 s3, s7;
	s7 =	simm.s32 @!p0 $0x108  }
0x21: {  	s3 =	sadd.s32 s3, s9;
	s6 =	sadd.s32 @!p0 $0x88, s6;
	s7 =	simm.s32 @p2 $0x1082  }
0x22: {  	[simem:s7], [sflag:s8] =	dma.local @!p0 [hbm:s6], $0xF7A  }
0x23: {  	s9 =	sor.u32 $0xD0000000, s2;
	s6 =	simm.s32 $0x108;
	_ =	swait.ge @!p0 [sflag:s8], $0x0  }
0x24: {  	s3 =	sadd.s32 $0x88, s3;
	s6 =	simm.s32 @!p1 $0x1082;
	[sflag:s4] =	ssyncset.s32 $0xFFFFF086  }
0x25: {  	[simem:s6], [sflag:s4] =	dma.local [hbm:s3], $0xF7A  }
0x26: {  	[smem:$0x3F96] =	sst s1;
	(tag) =	ssettag s2;
	_ =	strace s9  }
0x27: {  	s1 =	sld [smem:$0x3FA6]  }
0x28: {  	s2 =	sld [smem:$0x3FA7]  }
0x29: {  	s4 =	sld [smem:$0x3FA9]  }
0x2a: {  	p0 =	seq.s32 s5, $0x0;
	s5 =	sld [smem:$0x3FAA]  }
0x2b: {  	s6 =	sld [smem:$0x3FAB]  }
0x2c: {  	s7 =	sld [smem:$0x3FAC]  }
0x2d: {  	s3 =	simm.s32 $0x108;
	s8 =	sld [smem:$0x3FAD]  }
0x2e: {  	s3 =	simm.s32 @!p0 $0x1082;
	s9 =	sld [smem:$0x3FAE]  }
0x2f: {  	lr =	sadd.s32 s0, s3;
	s0 =	sld [smem:$0x3FA5]  }
0x30: {  	s3 =	sld [smem:$0x3FA8]  }
0x31: {  	[smem:$0x3FB1] =	sst s10  }
0x32: {  	s10 =	sld [smem:$0x3FAF];
	_ =	sdelay $0x3  }
0x33: {  	p0 =	seq.s32 s10, $0x1;
	s10 =	sld [smem:$0x3FB1];
	_ =	sdelay $0x3  }
0x34: {  	[smem:$0x3FB1] =	sst s10  }
0x35: {  	s10 =	sld [smem:$0x3FB0];
	_ =	sdelay $0x3  }
0x36: {  	p1 =	seq.s32 s10, $0x1;
	s10 =	sld [smem:$0x3FB1];
	_ =	sdelay $0x3  }
0x37: {  	[smem:$0x3FB1] =	sst s10  }
0x38: {  	s10 =	sld [smem:$0x3FB2]  }
0x39: {  	_ = 	snop;
	(pc) =	sbr.ind lr, $3  }
0x3a: {  	_ = 	snop  }
0x3b: {  	_ = 	snop  }
0x3c: {  	p2 =	seq.s32 s10, $0x1;
	s10 =	sld [smem:$0x3FB1]  }
0x3d: {  	_ =	shalt  }
0x3e: {  	_ =	shalt  }
0x3f: {  	_ =	shalt  }
0x40: {  	_ =	shalt  }
0x41: {  	_ =	shalt  }
0x42: {  	_ =	shalt  }
0x43: {  	_ =	shalt  }
0x44: {  	_ =	shalt  }
0x45: {  	_ =	shalt  }
0x46: {  	_ =	shalt  }
0x47: {  	_ =	shalt  }
0x48: {  	_ =	shalt  }
0x49: {  	_ =	shalt  }
0x4a: {  	_ =	shalt  }
0x4b: {  	_ =	shalt  }
0x4c: {  	_ =	shalt  }
0x4d: {  	_ =	shalt  }
0x4e: {  	_ =	shalt  }
0x4f: {  	_ =	shalt  }
0x50: {  	_ =	shalt  }
0x51: {  	_ =	shalt  }
0x52: {  	_ =	shalt  }
0x53: {  	_ =	shalt  }
0x54: {  	_ =	shalt  }
0x55: {  	_ =	shalt  }
0x56: {  	_ =	shalt  }
0x57: {  	_ =	shalt  }
0x58: {  	_ =	shalt  }
0x59: {  	_ =	shalt  }
0x5a: {  	_ =	shalt  }
0x5b: {  	_ =	shalt  }
0x5c: {  	_ =	shalt  }
0x5d: {  	_ =	shalt  }
0x5e: {  	_ =	shalt  }
0x5f: {  	_ =	shalt  }
0x60: {  	_ =	shalt  }
0x61: {  	_ =	shalt  }
0x62: {  	_ =	shalt  }
0x63: {  	_ =	shalt  }
0x64: {  	_ =	shalt  }
0x65: {  	_ =	shalt  }
0x66: {  	_ =	shalt  }
0x67: {  	_ =	shalt  }
0x68: {  	_ =	shalt  }
0x69: {  	_ =	shalt  }
0x6a: {  	_ =	shalt  }
0x6b: {  	_ =	shalt  }
0x6c: {  	_ =	shalt  }
0x6d: {  	_ =	shalt  }
0x6e: {  	_ =	shalt  }
0x6f: {  	_ =	shalt  }
0x70: {  	_ =	shalt  }
0x71: {  	_ =	shalt  }
0x72: {  	_ =	shalt  }
0x73: {  	_ =	shalt  }
0x74: {  	_ =	shalt  }
0x75: {  	_ =	shalt  }
0x76: {  	_ =	shalt  }
0x77: {  	_ =	shalt  }
0x78: {  	_ =	shalt  }
0x79: {  	_ =	shalt  }
0x7a: {  	_ =	shalt  }
0x7b: {  	_ =	shalt  }
0x7c: {  	_ =	shalt  }
0x7d: {  	_ =	shalt  }
0x7e: {  	_ =	shalt  }
0x7f: {  	_ =	shalt  }
0x80: {  	_ =	shalt  }
0x81: {  	_ =	shalt  }
0x82: {  	_ =	shalt  }
0x83: {  	_ =	shalt  }
0x84: {  	_ =	shalt  }
0x85: {  	_ =	shalt  }
0x86: {  	_ =	shalt  }
0x87: {  	_ =	shalt  }
.Lfunc_end0:
.L_simem_size_0:
called_computation.2_lowered:
.L_overlay_start_0:
0x88: {  	s2 =	sld [smem:$0x3FD9]  }
0x89: {  	s3 =	sld [smem:$0x3FFE];
	_ =	sdelay $0x1  }
0x8a: {  	s1 =	srdreg.scid  }
0x8b: {  	s0 =	sand.u32 $0x1, s1  }
0x8c: {  	s16 =	sshll.u32 s0, $0xA;
	s2 =	sadd.s32 s3, s2  }
0x8d: {  	s2 =	sadd.s32 s2, s16  }
0x8e: {  	[smem:$0x3FBD] =	sst s2  }
0x8f: {  	_ = 	snop  }
0x90: {  	(tm) =	ssettm $0x1  }
0x91: {  	s17 =	sld [smem:$0x3FFB];
	_ =	sdelay $0x3  }
0x92: {  	_ =	strace s17  }
0x93: {  	s2 =	sld [smem:$0x3FFC];
	_ =	sdelay $0x3  }
0x94: {  	_ =	strace s2  }
0x95: {  	s2 =	sld [smem:$0x3FFD];
	_ =	sdelay $0x3  }
0x96: {  	_ =	strace s2  }
0x97: {  	_ =	strace $0x8FFFFFFF  }
0x98: {  	s18 =	sld [smem:$0x3FDB];
	_ =	sdelay $0x1  }
0x99: {  	s19 =	simm.s32 $_scs_section_size  }
0x9a: {  	s4 =	simm.s32 $_size__tile_overlayer_lowered;
	s5 =	simm.s32 $_tile_overlayer_lowered  }
0x9b: {  	s22 =	simm.s32 $0x1BFF;
	s21 =	sshll.u32 s5, $0x1;
	s2 =	sadd.s32 s19, s18  }
0x9c: {  	s6 =	simm.s32 $0x0;
	s20 =	sshll.u32 s4, $0x1;
	s4 =	sadd.s32 s21, s2  }
0x9d: {  	[timem:s6], [sflag:s22] =	dma.local [hbm:s4], s20  }
0x9e: {  	_ =	swait.ge [sflag:s22], s20  }
0x9f: {  	s3 =	ssub.s32 $0x0, s20;
	[sflag:s22] =	ssyncset.done $0x0  }
0xa0: {  	[sflag:s22] =	ssyncadd.s32 s3;
	_ =	sdelay $0x1  }
0xa1: {  	s23 =	simm.s32 $0x1B8B  }
0xa2: {  	_ =	swait.ge [sflag:s23], $0x1  }
0xa3: {  	[sflag:s23] =	ssyncset.done $0x0  }
0xa4: {  	s25 =	simm.s32 $0x1B8E;
	s24 =	sld [smem:$0x3FFE];
	[sflag:s23] =	ssyncadd.s32 $0xFFFFFFFF  }
0xa5: {  	s26 =	simm.s32 $execute0_lowered;
	[smem:$0x3FD2] =	sst s25  }
0xa6: {  	s4 =	sshll.u32 s26, $0x1;
	_ =	strace $0x8000004C;
	[dreg:$0x1] =	wrdreg $0xFFFFFFFF  }
0xa7: {  	s28 =	simm.s32 $_size_execute0_lowered;
	s2 =	sadd.s32 s2, s4;
	[dreg:$0x0] =	wrdreg $0x0  }
0xa8: {  	s4 =	sshll.u32 s28, $0x1;
	[dreg:$0x2] =	wrdreg s2  }
0xa9: {  	[dreg:$0x3] =	wrdreg s4  }
0xaa: {  	[dreg:$0x4] =	wrdreg $0xC0  }
0xab: {  	_ =	task [dreg:s6], $0x5FFFF  }
0xac: {  	[dreg:$0x1] =	wrdreg $0xFFFFFFFF  }
0xad: {  	[dreg:$0x0] =	wrdreg $0x60  }
0xae: {  	[dreg:$0x2] =	wrdreg s24  }
0xaf: {  	[dreg:$0x3] =	wrdreg $0x83000  }
0xb0: {  	[dreg:$0x4] =	wrdreg $0x9  }
0xb1: {  	_ =	task.clear_ibuf [dreg:s6], $0x5FFFF;
	_ =	strace $0x9000004C  }
0xb2: {  	s29 =	simm.s32 $0x9;
	_ =	strace $0x8000004E  }
0xb3: {  	_ =	swait.ge [sflag:s29], $0x1  }
0xb4: {  	[sflag:s29] =	ssyncadd.s32 $0xFFFFFFFF  }
0xb5: {  	_ =	strace $0x9000004E  }
0xb6: {  	_ =	sfence  }
0xb7: {  	s30 =	sld [smem:$0x0];
	_ =	sdelay $0x2  }
0xb8: {  	s31 =	sshll.u32 s1, $0xD;
	s1 =	sshrl.u32 s1, $0x2  }
0xb9: {  	s3 =	sand.u32 $0x4000, s31;
	s1 =	sadd.s32 s1, s30  }
0xba: {  	s0 =	sor.u32 s3, s0;
	s1 =	sshll.u32 s1, $0x11  }
0xbb: {  	s0 =	sor.u32 s1, s0  }
0xbc: {  	s0 =	sadd.s32 $0x8F2B, s0  }
0xbd: {  	[sflag:s0] =	ssyncadd.remote.s32 $0x1  }
0xbe: {  	_ =	sfence.sel $0xFFFF  }
0xbf: {  	[dreg:$0x0] =	wrdreg $0xFFFFFFFF;
	(pc) =	sbr.abs _section_cstart, $3  }
0xc0: {  	[dreg:$0x1] =	wrdreg $0xFFFFFFFF  }
0xc1: {  	_ =	task.clear_ibuf [dreg:s6], $0x2FFFF;
	_ =	strace $0x9FFFFFFF  }
0xc2: {  	(tm) =	ssettm $0x7FFFFFFF  }
0xc3: {  	_ =	shalt  }
tec
execute0_lowered:
.L_overlay_start_1:
0x0: {  	(tag) =	ssettag $0x1  }
0x1: {  	s5 =	rddreg [dreg:$0x0]  }
0x2: {  	s1 =	rddreg [dreg:$0x1];
	s2 =	srdreg.scid  }
0x3: {  	s3 =	simm.s32 $0x0;
	s0 =	stileid.u32;
	s17 =	simm.s32 $0x7  }
0x4: {  	s18 =	simm.s32 $0x80;
	s19 =	simm.s32 $0x3;
	s20 =	simm.s32 $0x8200  }
0x5: {  	s21 =	simm.s32 $0x2;
	s22 =	simm.s32 $0x4200;
	s23 =	simm.s32 $0x4  }
0x6: {  	s24 =	simm.s32 $0x8280;
	s25 =	simm.s32 $0x5;
	s26 =	simm.s32 $0x6  }
0x7: {  	s28 =	simm.s32 $0x0;
	s9 =	sand.u32 $0x1, s2;
	s7 =	smul.u32 $0x13C00, s0  }
0x8: {  	[smem:$0x7FF] =	sst s3;
	s11 =	sadd.s32 $0x2C00, s5;
	s10 =	smul.u32 $0x4F000, s0  }
0x9: {  	s4 =	sadd.s32 $0x16C00, s5;
	s29 =	sshll.u32 s0, $0x1;
	s31 =	smul.u32 $0x1400, s0  }
0xa: {  	s6 =	smul.u32 $0x13C000, s9;
	_ =	strace $0x8000004D;
	s8 =	ssub.s32 $0x2, s9  }
0xb: {  	s15 =	smul.u32 $0xA00, s9;
	s12 =	sshrl.u32 s8, $0x1;
	s30 =	sshrl.u32 s10, $0x2  }
0xc: {  	s16 =	sadd.s32 s31, s11;
	s6 =	sadd.s32 s7, s6;
	s7 =	sor.u32 s9, s29  }
0xd: {  	s14 =	ssub.s32 s8, s12;
	s15 =	sadd.s32 s15, s16;
	s7 =	smul.u32 $0xA00, s7  }
.Ltmp0:
0xe: {  	s16 =	simm.s32 $0x200;
	s6 =	sshrl.u32 s6, $0x3;
	(pc) =	sbr.rel .LBB2_1-.Ltmp0, $4  }
0xf: {  	s13 =	sadd.s32 s6, s5;
	s6 =	sadd.s32 s30, s1;
	s5 =	sadd.s32 s11, s7  }
0x10: {  	s8 =	sadd.s32 $0x4000, s6;
	s9 =	sadd.s32 $0x8000, s6;
	s10 =	sadd.s32 $0xC000, s6  }
0x11: {  	s11 =	sadd.s32 $0x10000, s6;
	s12 =	sadd.s32 $0x3DE00, s13;
	s13 =	smax.u32 s14, $0x1  }
0x12: {  	v0 =	vimm.f32 $0.0e+00;
	s14 =	sadd.s32 $0x40, s15;
	s15 =	simm.s32 $0x100;
	s7 =	sadd.s32 $0x20, s5  }
.LBB2_6:
0x13: {  	_ =	swait.ge [sflag:s25], $0x4000  }
0x14: {  	[sflag:s25] =	ssyncset.done $0x0  }
0x15: {  	[sflag:s25] =	ssyncadd.s32 $0xFFFFC000  }
0x16: {  	s0 =	stileid.u32;
	_ =	swait.ge [sflag:s26], $0x4000  }
0x17: {  	s2 =	sshrl.u32 s6, $0x3;
	s28 =	sadd.s32 $0x1, s28;
	[sflag:s26] =	ssyncset.done $0x0  }
0x18: {  	s0 =	sshll.u32 s0, $0x6;
	p0 =	sne.s32 s28, s13;
	[sflag:s26] =	ssyncadd.s32 $0xFFFFC000  }
.Ltmp1:
0x19: {  	s0 =	sor.u32 $0x1C07, s0;
	[bflag:$0x0] =	sbarrier.arrive $0xFFFF;
	(pc) =	sbr.rel @!p0 .LBB2_7-.Ltmp1, $4  }
0x1a: {  	[hbm:s12], [sflag:s0] =	dma.local [spmem:s2], $0x2780  }
0x1b: {  	_ =	swait.ge [sflag:s17], $0x2780  }
0x1c: {  	[sflag:s17] =	ssyncset.done $0x0  }
0x1d: {  	[sflag:s17] =	ssyncadd.s32 $0xFFFFD880  }
.LBB2_1:
0x1e: {  	[tilespmem:s3], [sflag:$0x1] =	stream.linear.gather [hbm4b:s5+s3], $0x100, $0x38;
	[tilespmem:$0x1BF00] =	vst v63  }
0x1f: {  	s29 =	sand.u32 $0xFE00, s3  }
0x20: {  	s30 =	sand.u32 $0x70, s3;
	s31 =	sshrl.u32 s29, $0x2  }
0x21: {  	[tilespmem:s15], [sflag:$0x2] =	stream.linear.gather [hbm4b:s7+s3], $0x100, $0x38;
	[tilespmem:$0x1BF00] =	vst v63  }
0x22: {  	s29 =	simm.s32 $0x40;
	s31 =	sor.u32 s30, s31;
	s30 =	simm.s32 $0x0  }
.LBB2_2:
0x23: {  	p0 =	sne.s32 s29, $0xFFC0  }
0x24: {  	[tilespmem:s31+$0x200] =	vst v0;
	s30 =	sadd.s32 $0x10, s30;
	s31 =	smov.u32 s29;
	s29 =	sadd.s32 $0x40, s29  }
.Ltmp2:
0x25: {  	(pc) =	sbr.rel @p0 .LBB2_2-.Ltmp2, $4  }
0x26: {  	_ = 	snop  }
0x27: {  	s31 =	sand.u32 $0xFE00, s31  }
0x28: {  	s0 =	sand.u32 $0x70, s30;
	s31 =	sshrl.u32 s31, $0x2  }
0x29: {  	s31 =	sor.u32 s0, s31  }
0x2a: {  	[tilespmem:s31+$0x200] =	vst v0  }
0x2b: {  	[spmem:s6] =	stream.linear.scatter [tilespmem:s16], [sflag:$0x7], $0x4000, $0x38;
	[tilespmem:$0x1BF00] =	vst v63  }
0x2c: {  	_ =	swait.ge [sflag:s17], $0x4000  }
0x2d: {  	[sflag:s17] =	ssyncset.done $0x0  }
0x2e: {  	[sflag:s17] =	ssyncadd.s32 $0xFFFFC000  }
0x2f: {  	[spmem:s8] =	stream.linear.scatter [tilespmem:s16], [sflag:$0x7], $0x4000, $0x38;
	[tilespmem:$0x1BF00] =	vst v63  }
0x30: {  	_ =	swait.ge [sflag:s17], $0x4000  }
0x31: {  	[sflag:s17] =	ssyncset.done $0x0  }
0x32: {  	[sflag:s17] =	ssyncadd.s32 $0xFFFFC000  }
0x33: {  	[spmem:s9] =	stream.linear.scatter [tilespmem:s16], [sflag:$0x7], $0x4000, $0x38;
	[tilespmem:$0x1BF00] =	vst v63  }
0x34: {  	_ =	swait.ge [sflag:s17], $0x4000  }
0x35: {  	[sflag:s17] =	ssyncset.done $0x0  }
0x36: {  	[sflag:s17] =	ssyncadd.s32 $0xFFFFC000  }
0x37: {  	[spmem:s10] =	stream.linear.scatter [tilespmem:s16], [sflag:$0x7], $0x4000, $0x38;
	[tilespmem:$0x1BF00] =	vst v63  }
0x38: {  	_ =	swait.ge [sflag:s17], $0x4000  }
0x39: {  	[sflag:s17] =	ssyncset.done $0x0  }
0x3a: {  	[sflag:s17] =	ssyncadd.s32 $0xFFFFC000  }
0x3b: {  	[spmem:s11] =	stream.linear.scatter [tilespmem:s16], [sflag:$0x7], $0x3C00, $0x38;
	[tilespmem:$0x1BF00] =	vst v63  }
0x3c: {  	_ =	swait.ge [sflag:s17], $0x3C00  }
0x3d: {  	[sflag:s17] =	ssyncset.done $0x0  }
0x3e: {  	[sflag:s17] =	ssyncadd.s32 $0xFFFFC400  }
0x3f: {  	s29 =	simm.s32 $0x1;
	[bflag:$0x0] =	sbarrier.arrive $0xFFFF  }
0x40: {  	_ =	swait.ge [sflag:s29], $0x100  }
0x41: {  	[sflag:s29] =	ssyncset.done $0x0  }
0x42: {  	s30 =	smov.u32 s14;
	[sflag:s29] =	ssyncadd.s32 $0xFFFFFF00  }
0x43: {  	[tilespmem:s16], [sflag:$0x3] =	stream.indirect.gather [hbm4b:s4+s18], $0x80, s3, s18, $0xb8;
	[tilespmem:$0x1BF00] =	vst v63  }
.LBB2_4:
0x44: {  	_ =	swait.ge [sflag:s19], $0x4000  }
0x45: {  	[sflag:s19] =	ssyncset.done $0x0  }
0x46: {  	[sflag:s19] =	ssyncadd.s32 $0xFFFFC000  }
0x47: {  	v1 =	vld [tilespmem:$0x80]  }
0x48: {  	v2 =	vld [tilespmem:$0x90]  }
0x49: {  	v3 =	vld [tilespmem:$0xA0]  }
0x4a: {  	v4 =	vld [tilespmem:$0xB0]  }
0x4b: {  	v5 =	vld [tilespmem:$0xC0]  }
0x4c: {  	[tilespmem:$0x8200] =	vst v1;
	v1 =	vld [tilespmem:$0xD0]  }
0x4d: {  	[tilespmem:$0x8210] =	vst v2;
	v2 =	vld [tilespmem:$0xE0]  }
0x4e: {  	[tilespmem:$0x8220] =	vst v3;
	v3 =	vld [tilespmem:$0xF0]  }
0x4f: {  	[tilespmem:$0x8230] =	vst v4  }
0x50: {  	[tilespmem:$0x8240] =	vst v5  }
0x51: {  	[tilespmem:$0x8250] =	vst v1  }
0x52: {  	[tilespmem:$0x8260] =	vst v2  }
0x53: {  	[tilespmem:$0x8270] =	vst v3  }
0x54: {  	[spmem:s1] =	stream.indirect.scatter.add.f32 [tilespmem:s16], [sflag:$0x5], $0x80, s20, s18, $0xb8;
	[tilespmem:$0x1BF00] =	vst v63  }
0x55: {  	s0 =	sadd.s32 $0xFFFFFFFD, s29;
	_ =	swait.ge [sflag:s21], $0x100  }
0x56: {  	p0 =	sgt.u32 s0, $0x4D;
	[sflag:s21] =	ssyncset.done $0x0  }
0x57: {  	s0 =	simm.s32 @!p0 $0x6;
	[sflag:s21] =	ssyncadd.s32 $0xFFFFFF00  }
0x58: {  	_ =	swait.ge @!p0 [sflag:s0], $0x4000  }
0x59: {  	[sflag:s0] =	ssyncset.done @!p0 $0x0  }
0x5a: {  	[sflag:s0] =	ssyncadd.s32 @!p0 $0xFFFFC000;
	p0 =	seq.s32 s29, $0x4F  }
0x5b: {  	[tilespmem:s22], [sflag:$0x4] =	stream.indirect.gather [hbm4b:s4+s18], $0x80, s15, s18, $0xb8;
	[tilespmem:$0x1BF00] =	vst v63  }
0x5c: {  	s0 =	simm.s32 @!p0 $0x0  }
0x5d: {  	[tilespmem:s0], [sflag:$0x1] =	stream.linear.gather @!p0 [hbm4b:s30+s0], $0x100, $0x38;
	[tilespmem:$0x1BF00] =	vst v63  }
0x5e: {  	_ =	swait.ge [sflag:s23], $0x4000  }
0x5f: {  	[sflag:s23] =	ssyncset.done $0x0  }
0x60: {  	[sflag:s23] =	ssyncadd.s32 $0xFFFFC000  }
0x61: {  	v1 =	vld [tilespmem:$0x180]  }
0x62: {  	v2 =	vld [tilespmem:$0x190]  }
0x63: {  	v3 =	vld [tilespmem:$0x1A0]  }
0x64: {  	v62 =	vld [tilespmem:$0x1B0]  }
0x65: {  	v63 =	vld [tilespmem:$0x1C0]  }
0x66: {  	[tilespmem:$0x8280] =	vst v1;
	v1 =	vld [tilespmem:$0x1D0]  }
0x67: {  	[tilespmem:$0x8290] =	vst v2;
	v2 =	vld [tilespmem:$0x1E0]  }
0x68: {  	[tilespmem:$0x82A0] =	vst v3;
	v3 =	vld [tilespmem:$0x1F0]  }
0x69: {  	[tilespmem:$0x82B0] =	vst v62  }
0x6a: {  	[tilespmem:$0x82C0] =	vst v63  }
0x6b: {  	[tilespmem:$0x82D0] =	vst v1  }
0x6c: {  	p1 =	sgt.u32 s29, $0x4E;
	[tilespmem:$0x82E0] =	vst v2  }
0x6d: {  	s0 =	simm.s32 @!p1 $0x1;
	[tilespmem:$0x82F0] =	vst v3  }
0x6e: {  	[spmem:s1] =	stream.indirect.scatter.add.f32 [tilespmem:s22], [sflag:$0x6], $0x80, s24, s18, $0xb8;
	[tilespmem:$0x1BF00] =	vst v63  }
0x6f: {  	_ =	swait.ge @!p1 [sflag:s0], $0x100  }
0x70: {  	[sflag:s0] =	ssyncset.done @!p1 $0x0  }
.Ltmp3:
0x71: {  	[sflag:s0] =	ssyncadd.s32 @!p1 $0xFFFFFF00;
	s0 =	simm.s32 @!p1 $0x5;
	(pc) =	sbr.rel @p0 .LBB2_6-.Ltmp3, $4  }
0x72: {  	_ =	swait.ge @!p1 [sflag:s0], $0x4000  }
0x73: {  	s31 =	simm.s32 @!p1 $0x0;
	[sflag:s0] =	ssyncset.done @!p1 $0x0  }
0x74: {  	s2 =	simm.s32 @!p1 $0x200;
	[sflag:s0] =	ssyncadd.s32 @!p1 $0xFFFFC000;
	s0 =	simm.s32 @!p1 $0x80  }
0x75: {  	[tilespmem:s2], [sflag:$0x3] =	stream.indirect.gather @!p1 [hbm4b:s4+s0], $0x80, s31, s0, $0xb8;
	[tilespmem:$0x1BF00] =	vst v63  }
.Ltmp4:
0x76: {  	(pc) =	sbr.rel .LBB2_4-.Ltmp4, $3  }
0x77: {  	_ =	sdelay $0x1  }
0x78: {  	s0 =	sadd.s32 $0x20, s30;
	s30 =	sadd.s32 $0x40, s30;
	s29 =	sadd.s32 $0x2, s29  }
0x79: {  	[tilespmem:s15], [sflag:$0x2] =	stream.linear.gather [hbm4b:s0+s3], $0x100, $0x38;
	[tilespmem:$0x1BF00] =	vst v63  }
.LBB2_7:
0x7a: {  	_ =	sfence.sel $0x180000  }
0x7b: {  	[bflag:$0x0] =	sbarrier.arrive $0xFFFF  }
0x7c: {  	_ =	strace $0x9000004D  }
0x7d: {  	s0 =	stileid.u32;
	[bflag:$0x2] =	sbarrier.arrive $0xFFFF  }
0x7e: {  	p0 =	sne.s32 s0, $0x0;
	s0 =	rddreg [dreg:$0x2]  }
0x7f: {  	s0 =	sadd.s32 @!p0 $0x100000, s0  }
0x80: {  	[sflag:s0] =	ssyncadd.tile.s32 @!p0 $0x1;
	_ =	shalt  }
.Lfunc_end2:
_tile_overlayer_lowered:
.L_overlay_start_2:
0x81: {  	(tag) =	ssettag $0x2  }
0x82: {  	s0 =	rddreg [dreg:$0x0];
	s2 =	stileid.u32  }
0x83: {  	s1 =	rddreg [dreg:$0x1];
	p0 =	sne.s32 s2, $0x0  }
0x84: {  	s3 =	rddreg [dreg:$0x2];
	[bflag:$0x3] =	sbarrier.arrive $0xFFFF;
	s2 =	simm.s32 @!p0 $0x1C07  }
0x85: {  	[timem:s3], [sflag:s2] =	dma.local @!p0 [hbm:s0], s1  }
0x86: {  	s0 =	simm.s32 @!p0 $0x7  }
0x87: {  	_ =	swait.ge @!p0 [sflag:s0], s1  }
0x88: {  	s1 =	ssub.s32 @!p0 $0x0, s1;
	[sflag:s0] =	ssyncset.done @!p0 $0x0  }
0x89: {  	[sflag:s0] =	ssyncadd.s32 @!p0 s1  }
0x8a: {  	[bflag:$0x3] =	sbarrier.arrive $0xFFFF  }
0x8b: {  	_ =	shalt  }

// kernel: kernel.8.cloned.1.call-start
scs
__scs_entry_jumppad:
0x0: {  	(pc) =	sbr.rel $0x88, $3  }
0x1: {  	(tag) =	ssettag $0x0;
	lr =	simm.s32 $0x1  }
0x2: {  	[smem:$0x3F96] =	sst lr;
	_ =	strace $0xD0000000  }
0x3: {  	_ = 	snop  }
0x4: {  	_ = 	snop  }
0x5: {  	_ = 	snop  }
0x6: {  	_ = 	snop  }
0x7: {  	_ = 	snop  }
__scs_overlays_trampoline_lowered:
0x8: {  	[smem:$0x3FA5] =	sst s0  }
0x9: {  	[smem:$0x3FA6] =	sst s1  }
0xa: {  	[smem:$0x3FA7] =	sst s2  }
0xb: {  	[smem:$0x3FA8] =	sst s3  }
0xc: {  	[smem:$0x3FA9] =	sst s4  }
0xd: {  	[smem:$0x3FAA] =	sst s5  }
0xe: {  	[smem:$0x3FAB] =	sst s6  }
0xf: {  	[smem:$0x3FAC] =	sst s7  }
0x10: {  	[smem:$0x3FAD] =	sst s8  }
0x11: {  	[smem:$0x3FAE] =	sst s9;
	s0 =	simm.s32 @!p0 $0x0  }
0x12: {  	s1 =	sld [smem:$0x3F94];
	s0 =	simm.s32 @p0 $0x1  }
0x13: {  	[smem:$0x3FAF] =	sst s0;
	s0 =	simm.s32 @!p1 $0x0  }
0x14: {  	s2 =	sld [smem:$0x3F93];
	s0 =	simm.s32 @p1 $0x1  }
0x15: {  	[smem:$0x3FB0] =	sst s0;
	s0 =	simm.s32 @!p2 $0x0  }
0x16: {  	s3 =	sld [smem:$0x3FDB];
	s0 =	simm.s32 @p2 $0x1  }
0x17: {  	s4 =	simm.s32 $0x1BF5;
	[smem:$0x3FB2] =	sst s0  }
0x18: {  	s0 =	sld [smem:$0x3F95];
	_ =	swait.ge [sflag:s4], $0x0  }
0x19: {  	s7 =	sld [smem:$0x3F96]  }
0x1a: {  	s8 =	sadd.s32 $0xFFFFE003, lr  }
0x1b: {  	s9 =	sadd.s32 $0xFFFFFEF7, lr;
	s5 =	simm.s32 $0xFFFFFFFF;
	p2 =	slt.u32 s8, $0xFFFFF086  }
0x1c: {  	p1 =	slt.u32 s9, $0xF7A;
	s5 =	simm.s32 @!p2 $0x0  }
0x1d: {  	s5 =	simm.s32 @p1 $0x1;
	p0 =	seq.s32 s7, s2  }
0x1e: {  	s7 =	smul.u32 @!p0 $0xF7A, s2;
	p2 =	seq.s32 @!p0 s5, $0x0  }
0x1f: {  	s9 =	smul.u32 $0xF7A, s1;
	s8 =	simm.s32 @!p0 $0x1BF5;
	p2 =	por !p2, p0  }
0x20: {  	[sflag:s8] =	ssyncset.s32 @!p0 $0xFFFFF086;
	s6 =	sadd.s32 @!p0 s3, s7;
	s7 =	simm.s32 @!p0 $0x108  }
0x21: {  	s3 =	sadd.s32 s3, s9;
	s6 =	sadd.s32 @!p0 $0x88, s6;
	s7 =	simm.s32 @p2 $0x1082  }
0x22: {  	[simem:s7], [sflag:s8] =	dma.local @!p0 [hbm:s6], $0xF7A  }
0x23: {  	s9 =	sor.u32 $0xD0000000, s2;
	s6 =	simm.s32 $0x108;
	_ =	swait.ge @!p0 [sflag:s8], $0x0  }
0x24: {  	s3 =	sadd.s32 $0x88, s3;
	s6 =	simm.s32 @!p1 $0x1082;
	[sflag:s4] =	ssyncset.s32 $0xFFFFF086  }
0x25: {  	[simem:s6], [sflag:s4] =	dma.local [hbm:s3], $0xF7A  }
0x26: {  	[smem:$0x3F96] =	sst s1;
	(tag) =	ssettag s2;
	_ =	strace s9  }
0x27: {  	s1 =	sld [smem:$0x3FA6]  }
0x28: {  	s2 =	sld [smem:$0x3FA7]  }
0x29: {  	s4 =	sld [smem:$0x3FA9]  }
0x2a: {  	p0 =	seq.s32 s5, $0x0;
	s5 =	sld [smem:$0x3FAA]  }
0x2b: {  	s6 =	sld [smem:$0x3FAB]  }
0x2c: {  	s7 =	sld [smem:$0x3FAC]  }
0x2d: {  	s3 =	simm.s32 $0x108;
	s8 =	sld [smem:$0x3FAD]  }
0x2e: {  	s3 =	simm.s32 @!p0 $0x1082;
	s9 =	sld [smem:$0x3FAE]  }
0x2f: {  	lr =	sadd.s32 s0, s3;
	s0 =	sld [smem:$0x3FA5]  }
0x30: {  	s3 =	sld [smem:$0x3FA8]  }
0x31: {  	[smem:$0x3FB1] =	sst s10  }
0x32: {  	s10 =	sld [smem:$0x3FAF];
	_ =	sdelay $0x3  }
0x33: {  	p0 =	seq.s32 s10, $0x1;
	s10 =	sld [smem:$0x3FB1];
	_ =	sdelay $0x3  }
0x34: {  	[smem:$0x3FB1] =	sst s10  }
0x35: {  	s10 =	sld [smem:$0x3FB0];
	_ =	sdelay $0x3  }
0x36: {  	p1 =	seq.s32 s10, $0x1;
	s10 =	sld [smem:$0x3FB1];
	_ =	sdelay $0x3  }
0x37: {  	[smem:$0x3FB1] =	sst s10  }
0x38: {  	s10 =	sld [smem:$0x3FB2]  }
0x39: {  	_ = 	snop;
	(pc) =	sbr.ind lr, $3  }
0x3a: {  	_ = 	snop  }
0x3b: {  	_ = 	snop  }
0x3c: {  	p2 =	seq.s32 s10, $0x1;
	s10 =	sld [smem:$0x3FB1]  }
0x3d: {  	_ =	shalt  }
0x3e: {  	_ =	shalt  }
0x3f: {  	_ =	shalt  }
0x40: {  	_ =	shalt  }
0x41: {  	_ =	shalt  }
0x42: {  	_ =	shalt  }
0x43: {  	_ =	shalt  }
0x44: {  	_ =	shalt  }
0x45: {  	_ =	shalt  }
0x46: {  	_ =	shalt  }
0x47: {  	_ =	shalt  }
0x48: {  	_ =	shalt  }
0x49: {  	_ =	shalt  }
0x4a: {  	_ =	shalt  }
0x4b: {  	_ =	shalt  }
0x4c: {  	_ =	shalt  }
0x4d: {  	_ =	shalt  }
0x4e: {  	_ =	shalt  }
0x4f: {  	_ =	shalt  }
0x50: {  	_ =	shalt  }
0x51: {  	_ =	shalt  }
0x52: {  	_ =	shalt  }
0x53: {  	_ =	shalt  }
0x54: {  	_ =	shalt  }
0x55: {  	_ =	shalt  }
0x56: {  	_ =	shalt  }
0x57: {  	_ =	shalt  }
0x58: {  	_ =	shalt  }
0x59: {  	_ =	shalt  }
0x5a: {  	_ =	shalt  }
0x5b: {  	_ =	shalt  }
0x5c: {  	_ =	shalt  }
0x5d: {  	_ =	shalt  }
0x5e: {  	_ =	shalt  }
0x5f: {  	_ =	shalt  }
0x60: {  	_ =	shalt  }
0x61: {  	_ =	shalt  }
0x62: {  	_ =	shalt  }
0x63: {  	_ =	shalt  }
0x64: {  	_ =	shalt  }
0x65: {  	_ =	shalt  }
0x66: {  	_ =	shalt  }
0x67: {  	_ =	shalt  }
0x68: {  	_ =	shalt  }
0x69: {  	_ =	shalt  }
0x6a: {  	_ =	shalt  }
0x6b: {  	_ =	shalt  }
0x6c: {  	_ =	shalt  }
0x6d: {  	_ =	shalt  }
0x6e: {  	_ =	shalt  }
0x6f: {  	_ =	shalt  }
0x70: {  	_ =	shalt  }
0x71: {  	_ =	shalt  }
0x72: {  	_ =	shalt  }
0x73: {  	_ =	shalt  }
0x74: {  	_ =	shalt  }
0x75: {  	_ =	shalt  }
0x76: {  	_ =	shalt  }
0x77: {  	_ =	shalt  }
0x78: {  	_ =	shalt  }
0x79: {  	_ =	shalt  }
0x7a: {  	_ =	shalt  }
0x7b: {  	_ =	shalt  }
0x7c: {  	_ =	shalt  }
0x7d: {  	_ =	shalt  }
0x7e: {  	_ =	shalt  }
0x7f: {  	_ =	shalt  }
0x80: {  	_ =	shalt  }
0x81: {  	_ =	shalt  }
0x82: {  	_ =	shalt  }
0x83: {  	_ =	shalt  }
0x84: {  	_ =	shalt  }
0x85: {  	_ =	shalt  }
0x86: {  	_ =	shalt  }
0x87: {  	_ =	shalt  }
.Lfunc_end0:
.L_simem_size_0:
called_computation_lowered:
.L_overlay_start_0:
0x88: {  	s2 =	sld [smem:$0x3FD9]  }
0x89: {  	s3 =	sld [smem:$0x3FFE];
	_ =	sdelay $0x1  }
0x8a: {  	s1 =	srdreg.scid  }
0x8b: {  	s0 =	sand.u32 $0x1, s1  }
0x8c: {  	s16 =	sshll.u32 s0, $0xA;
	s2 =	sadd.s32 s3, s2  }
0x8d: {  	s2 =	sadd.s32 s2, s16  }
0x8e: {  	[smem:$0x3FBD] =	sst s2  }
0x8f: {  	_ = 	snop  }
0x90: {  	(tm) =	ssettm $0x1  }
0x91: {  	s17 =	sld [smem:$0x3FFB];
	_ =	sdelay $0x3  }
0x92: {  	_ =	strace s17  }
0x93: {  	s2 =	sld [smem:$0x3FFC];
	_ =	sdelay $0x3  }
0x94: {  	_ =	strace s2  }
0x95: {  	s2 =	sld [smem:$0x3FFD];
	_ =	sdelay $0x3  }
0x96: {  	_ =	strace s2  }
0x97: {  	_ =	strace $0x8FFFFFFF  }
0x98: {  	s18 =	sld [smem:$0x3FDB];
	_ =	sdelay $0x1  }
0x99: {  	s19 =	simm.s32 $_scs_section_size  }
0x9a: {  	s4 =	simm.s32 $_size__tile_overlayer_lowered;
	s5 =	simm.s32 $_tile_overlayer_lowered  }
0x9b: {  	s22 =	simm.s32 $0x1BFF;
	s21 =	sshll.u32 s5, $0x1;
	s2 =	sadd.s32 s19, s18  }
0x9c: {  	s6 =	simm.s32 $0x0;
	s20 =	sshll.u32 s4, $0x1;
	s4 =	sadd.s32 s21, s2  }
0x9d: {  	[timem:s6], [sflag:s22] =	dma.local [hbm:s4], s20  }
0x9e: {  	_ =	swait.ge [sflag:s22], s20  }
0x9f: {  	s3 =	ssub.s32 $0x0, s20;
	[sflag:s22] =	ssyncset.done $0x0  }
0xa0: {  	[sflag:s22] =	ssyncadd.s32 s3;
	_ =	sdelay $0x1  }
0xa1: {  	s23 =	simm.s32 $0x1B8B  }
0xa2: {  	_ =	swait.ge [sflag:s23], $0x1  }
0xa3: {  	[sflag:s23] =	ssyncset.done $0x0  }
0xa4: {  	s25 =	simm.s32 $0x1B8E;
	s24 =	sld [smem:$0x3FFE];
	[sflag:s23] =	ssyncadd.s32 $0xFFFFFFFF  }
0xa5: {  	s26 =	simm.s32 $execute0_lowered;
	[smem:$0x3FD2] =	sst s25  }
0xa6: {  	s4 =	sshll.u32 s26, $0x1;
	_ =	strace $0x80000046;
	[dreg:$0x1] =	wrdreg $0xFFFFFFFF  }
0xa7: {  	s28 =	simm.s32 $_size_execute0_lowered;
	s2 =	sadd.s32 s2, s4;
	[dreg:$0x0] =	wrdreg $0x0  }
0xa8: {  	s4 =	sshll.u32 s28, $0x1;
	[dreg:$0x2] =	wrdreg s2  }
0xa9: {  	[dreg:$0x3] =	wrdreg s4  }
0xaa: {  	[dreg:$0x4] =	wrdreg $0xC0  }
0xab: {  	_ =	task [dreg:s6], $0x5FFFF  }
0xac: {  	[dreg:$0x1] =	wrdreg $0xFFFFFFFF  }
0xad: {  	[dreg:$0x0] =	wrdreg $0x60  }
0xae: {  	[dreg:$0x2] =	wrdreg s24  }
0xaf: {  	[dreg:$0x3] =	wrdreg $0x5000  }
0xb0: {  	[dreg:$0x4] =	wrdreg $0x9  }
0xb1: {  	_ =	task.clear_ibuf [dreg:s6], $0x5FFFF;
	_ =	strace $0x90000046  }
0xb2: {  	s29 =	simm.s32 $0x9;
	_ =	strace $0x80000048  }
0xb3: {  	_ =	swait.ge [sflag:s29], $0x1  }
0xb4: {  	[sflag:s29] =	ssyncadd.s32 $0xFFFFFFFF  }
0xb5: {  	_ =	strace $0x90000048  }
0xb6: {  	_ =	sfence  }
0xb7: {  	s30 =	sld [smem:$0x0];
	_ =	sdelay $0x2  }
0xb8: {  	s31 =	sshll.u32 s1, $0xD;
	s1 =	sshrl.u32 s1, $0x2  }
0xb9: {  	s3 =	sand.u32 $0x4000, s31;
	s1 =	sadd.s32 s1, s30  }
0xba: {  	s0 =	sor.u32 s3, s0;
	s1 =	sshll.u32 s1, $0x11  }
0xbb: {  	s0 =	sor.u32 s1, s0  }
0xbc: {  	s0 =	sadd.s32 $0x8F2B, s0  }
0xbd: {  	[sflag:s0] =	ssyncadd.remote.s32 $0x1  }
0xbe: {  	_ =	sfence.sel $0xFFFF  }
0xbf: {  	[dreg:$0x0] =	wrdreg $0xFFFFFFFF;
	(pc) =	sbr.abs _section_cstart, $3  }
0xc0: {  	[dreg:$0x1] =	wrdreg $0xFFFFFFFF  }
0xc1: {  	_ =	task.clear_ibuf [dreg:s6], $0x2FFFF;
	_ =	strace $0x9FFFFFFF  }
0xc2: {  	(tm) =	ssettm $0x7FFFFFFF  }
0xc3: {  	_ =	shalt  }
tec
execute0_lowered:
.L_overlay_start_1:
0x0: {  	(tag) =	ssettag $0x1  }
0x1: {  	s4 =	rddreg [dreg:$0x0]  }
0x2: {  	s1 =	rddreg [dreg:$0x1]  }
0x3: {  	s0 =	rddreg [dreg:$0x2];
	s3 =	simm.s32 $0x0  }
0x4: {  	s5 =	srdreg.scid;
	s2 =	stileid.u32;
	s13 =	simm.s32 $0x1  }
0x5: {  	s14 =	simm.s32 $0x80;
	s15 =	simm.s32 $0x200;
	s16 =	simm.s32 $0x2  }
0x6: {  	s17 =	simm.s32 $0x180;
	s20 =	simm.s32 $0x20;
	s21 =	simm.s32 $0x10  }
0x7: {  	s22 =	simm.s32 $0x0;
	[smem:$0x7FF] =	sst s3;
	s26 =	smul.u32 $0x500, s2  }
0x8: {  	s7 =	sand.u32 $0x1, s5;
	s6 =	sshll.u32 s2, $0x1;
	s10 =	smul.u32 $0xA00, s2  }
0x9: {  	s11 =	sadd.s32 $0x2C00, s4;
	s30 =	smul.u32 $0x1400, s2;
	s18 =	sshll.u32 s2, $0x6  }
0xa: {  	_ =	strace $0x80000047;
	s8 =	sshll.u32 s7, $0x7;
	s6 =	sor.u32 s7, s6  }
0xb: {  	s28 =	ssub.s32 $0x2, s7;
	s31 =	smul.u32 $0xA00, s7;
	s18 =	sor.u32 $0x1C03, s18  }
0xc: {  	s5 =	sor.u32 s8, s26;
	s6 =	smul.u32 $0xA00, s6;
	s9 =	sshrl.u32 s28, $0x1  }
0xd: {  	s29 =	sshrl.u32 s10, $0x2;
	s10 =	simm.s32 $0x100;
	s5 =	sshrl.u32 s5, $0x3  }
0xe: {  	s8 =	ssub.s32 s28, s9;
	s9 =	sadd.s32 s30, s11;
	s12 =	sadd.s32 s5, s4  }
0xf: {  	s4 =	sadd.s32 s11, s6;
	s6 =	sadd.s32 s29, s1;
	s8 =	smax.u32 s8, $0x1  }
0x10: {  	s9 =	sadd.s32 s31, s9;
	s11 =	simm.s32 $0x280;
	s5 =	sadd.s32 $0x20, s4  }
0x11: {  	v0 =	vimm.f32 $1.000000000e+00;
	v1 =	vimm.f32 $0.0e+00;
	s7 =	sadd.s32 $0x16C00, s12;
	s12 =	simm.s32 $0x3;
	s19 =	sshrl.u32 s6, $0x3  }
.LBB2_1:
0x12: {  	[tilespmem:s3], [sflag:$0x1] =	stream.linear.gather [hbm4b:s4+s3], $0x100, $0x38;
	[tilespmem:$0x780] =	vst v63  }
0x13: {  	_ = 	snop  }
0x14: {  	[tilespmem:s10], [sflag:$0x2] =	stream.linear.gather [hbm4b:s5+s3], $0x100, $0x38;
	[tilespmem:$0x780] =	vst v63  }
0x15: {  	[tilespmem:$0x200] =	vst v0  }
0x16: {  	[tilespmem:$0x210] =	vst v0  }
0x17: {  	[tilespmem:$0x220] =	vst v0  }
0x18: {  	[tilespmem:$0x230] =	vst v0  }
0x19: {  	[tilespmem:$0x240] =	vst v0  }
0x1a: {  	[tilespmem:$0x250] =	vst v0  }
0x1b: {  	[tilespmem:$0x260] =	vst v0  }
0x1c: {  	[tilespmem:$0x270] =	vst v0  }
0x1d: {  	[tilespmem:$0x280] =	vst v1  }
0x1e: {  	[tilespmem:$0x290] =	vst v1  }
0x1f: {  	[tilespmem:$0x2A0] =	vst v1  }
0x20: {  	[tilespmem:$0x2B0] =	vst v1  }
0x21: {  	[tilespmem:$0x2C0] =	vst v1  }
0x22: {  	[tilespmem:$0x2D0] =	vst v1  }
0x23: {  	[tilespmem:$0x2E0] =	vst v1  }
0x24: {  	[tilespmem:$0x2F0] =	vst v1  }
0x25: {  	[tilespmem:$0x300] =	vst v1  }
0x26: {  	[tilespmem:$0x310] =	vst v1  }
0x27: {  	[tilespmem:$0x320] =	vst v1  }
0x28: {  	[tilespmem:$0x330] =	vst v1  }
0x29: {  	[tilespmem:$0x340] =	vst v1  }
0x2a: {  	[tilespmem:$0x350] =	vst v1  }
0x2b: {  	[tilespmem:$0x360] =	vst v1  }
0x2c: {  	[tilespmem:$0x370] =	vst v1  }
0x2d: {  	[tilespmem:$0x380] =	vst v1  }
0x2e: {  	[tilespmem:$0x390] =	vst v1  }
0x2f: {  	[tilespmem:$0x3A0] =	vst v1  }
0x30: {  	[tilespmem:$0x3B0] =	vst v1  }
0x31: {  	[tilespmem:$0x3C0] =	vst v1  }
0x32: {  	[tilespmem:$0x3D0] =	vst v1  }
0x33: {  	[tilespmem:$0x3E0] =	vst v1  }
0x34: {  	[tilespmem:$0x3F0] =	vst v1  }
0x35: {  	[tilespmem:$0x400] =	vst v1  }
0x36: {  	[tilespmem:$0x410] =	vst v1  }
0x37: {  	[tilespmem:$0x420] =	vst v1  }
0x38: {  	[tilespmem:$0x430] =	vst v1  }
0x39: {  	[tilespmem:$0x440] =	vst v1  }
0x3a: {  	[tilespmem:$0x450] =	vst v1  }
0x3b: {  	[tilespmem:$0x460] =	vst v1  }
0x3c: {  	[tilespmem:$0x470] =	vst v1  }
0x3d: {  	[tilespmem:$0x480] =	vst v1  }
0x3e: {  	[tilespmem:$0x490] =	vst v1  }
0x3f: {  	[tilespmem:$0x4A0] =	vst v1  }
0x40: {  	[tilespmem:$0x4B0] =	vst v1  }
0x41: {  	[tilespmem:$0x4C0] =	vst v1  }
0x42: {  	[tilespmem:$0x4D0] =	vst v1  }
0x43: {  	[tilespmem:$0x4E0] =	vst v1  }
0x44: {  	[tilespmem:$0x4F0] =	vst v1  }
0x45: {  	[spmem:s6] =	stream.linear.scatter [tilespmem:s11], [sflag:$0x3], $0x280, $0x38;
	[tilespmem:$0x780] =	vst v63  }
0x46: {  	_ =	swait.ge [sflag:s12], $0x280  }
0x47: {  	[sflag:s12] =	ssyncset.done $0x0  }
0x48: {  	[sflag:s12] =	ssyncadd.s32 $0xFFFFFD80  }
0x49: {  	[bflag:$0x0] =	sbarrier.arrive $0xFFFF  }
0x4a: {  	_ =	swait.ge [sflag:s13], $0x100  }
0x4b: {  	[sflag:s13] =	ssyncset.done $0x0  }
0x4c: {  	[sflag:s13] =	ssyncadd.s32 $0xFFFFFF00  }
0x4d: {  	[spmem:s1] =	stream.indirect.scatter.add.f32 [tilespmem:s15], [sflag:$0x3], $0x1, s14, s14, $0xb8;
	[tilespmem:$0x780] =	vst v63  }
0x4e: {  	_ =	swait.ge [sflag:s12], $0x80  }
0x4f: {  	s24 =	sadd.s32 $0xFFFFF640, s9;
	[sflag:s12] =	ssyncset.done $0x0  }
0x50: {  	s23 =	sadd.s32 $0xA00, s24;
	[sflag:s12] =	ssyncadd.s32 $0xFFFFFF80  }
0x51: {  	[tilespmem:s3], [sflag:$0x1] =	stream.linear.gather [hbm4b:s23+s3], $0x100, $0x38;
	[tilespmem:$0x780] =	vst v63  }
0x52: {  	_ =	swait.ge [sflag:s16], $0x100  }
0x53: {  	[sflag:s16] =	ssyncset.done $0x0  }
0x54: {  	[sflag:s16] =	ssyncadd.s32 $0xFFFFFF00  }
0x55: {  	[spmem:s1] =	stream.indirect.scatter.add.f32 [tilespmem:s15], [sflag:$0x3], $0x1, s17, s14, $0xb8;
	[tilespmem:$0x780] =	vst v63  }
0x56: {  	_ =	swait.ge [sflag:s12], $0x80  }
0x57: {  	[sflag:s12] =	ssyncset.done $0x0  }
0x58: {  	s24 =	sadd.s32 $0xA20, s24;
	s23 =	simm.s32 $0xFFFFF680;
	[sflag:s12] =	ssyncadd.s32 $0xFFFFFF80  }
.LBB2_2:
0x59: {  	[tilespmem:s10], [sflag:$0x2] =	stream.linear.gather [hbm4b:s24+s3], $0x100, $0x38;
	[tilespmem:$0x780] =	vst v63  }
0x5a: {  	s24 =	smov.u32 s23  }
0x5b: {  	p0 =	sne.s32 s23, $0xFFFFFFC0;
	s23 =	sadd.s32 $0x40, s23;
	_ =	swait.ge [sflag:s13], $0x100  }
0x5c: {  	[sflag:s13] =	ssyncset.done $0x0  }
0x5d: {  	[sflag:s13] =	ssyncadd.s32 $0xFFFFFF00  }
0x5e: {  	[spmem:s1] =	stream.indirect.scatter.add.f32 [tilespmem:s15], [sflag:$0x3], $0x1, s14, s14, $0xb8;
	[tilespmem:$0x780] =	vst v63  }
0x5f: {  	_ =	swait.ge [sflag:s12], $0x80  }
0x60: {  	s24 =	sadd.s32 s24, s9;
	[sflag:s12] =	ssyncset.done $0x0  }
0x61: {  	s25 =	sadd.s32 $0xA00, s24;
	[sflag:s12] =	ssyncadd.s32 $0xFFFFFF80  }
0x62: {  	[tilespmem:s3], [sflag:$0x1] =	stream.linear.gather [hbm4b:s25+s3], $0x100, $0x38;
	[tilespmem:$0x780] =	vst v63  }
0x63: {  	_ =	swait.ge [sflag:s16], $0x100  }
0x64: {  	[sflag:s16] =	ssyncset.done $0x0  }
.Ltmp0:
0x65: {  	[sflag:s16] =	ssyncadd.s32 $0xFFFFFF00;
	(pc) =	sbr.rel @p0 .LBB2_2-.Ltmp0, $4  }
0x66: {  	[spmem:s1] =	stream.indirect.scatter.add.f32 [tilespmem:s15], [sflag:$0x3], $0x1, s17, s14, $0xb8;
	[tilespmem:$0x780] =	vst v63  }
0x67: {  	_ =	swait.ge [sflag:s12], $0x80  }
0x68: {  	[sflag:s12] =	ssyncset.done $0x0  }
0x69: {  	s24 =	sadd.s32 $0xA20, s24;
	[sflag:s12] =	ssyncadd.s32 $0xFFFFFF80  }
0x6a: {  	[tilespmem:s10], [sflag:$0x2] =	stream.linear.gather [hbm4b:s24+s3], $0x100, $0x38;
	[tilespmem:$0x780] =	vst v63  }
0x6b: {  	_ =	swait.ge [sflag:s13], $0x100  }
0x6c: {  	[sflag:s13] =	ssyncset.done $0x0  }
0x6d: {  	[sflag:s13] =	ssyncadd.s32 $0xFFFFFF00  }
0x6e: {  	[spmem:s1] =	stream.indirect.scatter.add.f32 [tilespmem:s15], [sflag:$0x3], $0x1, s14, s14, $0xb8;
	[tilespmem:$0x780] =	vst v63  }
0x6f: {  	_ =	swait.ge [sflag:s12], $0x80  }
0x70: {  	[sflag:s12] =	ssyncset.done $0x0  }
0x71: {  	[sflag:s12] =	ssyncadd.s32 $0xFFFFFF80  }
0x72: {  	_ =	swait.ge [sflag:s16], $0x100  }
0x73: {  	[sflag:s16] =	ssyncset.done $0x0  }
0x74: {  	[sflag:s16] =	ssyncadd.s32 $0xFFFFFF00  }
0x75: {  	[spmem:s1] =	stream.indirect.scatter.add.f32 [tilespmem:s15], [sflag:$0x3], $0x1, s17, s14, $0xb8;
	[tilespmem:$0x780] =	vst v63  }
0x76: {  	_ =	swait.ge [sflag:s12], $0x80  }
0x77: {  	s22 =	sadd.s32 $0x1, s22;
	[sflag:s12] =	ssyncset.done $0x0  }
0x78: {  	p0 =	sne.s32 s22, s8;
	[sflag:s12] =	ssyncadd.s32 $0xFFFFFF80  }
.Ltmp1:
0x79: {  	[bflag:$0x0] =	sbarrier.arrive $0xFFFF;
	(pc) =	sbr.rel @p0 .LBB2_1-.Ltmp1, $4  }
0x7a: {  	[hbm:s7@s20], [sflag:s18] =	dma.strided [spmem:s19@s21], $0x50, s13, $0x10   }
0x7b: {  	_ =	swait.ge [sflag:s12], $0x50  }
0x7c: {  	[sflag:s12] =	ssyncset.done $0x0  }
0x7d: {  	[sflag:s12] =	ssyncadd.s32 $0xFFFFFFB0  }
0x7e: {  	_ =	sfence.sel $0x180000  }
0x7f: {  	[bflag:$0x0] =	sbarrier.arrive $0xFFFF  }
0x80: {  	p0 =	sne.s32 s2, $0x0;
	_ =	strace $0x90000047  }
0x81: {  	s0 =	sadd.s32 @!p0 $0x100000, s0;
	[bflag:$0x2] =	sbarrier.arrive $0xFFFF  }
0x82: {  	[sflag:s0] =	ssyncadd.tile.s32 @!p0 $0x1;
	_ =	shalt  }
.Lfunc_end2:
_tile_overlayer_lowered:
.L_overlay_start_2:
0x83: {  	(tag) =	ssettag $0x2  }
0x84: {  	s0 =	rddreg [dreg:$0x0];
	s2 =	stileid.u32  }
0x85: {  	s1 =	rddreg [dreg:$0x1];
	p0 =	sne.s32 s2, $0x0  }
0x86: {  	s3 =	rddreg [dreg:$0x2];
	[bflag:$0x3] =	sbarrier.arrive $0xFFFF;
	s2 =	simm.s32 @!p0 $0x1C03  }
0x87: {  	[timem:s3], [sflag:s2] =	dma.local @!p0 [hbm:s0], s1  }
0x88: {  	s0 =	simm.s32 @!p0 $0x3  }
0x89: {  	_ =	swait.ge @!p0 [sflag:s0], s1  }
0x8a: {  	s1 =	ssub.s32 @!p0 $0x0, s1;
	[sflag:s0] =	ssyncset.done @!p0 $0x0  }
0x8b: {  	[sflag:s0] =	ssyncadd.s32 @!p0 s1  }
0x8c: {  	[bflag:$0x3] =	sbarrier.arrive $0xFFFF  }
0x8d: {  	_ =	shalt  }

</sc_bundles>
